<compile_context>
chip_gen: v7x
topology: tpu7x:2x2x1
jax: 0.10.2.dev20260603
libtpu: 0.0.44.dev20260713+nightly
codegen_flags: <defaults>
</compile_context>

<pallas_src>
import functools

import jax
import jax.numpy as jnp
from jax import lax
from jax.experimental import pallas as pl
from jax.experimental.pallas import tpu as pltpu
from jax.experimental.pallas import tpu_sc as plsc

N_NODES = 50000
N_EDGES = 800000
EMB = 100
DP = 128
L = 16
NSC = 2
NTILES = 16
CHUNK = 12544
NCHUNK = 4
NPAD = CHUNK * NCHUNK
STRIPE = CHUNK // NTILES
EB = 3584
NBLK = 14
ESTRIPE = EB * NBLK
EPAD = ESTRIPE * NTILES
G = 64
NWIN = EB // G
NPAIR = NWIN // 2
NSCALE = 7


def _sc_spmm_body(src_hbm, dst_hbm, w_hbm, xp_hbm, out_hbm,
                  srcv, dstv, wv,
                  csrc0, cldst0, cw0, rows0, sem0,
                  csrc1, cldst1, cw1, rows1, sem1, acc):
    cid = lax.axis_index("c")
    sid = lax.axis_index("s")

    zf = jnp.zeros((L,), jnp.float32)
    zi = jnp.zeros((L,), jnp.int32)

    def zrow0(i, _):
        for j in range(DP // L):
            rows0[i, pl.ds(j * L, L)] = zf
        return 0

    def zrow1(i, _):
        for j in range(DP // L):
            rows1[i, pl.ds(j * L, L)] = zf
        return 0

    def stage(t, csrc_b, cldst_b, cw_b, lo, hi):
        wbase = t * G
        for j in range(G // L):
            sl_in = pl.ds(wbase + j * L, L)
            dv = dstv[sl_in]
            m = (dv >= lo) & (dv < hi)
            sl_st = pl.ds(j * L, L)
            csrc_b[sl_st] = srcv[sl_in]
            cw_b[sl_st] = jnp.where(m, wv[sl_in], zf)
            cldst_b[sl_st] = jnp.where(m, dv - lo, zi)

    def fire(csrc_b, rows_b, sem_b):
        pltpu.async_copy(xp_hbm.at[csrc_b], rows_b, sem_b)

    def wait(csrc_b, rows_b, sem_b):
        pltpu.make_async_copy(xp_hbm.at[csrc_b], rows_b, sem_b).wait()

    def drain(cw_b, cldst_b, rows_b):
        def scale(g, _):
            g0 = 4 * g
            ws = []
            for r in range(4):
                wvec = cw_b[pl.ds(g0 + r, L)]
                ws.append(zf + wvec[0])
            for r in range(4):
                for j in range(NSCALE):
                    sl = pl.ds(j * L, L)
                    rows_b[g0 + r, sl] = rows_b[g0 + r, sl] * ws[r]
            return 0

        lax.fori_loop(0, G // 4, scale, 0)
        pltpu.sync_copy(rows_b, acc.at[cldst_b], add=True)

    for k in range(NCHUNK // NSC):
        chunk = cid * (NCHUNK // NSC) + k
        lo = chunk * CHUNK
        hi = lo + CHUNK
        base = sid * STRIPE

        lax.fori_loop(0, G, zrow0, 0)
        lax.fori_loop(0, G, zrow1, 0)
        for j in range(STRIPE // (2 * G)):
            pltpu.sync_copy(rows0, acc.at[pl.ds(base + 2 * j * G, G)])
            pltpu.sync_copy(rows1, acc.at[pl.ds(base + (2 * j + 1) * G, G)])
        tail = STRIPE % (2 * G)
        if tail:
            pltpu.sync_copy(rows0.at[pl.ds(0, tail)],
                            acc.at[pl.ds(base + STRIPE - tail, tail)])
        plsc.subcore_barrier()

        def block(b, _):
            ebase = sid * ESTRIPE + b * EB
            c1 = pltpu.async_copy(src_hbm.at[pl.ds(ebase, EB)], srcv, sem0)
            c2 = pltpu.async_copy(dst_hbm.at[pl.ds(ebase, EB)], dstv, sem1)
            c3 = pltpu.async_copy(w_hbm.at[pl.ds(ebase, EB)], wv, sem0)
            c1.wait()
            c2.wait()
            c3.wait()

            stage(0, csrc0, cldst0, cw0, lo, hi)
            fire(csrc0, rows0, sem0)

            def pair(p, _2):
                stage(2 * p + 1, csrc1, cldst1, cw1, lo, hi)
                fire(csrc1, rows1, sem1)
                wait(csrc0, rows0, sem0)
                drain(cw0, cldst0, rows0)

                @pl.when(p < NPAIR - 1)
                def _():
                    stage(2 * p + 2, csrc0, cldst0, cw0, lo, hi)
                    fire(csrc0, rows0, sem0)

                wait(csrc1, rows1, sem1)
                drain(cw1, cldst1, rows1)
                return 0

            lax.fori_loop(0, NPAIR, pair, 0)
            return 0

        lax.fori_loop(0, NBLK, block, 0)
        plsc.subcore_barrier()

        pltpu.sync_copy(acc.at[pl.ds(base, STRIPE)],
                        out_hbm.at[pl.ds(lo + base, STRIPE)])
        plsc.subcore_barrier()


@jax.jit
def _sc_spmm(src, dst, w, xp):
    mesh = plsc.VectorSubcoreMesh(core_axis_name="c", subcore_axis_name="s")
    f = functools.partial(
        pl.kernel,
        mesh=mesh,
        out_type=jax.ShapeDtypeStruct((NPAD, DP), jnp.float32),
        scratch_types=[
            pltpu.VMEM((EB,), jnp.int32),
            pltpu.VMEM((EB,), jnp.int32),
            pltpu.VMEM((EB,), jnp.float32),
            pltpu.VMEM((G,), jnp.int32),
            pltpu.VMEM((G,), jnp.int32),
            pltpu.VMEM((G + L,), jnp.float32),
            pltpu.VMEM((G, DP), jnp.float32),
            pltpu.SemaphoreType.DMA,
            pltpu.VMEM((G,), jnp.int32),
            pltpu.VMEM((G,), jnp.int32),
            pltpu.VMEM((G + L,), jnp.float32),
            pltpu.VMEM((G, DP), jnp.float32),
            pltpu.SemaphoreType.DMA,
            pltpu.VMEM_SHARED((CHUNK, DP), jnp.float32),
        ],
    )(_sc_spmm_body)
    return f(src, dst, w, xp)


def _tc_body(s_ref, wt_ref, o_ref):
    r = jnp.dot(s_ref[...], wt_ref[...], preferred_element_type=jnp.float32)
    nrm = jnp.sqrt(jnp.sum(r * r, axis=1, keepdims=True))
    o_ref[...] = r / jnp.maximum(nrm, 1e-12)


@jax.jit
def _tc_linear_normalize(s, wt):
    nblk = 16
    rb = NPAD // nblk
    return pl.pallas_call(
        _tc_body,
        grid=(nblk,),
        in_specs=[
            pl.BlockSpec((rb, DP), lambda i: (i, 0)),
            pl.BlockSpec((DP, DP), lambda i: (0, 0)),
        ],
        out_specs=pl.BlockSpec((rb, DP), lambda i: (i, 0)),
        out_shape=jax.ShapeDtypeStruct((NPAD, DP), jnp.float32),
    )(s, wt)


def kernel(x, edge_index, edge_weight, W):
    src = edge_index[0].astype(jnp.int32)
    dst = edge_index[1].astype(jnp.int32)
    epad = EPAD - N_EDGES
    src = jnp.pad(src, (0, epad))
    dst = jnp.pad(dst, (0, epad))
    w = jnp.pad(edge_weight, (0, epad))
    xp = jnp.pad(x, ((0, 0), (0, DP - EMB)))
    wt = jnp.pad(W.T, ((0, DP - EMB), (0, DP - EMB)))
    s = _sc_spmm(src, dst, w, xp)
    h = _tc_linear_normalize(s, wt)
    return h[:N_NODES, :EMB]

# --- scband reference (transcript-rebuilt; emitter-appended) ---
"""Pipeline reference for scband-global-item-conv-36077725286627 (READ-ONLY COPY).

The authoritative reference and input builder live on the scoring server;
editing this copy changes nothing except your own understanding.
"""

import jax, jax.numpy as jnp
import numpy as np

N_NODES = 50000
N_EDGES = 800000
EMB = 100


def setup_inputs(seed: int = 0) -> dict:
    key = jax.random.key(seed)
    k1, k2, k3, k4 = jax.random.split(key, 4)
    x = jax.random.normal(k1, (N_NODES, EMB), dtype=jnp.float32)
    edge_index = jax.random.randint(k2, (2, N_EDGES), 0, N_NODES, dtype=jnp.int64)
    edge_weight = jax.random.uniform(k3, (N_EDGES,), dtype=jnp.float32)
    # Linear(emb, emb, bias=False) weight, torch layout [out, in]
    bound = 1.0 / np.sqrt(EMB)
    W = jax.random.uniform(k4, (EMB, EMB), dtype=jnp.float32, minval=-bound, maxval=bound)
    return {"x": x, "edge_index": edge_index, "edge_weight": edge_weight, "W": W}


def reference(x, edge_index, edge_weight, W):
    # GlobalItemConv forward with spare=True, layers=1, feat_drop=0.0
    src = edge_index[0]
    dst = edge_index[1]
    h = x
    # layer 0: linear (no bias)
    h = h @ W.T
    # torch.sparse.mm(adj, h): out[i] = sum_j adj[i, j] * h[j]
    # adj given in COO form: rows = dst, cols = src, values = edge_weight
    msgs = jnp.take(h, src, axis=0) * edge_weight[:, None]
    h = jax.ops.segment_sum(msgs, dst, num_segments=x.shape[0])
    # F.normalize(h, dim=-1, p=2), eps=1e-12
    norm = jnp.sqrt(jnp.sum(h * h, axis=-1, keepdims=True))
    h = h / jnp.maximum(norm, 1e-12)
    # feat_drop with p=0.0 is identity; layers == 1 so no stacking/averaging
    return h

if __name__ == "__main__":
    import jax
    _d = setup_inputs()
    print(jax.jit(kernel)(*tuple(_d.values())))

</pallas_src>

<mosaic_0001>
#map = affine_map<(d0, d1) -> (0)>
#map1 = affine_map<(d0, d1) -> (0, 0)>
module attributes {stable_mosaic.version = 14 : i64} {
  func.func @_sc_spmm_body(%arg0: i32, %arg1: i32, %arg2: memref<802816xi32, #tpu.memory_space<hbm>>, %arg3: memref<802816xi32, #tpu.memory_space<hbm>>, %arg4: memref<802816xf32, #tpu.memory_space<hbm>>, %arg5: memref<50000x128xf32, #tpu.memory_space<hbm>>, %arg6: memref<50176x128xf32, #tpu.memory_space<hbm>>, %arg7: memref<3584xi32, #tpu.memory_space<vmem>>, %arg8: memref<3584xi32, #tpu.memory_space<vmem>>, %arg9: memref<3584xf32, #tpu.memory_space<vmem>>, %arg10: memref<64xi32, #tpu.memory_space<vmem>>, %arg11: memref<64xi32, #tpu.memory_space<vmem>>, %arg12: memref<80xf32, #tpu.memory_space<vmem>>, %arg13: memref<64x128xf32, #tpu.memory_space<vmem>>, %arg14: memref<!tpu.dma_semaphore, #tpu.memory_space<semaphore_mem>>, %arg15: memref<64xi32, #tpu.memory_space<vmem>>, %arg16: memref<64xi32, #tpu.memory_space<vmem>>, %arg17: memref<80xf32, #tpu.memory_space<vmem>>, %arg18: memref<64x128xf32, #tpu.memory_space<vmem>>, %arg19: memref<!tpu.dma_semaphore, #tpu.memory_space<semaphore_mem>>, %arg20: memref<12544x128xf32, #tpu.memory_space<vmem_shared>>) attributes {dimension_semantics = [#tpu.dimension_semantics<core_parallel>, #tpu.dimension_semantics<subcore_parallel>], iteration_bounds = array<i64: 2, 16>, scalar_prefetch = 0 : i64, scratch_operands = 14 : i64, tpu.core_type = #tpu.core_type<sc_vector_subcore>, window_params = [{transform_indices = #map}, {transform_indices = #map}, {transform_indices = #map}, {transform_indices = #map1}, {transform_indices = #map1}]} {
    %broadcast_in_dim3A = arith.constant 0.000000e+00 : f32
    %broadcast_in_dim3A_0 = vector.broadcast %broadcast_in_dim3A : f32 to vector<16xf32>
    %broadcast_in_dim3A_1 = arith.constant 0 : i32
    %broadcast_in_dim3A_2 = vector.broadcast %broadcast_in_dim3A_1 : i32 to vector<16xi32>
    %mul3A = arith.constant 2 : i32
    %mul3A_3 = arith.muli %arg0, %mul3A : i32
    %add3A = arith.constant 0 : i32
    %add3A_4 = arith.addi %mul3A_3, %add3A : i32
    %mul3A_5 = arith.constant 12544 : i32
    %mul3A_6 = arith.muli %add3A_4, %mul3A_5 : i32
    %add3A_7 = arith.constant 12544 : i32
    %add3A_8 = arith.addi %mul3A_6, %add3A_7 : i32
    %mul3A_9 = arith.constant 784 : i32
    %mul3A_10 = arith.muli %arg1, %mul3A_9 : i32
    %scan3A = arith.constant 0 : i32
    %scan3A_11 = arith.constant 0 : i32
    %scan3A_12 = arith.constant 64 : i32
    %scan3A_13 = arith.addi %scan3A_11, %scan3A_12 : i32
    %scan3A_14 = arith.constant 1 : i32
    %scan3A_15 = scf.for %scan3A_124 = %scan3A_11 to %scan3A_13 step %scan3A_14 iter_args(%scan3A_125 = %scan3A) -> (i32)  : i32 {
      %swap3A = arith.index_cast %scan3A_124 : i32 to index
      %swap3A_126 = arith.constant 0 : index
      %swap3A_127 = tpu.vector_load %arg13[%swap3A, %swap3A_126] {strides = array<i32>} : memref<64x128xf32, #tpu.memory_space<vmem>>, vector<1x16xf32>,
      %swap3A_128 = vector.shape_cast %swap3A_127 : vector<1x16xf32> to vector<16xf32>
      %swap3A_129 = vector.shape_cast %broadcast_in_dim3A_0 : vector<16xf32> to vector<1x16xf32>
      tpu.vector_store %arg13[%swap3A, %swap3A_126], %swap3A_129 {strides = array<i32>} : memref<64x128xf32, #tpu.memory_space<vmem>>, vector<1x16xf32>,
      %swap3A_130 = arith.index_cast %scan3A_124 : i32 to index
      %swap3A_131 = arith.constant 16 : index
      %swap3A_132 = tpu.vector_load %arg13[%swap3A_130, %swap3A_131] {strides = array<i32>} : memref<64x128xf32, #tpu.memory_space<vmem>>, vector<1x16xf32>,
      %swap3A_133 = vector.shape_cast %swap3A_132 : vector<1x16xf32> to vector<16xf32>
      %swap3A_134 = vector.shape_cast %broadcast_in_dim3A_0 : vector<16xf32> to vector<1x16xf32>
      tpu.vector_store %arg13[%swap3A_130, %swap3A_131], %swap3A_134 {strides = array<i32>} : memref<64x128xf32, #tpu.memory_space<vmem>>, vector<1x16xf32>,
      %swap3A_135 = arith.index_cast %scan3A_124 : i32 to index
      %swap3A_136 = arith.constant 32 : index
      %swap3A_137 = tpu.vector_load %arg13[%swap3A_135, %swap3A_136] {strides = array<i32>} : memref<64x128xf32, #tpu.memory_space<vmem>>, vector<1x16xf32>,
      %swap3A_138 = vector.shape_cast %swap3A_137 : vector<1x16xf32> to vector<16xf32>
      %swap3A_139 = vector.shape_cast %broadcast_in_dim3A_0 : vector<16xf32> to vector<1x16xf32>
      tpu.vector_store %arg13[%swap3A_135, %swap3A_136], %swap3A_139 {strides = array<i32>} : memref<64x128xf32, #tpu.memory_space<vmem>>, vector<1x16xf32>,
      %swap3A_140 = arith.index_cast %scan3A_124 : i32 to index
      %swap3A_141 = arith.constant 48 : index
      %swap3A_142 = tpu.vector_load %arg13[%swap3A_140, %swap3A_141] {strides = array<i32>} : memref<64x128xf32, #tpu.memory_space<vmem>>, vector<1x16xf32>,
      %swap3A_143 = vector.shape_cast %swap3A_142 : vector<1x16xf32> to vector<16xf32>
      %swap3A_144 = vector.shape_cast %broadcast_in_dim3A_0 : vector<16xf32> to vector<1x16xf32>
      tpu.vector_store %arg13[%swap3A_140, %swap3A_141], %swap3A_144 {strides = array<i32>} : memref<64x128xf32, #tpu.memory_space<vmem>>, vector<1x16xf32>,
      %swap3A_145 = arith.index_cast %scan3A_124 : i32 to index
      %swap3A_146 = arith.constant 64 : index
      %swap3A_147 = tpu.vector_load %arg13[%swap3A_145, %swap3A_146] {strides = array<i32>} : memref<64x128xf32, #tpu.memory_space<vmem>>, vector<1x16xf32>,
      %swap3A_148 = vector.shape_cast %swap3A_147 : vector<1x16xf32> to vector<16xf32>
      %swap3A_149 = vector.shape_cast %broadcast_in_dim3A_0 : vector<16xf32> to vector<1x16xf32>
      tpu.vector_store %arg13[%swap3A_145, %swap3A_146], %swap3A_149 {strides = array<i32>} : memref<64x128xf32, #tpu.memory_space<vmem>>, vector<1x16xf32>,
      %swap3A_150 = arith.index_cast %scan3A_124 : i32 to index
      %swap3A_151 = arith.constant 80 : index
      %swap3A_152 = tpu.vector_load %arg13[%swap3A_150, %swap3A_151] {strides = array<i32>} : memref<64x128xf32, #tpu.memory_space<vmem>>, vector<1x16xf32>,
      %swap3A_153 = vector.shape_cast %swap3A_152 : vector<1x16xf32> to vector<16xf32>
      %swap3A_154 = vector.shape_cast %broadcast_in_dim3A_0 : vector<16xf32> to vector<1x16xf32>
      tpu.vector_store %arg13[%swap3A_150, %swap3A_151], %swap3A_154 {strides = array<i32>} : memref<64x128xf32, #tpu.memory_space<vmem>>, vector<1x16xf32>,
      %swap3A_155 = arith.index_cast %scan3A_124 : i32 to index
      %swap3A_156 = arith.constant 96 : index
      %swap3A_157 = tpu.vector_load %arg13[%swap3A_155, %swap3A_156] {strides = array<i32>} : memref<64x128xf32, #tpu.memory_space<vmem>>, vector<1x16xf32>,
      %swap3A_158 = vector.shape_cast %swap3A_157 : vector<1x16xf32> to vector<16xf32>
      %swap3A_159 = vector.shape_cast %broadcast_in_dim3A_0 : vector<16xf32> to vector<1x16xf32>
      tpu.vector_store %arg13[%swap3A_155, %swap3A_156], %swap3A_159 {strides = array<i32>} : memref<64x128xf32, #tpu.memory_space<vmem>>, vector<1x16xf32>,
      %swap3A_160 = arith.index_cast %scan3A_124 : i32 to index
      %swap3A_161 = arith.constant 112 : index
      %swap3A_162 = tpu.vector_load %arg13[%swap3A_160, %swap3A_161] {strides = array<i32>} : memref<64x128xf32, #tpu.memory_space<vmem>>, vector<1x16xf32>,
      %swap3A_163 = vector.shape_cast %swap3A_162 : vector<1x16xf32> to vector<16xf32>
      %swap3A_164 = vector.shape_cast %broadcast_in_dim3A_0 : vector<16xf32> to vector<1x16xf32>
      tpu.vector_store %arg13[%swap3A_160, %swap3A_161], %swap3A_164 {strides = array<i32>} : memref<64x128xf32, #tpu.memory_space<vmem>>, vector<1x16xf32>,
      %scan3A_165 = arith.constant 0 : i32
      scf.yield %scan3A_165 : i32
    }
    %scan3A_16 = arith.constant 64 : i32
    %scan3A_17 = arith.constant 0 : i32
    %scan3A_18 = arith.constant 0 : i32
    %scan3A_19 = arith.constant 64 : i32
    %scan3A_20 = arith.addi %scan3A_18, %scan3A_19 : i32
    %scan3A_21 = arith.constant 1 : i32
    %scan3A_22 = scf.for %scan3A_124 = %scan3A_18 to %scan3A_20 step %scan3A_21 iter_args(%scan3A_125 = %scan3A_17) -> (i32)  : i32 {
      %swap3A = arith.index_cast %scan3A_124 : i32 to index
      %swap3A_126 = arith.constant 0 : index
      %swap3A_127 = tpu.vector_load %arg18[%swap3A, %swap3A_126] {strides = array<i32>} : memref<64x128xf32, #tpu.memory_space<vmem>>, vector<1x16xf32>,
      %swap3A_128 = vector.shape_cast %swap3A_127 : vector<1x16xf32> to vector<16xf32>
      %swap3A_129 = vector.shape_cast %broadcast_in_dim3A_0 : vector<16xf32> to vector<1x16xf32>
      tpu.vector_store %arg18[%swap3A, %swap3A_126], %swap3A_129 {strides = array<i32>} : memref<64x128xf32, #tpu.memory_space<vmem>>, vector<1x16xf32>,
      %swap3A_130 = arith.index_cast %scan3A_124 : i32 to index
      %swap3A_131 = arith.constant 16 : index
      %swap3A_132 = tpu.vector_load %arg18[%swap3A_130, %swap3A_131] {strides = array<i32>} : memref<64x128xf32, #tpu.memory_space<vmem>>, vector<1x16xf32>,
      %swap3A_133 = vector.shape_cast %swap3A_132 : vector<1x16xf32> to vector<16xf32>
      %swap3A_134 = vector.shape_cast %broadcast_in_dim3A_0 : vector<16xf32> to vector<1x16xf32>
      tpu.vector_store %arg18[%swap3A_130, %swap3A_131], %swap3A_134 {strides = array<i32>} : memref<64x128xf32, #tpu.memory_space<vmem>>, vector<1x16xf32>,
      %swap3A_135 = arith.index_cast %scan3A_124 : i32 to index
      %swap3A_136 = arith.constant 32 : index
      %swap3A_137 = tpu.vector_load %arg18[%swap3A_135, %swap3A_136] {strides = array<i32>} : memref<64x128xf32, #tpu.memory_space<vmem>>, vector<1x16xf32>,
      %swap3A_138 = vector.shape_cast %swap3A_137 : vector<1x16xf32> to vector<16xf32>
      %swap3A_139 = vector.shape_cast %broadcast_in_dim3A_0 : vector<16xf32> to vector<1x16xf32>
      tpu.vector_store %arg18[%swap3A_135, %swap3A_136], %swap3A_139 {strides = array<i32>} : memref<64x128xf32, #tpu.memory_space<vmem>>, vector<1x16xf32>,
      %swap3A_140 = arith.index_cast %scan3A_124 : i32 to index
      %swap3A_141 = arith.constant 48 : index
      %swap3A_142 = tpu.vector_load %arg18[%swap3A_140, %swap3A_141] {strides = array<i32>} : memref<64x128xf32, #tpu.memory_space<vmem>>, vector<1x16xf32>,
      %swap3A_143 = vector.shape_cast %swap3A_142 : vector<1x16xf32> to vector<16xf32>
      %swap3A_144 = vector.shape_cast %broadcast_in_dim3A_0 : vector<16xf32> to vector<1x16xf32>
      tpu.vector_store %arg18[%swap3A_140, %swap3A_141], %swap3A_144 {strides = array<i32>} : memref<64x128xf32, #tpu.memory_space<vmem>>, vector<1x16xf32>,
      %swap3A_145 = arith.index_cast %scan3A_124 : i32 to index
      %swap3A_146 = arith.constant 64 : index
      %swap3A_147 = tpu.vector_load %arg18[%swap3A_145, %swap3A_146] {strides = array<i32>} : memref<64x128xf32, #tpu.memory_space<vmem>>, vector<1x16xf32>,
      %swap3A_148 = vector.shape_cast %swap3A_147 : vector<1x16xf32> to vector<16xf32>
      %swap3A_149 = vector.shape_cast %broadcast_in_dim3A_0 : vector<16xf32> to vector<1x16xf32>
      tpu.vector_store %arg18[%swap3A_145, %swap3A_146], %swap3A_149 {strides = array<i32>} : memref<64x128xf32, #tpu.memory_space<vmem>>, vector<1x16xf32>,
      %swap3A_150 = arith.index_cast %scan3A_124 : i32 to index
      %swap3A_151 = arith.constant 80 : index
      %swap3A_152 = tpu.vector_load %arg18[%swap3A_150, %swap3A_151] {strides = array<i32>} : memref<64x128xf32, #tpu.memory_space<vmem>>, vector<1x16xf32>,
      %swap3A_153 = vector.shape_cast %swap3A_152 : vector<1x16xf32> to vector<16xf32>
      %swap3A_154 = vector.shape_cast %broadcast_in_dim3A_0 : vector<16xf32> to vector<1x16xf32>
      tpu.vector_store %arg18[%swap3A_150, %swap3A_151], %swap3A_154 {strides = array<i32>} : memref<64x128xf32, #tpu.memory_space<vmem>>, vector<1x16xf32>,
      %swap3A_155 = arith.index_cast %scan3A_124 : i32 to index
      %swap3A_156 = arith.constant 96 : index
      %swap3A_157 = tpu.vector_load %arg18[%swap3A_155, %swap3A_156] {strides = array<i32>} : memref<64x128xf32, #tpu.memory_space<vmem>>, vector<1x16xf32>,
      %swap3A_158 = vector.shape_cast %swap3A_157 : vector<1x16xf32> to vector<16xf32>
      %swap3A_159 = vector.shape_cast %broadcast_in_dim3A_0 : vector<16xf32> to vector<1x16xf32>
      tpu.vector_store %arg18[%swap3A_155, %swap3A_156], %swap3A_159 {strides = array<i32>} : memref<64x128xf32, #tpu.memory_space<vmem>>, vector<1x16xf32>,
      %swap3A_160 = arith.index_cast %scan3A_124 : i32 to index
      %swap3A_161 = arith.constant 112 : index
      %swap3A_162 = tpu.vector_load %arg18[%swap3A_160, %swap3A_161] {strides = array<i32>} : memref<64x128xf32, #tpu.memory_space<vmem>>, vector<1x16xf32>,
      %swap3A_163 = vector.shape_cast %swap3A_162 : vector<1x16xf32> to vector<16xf32>
      %swap3A_164 = vector.shape_cast %broadcast_in_dim3A_0 : vector<16xf32> to vector<1x16xf32>
      tpu.vector_store %arg18[%swap3A_160, %swap3A_161], %swap3A_164 {strides = array<i32>} : memref<64x128xf32, #tpu.memory_space<vmem>>, vector<1x16xf32>,
      %scan3A_165 = arith.constant 0 : i32
      scf.yield %scan3A_165 : i32
    }
    %scan3A_23 = arith.constant 64 : i32
    %add3A_24 = arith.constant 0 : i32
    %add3A_25 = arith.addi %mul3A_10, %add3A_24 : i32
    "tpu.region"() ({
      %run_scoped3A = tpu.sem_alloc : memref<!tpu.dma_semaphore, #tpu.memory_space<semaphore_mem>>
      %dma_start3A = arith.constant 0 : i32
      %dma_start3A_124 = tpu.memref_slice %arg20[%add3A_25, %dma_start3A] : memref<12544x128xf32, #tpu.memory_space<vmem_shared>> -> memref<64x128xf32, #tpu.memory_space<vmem_shared>>
      %dma_start3A_125 = arith.constant 0 : i32
      %dma_start3A_126 = tpu.memref_slice %arg20[%add3A_25, %dma_start3A_125] : memref<12544x128xf32, #tpu.memory_space<vmem_shared>> -> memref<64x128xf32, #tpu.memory_space<vmem_shared>>
      tpu.enqueue_dma source(%arg13 : memref<64x128xf32, #tpu.memory_space<vmem>>) target(%dma_start3A_126 : memref<64x128xf32, #tpu.memory_space<vmem_shared>>) target_semaphore(%run_scoped3A : memref<!tpu.dma_semaphore, #tpu.memory_space<semaphore_mem>>)
      %dma_wait3A = arith.constant 0 : i32
      %dma_wait3A_127 = tpu.memref_slice %arg20[%add3A_25, %dma_wait3A] : memref<12544x128xf32, #tpu.memory_space<vmem_shared>> -> memref<64x128xf32, #tpu.memory_space<vmem_shared>>
      %dma_wait3A_128 = arith.constant 0 : i32
      %dma_wait3A_129 = tpu.memref_slice %arg20[%add3A_25, %dma_wait3A_128] : memref<12544x128xf32, #tpu.memory_space<vmem_shared>> -> memref<64x128xf32, #tpu.memory_space<vmem_shared>>
      tpu.wait_dma2 semaphore(%run_scoped3A : memref<!tpu.dma_semaphore, #tpu.memory_space<semaphore_mem>>) src(%arg13 : memref<64x128xf32, #tpu.memory_space<vmem>>) dst(%dma_wait3A_129 : memref<64x128xf32, #tpu.memory_space<vmem_shared>>)
      tpu.yield
    }) : () -> ()
    %add3A_26 = arith.constant 64 : i32
    %add3A_27 = arith.addi %mul3A_10, %add3A_26 : i32
    "tpu.region"() ({
      %run_scoped3A = tpu.sem_alloc : memref<!tpu.dma_semaphore, #tpu.memory_space<semaphore_mem>>
      %dma_start3A = arith.constant 0 : i32
      %dma_start3A_124 = tpu.memref_slice %arg20[%add3A_27, %dma_start3A] : memref<12544x128xf32, #tpu.memory_space<vmem_shared>> -> memref<64x128xf32, #tpu.memory_space<vmem_shared>>
      %dma_start3A_125 = arith.constant 0 : i32
      %dma_start3A_126 = tpu.memref_slice %arg20[%add3A_27, %dma_start3A_125] : memref<12544x128xf32, #tpu.memory_space<vmem_shared>> -> memref<64x128xf32, #tpu.memory_space<vmem_shared>>
      tpu.enqueue_dma source(%arg18 : memref<64x128xf32, #tpu.memory_space<vmem>>) target(%dma_start3A_126 : memref<64x128xf32, #tpu.memory_space<vmem_shared>>) target_semaphore(%run_scoped3A : memref<!tpu.dma_semaphore, #tpu.memory_space<semaphore_mem>>)
      %dma_wait3A = arith.constant 0 : i32
      %dma_wait3A_127 = tpu.memref_slice %arg20[%add3A_27, %dma_wait3A] : memref<12544x128xf32, #tpu.memory_space<vmem_shared>> -> memref<64x128xf32, #tpu.memory_space<vmem_shared>>
      %dma_wait3A_128 = arith.constant 0 : i32
      %dma_wait3A_129 = tpu.memref_slice %arg20[%add3A_27, %dma_wait3A_128] : memref<12544x128xf32, #tpu.memory_space<vmem_shared>> -> memref<64x128xf32, #tpu.memory_space<vmem_shared>>
      tpu.wait_dma2 semaphore(%run_scoped3A : memref<!tpu.dma_semaphore, #tpu.memory_space<semaphore_mem>>) src(%arg18 : memref<64x128xf32, #tpu.memory_space<vmem>>) dst(%dma_wait3A_129 : memref<64x128xf32, #tpu.memory_space<vmem_shared>>)
      tpu.yield
    }) : () -> ()
    %add3A_28 = arith.constant 128 : i32
    %add3A_29 = arith.addi %mul3A_10, %add3A_28 : i32
    "tpu.region"() ({
      %run_scoped3A = tpu.sem_alloc : memref<!tpu.dma_semaphore, #tpu.memory_space<semaphore_mem>>
      %dma_start3A = arith.constant 0 : i32
      %dma_start3A_124 = tpu.memref_slice %arg20[%add3A_29, %dma_start3A] : memref<12544x128xf32, #tpu.memory_space<vmem_shared>> -> memref<64x128xf32, #tpu.memory_space<vmem_shared>>
      %dma_start3A_125 = arith.constant 0 : i32
      %dma_start3A_126 = tpu.memref_slice %arg20[%add3A_29, %dma_start3A_125] : memref<12544x128xf32, #tpu.memory_space<vmem_shared>> -> memref<64x128xf32, #tpu.memory_space<vmem_shared>>
      tpu.enqueue_dma source(%arg13 : memref<64x128xf32, #tpu.memory_space<vmem>>) target(%dma_start3A_126 : memref<64x128xf32, #tpu.memory_space<vmem_shared>>) target_semaphore(%run_scoped3A : memref<!tpu.dma_semaphore, #tpu.memory_space<semaphore_mem>>)
      %dma_wait3A = arith.constant 0 : i32
      %dma_wait3A_127 = tpu.memref_slice %arg20[%add3A_29, %dma_wait3A] : memref<12544x128xf32, #tpu.memory_space<vmem_shared>> -> memref<64x128xf32, #tpu.memory_space<vmem_shared>>
      %dma_wait3A_128 = arith.constant 0 : i32
      %dma_wait3A_129 = tpu.memref_slice %arg20[%add3A_29, %dma_wait3A_128] : memref<12544x128xf32, #tpu.memory_space<vmem_shared>> -> memref<64x128xf32, #tpu.memory_space<vmem_shared>>
      tpu.wait_dma2 semaphore(%run_scoped3A : memref<!tpu.dma_semaphore, #tpu.memory_space<semaphore_mem>>) src(%arg13 : memref<64x128xf32, #tpu.memory_space<vmem>>) dst(%dma_wait3A_129 : memref<64x128xf32, #tpu.memory_space<vmem_shared>>)
      tpu.yield
    }) : () -> ()
    %add3A_30 = arith.constant 192 : i32
    %add3A_31 = arith.addi %mul3A_10, %add3A_30 : i32
    "tpu.region"() ({
      %run_scoped3A = tpu.sem_alloc : memref<!tpu.dma_semaphore, #tpu.memory_space<semaphore_mem>>
      %dma_start3A = arith.constant 0 : i32
      %dma_start3A_124 = tpu.memref_slice %arg20[%add3A_31, %dma_start3A] : memref<12544x128xf32, #tpu.memory_space<vmem_shared>> -> memref<64x128xf32, #tpu.memory_space<vmem_shared>>
      %dma_start3A_125 = arith.constant 0 : i32
      %dma_start3A_126 = tpu.memref_slice %arg20[%add3A_31, %dma_start3A_125] : memref<12544x128xf32, #tpu.memory_space<vmem_shared>> -> memref<64x128xf32, #tpu.memory_space<vmem_shared>>
      tpu.enqueue_dma source(%arg18 : memref<64x128xf32, #tpu.memory_space<vmem>>) target(%dma_start3A_126 : memref<64x128xf32, #tpu.memory_space<vmem_shared>>) target_semaphore(%run_scoped3A : memref<!tpu.dma_semaphore, #tpu.memory_space<semaphore_mem>>)
      %dma_wait3A = arith.constant 0 : i32
      %dma_wait3A_127 = tpu.memref_slice %arg20[%add3A_31, %dma_wait3A] : memref<12544x128xf32, #tpu.memory_space<vmem_shared>> -> memref<64x128xf32, #tpu.memory_space<vmem_shared>>
      %dma_wait3A_128 = arith.constant 0 : i32
      %dma_wait3A_129 = tpu.memref_slice %arg20[%add3A_31, %dma_wait3A_128] : memref<12544x128xf32, #tpu.memory_space<vmem_shared>> -> memref<64x128xf32, #tpu.memory_space<vmem_shared>>
      tpu.wait_dma2 semaphore(%run_scoped3A : memref<!tpu.dma_semaphore, #tpu.memory_space<semaphore_mem>>) src(%arg18 : memref<64x128xf32, #tpu.memory_space<vmem>>) dst(%dma_wait3A_129 : memref<64x128xf32, #tpu.memory_space<vmem_shared>>)
      tpu.yield
    }) : () -> ()
    %add3A_32 = arith.constant 256 : i32
    %add3A_33 = arith.addi %mul3A_10, %add3A_32 : i32
    "tpu.region"() ({
      %run_scoped3A = tpu.sem_alloc : memref<!tpu.dma_semaphore, #tpu.memory_space<semaphore_mem>>
      %dma_start3A = arith.constant 0 : i32
      %dma_start3A_124 = tpu.memref_slice %arg20[%add3A_33, %dma_start3A] : memref<12544x128xf32, #tpu.memory_space<vmem_shared>> -> memref<64x128xf32, #tpu.memory_space<vmem_shared>>
      %dma_start3A_125 = arith.constant 0 : i32
      %dma_start3A_126 = tpu.memref_slice %arg20[%add3A_33, %dma_start3A_125] : memref<12544x128xf32, #tpu.memory_space<vmem_shared>> -> memref<64x128xf32, #tpu.memory_space<vmem_shared>>
      tpu.enqueue_dma source(%arg13 : memref<64x128xf32, #tpu.memory_space<vmem>>) target(%dma_start3A_126 : memref<64x128xf32, #tpu.memory_space<vmem_shared>>) target_semaphore(%run_scoped3A : memref<!tpu.dma_semaphore, #tpu.memory_space<semaphore_mem>>)
      %dma_wait3A = arith.constant 0 : i32
      %dma_wait3A_127 = tpu.memref_slice %arg20[%add3A_33, %dma_wait3A] : memref<12544x128xf32, #tpu.memory_space<vmem_shared>> -> memref<64x128xf32, #tpu.memory_space<vmem_shared>>
      %dma_wait3A_128 = arith.constant 0 : i32
      %dma_wait3A_129 = tpu.memref_slice %arg20[%add3A_33, %dma_wait3A_128] : memref<12544x128xf32, #tpu.memory_space<vmem_shared>> -> memref<64x128xf32, #tpu.memory_space<vmem_shared>>
      tpu.wait_dma2 semaphore(%run_scoped3A : memref<!tpu.dma_semaphore, #tpu.memory_space<semaphore_mem>>) src(%arg13 : memref<64x128xf32, #tpu.memory_space<vmem>>) dst(%dma_wait3A_129 : memref<64x128xf32, #tpu.memory_space<vmem_shared>>)
      tpu.yield
    }) : () -> ()
    %add3A_34 = arith.constant 320 : i32
    %add3A_35 = arith.addi %mul3A_10, %add3A_34 : i32
    "tpu.region"() ({
      %run_scoped3A = tpu.sem_alloc : memref<!tpu.dma_semaphore, #tpu.memory_space<semaphore_mem>>
      %dma_start3A = arith.constant 0 : i32
      %dma_start3A_124 = tpu.memref_slice %arg20[%add3A_35, %dma_start3A] : memref<12544x128xf32, #tpu.memory_space<vmem_shared>> -> memref<64x128xf32, #tpu.memory_space<vmem_shared>>
      %dma_start3A_125 = arith.constant 0 : i32
      %dma_start3A_126 = tpu.memref_slice %arg20[%add3A_35, %dma_start3A_125] : memref<12544x128xf32, #tpu.memory_space<vmem_shared>> -> memref<64x128xf32, #tpu.memory_space<vmem_shared>>
      tpu.enqueue_dma source(%arg18 : memref<64x128xf32, #tpu.memory_space<vmem>>) target(%dma_start3A_126 : memref<64x128xf32, #tpu.memory_space<vmem_shared>>) target_semaphore(%run_scoped3A : memref<!tpu.dma_semaphore, #tpu.memory_space<semaphore_mem>>)
      %dma_wait3A = arith.constant 0 : i32
      %dma_wait3A_127 = tpu.memref_slice %arg20[%add3A_35, %dma_wait3A] : memref<12544x128xf32, #tpu.memory_space<vmem_shared>> -> memref<64x128xf32, #tpu.memory_space<vmem_shared>>
      %dma_wait3A_128 = arith.constant 0 : i32
      %dma_wait3A_129 = tpu.memref_slice %arg20[%add3A_35, %dma_wait3A_128] : memref<12544x128xf32, #tpu.memory_space<vmem_shared>> -> memref<64x128xf32, #tpu.memory_space<vmem_shared>>
      tpu.wait_dma2 semaphore(%run_scoped3A : memref<!tpu.dma_semaphore, #tpu.memory_space<semaphore_mem>>) src(%arg18 : memref<64x128xf32, #tpu.memory_space<vmem>>) dst(%dma_wait3A_129 : memref<64x128xf32, #tpu.memory_space<vmem_shared>>)
      tpu.yield
    }) : () -> ()
    %add3A_36 = arith.constant 384 : i32
    %add3A_37 = arith.addi %mul3A_10, %add3A_36 : i32
    "tpu.region"() ({
      %run_scoped3A = tpu.sem_alloc : memref<!tpu.dma_semaphore, #tpu.memory_space<semaphore_mem>>
      %dma_start3A = arith.constant 0 : i32
      %dma_start3A_124 = tpu.memref_slice %arg20[%add3A_37, %dma_start3A] : memref<12544x128xf32, #tpu.memory_space<vmem_shared>> -> memref<64x128xf32, #tpu.memory_space<vmem_shared>>
      %dma_start3A_125 = arith.constant 0 : i32
      %dma_start3A_126 = tpu.memref_slice %arg20[%add3A_37, %dma_start3A_125] : memref<12544x128xf32, #tpu.memory_space<vmem_shared>> -> memref<64x128xf32, #tpu.memory_space<vmem_shared>>
      tpu.enqueue_dma source(%arg13 : memref<64x128xf32, #tpu.memory_space<vmem>>) target(%dma_start3A_126 : memref<64x128xf32, #tpu.memory_space<vmem_shared>>) target_semaphore(%run_scoped3A : memref<!tpu.dma_semaphore, #tpu.memory_space<semaphore_mem>>)
      %dma_wait3A = arith.constant 0 : i32
      %dma_wait3A_127 = tpu.memref_slice %arg20[%add3A_37, %dma_wait3A] : memref<12544x128xf32, #tpu.memory_space<vmem_shared>> -> memref<64x128xf32, #tpu.memory_space<vmem_shared>>
      %dma_wait3A_128 = arith.constant 0 : i32
      %dma_wait3A_129 = tpu.memref_slice %arg20[%add3A_37, %dma_wait3A_128] : memref<12544x128xf32, #tpu.memory_space<vmem_shared>> -> memref<64x128xf32, #tpu.memory_space<vmem_shared>>
      tpu.wait_dma2 semaphore(%run_scoped3A : memref<!tpu.dma_semaphore, #tpu.memory_space<semaphore_mem>>) src(%arg13 : memref<64x128xf32, #tpu.memory_space<vmem>>) dst(%dma_wait3A_129 : memref<64x128xf32, #tpu.memory_space<vmem_shared>>)
      tpu.yield
    }) : () -> ()
    %add3A_38 = arith.constant 448 : i32
    %add3A_39 = arith.addi %mul3A_10, %add3A_38 : i32
    "tpu.region"() ({
      %run_scoped3A = tpu.sem_alloc : memref<!tpu.dma_semaphore, #tpu.memory_space<semaphore_mem>>
      %dma_start3A = arith.constant 0 : i32
      %dma_start3A_124 = tpu.memref_slice %arg20[%add3A_39, %dma_start3A] : memref<12544x128xf32, #tpu.memory_space<vmem_shared>> -> memref<64x128xf32, #tpu.memory_space<vmem_shared>>
      %dma_start3A_125 = arith.constant 0 : i32
      %dma_start3A_126 = tpu.memref_slice %arg20[%add3A_39, %dma_start3A_125] : memref<12544x128xf32, #tpu.memory_space<vmem_shared>> -> memref<64x128xf32, #tpu.memory_space<vmem_shared>>
      tpu.enqueue_dma source(%arg18 : memref<64x128xf32, #tpu.memory_space<vmem>>) target(%dma_start3A_126 : memref<64x128xf32, #tpu.memory_space<vmem_shared>>) target_semaphore(%run_scoped3A : memref<!tpu.dma_semaphore, #tpu.memory_space<semaphore_mem>>)
      %dma_wait3A = arith.constant 0 : i32
      %dma_wait3A_127 = tpu.memref_slice %arg20[%add3A_39, %dma_wait3A] : memref<12544x128xf32, #tpu.memory_space<vmem_shared>> -> memref<64x128xf32, #tpu.memory_space<vmem_shared>>
      %dma_wait3A_128 = arith.constant 0 : i32
      %dma_wait3A_129 = tpu.memref_slice %arg20[%add3A_39, %dma_wait3A_128] : memref<12544x128xf32, #tpu.memory_space<vmem_shared>> -> memref<64x128xf32, #tpu.memory_space<vmem_shared>>
      tpu.wait_dma2 semaphore(%run_scoped3A : memref<!tpu.dma_semaphore, #tpu.memory_space<semaphore_mem>>) src(%arg18 : memref<64x128xf32, #tpu.memory_space<vmem>>) dst(%dma_wait3A_129 : memref<64x128xf32, #tpu.memory_space<vmem_shared>>)
      tpu.yield
    }) : () -> ()
    %add3A_40 = arith.constant 512 : i32
    %add3A_41 = arith.addi %mul3A_10, %add3A_40 : i32
    "tpu.region"() ({
      %run_scoped3A = tpu.sem_alloc : memref<!tpu.dma_semaphore, #tpu.memory_space<semaphore_mem>>
      %dma_start3A = arith.constant 0 : i32
      %dma_start3A_124 = tpu.memref_slice %arg20[%add3A_41, %dma_start3A] : memref<12544x128xf32, #tpu.memory_space<vmem_shared>> -> memref<64x128xf32, #tpu.memory_space<vmem_shared>>
      %dma_start3A_125 = arith.constant 0 : i32
      %dma_start3A_126 = tpu.memref_slice %arg20[%add3A_41, %dma_start3A_125] : memref<12544x128xf32, #tpu.memory_space<vmem_shared>> -> memref<64x128xf32, #tpu.memory_space<vmem_shared>>
      tpu.enqueue_dma source(%arg13 : memref<64x128xf32, #tpu.memory_space<vmem>>) target(%dma_start3A_126 : memref<64x128xf32, #tpu.memory_space<vmem_shared>>) target_semaphore(%run_scoped3A : memref<!tpu.dma_semaphore, #tpu.memory_space<semaphore_mem>>)
      %dma_wait3A = arith.constant 0 : i32
      %dma_wait3A_127 = tpu.memref_slice %arg20[%add3A_41, %dma_wait3A] : memref<12544x128xf32, #tpu.memory_space<vmem_shared>> -> memref<64x128xf32, #tpu.memory_space<vmem_shared>>
      %dma_wait3A_128 = arith.constant 0 : i32
      %dma_wait3A_129 = tpu.memref_slice %arg20[%add3A_41, %dma_wait3A_128] : memref<12544x128xf32, #tpu.memory_space<vmem_shared>> -> memref<64x128xf32, #tpu.memory_space<vmem_shared>>
      tpu.wait_dma2 semaphore(%run_scoped3A : memref<!tpu.dma_semaphore, #tpu.memory_space<semaphore_mem>>) src(%arg13 : memref<64x128xf32, #tpu.memory_space<vmem>>) dst(%dma_wait3A_129 : memref<64x128xf32, #tpu.memory_space<vmem_shared>>)
      tpu.yield
    }) : () -> ()
    %add3A_42 = arith.constant 576 : i32
    %add3A_43 = arith.addi %mul3A_10, %add3A_42 : i32
    "tpu.region"() ({
      %run_scoped3A = tpu.sem_alloc : memref<!tpu.dma_semaphore, #tpu.memory_space<semaphore_mem>>
      %dma_start3A = arith.constant 0 : i32
      %dma_start3A_124 = tpu.memref_slice %arg20[%add3A_43, %dma_start3A] : memref<12544x128xf32, #tpu.memory_space<vmem_shared>> -> memref<64x128xf32, #tpu.memory_space<vmem_shared>>
      %dma_start3A_125 = arith.constant 0 : i32
      %dma_start3A_126 = tpu.memref_slice %arg20[%add3A_43, %dma_start3A_125] : memref<12544x128xf32, #tpu.memory_space<vmem_shared>> -> memref<64x128xf32, #tpu.memory_space<vmem_shared>>
      tpu.enqueue_dma source(%arg18 : memref<64x128xf32, #tpu.memory_space<vmem>>) target(%dma_start3A_126 : memref<64x128xf32, #tpu.memory_space<vmem_shared>>) target_semaphore(%run_scoped3A : memref<!tpu.dma_semaphore, #tpu.memory_space<semaphore_mem>>)
      %dma_wait3A = arith.constant 0 : i32
      %dma_wait3A_127 = tpu.memref_slice %arg20[%add3A_43, %dma_wait3A] : memref<12544x128xf32, #tpu.memory_space<vmem_shared>> -> memref<64x128xf32, #tpu.memory_space<vmem_shared>>
      %dma_wait3A_128 = arith.constant 0 : i32
      %dma_wait3A_129 = tpu.memref_slice %arg20[%add3A_43, %dma_wait3A_128] : memref<12544x128xf32, #tpu.memory_space<vmem_shared>> -> memref<64x128xf32, #tpu.memory_space<vmem_shared>>
      tpu.wait_dma2 semaphore(%run_scoped3A : memref<!tpu.dma_semaphore, #tpu.memory_space<semaphore_mem>>) src(%arg18 : memref<64x128xf32, #tpu.memory_space<vmem>>) dst(%dma_wait3A_129 : memref<64x128xf32, #tpu.memory_space<vmem_shared>>)
      tpu.yield
    }) : () -> ()
    %add3A_44 = arith.constant 640 : i32
    %add3A_45 = arith.addi %mul3A_10, %add3A_44 : i32
    "tpu.region"() ({
      %run_scoped3A = tpu.sem_alloc : memref<!tpu.dma_semaphore, #tpu.memory_space<semaphore_mem>>
      %dma_start3A = arith.constant 0 : i32
      %dma_start3A_124 = tpu.memref_slice %arg20[%add3A_45, %dma_start3A] : memref<12544x128xf32, #tpu.memory_space<vmem_shared>> -> memref<64x128xf32, #tpu.memory_space<vmem_shared>>
      %dma_start3A_125 = arith.constant 0 : i32
      %dma_start3A_126 = tpu.memref_slice %arg20[%add3A_45, %dma_start3A_125] : memref<12544x128xf32, #tpu.memory_space<vmem_shared>> -> memref<64x128xf32, #tpu.memory_space<vmem_shared>>
      tpu.enqueue_dma source(%arg13 : memref<64x128xf32, #tpu.memory_space<vmem>>) target(%dma_start3A_126 : memref<64x128xf32, #tpu.memory_space<vmem_shared>>) target_semaphore(%run_scoped3A : memref<!tpu.dma_semaphore, #tpu.memory_space<semaphore_mem>>)
      %dma_wait3A = arith.constant 0 : i32
      %dma_wait3A_127 = tpu.memref_slice %arg20[%add3A_45, %dma_wait3A] : memref<12544x128xf32, #tpu.memory_space<vmem_shared>> -> memref<64x128xf32, #tpu.memory_space<vmem_shared>>
      %dma_wait3A_128 = arith.constant 0 : i32
      %dma_wait3A_129 = tpu.memref_slice %arg20[%add3A_45, %dma_wait3A_128] : memref<12544x128xf32, #tpu.memory_space<vmem_shared>> -> memref<64x128xf32, #tpu.memory_space<vmem_shared>>
      tpu.wait_dma2 semaphore(%run_scoped3A : memref<!tpu.dma_semaphore, #tpu.memory_space<semaphore_mem>>) src(%arg13 : memref<64x128xf32, #tpu.memory_space<vmem>>) dst(%dma_wait3A_129 : memref<64x128xf32, #tpu.memory_space<vmem_shared>>)
      tpu.yield
    }) : () -> ()
    %add3A_46 = arith.constant 704 : i32
    %add3A_47 = arith.addi %mul3A_10, %add3A_46 : i32
    "tpu.region"() ({
      %run_scoped3A = tpu.sem_alloc : memref<!tpu.dma_semaphore, #tpu.memory_space<semaphore_mem>>
      %dma_start3A = arith.constant 0 : i32
      %dma_start3A_124 = tpu.memref_slice %arg20[%add3A_47, %dma_start3A] : memref<12544x128xf32, #tpu.memory_space<vmem_shared>> -> memref<64x128xf32, #tpu.memory_space<vmem_shared>>
      %dma_start3A_125 = arith.constant 0 : i32
      %dma_start3A_126 = tpu.memref_slice %arg20[%add3A_47, %dma_start3A_125] : memref<12544x128xf32, #tpu.memory_space<vmem_shared>> -> memref<64x128xf32, #tpu.memory_space<vmem_shared>>
      tpu.enqueue_dma source(%arg18 : memref<64x128xf32, #tpu.memory_space<vmem>>) target(%dma_start3A_126 : memref<64x128xf32, #tpu.memory_space<vmem_shared>>) target_semaphore(%run_scoped3A : memref<!tpu.dma_semaphore, #tpu.memory_space<semaphore_mem>>)
      %dma_wait3A = arith.constant 0 : i32
      %dma_wait3A_127 = tpu.memref_slice %arg20[%add3A_47, %dma_wait3A] : memref<12544x128xf32, #tpu.memory_space<vmem_shared>> -> memref<64x128xf32, #tpu.memory_space<vmem_shared>>
      %dma_wait3A_128 = arith.constant 0 : i32
      %dma_wait3A_129 = tpu.memref_slice %arg20[%add3A_47, %dma_wait3A_128] : memref<12544x128xf32, #tpu.memory_space<vmem_shared>> -> memref<64x128xf32, #tpu.memory_space<vmem_shared>>
      tpu.wait_dma2 semaphore(%run_scoped3A : memref<!tpu.dma_semaphore, #tpu.memory_space<semaphore_mem>>) src(%arg18 : memref<64x128xf32, #tpu.memory_space<vmem>>) dst(%dma_wait3A_129 : memref<64x128xf32, #tpu.memory_space<vmem_shared>>)
      tpu.yield
    }) : () -> ()
    %add3A_48 = arith.constant 784 : i32
    %add3A_49 = arith.addi %mul3A_10, %add3A_48 : i32
    %sub3A = arith.constant 16 : i32
    %sub3A_50 = arith.subi %add3A_49, %sub3A : i32
    "tpu.region"() ({
      %run_scoped3A = tpu.sem_alloc : memref<!tpu.dma_semaphore, #tpu.memory_space<semaphore_mem>>
      %dma_start3A = arith.constant 0 : i32
      %dma_start3A_124 = arith.constant 0 : i32
      %dma_start3A_125 = tpu.memref_slice %arg13[%dma_start3A, %dma_start3A_124] : memref<64x128xf32, #tpu.memory_space<vmem>> -> memref<16x128xf32, #tpu.memory_space<vmem>>
      %dma_start3A_126 = arith.constant 0 : i32
      %dma_start3A_127 = tpu.memref_slice %arg20[%sub3A_50, %dma_start3A_126] : memref<12544x128xf32, #tpu.memory_space<vmem_shared>> -> memref<16x128xf32, #tpu.memory_space<vmem_shared>>
      %dma_start3A_128 = arith.constant 0 : i32
      %dma_start3A_129 = tpu.memref_slice %arg20[%sub3A_50, %dma_start3A_128] : memref<12544x128xf32, #tpu.memory_space<vmem_shared>> -> memref<16x128xf32, #tpu.memory_space<vmem_shared>>
      %dma_start3A_130 = arith.constant 0 : i32
      %dma_start3A_131 = arith.constant 0 : i32
      %dma_start3A_132 = tpu.memref_slice %arg13[%dma_start3A_130, %dma_start3A_131] : memref<64x128xf32, #tpu.memory_space<vmem>> -> memref<16x128xf32, #tpu.memory_space<vmem>>
      tpu.enqueue_dma source(%dma_start3A_132 : memref<16x128xf32, #tpu.memory_space<vmem>>) target(%dma_start3A_129 : memref<16x128xf32, #tpu.memory_space<vmem_shared>>) target_semaphore(%run_scoped3A : memref<!tpu.dma_semaphore, #tpu.memory_space<semaphore_mem>>)
      %dma_wait3A = arith.constant 0 : i32
      %dma_wait3A_133 = arith.constant 0 : i32
      %dma_wait3A_134 = tpu.memref_slice %arg13[%dma_wait3A, %dma_wait3A_133] : memref<64x128xf32, #tpu.memory_space<vmem>> -> memref<16x128xf32, #tpu.memory_space<vmem>>
      %dma_wait3A_135 = arith.constant 0 : i32
      %dma_wait3A_136 = tpu.memref_slice %arg20[%sub3A_50, %dma_wait3A_135] : memref<12544x128xf32, #tpu.memory_space<vmem_shared>> -> memref<16x128xf32, #tpu.memory_space<vmem_shared>>
      %dma_wait3A_137 = arith.constant 0 : i32
      %dma_wait3A_138 = tpu.memref_slice %arg20[%sub3A_50, %dma_wait3A_137] : memref<12544x128xf32, #tpu.memory_space<vmem_shared>> -> memref<16x128xf32, #tpu.memory_space<vmem_shared>>
      %dma_wait3A_139 = arith.constant 0 : i32
      %dma_wait3A_140 = arith.constant 0 : i32
      %dma_wait3A_141 = tpu.memref_slice %arg13[%dma_wait3A_139, %dma_wait3A_140] : memref<64x128xf32, #tpu.memory_space<vmem>> -> memref<16x128xf32, #tpu.memory_space<vmem>>
      tpu.wait_dma2 semaphore(%run_scoped3A : memref<!tpu.dma_semaphore, #tpu.memory_space<semaphore_mem>>) src(%dma_wait3A_141 : memref<16x128xf32, #tpu.memory_space<vmem>>) dst(%dma_wait3A_138 : memref<16x128xf32, #tpu.memory_space<vmem_shared>>)
      tpu.yield
    }) : () -> ()
    %barrier3A = arith.constant 0 : index
    tpu.barrier barrier_id(%barrier3A)
    %scan3A_51 = arith.constant 0 : i32
    %scan3A_52 = arith.constant 0 : i32
    %scan3A_53 = arith.constant 14 : i32
    %scan3A_54 = arith.addi %scan3A_52, %scan3A_53 : i32
    %scan3A_55 = arith.constant 1 : i32
    %scan3A_56 = scf.for %scan3A_124 = %scan3A_52 to %scan3A_54 step %scan3A_55 iter_args(%scan3A_125 = %scan3A_51) -> (i32)  : i32 {
      %mul3A_126 = arith.constant 50176 : i32
      %mul3A_127 = arith.muli %arg1, %mul3A_126 : i32
      %mul3A_128 = arith.constant 3584 : i32
      %mul3A_129 = arith.muli %scan3A_124, %mul3A_128 : i32
      %add3A_130 = arith.addi %mul3A_127, %mul3A_129 : i32
      %dma_start3A = tpu.memref_slice %arg2[%add3A_130] : memref<802816xi32, #tpu.memory_space<hbm>> -> memref<3584xi32, #tpu.memory_space<hbm>>
      %dma_start3A_131 = tpu.memref_slice %arg2[%add3A_130] : memref<802816xi32, #tpu.memory_space<hbm>> -> memref<3584xi32, #tpu.memory_space<hbm>>
      tpu.enqueue_dma source(%dma_start3A_131 : memref<3584xi32, #tpu.memory_space<hbm>>) target(%arg7 : memref<3584xi32, #tpu.memory_space<vmem>>) target_semaphore(%arg14 : memref<!tpu.dma_semaphore, #tpu.memory_space<semaphore_mem>>)
      %dma_start3A_132 = tpu.memref_slice %arg3[%add3A_130] : memref<802816xi32, #tpu.memory_space<hbm>> -> memref<3584xi32, #tpu.memory_space<hbm>>
      %dma_start3A_133 = tpu.memref_slice %arg3[%add3A_130] : memref<802816xi32, #tpu.memory_space<hbm>> -> memref<3584xi32, #tpu.memory_space<hbm>>
      tpu.enqueue_dma source(%dma_start3A_133 : memref<3584xi32, #tpu.memory_space<hbm>>) target(%arg8 : memref<3584xi32, #tpu.memory_space<vmem>>) target_semaphore(%arg19 : memref<!tpu.dma_semaphore, #tpu.memory_space<semaphore_mem>>)
      %dma_start3A_134 = tpu.memref_slice %arg4[%add3A_130] : memref<802816xf32, #tpu.memory_space<hbm>> -> memref<3584xf32, #tpu.memory_space<hbm>>
      %dma_start3A_135 = tpu.memref_slice %arg4[%add3A_130] : memref<802816xf32, #tpu.memory_space<hbm>> -> memref<3584xf32, #tpu.memory_space<hbm>>
      tpu.enqueue_dma source(%dma_start3A_135 : memref<3584xf32, #tpu.memory_space<hbm>>) target(%arg9 : memref<3584xf32, #tpu.memory_space<vmem>>) target_semaphore(%arg14 : memref<!tpu.dma_semaphore, #tpu.memory_space<semaphore_mem>>)
      %dma_wait3A = tpu.memref_slice %arg2[%add3A_130] : memref<802816xi32, #tpu.memory_space<hbm>> -> memref<3584xi32, #tpu.memory_space<hbm>>
      %dma_wait3A_136 = tpu.memref_slice %arg2[%add3A_130] : memref<802816xi32, #tpu.memory_space<hbm>> -> memref<3584xi32, #tpu.memory_space<hbm>>
      tpu.wait_dma2 semaphore(%arg14 : memref<!tpu.dma_semaphore, #tpu.memory_space<semaphore_mem>>) src(%dma_wait3A_136 : memref<3584xi32, #tpu.memory_space<hbm>>) dst(%arg7 : memref<3584xi32, #tpu.memory_space<vmem>>)
      %dma_wait3A_137 = tpu.memref_slice %arg3[%add3A_130] : memref<802816xi32, #tpu.memory_space<hbm>> -> memref<3584xi32, #tpu.memory_space<hbm>>
      %dma_wait3A_138 = tpu.memref_slice %arg3[%add3A_130] : memref<802816xi32, #tpu.memory_space<hbm>> -> memref<3584xi32, #tpu.memory_space<hbm>>
      tpu.wait_dma2 semaphore(%arg19 : memref<!tpu.dma_semaphore, #tpu.memory_space<semaphore_mem>>) src(%dma_wait3A_138 : memref<3584xi32, #tpu.memory_space<hbm>>) dst(%arg8 : memref<3584xi32, #tpu.memory_space<vmem>>)
      %dma_wait3A_139 = tpu.memref_slice %arg4[%add3A_130] : memref<802816xf32, #tpu.memory_space<hbm>> -> memref<3584xf32, #tpu.memory_space<hbm>>
      %dma_wait3A_140 = tpu.memref_slice %arg4[%add3A_130] : memref<802816xf32, #tpu.memory_space<hbm>> -> memref<3584xf32, #tpu.memory_space<hbm>>
      tpu.wait_dma2 semaphore(%arg14 : memref<!tpu.dma_semaphore, #tpu.memory_space<semaphore_mem>>) src(%dma_wait3A_140 : memref<3584xf32, #tpu.memory_space<hbm>>) dst(%arg9 : memref<3584xf32, #tpu.memory_space<vmem>>)
      %get3A = arith.constant 0 : index
      %get3A_141 = tpu.vector_load %arg8[%get3A] {strides = array<i32>} : memref<3584xi32, #tpu.memory_space<vmem>>, vector<16xi32>,
      %get3A_142 = vector.shape_cast %get3A_141 : vector<16xi32> to vector<16xi32>
      %ge3A = vector.broadcast %mul3A_6 : i32 to vector<16xi32>
      %ge3A_143 = arith.cmpi sge, %get3A_142, %ge3A : vector<16xi32>
      %lt3A = vector.broadcast %add3A_8 : i32 to vector<16xi32>
      %lt3A_144 = arith.cmpi slt, %get3A_142, %lt3A : vector<16xi32>
      %and3A = arith.andi %ge3A_143, %lt3A_144 : vector<16xi1>
      %get3A_145 = arith.constant 0 : index
      %get3A_146 = tpu.vector_load %arg7[%get3A_145] {strides = array<i32>} : memref<3584xi32, #tpu.memory_space<vmem>>, vector<16xi32>,
      %get3A_147 = vector.shape_cast %get3A_146 : vector<16xi32> to vector<16xi32>
      %swap3A = arith.constant 0 : index
      %swap3A_148 = tpu.vector_load %arg10[%swap3A] {strides = array<i32>} : memref<64xi32, #tpu.memory_space<vmem>>, vector<16xi32>,
      %swap3A_149 = vector.shape_cast %swap3A_148 : vector<16xi32> to vector<16xi32>
      %swap3A_150 = vector.shape_cast %get3A_147 : vector<16xi32> to vector<16xi32>
      tpu.vector_store %arg10[%swap3A], %swap3A_150 {strides = array<i32>} : memref<64xi32, #tpu.memory_space<vmem>>, vector<16xi32>,
      %get3A_151 = arith.constant 0 : index
      %get3A_152 = tpu.vector_load %arg9[%get3A_151] {strides = array<i32>} : memref<3584xf32, #tpu.memory_space<vmem>>, vector<16xf32>,
      %get3A_153 = vector.shape_cast %get3A_152 : vector<16xf32> to vector<16xf32>
      %select_n3A = arith.select %and3A, %get3A_153, %broadcast_in_dim3A_0 : vector<16xi1>, vector<16xf32>
      %swap3A_154 = arith.constant 0 : index
      %swap3A_155 = tpu.vector_load %arg12[%swap3A_154] {strides = array<i32>} : memref<80xf32, #tpu.memory_space<vmem>>, vector<16xf32>,
      %swap3A_156 = vector.shape_cast %swap3A_155 : vector<16xf32> to vector<16xf32>
      %swap3A_157 = vector.shape_cast %select_n3A : vector<16xf32> to vector<16xf32>
      tpu.vector_store %arg12[%swap3A_154], %swap3A_157 {strides = array<i32>} : memref<80xf32, #tpu.memory_space<vmem>>, vector<16xf32>,
      %sub3A_158 = vector.broadcast %mul3A_6 : i32 to vector<16xi32>
      %sub3A_159 = arith.subi %get3A_142, %sub3A_158 : vector<16xi32>
      %select_n3A_160 = arith.select %and3A, %sub3A_159, %broadcast_in_dim3A_2 : vector<16xi1>, vector<16xi32>
      %swap3A_161 = arith.constant 0 : index
      %swap3A_162 = tpu.vector_load %arg11[%swap3A_161] {strides = array<i32>} : memref<64xi32, #tpu.memory_space<vmem>>, vector<16xi32>,
      %swap3A_163 = vector.shape_cast %swap3A_162 : vector<16xi32> to vector<16xi32>
      %swap3A_164 = vector.shape_cast %select_n3A_160 : vector<16xi32> to vector<16xi32>
      tpu.vector_store %arg11[%swap3A_161], %swap3A_164 {strides = array<i32>} : memref<64xi32, #tpu.memory_space<vmem>>, vector<16xi32>,
      %get3A_165 = arith.constant 16 : index
      %get3A_166 = tpu.vector_load %arg8[%get3A_165] {strides = array<i32>} : memref<3584xi32, #tpu.memory_space<vmem>>, vector<16xi32>,
      %get3A_167 = vector.shape_cast %get3A_166 : vector<16xi32> to vector<16xi32>
      %ge3A_168 = vector.broadcast %mul3A_6 : i32 to vector<16xi32>
      %ge3A_169 = arith.cmpi sge, %get3A_167, %ge3A_168 : vector<16xi32>
      %lt3A_170 = vector.broadcast %add3A_8 : i32 to vector<16xi32>
      %lt3A_171 = arith.cmpi slt, %get3A_167, %lt3A_170 : vector<16xi32>
      %and3A_172 = arith.andi %ge3A_169, %lt3A_171 : vector<16xi1>
      %get3A_173 = arith.constant 16 : index
      %get3A_174 = tpu.vector_load %arg7[%get3A_173] {strides = array<i32>} : memref<3584xi32, #tpu.memory_space<vmem>>, vector<16xi32>,
      %get3A_175 = vector.shape_cast %get3A_174 : vector<16xi32> to vector<16xi32>
      %swap3A_176 = arith.constant 16 : index
      %swap3A_177 = tpu.vector_load %arg10[%swap3A_176] {strides = array<i32>} : memref<64xi32, #tpu.memory_space<vmem>>, vector<16xi32>,
      %swap3A_178 = vector.shape_cast %swap3A_177 : vector<16xi32> to vector<16xi32>
      %swap3A_179 = vector.shape_cast %get3A_175 : vector<16xi32> to vector<16xi32>
      tpu.vector_store %arg10[%swap3A_176], %swap3A_179 {strides = array<i32>} : memref<64xi32, #tpu.memory_space<vmem>>, vector<16xi32>,
      %get3A_180 = arith.constant 16 : index
      %get3A_181 = tpu.vector_load %arg9[%get3A_180] {strides = array<i32>} : memref<3584xf32, #tpu.memory_space<vmem>>, vector<16xf32>,
      %get3A_182 = vector.shape_cast %get3A_181 : vector<16xf32> to vector<16xf32>
      %select_n3A_183 = arith.select %and3A_172, %get3A_182, %broadcast_in_dim3A_0 : vector<16xi1>, vector<16xf32>
      %swap3A_184 = arith.constant 16 : index
      %swap3A_185 = tpu.vector_load %arg12[%swap3A_184] {strides = array<i32>} : memref<80xf32, #tpu.memory_space<vmem>>, vector<16xf32>,
      %swap3A_186 = vector.shape_cast %swap3A_185 : vector<16xf32> to vector<16xf32>
      %swap3A_187 = vector.shape_cast %select_n3A_183 : vector<16xf32> to vector<16xf32>
      tpu.vector_store %arg12[%swap3A_184], %swap3A_187 {strides = array<i32>} : memref<80xf32, #tpu.memory_space<vmem>>, vector<16xf32>,
      %sub3A_188 = vector.broadcast %mul3A_6 : i32 to vector<16xi32>
      %sub3A_189 = arith.subi %get3A_167, %sub3A_188 : vector<16xi32>
      %select_n3A_190 = arith.select %and3A_172, %sub3A_189, %broadcast_in_dim3A_2 : vector<16xi1>, vector<16xi32>
      %swap3A_191 = arith.constant 16 : index
      %swap3A_192 = tpu.vector_load %arg11[%swap3A_191] {strides = array<i32>} : memref<64xi32, #tpu.memory_space<vmem>>, vector<16xi32>,
      %swap3A_193 = vector.shape_cast %swap3A_192 : vector<16xi32> to vector<16xi32>
      %swap3A_194 = vector.shape_cast %select_n3A_190 : vector<16xi32> to vector<16xi32>
      tpu.vector_store %arg11[%swap3A_191], %swap3A_194 {strides = array<i32>} : memref<64xi32, #tpu.memory_space<vmem>>, vector<16xi32>,
      %get3A_195 = arith.constant 32 : index
      %get3A_196 = tpu.vector_load %arg8[%get3A_195] {strides = array<i32>} : memref<3584xi32, #tpu.memory_space<vmem>>, vector<16xi32>,
      %get3A_197 = vector.shape_cast %get3A_196 : vector<16xi32> to vector<16xi32>
      %ge3A_198 = vector.broadcast %mul3A_6 : i32 to vector<16xi32>
      %ge3A_199 = arith.cmpi sge, %get3A_197, %ge3A_198 : vector<16xi32>
      %lt3A_200 = vector.broadcast %add3A_8 : i32 to vector<16xi32>
      %lt3A_201 = arith.cmpi slt, %get3A_197, %lt3A_200 : vector<16xi32>
      %and3A_202 = arith.andi %ge3A_199, %lt3A_201 : vector<16xi1>
      %get3A_203 = arith.constant 32 : index
      %get3A_204 = tpu.vector_load %arg7[%get3A_203] {strides = array<i32>} : memref<3584xi32, #tpu.memory_space<vmem>>, vector<16xi32>,
      %get3A_205 = vector.shape_cast %get3A_204 : vector<16xi32> to vector<16xi32>
      %swap3A_206 = arith.constant 32 : index
      %swap3A_207 = tpu.vector_load %arg10[%swap3A_206] {strides = array<i32>} : memref<64xi32, #tpu.memory_space<vmem>>, vector<16xi32>,
      %swap3A_208 = vector.shape_cast %swap3A_207 : vector<16xi32> to vector<16xi32>
      %swap3A_209 = vector.shape_cast %get3A_205 : vector<16xi32> to vector<16xi32>
      tpu.vector_store %arg10[%swap3A_206], %swap3A_209 {strides = array<i32>} : memref<64xi32, #tpu.memory_space<vmem>>, vector<16xi32>,
      %get3A_210 = arith.constant 32 : index
      %get3A_211 = tpu.vector_load %arg9[%get3A_210] {strides = array<i32>} : memref<3584xf32, #tpu.memory_space<vmem>>, vector<16xf32>,
      %get3A_212 = vector.shape_cast %get3A_211 : vector<16xf32> to vector<16xf32>
      %select_n3A_213 = arith.select %and3A_202, %get3A_212, %broadcast_in_dim3A_0 : vector<16xi1>, vector<16xf32>
      %swap3A_214 = arith.constant 32 : index
      %swap3A_215 = tpu.vector_load %arg12[%swap3A_214] {strides = array<i32>} : memref<80xf32, #tpu.memory_space<vmem>>, vector<16xf32>,
      %swap3A_216 = vector.shape_cast %swap3A_215 : vector<16xf32> to vector<16xf32>
      %swap3A_217 = vector.shape_cast %select_n3A_213 : vector<16xf32> to vector<16xf32>
      tpu.vector_store %arg12[%swap3A_214], %swap3A_217 {strides = array<i32>} : memref<80xf32, #tpu.memory_space<vmem>>, vector<16xf32>,
      %sub3A_218 = vector.broadcast %mul3A_6 : i32 to vector<16xi32>
      %sub3A_219 = arith.subi %get3A_197, %sub3A_218 : vector<16xi32>
      %select_n3A_220 = arith.select %and3A_202, %sub3A_219, %broadcast_in_dim3A_2 : vector<16xi1>, vector<16xi32>
      %swap3A_221 = arith.constant 32 : index
      %swap3A_222 = tpu.vector_load %arg11[%swap3A_221] {strides = array<i32>} : memref<64xi32, #tpu.memory_space<vmem>>, vector<16xi32>,
      %swap3A_223 = vector.shape_cast %swap3A_222 : vector<16xi32> to vector<16xi32>
      %swap3A_224 = vector.shape_cast %select_n3A_220 : vector<16xi32> to vector<16xi32>
      tpu.vector_store %arg11[%swap3A_221], %swap3A_224 {strides = array<i32>} : memref<64xi32, #tpu.memory_space<vmem>>, vector<16xi32>,
      %get3A_225 = arith.constant 48 : index
      %get3A_226 = tpu.vector_load %arg8[%get3A_225] {strides = array<i32>} : memref<3584xi32, #tpu.memory_space<vmem>>, vector<16xi32>,
      %get3A_227 = vector.shape_cast %get3A_226 : vector<16xi32> to vector<16xi32>
      %ge3A_228 = vector.broadcast %mul3A_6 : i32 to vector<16xi32>
      %ge3A_229 = arith.cmpi sge, %get3A_227, %ge3A_228 : vector<16xi32>
      %lt3A_230 = vector.broadcast %add3A_8 : i32 to vector<16xi32>
      %lt3A_231 = arith.cmpi slt, %get3A_227, %lt3A_230 : vector<16xi32>
      %and3A_232 = arith.andi %ge3A_229, %lt3A_231 : vector<16xi1>
      %get3A_233 = arith.constant 48 : index
      %get3A_234 = tpu.vector_load %arg7[%get3A_233] {strides = array<i32>} : memref<3584xi32, #tpu.memory_space<vmem>>, vector<16xi32>,
      %get3A_235 = vector.shape_cast %get3A_234 : vector<16xi32> to vector<16xi32>
      %swap3A_236 = arith.constant 48 : index
      %swap3A_237 = tpu.vector_load %arg10[%swap3A_236] {strides = array<i32>} : memref<64xi32, #tpu.memory_space<vmem>>, vector<16xi32>,
      %swap3A_238 = vector.shape_cast %swap3A_237 : vector<16xi32> to vector<16xi32>
      %swap3A_239 = vector.shape_cast %get3A_235 : vector<16xi32> to vector<16xi32>
      tpu.vector_store %arg10[%swap3A_236], %swap3A_239 {strides = array<i32>} : memref<64xi32, #tpu.memory_space<vmem>>, vector<16xi32>,
      %get3A_240 = arith.constant 48 : index
      %get3A_241 = tpu.vector_load %arg9[%get3A_240] {strides = array<i32>} : memref<3584xf32, #tpu.memory_space<vmem>>, vector<16xf32>,
      %get3A_242 = vector.shape_cast %get3A_241 : vector<16xf32> to vector<16xf32>
      %select_n3A_243 = arith.select %and3A_232, %get3A_242, %broadcast_in_dim3A_0 : vector<16xi1>, vector<16xf32>
      %swap3A_244 = arith.constant 48 : index
      %swap3A_245 = tpu.vector_load %arg12[%swap3A_244] {strides = array<i32>} : memref<80xf32, #tpu.memory_space<vmem>>, vector<16xf32>,
      %swap3A_246 = vector.shape_cast %swap3A_245 : vector<16xf32> to vector<16xf32>
      %swap3A_247 = vector.shape_cast %select_n3A_243 : vector<16xf32> to vector<16xf32>
      tpu.vector_store %arg12[%swap3A_244], %swap3A_247 {strides = array<i32>} : memref<80xf32, #tpu.memory_space<vmem>>, vector<16xf32>,
      %sub3A_248 = vector.broadcast %mul3A_6 : i32 to vector<16xi32>
      %sub3A_249 = arith.subi %get3A_227, %sub3A_248 : vector<16xi32>
      %select_n3A_250 = arith.select %and3A_232, %sub3A_249, %broadcast_in_dim3A_2 : vector<16xi1>, vector<16xi32>
      %swap3A_251 = arith.constant 48 : index
      %swap3A_252 = tpu.vector_load %arg11[%swap3A_251] {strides = array<i32>} : memref<64xi32, #tpu.memory_space<vmem>>, vector<16xi32>,
      %swap3A_253 = vector.shape_cast %swap3A_252 : vector<16xi32> to vector<16xi32>
      %swap3A_254 = vector.shape_cast %select_n3A_250 : vector<16xi32> to vector<16xi32>
      tpu.vector_store %arg11[%swap3A_251], %swap3A_254 {strides = array<i32>} : memref<64xi32, #tpu.memory_space<vmem>>, vector<16xi32>,
      %dma_start3A_255 = arith.constant 0 : i32
      %dma_start3A_256 = arith.constant 0 : i32
      %dma_start3A_257 = tpu.memref_slice %arg5[%dma_start3A_255, %dma_start3A_256] : memref<50000x128xf32, #tpu.memory_space<hbm>> -> memref<50000x128xf32, #tpu.memory_space<hbm>>
      tpu.enqueue_indirect_dma source(%dma_start3A_257 : memref<50000x128xf32, #tpu.memory_space<hbm>>) target(%arg13 : memref<64x128xf32, #tpu.memory_space<vmem>>) offsets(%arg10 : memref<64xi32, #tpu.memory_space<vmem>>) semaphore(%arg14 : memref<!tpu.dma_semaphore, #tpu.memory_space<semaphore_mem>>)
      %scan3A_258 = arith.constant 0 : i32
      %scan3A_259 = arith.constant 0 : i32
      %scan3A_260 = arith.constant 28 : i32
      %scan3A_261 = arith.addi %scan3A_259, %scan3A_260 : i32
      %scan3A_262 = arith.constant 1 : i32
      %scan3A_263 = scf.for %scan3A_266 = %scan3A_259 to %scan3A_261 step %scan3A_262 iter_args(%scan3A_267 = %scan3A_258) -> (i32)  : i32 {
        %mul3A_268 = arith.constant 2 : i32
        %mul3A_269 = arith.muli %mul3A_268, %scan3A_266 : i32
        %add3A_270 = arith.constant 1 : i32
        %add3A_271 = arith.addi %mul3A_269, %add3A_270 : i32
        %mul3A_272 = arith.constant 64 : i32
        %mul3A_273 = arith.muli %add3A_271, %mul3A_272 : i32
        %add3A_274 = arith.constant 0 : i32
        %add3A_275 = arith.addi %mul3A_273, %add3A_274 : i32
        %get3A_276 = arith.index_cast %add3A_275 : i32 to index
        %get3A_277 = tpu.vector_load %arg8[%get3A_276] {strides = array<i32>} : memref<3584xi32, #tpu.memory_space<vmem>>, vector<16xi32>,
        %get3A_278 = vector.shape_cast %get3A_277 : vector<16xi32> to vector<16xi32>
        %ge3A_279 = vector.broadcast %mul3A_6 : i32 to vector<16xi32>
        %ge3A_280 = arith.cmpi sge, %get3A_278, %ge3A_279 : vector<16xi32>
        %lt3A_281 = vector.broadcast %add3A_8 : i32 to vector<16xi32>
        %lt3A_282 = arith.cmpi slt, %get3A_278, %lt3A_281 : vector<16xi32>
        %and3A_283 = arith.andi %ge3A_280, %lt3A_282 : vector<16xi1>
        %get3A_284 = arith.index_cast %add3A_275 : i32 to index
        %get3A_285 = tpu.vector_load %arg7[%get3A_284] {strides = array<i32>} : memref<3584xi32, #tpu.memory_space<vmem>>, vector<16xi32>,
        %get3A_286 = vector.shape_cast %get3A_285 : vector<16xi32> to vector<16xi32>
        %swap3A_287 = arith.constant 0 : index
        %swap3A_288 = tpu.vector_load %arg15[%swap3A_287] {strides = array<i32>} : memref<64xi32, #tpu.memory_space<vmem>>, vector<16xi32>,
        %swap3A_289 = vector.shape_cast %swap3A_288 : vector<16xi32> to vector<16xi32>
        %swap3A_290 = vector.shape_cast %get3A_286 : vector<16xi32> to vector<16xi32>
        tpu.vector_store %arg15[%swap3A_287], %swap3A_290 {strides = array<i32>} : memref<64xi32, #tpu.memory_space<vmem>>, vector<16xi32>,
        %get3A_291 = arith.index_cast %add3A_275 : i32 to index
        %get3A_292 = tpu.vector_load %arg9[%get3A_291] {strides = array<i32>} : memref<3584xf32, #tpu.memory_space<vmem>>, vector<16xf32>,
        %get3A_293 = vector.shape_cast %get3A_292 : vector<16xf32> to vector<16xf32>
        %select_n3A_294 = arith.select %and3A_283, %get3A_293, %broadcast_in_dim3A_0 : vector<16xi1>, vector<16xf32>
        %swap3A_295 = arith.constant 0 : index
        %swap3A_296 = tpu.vector_load %arg17[%swap3A_295] {strides = array<i32>} : memref<80xf32, #tpu.memory_space<vmem>>, vector<16xf32>,
        %swap3A_297 = vector.shape_cast %swap3A_296 : vector<16xf32> to vector<16xf32>
        %swap3A_298 = vector.shape_cast %select_n3A_294 : vector<16xf32> to vector<16xf32>
        tpu.vector_store %arg17[%swap3A_295], %swap3A_298 {strides = array<i32>} : memref<80xf32, #tpu.memory_space<vmem>>, vector<16xf32>,
        %sub3A_299 = vector.broadcast %mul3A_6 : i32 to vector<16xi32>
        %sub3A_300 = arith.subi %get3A_278, %sub3A_299 : vector<16xi32>
        %select_n3A_301 = arith.select %and3A_283, %sub3A_300, %broadcast_in_dim3A_2 : vector<16xi1>, vector<16xi32>
        %swap3A_302 = arith.constant 0 : index
        %swap3A_303 = tpu.vector_load %arg16[%swap3A_302] {strides = array<i32>} : memref<64xi32, #tpu.memory_space<vmem>>, vector<16xi32>,
        %swap3A_304 = vector.shape_cast %swap3A_303 : vector<16xi32> to vector<16xi32>
        %swap3A_305 = vector.shape_cast %select_n3A_301 : vector<16xi32> to vector<16xi32>
        tpu.vector_store %arg16[%swap3A_302], %swap3A_305 {strides = array<i32>} : memref<64xi32, #tpu.memory_space<vmem>>, vector<16xi32>,
        %add3A_306 = arith.constant 16 : i32
        %add3A_307 = arith.addi %mul3A_273, %add3A_306 : i32
        %get3A_308 = arith.index_cast %add3A_307 : i32 to index
        %get3A_309 = tpu.vector_load %arg8[%get3A_308] {strides = array<i32>} : memref<3584xi32, #tpu.memory_space<vmem>>, vector<16xi32>,
        %get3A_310 = vector.shape_cast %get3A_309 : vector<16xi32> to vector<16xi32>
        %ge3A_311 = vector.broadcast %mul3A_6 : i32 to vector<16xi32>
        %ge3A_312 = arith.cmpi sge, %get3A_310, %ge3A_311 : vector<16xi32>
        %lt3A_313 = vector.broadcast %add3A_8 : i32 to vector<16xi32>
        %lt3A_314 = arith.cmpi slt, %get3A_310, %lt3A_313 : vector<16xi32>
        %and3A_315 = arith.andi %ge3A_312, %lt3A_314 : vector<16xi1>
        %get3A_316 = arith.index_cast %add3A_307 : i32 to index
        %get3A_317 = tpu.vector_load %arg7[%get3A_316] {strides = array<i32>} : memref<3584xi32, #tpu.memory_space<vmem>>, vector<16xi32>,
        %get3A_318 = vector.shape_cast %get3A_317 : vector<16xi32> to vector<16xi32>
        %swap3A_319 = arith.constant 16 : index
        %swap3A_320 = tpu.vector_load %arg15[%swap3A_319] {strides = array<i32>} : memref<64xi32, #tpu.memory_space<vmem>>, vector<16xi32>,
        %swap3A_321 = vector.shape_cast %swap3A_320 : vector<16xi32> to vector<16xi32>
        %swap3A_322 = vector.shape_cast %get3A_318 : vector<16xi32> to vector<16xi32>
        tpu.vector_store %arg15[%swap3A_319], %swap3A_322 {strides = array<i32>} : memref<64xi32, #tpu.memory_space<vmem>>, vector<16xi32>,
        %get3A_323 = arith.index_cast %add3A_307 : i32 to index
        %get3A_324 = tpu.vector_load %arg9[%get3A_323] {strides = array<i32>} : memref<3584xf32, #tpu.memory_space<vmem>>, vector<16xf32>,
        %get3A_325 = vector.shape_cast %get3A_324 : vector<16xf32> to vector<16xf32>
        %select_n3A_326 = arith.select %and3A_315, %get3A_325, %broadcast_in_dim3A_0 : vector<16xi1>, vector<16xf32>
        %swap3A_327 = arith.constant 16 : index
        %swap3A_328 = tpu.vector_load %arg17[%swap3A_327] {strides = array<i32>} : memref<80xf32, #tpu.memory_space<vmem>>, vector<16xf32>,
        %swap3A_329 = vector.shape_cast %swap3A_328 : vector<16xf32> to vector<16xf32>
        %swap3A_330 = vector.shape_cast %select_n3A_326 : vector<16xf32> to vector<16xf32>
        tpu.vector_store %arg17[%swap3A_327], %swap3A_330 {strides = array<i32>} : memref<80xf32, #tpu.memory_space<vmem>>, vector<16xf32>,
        %sub3A_331 = vector.broadcast %mul3A_6 : i32 to vector<16xi32>
        %sub3A_332 = arith.subi %get3A_310, %sub3A_331 : vector<16xi32>
        %select_n3A_333 = arith.select %and3A_315, %sub3A_332, %broadcast_in_dim3A_2 : vector<16xi1>, vector<16xi32>
        %swap3A_334 = arith.constant 16 : index
        %swap3A_335 = tpu.vector_load %arg16[%swap3A_334] {strides = array<i32>} : memref<64xi32, #tpu.memory_space<vmem>>, vector<16xi32>,
        %swap3A_336 = vector.shape_cast %swap3A_335 : vector<16xi32> to vector<16xi32>
        %swap3A_337 = vector.shape_cast %select_n3A_333 : vector<16xi32> to vector<16xi32>
        tpu.vector_store %arg16[%swap3A_334], %swap3A_337 {strides = array<i32>} : memref<64xi32, #tpu.memory_space<vmem>>, vector<16xi32>,
        %add3A_338 = arith.constant 32 : i32
        %add3A_339 = arith.addi %mul3A_273, %add3A_338 : i32
        %get3A_340 = arith.index_cast %add3A_339 : i32 to index
        %get3A_341 = tpu.vector_load %arg8[%get3A_340] {strides = array<i32>} : memref<3584xi32, #tpu.memory_space<vmem>>, vector<16xi32>,
        %get3A_342 = vector.shape_cast %get3A_341 : vector<16xi32> to vector<16xi32>
        %ge3A_343 = vector.broadcast %mul3A_6 : i32 to vector<16xi32>
        %ge3A_344 = arith.cmpi sge, %get3A_342, %ge3A_343 : vector<16xi32>
        %lt3A_345 = vector.broadcast %add3A_8 : i32 to vector<16xi32>
        %lt3A_346 = arith.cmpi slt, %get3A_342, %lt3A_345 : vector<16xi32>
        %and3A_347 = arith.andi %ge3A_344, %lt3A_346 : vector<16xi1>
        %get3A_348 = arith.index_cast %add3A_339 : i32 to index
        %get3A_349 = tpu.vector_load %arg7[%get3A_348] {strides = array<i32>} : memref<3584xi32, #tpu.memory_space<vmem>>, vector<16xi32>,
        %get3A_350 = vector.shape_cast %get3A_349 : vector<16xi32> to vector<16xi32>
        %swap3A_351 = arith.constant 32 : index
        %swap3A_352 = tpu.vector_load %arg15[%swap3A_351] {strides = array<i32>} : memref<64xi32, #tpu.memory_space<vmem>>, vector<16xi32>,
        %swap3A_353 = vector.shape_cast %swap3A_352 : vector<16xi32> to vector<16xi32>
        %swap3A_354 = vector.shape_cast %get3A_350 : vector<16xi32> to vector<16xi32>
        tpu.vector_store %arg15[%swap3A_351], %swap3A_354 {strides = array<i32>} : memref<64xi32, #tpu.memory_space<vmem>>, vector<16xi32>,
        %get3A_355 = arith.index_cast %add3A_339 : i32 to index
        %get3A_356 = tpu.vector_load %arg9[%get3A_355] {strides = array<i32>} : memref<3584xf32, #tpu.memory_space<vmem>>, vector<16xf32>,
        %get3A_357 = vector.shape_cast %get3A_356 : vector<16xf32> to vector<16xf32>
        %select_n3A_358 = arith.select %and3A_347, %get3A_357, %broadcast_in_dim3A_0 : vector<16xi1>, vector<16xf32>
        %swap3A_359 = arith.constant 32 : index
        %swap3A_360 = tpu.vector_load %arg17[%swap3A_359] {strides = array<i32>} : memref<80xf32, #tpu.memory_space<vmem>>, vector<16xf32>,
        %swap3A_361 = vector.shape_cast %swap3A_360 : vector<16xf32> to vector<16xf32>
        %swap3A_362 = vector.shape_cast %select_n3A_358 : vector<16xf32> to vector<16xf32>
        tpu.vector_store %arg17[%swap3A_359], %swap3A_362 {strides = array<i32>} : memref<80xf32, #tpu.memory_space<vmem>>, vector<16xf32>,
        %sub3A_363 = vector.broadcast %mul3A_6 : i32 to vector<16xi32>
        %sub3A_364 = arith.subi %get3A_342, %sub3A_363 : vector<16xi32>
        %select_n3A_365 = arith.select %and3A_347, %sub3A_364, %broadcast_in_dim3A_2 : vector<16xi1>, vector<16xi32>
        %swap3A_366 = arith.constant 32 : index
        %swap3A_367 = tpu.vector_load %arg16[%swap3A_366] {strides = array<i32>} : memref<64xi32, #tpu.memory_space<vmem>>, vector<16xi32>,
        %swap3A_368 = vector.shape_cast %swap3A_367 : vector<16xi32> to vector<16xi32>
        %swap3A_369 = vector.shape_cast %select_n3A_365 : vector<16xi32> to vector<16xi32>
        tpu.vector_store %arg16[%swap3A_366], %swap3A_369 {strides = array<i32>} : memref<64xi32, #tpu.memory_space<vmem>>, vector<16xi32>,
        %add3A_370 = arith.constant 48 : i32
        %add3A_371 = arith.addi %mul3A_273, %add3A_370 : i32
        %get3A_372 = arith.index_cast %add3A_371 : i32 to index
        %get3A_373 = tpu.vector_load %arg8[%get3A_372] {strides = array<i32>} : memref<3584xi32, #tpu.memory_space<vmem>>, vector<16xi32>,
        %get3A_374 = vector.shape_cast %get3A_373 : vector<16xi32> to vector<16xi32>
        %ge3A_375 = vector.broadcast %mul3A_6 : i32 to vector<16xi32>
        %ge3A_376 = arith.cmpi sge, %get3A_374, %ge3A_375 : vector<16xi32>
        %lt3A_377 = vector.broadcast %add3A_8 : i32 to vector<16xi32>
        %lt3A_378 = arith.cmpi slt, %get3A_374, %lt3A_377 : vector<16xi32>
        %and3A_379 = arith.andi %ge3A_376, %lt3A_378 : vector<16xi1>
        %get3A_380 = arith.index_cast %add3A_371 : i32 to index
        %get3A_381 = tpu.vector_load %arg7[%get3A_380] {strides = array<i32>} : memref<3584xi32, #tpu.memory_space<vmem>>, vector<16xi32>,
        %get3A_382 = vector.shape_cast %get3A_381 : vector<16xi32> to vector<16xi32>
        %swap3A_383 = arith.constant 48 : index
        %swap3A_384 = tpu.vector_load %arg15[%swap3A_383] {strides = array<i32>} : memref<64xi32, #tpu.memory_space<vmem>>, vector<16xi32>,
        %swap3A_385 = vector.shape_cast %swap3A_384 : vector<16xi32> to vector<16xi32>
        %swap3A_386 = vector.shape_cast %get3A_382 : vector<16xi32> to vector<16xi32>
        tpu.vector_store %arg15[%swap3A_383], %swap3A_386 {strides = array<i32>} : memref<64xi32, #tpu.memory_space<vmem>>, vector<16xi32>,
        %get3A_387 = arith.index_cast %add3A_371 : i32 to index
        %get3A_388 = tpu.vector_load %arg9[%get3A_387] {strides = array<i32>} : memref<3584xf32, #tpu.memory_space<vmem>>, vector<16xf32>,
        %get3A_389 = vector.shape_cast %get3A_388 : vector<16xf32> to vector<16xf32>
        %select_n3A_390 = arith.select %and3A_379, %get3A_389, %broadcast_in_dim3A_0 : vector<16xi1>, vector<16xf32>
        %swap3A_391 = arith.constant 48 : index
        %swap3A_392 = tpu.vector_load %arg17[%swap3A_391] {strides = array<i32>} : memref<80xf32, #tpu.memory_space<vmem>>, vector<16xf32>,
        %swap3A_393 = vector.shape_cast %swap3A_392 : vector<16xf32> to vector<16xf32>
        %swap3A_394 = vector.shape_cast %select_n3A_390 : vector<16xf32> to vector<16xf32>
        tpu.vector_store %arg17[%swap3A_391], %swap3A_394 {strides = array<i32>} : memref<80xf32, #tpu.memory_space<vmem>>, vector<16xf32>,
        %sub3A_395 = vector.broadcast %mul3A_6 : i32 to vector<16xi32>
        %sub3A_396 = arith.subi %get3A_374, %sub3A_395 : vector<16xi32>
        %select_n3A_397 = arith.select %and3A_379, %sub3A_396, %broadcast_in_dim3A_2 : vector<16xi1>, vector<16xi32>
        %swap3A_398 = arith.constant 48 : index
        %swap3A_399 = tpu.vector_load %arg16[%swap3A_398] {strides = array<i32>} : memref<64xi32, #tpu.memory_space<vmem>>, vector<16xi32>,
        %swap3A_400 = vector.shape_cast %swap3A_399 : vector<16xi32> to vector<16xi32>
        %swap3A_401 = vector.shape_cast %select_n3A_397 : vector<16xi32> to vector<16xi32>
        tpu.vector_store %arg16[%swap3A_398], %swap3A_401 {strides = array<i32>} : memref<64xi32, #tpu.memory_space<vmem>>, vector<16xi32>,
        %dma_start3A_402 = arith.constant 0 : i32
        %dma_start3A_403 = arith.constant 0 : i32
        %dma_start3A_404 = tpu.memref_slice %arg5[%dma_start3A_402, %dma_start3A_403] : memref<50000x128xf32, #tpu.memory_space<hbm>> -> memref<50000x128xf32, #tpu.memory_space<hbm>>
        tpu.enqueue_indirect_dma source(%dma_start3A_404 : memref<50000x128xf32, #tpu.memory_space<hbm>>) target(%arg18 : memref<64x128xf32, #tpu.memory_space<vmem>>) offsets(%arg15 : memref<64xi32, #tpu.memory_space<vmem>>) semaphore(%arg19 : memref<!tpu.dma_semaphore, #tpu.memory_space<semaphore_mem>>)
        %dma_wait3A_405 = arith.constant 0 : i32
        %dma_wait3A_406 = arith.constant 0 : i32
        %dma_wait3A_407 = tpu.memref_slice %arg5[%dma_wait3A_405, %dma_wait3A_406] : memref<50000x128xf32, #tpu.memory_space<hbm>> -> memref<50000x128xf32, #tpu.memory_space<hbm>>
        tpu.wait_indirect_dma semaphore(%arg14 : memref<!tpu.dma_semaphore, #tpu.memory_space<semaphore_mem>>) src(%dma_wait3A_407 : memref<50000x128xf32, #tpu.memory_space<hbm>>) dst(%arg13 : memref<64x128xf32, #tpu.memory_space<vmem>>)
        %scan3A_408 = arith.constant 0 : i32
        %scan3A_409 = arith.constant 0 : i32
        %scan3A_410 = arith.constant 16 : i32
        %scan3A_411 = arith.addi %scan3A_409, %scan3A_410 : i32
        %scan3A_412 = arith.constant 1 : i32
        %scan3A_413 = scf.for %scan3A_429 = %scan3A_409 to %scan3A_411 step %scan3A_412 iter_args(%scan3A_430 = %scan3A_408) -> (i32)  : i32 {
          %mul3A_431 = arith.constant 4 : i32
          %mul3A_432 = arith.muli %mul3A_431, %scan3A_429 : i32
          %add3A_433 = arith.constant 0 : i32
          %add3A_434 = arith.addi %mul3A_432, %add3A_433 : i32
          %get3A_435 = arith.index_cast %add3A_434 : i32 to index
          %get3A_436 = tpu.vector_load %arg12[%get3A_435] {strides = array<i32>} : memref<80xf32, #tpu.memory_space<vmem>>, vector<16xf32>,
          %get3A_437 = vector.shape_cast %get3A_436 : vector<16xf32> to vector<16xf32>
          %slice3A = vector.extract_strided_slice %get3A_437 {offsets = [0], sizes = [1], strides = [1]} : vector<16xf32> to vector<1xf32>
          %squeeze3A = vector.extract %slice3A[0] : f32 from vector<1xf32>
          %add3A_438 = vector.broadcast %squeeze3A : f32 to vector<16xf32>
          %add3A_439 = arith.addf %broadcast_in_dim3A_0, %add3A_438 : vector<16xf32>
          %add3A_440 = arith.constant 1 : i32
          %add3A_441 = arith.addi %mul3A_432, %add3A_440 : i32
          %get3A_442 = arith.index_cast %add3A_441 : i32 to index
          %get3A_443 = tpu.vector_load %arg12[%get3A_442] {strides = array<i32>} : memref<80xf32, #tpu.memory_space<vmem>>, vector<16xf32>,
          %get3A_444 = vector.shape_cast %get3A_443 : vector<16xf32> to vector<16xf32>
          %slice3A_445 = vector.extract_strided_slice %get3A_444 {offsets = [0], sizes = [1], strides = [1]} : vector<16xf32> to vector<1xf32>
          %squeeze3A_446 = vector.extract %slice3A_445[0] : f32 from vector<1xf32>
          %add3A_447 = vector.broadcast %squeeze3A_446 : f32 to vector<16xf32>
          %add3A_448 = arith.addf %broadcast_in_dim3A_0, %add3A_447 : vector<16xf32>
          %add3A_449 = arith.constant 2 : i32
          %add3A_450 = arith.addi %mul3A_432, %add3A_449 : i32
          %get3A_451 = arith.index_cast %add3A_450 : i32 to index
          %get3A_452 = tpu.vector_load %arg12[%get3A_451] {strides = array<i32>} : memref<80xf32, #tpu.memory_space<vmem>>, vector<16xf32>,
          %get3A_453 = vector.shape_cast %get3A_452 : vector<16xf32> to vector<16xf32>
          %slice3A_454 = vector.extract_strided_slice %get3A_453 {offsets = [0], sizes = [1], strides = [1]} : vector<16xf32> to vector<1xf32>
          %squeeze3A_455 = vector.extract %slice3A_454[0] : f32 from vector<1xf32>
          %add3A_456 = vector.broadcast %squeeze3A_455 : f32 to vector<16xf32>
          %add3A_457 = arith.addf %broadcast_in_dim3A_0, %add3A_456 : vector<16xf32>
          %add3A_458 = arith.constant 3 : i32
          %add3A_459 = arith.addi %mul3A_432, %add3A_458 : i32
          %get3A_460 = arith.index_cast %add3A_459 : i32 to index
          %get3A_461 = tpu.vector_load %arg12[%get3A_460] {strides = array<i32>} : memref<80xf32, #tpu.memory_space<vmem>>, vector<16xf32>,
          %get3A_462 = vector.shape_cast %get3A_461 : vector<16xf32> to vector<16xf32>
          %slice3A_463 = vector.extract_strided_slice %get3A_462 {offsets = [0], sizes = [1], strides = [1]} : vector<16xf32> to vector<1xf32>
          %squeeze3A_464 = vector.extract %slice3A_463[0] : f32 from vector<1xf32>
          %add3A_465 = vector.broadcast %squeeze3A_464 : f32 to vector<16xf32>
          %add3A_466 = arith.addf %broadcast_in_dim3A_0, %add3A_465 : vector<16xf32>
          %add3A_467 = arith.constant 0 : i32
          %add3A_468 = arith.addi %mul3A_432, %add3A_467 : i32
          %get3A_469 = arith.index_cast %add3A_468 : i32 to index
          %get3A_470 = arith.constant 0 : index
          %get3A_471 = tpu.vector_load %arg13[%get3A_469, %get3A_470] {strides = array<i32>} : memref<64x128xf32, #tpu.memory_space<vmem>>, vector<1x16xf32>,
          %get3A_472 = vector.shape_cast %get3A_471 : vector<1x16xf32> to vector<16xf32>
          %mul3A_473 = arith.mulf %get3A_472, %add3A_439 : vector<16xf32>
          %add3A_474 = arith.constant 0 : i32
          %add3A_475 = arith.addi %mul3A_432, %add3A_474 : i32
          %swap3A_476 = arith.index_cast %add3A_475 : i32 to index
          %swap3A_477 = arith.constant 0 : index
          %swap3A_478 = tpu.vector_load %arg13[%swap3A_476, %swap3A_477] {strides = array<i32>} : memref<64x128xf32, #tpu.memory_space<vmem>>, vector<1x16xf32>,
          %swap3A_479 = vector.shape_cast %swap3A_478 : vector<1x16xf32> to vector<16xf32>
          %swap3A_480 = vector.shape_cast %mul3A_473 : vector<16xf32> to vector<1x16xf32>
          tpu.vector_store %arg13[%swap3A_476, %swap3A_477], %swap3A_480 {strides = array<i32>} : memref<64x128xf32, #tpu.memory_space<vmem>>, vector<1x16xf32>,
          %add3A_481 = arith.constant 0 : i32
          %add3A_482 = arith.addi %mul3A_432, %add3A_481 : i32
          %get3A_483 = arith.index_cast %add3A_482 : i32 to index
          %get3A_484 = arith.constant 16 : index
          %get3A_485 = tpu.vector_load %arg13[%get3A_483, %get3A_484] {strides = array<i32>} : memref<64x128xf32, #tpu.memory_space<vmem>>, vector<1x16xf32>,
          %get3A_486 = vector.shape_cast %get3A_485 : vector<1x16xf32> to vector<16xf32>
          %mul3A_487 = arith.mulf %get3A_486, %add3A_439 : vector<16xf32>
          %add3A_488 = arith.constant 0 : i32
          %add3A_489 = arith.addi %mul3A_432, %add3A_488 : i32
          %swap3A_490 = arith.index_cast %add3A_489 : i32 to index
          %swap3A_491 = arith.constant 16 : index
          %swap3A_492 = tpu.vector_load %arg13[%swap3A_490, %swap3A_491] {strides = array<i32>} : memref<64x128xf32, #tpu.memory_space<vmem>>, vector<1x16xf32>,
          %swap3A_493 = vector.shape_cast %swap3A_492 : vector<1x16xf32> to vector<16xf32>
          %swap3A_494 = vector.shape_cast %mul3A_487 : vector<16xf32> to vector<1x16xf32>
          tpu.vector_store %arg13[%swap3A_490, %swap3A_491], %swap3A_494 {strides = array<i32>} : memref<64x128xf32, #tpu.memory_space<vmem>>, vector<1x16xf32>,
          %add3A_495 = arith.constant 0 : i32
          %add3A_496 = arith.addi %mul3A_432, %add3A_495 : i32
          %get3A_497 = arith.index_cast %add3A_496 : i32 to index
          %get3A_498 = arith.constant 32 : index
          %get3A_499 = tpu.vector_load %arg13[%get3A_497, %get3A_498] {strides = array<i32>} : memref<64x128xf32, #tpu.memory_space<vmem>>, vector<1x16xf32>,
          %get3A_500 = vector.shape_cast %get3A_499 : vector<1x16xf32> to vector<16xf32>
          %mul3A_501 = arith.mulf %get3A_500, %add3A_439 : vector<16xf32>
          %add3A_502 = arith.constant 0 : i32
          %add3A_503 = arith.addi %mul3A_432, %add3A_502 : i32
          %swap3A_504 = arith.index_cast %add3A_503 : i32 to index
          %swap3A_505 = arith.constant 32 : index
          %swap3A_506 = tpu.vector_load %arg13[%swap3A_504, %swap3A_505] {strides = array<i32>} : memref<64x128xf32, #tpu.memory_space<vmem>>, vector<1x16xf32>,
          %swap3A_507 = vector.shape_cast %swap3A_506 : vector<1x16xf32> to vector<16xf32>
          %swap3A_508 = vector.shape_cast %mul3A_501 : vector<16xf32> to vector<1x16xf32>
          tpu.vector_store %arg13[%swap3A_504, %swap3A_505], %swap3A_508 {strides = array<i32>} : memref<64x128xf32, #tpu.memory_space<vmem>>, vector<1x16xf32>,
          %add3A_509 = arith.constant 0 : i32
          %add3A_510 = arith.addi %mul3A_432, %add3A_509 : i32
          %get3A_511 = arith.index_cast %add3A_510 : i32 to index
          %get3A_512 = arith.constant 48 : index
          %get3A_513 = tpu.vector_load %arg13[%get3A_511, %get3A_512] {strides = array<i32>} : memref<64x128xf32, #tpu.memory_space<vmem>>, vector<1x16xf32>,
          %get3A_514 = vector.shape_cast %get3A_513 : vector<1x16xf32> to vector<16xf32>
          %mul3A_515 = arith.mulf %get3A_514, %add3A_439 : vector<16xf32>
          %add3A_516 = arith.constant 0 : i32
          %add3A_517 = arith.addi %mul3A_432, %add3A_516 : i32
          %swap3A_518 = arith.index_cast %add3A_517 : i32 to index
          %swap3A_519 = arith.constant 48 : index
          %swap3A_520 = tpu.vector_load %arg13[%swap3A_518, %swap3A_519] {strides = array<i32>} : memref<64x128xf32, #tpu.memory_space<vmem>>, vector<1x16xf32>,
          %swap3A_521 = vector.shape_cast %swap3A_520 : vector<1x16xf32> to vector<16xf32>
          %swap3A_522 = vector.shape_cast %mul3A_515 : vector<16xf32> to vector<1x16xf32>
          tpu.vector_store %arg13[%swap3A_518, %swap3A_519], %swap3A_522 {strides = array<i32>} : memref<64x128xf32, #tpu.memory_space<vmem>>, vector<1x16xf32>,
          %add3A_523 = arith.constant 0 : i32
          %add3A_524 = arith.addi %mul3A_432, %add3A_523 : i32
          %get3A_525 = arith.index_cast %add3A_524 : i32 to index
          %get3A_526 = arith.constant 64 : index
          %get3A_527 = tpu.vector_load %arg13[%get3A_525, %get3A_526] {strides = array<i32>} : memref<64x128xf32, #tpu.memory_space<vmem>>, vector<1x16xf32>,
          %get3A_528 = vector.shape_cast %get3A_527 : vector<1x16xf32> to vector<16xf32>
          %mul3A_529 = arith.mulf %get3A_528, %add3A_439 : vector<16xf32>
          %add3A_530 = arith.constant 0 : i32
          %add3A_531 = arith.addi %mul3A_432, %add3A_530 : i32
          %swap3A_532 = arith.index_cast %add3A_531 : i32 to index
          %swap3A_533 = arith.constant 64 : index
          %swap3A_534 = tpu.vector_load %arg13[%swap3A_532, %swap3A_533] {strides = array<i32>} : memref<64x128xf32, #tpu.memory_space<vmem>>, vector<1x16xf32>,
          %swap3A_535 = vector.shape_cast %swap3A_534 : vector<1x16xf32> to vector<16xf32>
          %swap3A_536 = vector.shape_cast %mul3A_529 : vector<16xf32> to vector<1x16xf32>
          tpu.vector_store %arg13[%swap3A_532, %swap3A_533], %swap3A_536 {strides = array<i32>} : memref<64x128xf32, #tpu.memory_space<vmem>>, vector<1x16xf32>,
          %add3A_537 = arith.constant 0 : i32
          %add3A_538 = arith.addi %mul3A_432, %add3A_537 : i32
          %get3A_539 = arith.index_cast %add3A_538 : i32 to index
          %get3A_540 = arith.constant 80 : index
          %get3A_541 = tpu.vector_load %arg13[%get3A_539, %get3A_540] {strides = array<i32>} : memref<64x128xf32, #tpu.memory_space<vmem>>, vector<1x16xf32>,
          %get3A_542 = vector.shape_cast %get3A_541 : vector<1x16xf32> to vector<16xf32>
          %mul3A_543 = arith.mulf %get3A_542, %add3A_439 : vector<16xf32>
          %add3A_544 = arith.constant 0 : i32
          %add3A_545 = arith.addi %mul3A_432, %add3A_544 : i32
          %swap3A_546 = arith.index_cast %add3A_545 : i32 to index
          %swap3A_547 = arith.constant 80 : index
          %swap3A_548 = tpu.vector_load %arg13[%swap3A_546, %swap3A_547] {strides = array<i32>} : memref<64x128xf32, #tpu.memory_space<vmem>>, vector<1x16xf32>,
          %swap3A_549 = vector.shape_cast %swap3A_548 : vector<1x16xf32> to vector<16xf32>
          %swap3A_550 = vector.shape_cast %mul3A_543 : vector<16xf32> to vector<1x16xf32>
          tpu.vector_store %arg13[%swap3A_546, %swap3A_547], %swap3A_550 {strides = array<i32>} : memref<64x128xf32, #tpu.memory_space<vmem>>, vector<1x16xf32>,
          %add3A_551 = arith.constant 0 : i32
          %add3A_552 = arith.addi %mul3A_432, %add3A_551 : i32
          %get3A_553 = arith.index_cast %add3A_552 : i32 to index
          %get3A_554 = arith.constant 96 : index
          %get3A_555 = tpu.vector_load %arg13[%get3A_553, %get3A_554] {strides = array<i32>} : memref<64x128xf32, #tpu.memory_space<vmem>>, vector<1x16xf32>,
          %get3A_556 = vector.shape_cast %get3A_555 : vector<1x16xf32> to vector<16xf32>
          %mul3A_557 = arith.mulf %get3A_556, %add3A_439 : vector<16xf32>
          %add3A_558 = arith.constant 0 : i32
          %add3A_559 = arith.addi %mul3A_432, %add3A_558 : i32
          %swap3A_560 = arith.index_cast %add3A_559 : i32 to index
          %swap3A_561 = arith.constant 96 : index
          %swap3A_562 = tpu.vector_load %arg13[%swap3A_560, %swap3A_561] {strides = array<i32>} : memref<64x128xf32, #tpu.memory_space<vmem>>, vector<1x16xf32>,
          %swap3A_563 = vector.shape_cast %swap3A_562 : vector<1x16xf32> to vector<16xf32>
          %swap3A_564 = vector.shape_cast %mul3A_557 : vector<16xf32> to vector<1x16xf32>
          tpu.vector_store %arg13[%swap3A_560, %swap3A_561], %swap3A_564 {strides = array<i32>} : memref<64x128xf32, #tpu.memory_space<vmem>>, vector<1x16xf32>,
          %add3A_565 = arith.constant 1 : i32
          %add3A_566 = arith.addi %mul3A_432, %add3A_565 : i32
          %get3A_567 = arith.index_cast %add3A_566 : i32 to index
          %get3A_568 = arith.constant 0 : index
          %get3A_569 = tpu.vector_load %arg13[%get3A_567, %get3A_568] {strides = array<i32>} : memref<64x128xf32, #tpu.memory_space<vmem>>, vector<1x16xf32>,
          %get3A_570 = vector.shape_cast %get3A_569 : vector<1x16xf32> to vector<16xf32>
          %mul3A_571 = arith.mulf %get3A_570, %add3A_448 : vector<16xf32>
          %add3A_572 = arith.constant 1 : i32
          %add3A_573 = arith.addi %mul3A_432, %add3A_572 : i32
          %swap3A_574 = arith.index_cast %add3A_573 : i32 to index
          %swap3A_575 = arith.constant 0 : index
          %swap3A_576 = tpu.vector_load %arg13[%swap3A_574, %swap3A_575] {strides = array<i32>} : memref<64x128xf32, #tpu.memory_space<vmem>>, vector<1x16xf32>,
          %swap3A_577 = vector.shape_cast %swap3A_576 : vector<1x16xf32> to vector<16xf32>
          %swap3A_578 = vector.shape_cast %mul3A_571 : vector<16xf32> to vector<1x16xf32>
          tpu.vector_store %arg13[%swap3A_574, %swap3A_575], %swap3A_578 {strides = array<i32>} : memref<64x128xf32, #tpu.memory_space<vmem>>, vector<1x16xf32>,
          %add3A_579 = arith.constant 1 : i32
          %add3A_580 = arith.addi %mul3A_432, %add3A_579 : i32
          %get3A_581 = arith.index_cast %add3A_580 : i32 to index
          %get3A_582 = arith.constant 16 : index
          %get3A_583 = tpu.vector_load %arg13[%get3A_581, %get3A_582] {strides = array<i32>} : memref<64x128xf32, #tpu.memory_space<vmem>>, vector<1x16xf32>,
          %get3A_584 = vector.shape_cast %get3A_583 : vector<1x16xf32> to vector<16xf32>
          %mul3A_585 = arith.mulf %get3A_584, %add3A_448 : vector<16xf32>
          %add3A_586 = arith.constant 1 : i32
          %add3A_587 = arith.addi %mul3A_432, %add3A_586 : i32
          %swap3A_588 = arith.index_cast %add3A_587 : i32 to index
          %swap3A_589 = arith.constant 16 : index
          %swap3A_590 = tpu.vector_load %arg13[%swap3A_588, %swap3A_589] {strides = array<i32>} : memref<64x128xf32, #tpu.memory_space<vmem>>, vector<1x16xf32>,
          %swap3A_591 = vector.shape_cast %swap3A_590 : vector<1x16xf32> to vector<16xf32>
          %swap3A_592 = vector.shape_cast %mul3A_585 : vector<16xf32> to vector<1x16xf32>
          tpu.vector_store %arg13[%swap3A_588, %swap3A_589], %swap3A_592 {strides = array<i32>} : memref<64x128xf32, #tpu.memory_space<vmem>>, vector<1x16xf32>,
          %add3A_593 = arith.constant 1 : i32
          %add3A_594 = arith.addi %mul3A_432, %add3A_593 : i32
          %get3A_595 = arith.index_cast %add3A_594 : i32 to index
          %get3A_596 = arith.constant 32 : index
          %get3A_597 = tpu.vector_load %arg13[%get3A_595, %get3A_596] {strides = array<i32>} : memref<64x128xf32, #tpu.memory_space<vmem>>, vector<1x16xf32>,
          %get3A_598 = vector.shape_cast %get3A_597 : vector<1x16xf32> to vector<16xf32>
          %mul3A_599 = arith.mulf %get3A_598, %add3A_448 : vector<16xf32>
          %add3A_600 = arith.constant 1 : i32
          %add3A_601 = arith.addi %mul3A_432, %add3A_600 : i32
          %swap3A_602 = arith.index_cast %add3A_601 : i32 to index
          %swap3A_603 = arith.constant 32 : index
          %swap3A_604 = tpu.vector_load %arg13[%swap3A_602, %swap3A_603] {strides = array<i32>} : memref<64x128xf32, #tpu.memory_space<vmem>>, vector<1x16xf32>,
          %swap3A_605 = vector.shape_cast %swap3A_604 : vector<1x16xf32> to vector<16xf32>
          %swap3A_606 = vector.shape_cast %mul3A_599 : vector<16xf32> to vector<1x16xf32>
          tpu.vector_store %arg13[%swap3A_602, %swap3A_603], %swap3A_606 {strides = array<i32>} : memref<64x128xf32, #tpu.memory_space<vmem>>, vector<1x16xf32>,
          %add3A_607 = arith.constant 1 : i32
          %add3A_608 = arith.addi %mul3A_432, %add3A_607 : i32
          %get3A_609 = arith.index_cast %add3A_608 : i32 to index
          %get3A_610 = arith.constant 48 : index
          %get3A_611 = tpu.vector_load %arg13[%get3A_609, %get3A_610] {strides = array<i32>} : memref<64x128xf32, #tpu.memory_space<vmem>>, vector<1x16xf32>,
          %get3A_612 = vector.shape_cast %get3A_611 : vector<1x16xf32> to vector<16xf32>
          %mul3A_613 = arith.mulf %get3A_612, %add3A_448 : vector<16xf32>
          %add3A_614 = arith.constant 1 : i32
          %add3A_615 = arith.addi %mul3A_432, %add3A_614 : i32
          %swap3A_616 = arith.index_cast %add3A_615 : i32 to index
          %swap3A_617 = arith.constant 48 : index
          %swap3A_618 = tpu.vector_load %arg13[%swap3A_616, %swap3A_617] {strides = array<i32>} : memref<64x128xf32, #tpu.memory_space<vmem>>, vector<1x16xf32>,
          %swap3A_619 = vector.shape_cast %swap3A_618 : vector<1x16xf32> to vector<16xf32>
          %swap3A_620 = vector.shape_cast %mul3A_613 : vector<16xf32> to vector<1x16xf32>
          tpu.vector_store %arg13[%swap3A_616, %swap3A_617], %swap3A_620 {strides = array<i32>} : memref<64x128xf32, #tpu.memory_space<vmem>>, vector<1x16xf32>,
          %add3A_621 = arith.constant 1 : i32
          %add3A_622 = arith.addi %mul3A_432, %add3A_621 : i32
          %get3A_623 = arith.index_cast %add3A_622 : i32 to index
          %get3A_624 = arith.constant 64 : index
          %get3A_625 = tpu.vector_load %arg13[%get3A_623, %get3A_624] {strides = array<i32>} : memref<64x128xf32, #tpu.memory_space<vmem>>, vector<1x16xf32>,
          %get3A_626 = vector.shape_cast %get3A_625 : vector<1x16xf32> to vector<16xf32>
          %mul3A_627 = arith.mulf %get3A_626, %add3A_448 : vector<16xf32>
          %add3A_628 = arith.constant 1 : i32
          %add3A_629 = arith.addi %mul3A_432, %add3A_628 : i32
          %swap3A_630 = arith.index_cast %add3A_629 : i32 to index
          %swap3A_631 = arith.constant 64 : index
          %swap3A_632 = tpu.vector_load %arg13[%swap3A_630, %swap3A_631] {strides = array<i32>} : memref<64x128xf32, #tpu.memory_space<vmem>>, vector<1x16xf32>,
          %swap3A_633 = vector.shape_cast %swap3A_632 : vector<1x16xf32> to vector<16xf32>
          %swap3A_634 = vector.shape_cast %mul3A_627 : vector<16xf32> to vector<1x16xf32>
          tpu.vector_store %arg13[%swap3A_630, %swap3A_631], %swap3A_634 {strides = array<i32>} : memref<64x128xf32, #tpu.memory_space<vmem>>, vector<1x16xf32>,
          %add3A_635 = arith.constant 1 : i32
          %add3A_636 = arith.addi %mul3A_432, %add3A_635 : i32
          %get3A_637 = arith.index_cast %add3A_636 : i32 to index
          %get3A_638 = arith.constant 80 : index
          %get3A_639 = tpu.vector_load %arg13[%get3A_637, %get3A_638] {strides = array<i32>} : memref<64x128xf32, #tpu.memory_space<vmem>>, vector<1x16xf32>,
          %get3A_640 = vector.shape_cast %get3A_639 : vector<1x16xf32> to vector<16xf32>
          %mul3A_641 = arith.mulf %get3A_640, %add3A_448 : vector<16xf32>
          %add3A_642 = arith.constant 1 : i32
          %add3A_643 = arith.addi %mul3A_432, %add3A_642 : i32
          %swap3A_644 = arith.index_cast %add3A_643 : i32 to index
          %swap3A_645 = arith.constant 80 : index
          %swap3A_646 = tpu.vector_load %arg13[%swap3A_644, %swap3A_645] {strides = array<i32>} : memref<64x128xf32, #tpu.memory_space<vmem>>, vector<1x16xf32>,
          %swap3A_647 = vector.shape_cast %swap3A_646 : vector<1x16xf32> to vector<16xf32>
          %swap3A_648 = vector.shape_cast %mul3A_641 : vector<16xf32> to vector<1x16xf32>
          tpu.vector_store %arg13[%swap3A_644, %swap3A_645], %swap3A_648 {strides = array<i32>} : memref<64x128xf32, #tpu.memory_space<vmem>>, vector<1x16xf32>,
          %add3A_649 = arith.constant 1 : i32
          %add3A_650 = arith.addi %mul3A_432, %add3A_649 : i32
          %get3A_651 = arith.index_cast %add3A_650 : i32 to index
          %get3A_652 = arith.constant 96 : index
          %get3A_653 = tpu.vector_load %arg13[%get3A_651, %get3A_652] {strides = array<i32>} : memref<64x128xf32, #tpu.memory_space<vmem>>, vector<1x16xf32>,
          %get3A_654 = vector.shape_cast %get3A_653 : vector<1x16xf32> to vector<16xf32>
          %mul3A_655 = arith.mulf %get3A_654, %add3A_448 : vector<16xf32>
          %add3A_656 = arith.constant 1 : i32
          %add3A_657 = arith.addi %mul3A_432, %add3A_656 : i32
          %swap3A_658 = arith.index_cast %add3A_657 : i32 to index
          %swap3A_659 = arith.constant 96 : index
          %swap3A_660 = tpu.vector_load %arg13[%swap3A_658, %swap3A_659] {strides = array<i32>} : memref<64x128xf32, #tpu.memory_space<vmem>>, vector<1x16xf32>,
          %swap3A_661 = vector.shape_cast %swap3A_660 : vector<1x16xf32> to vector<16xf32>
          %swap3A_662 = vector.shape_cast %mul3A_655 : vector<16xf32> to vector<1x16xf32>
          tpu.vector_store %arg13[%swap3A_658, %swap3A_659], %swap3A_662 {strides = array<i32>} : memref<64x128xf32, #tpu.memory_space<vmem>>, vector<1x16xf32>,
          %add3A_663 = arith.constant 2 : i32
          %add3A_664 = arith.addi %mul3A_432, %add3A_663 : i32
          %get3A_665 = arith.index_cast %add3A_664 : i32 to index
          %get3A_666 = arith.constant 0 : index
          %get3A_667 = tpu.vector_load %arg13[%get3A_665, %get3A_666] {strides = array<i32>} : memref<64x128xf32, #tpu.memory_space<vmem>>, vector<1x16xf32>,
          %get3A_668 = vector.shape_cast %get3A_667 : vector<1x16xf32> to vector<16xf32>
          %mul3A_669 = arith.mulf %get3A_668, %add3A_457 : vector<16xf32>
          %add3A_670 = arith.constant 2 : i32
          %add3A_671 = arith.addi %mul3A_432, %add3A_670 : i32
          %swap3A_672 = arith.index_cast %add3A_671 : i32 to index
          %swap3A_673 = arith.constant 0 : index
          %swap3A_674 = tpu.vector_load %arg13[%swap3A_672, %swap3A_673] {strides = array<i32>} : memref<64x128xf32, #tpu.memory_space<vmem>>, vector<1x16xf32>,
          %swap3A_675 = vector.shape_cast %swap3A_674 : vector<1x16xf32> to vector<16xf32>
          %swap3A_676 = vector.shape_cast %mul3A_669 : vector<16xf32> to vector<1x16xf32>
          tpu.vector_store %arg13[%swap3A_672, %swap3A_673], %swap3A_676 {strides = array<i32>} : memref<64x128xf32, #tpu.memory_space<vmem>>, vector<1x16xf32>,
          %add3A_677 = arith.constant 2 : i32
          %add3A_678 = arith.addi %mul3A_432, %add3A_677 : i32
          %get3A_679 = arith.index_cast %add3A_678 : i32 to index
          %get3A_680 = arith.constant 16 : index
          %get3A_681 = tpu.vector_load %arg13[%get3A_679, %get3A_680] {strides = array<i32>} : memref<64x128xf32, #tpu.memory_space<vmem>>, vector<1x16xf32>,
          %get3A_682 = vector.shape_cast %get3A_681 : vector<1x16xf32> to vector<16xf32>
          %mul3A_683 = arith.mulf %get3A_682, %add3A_457 : vector<16xf32>
          %add3A_684 = arith.constant 2 : i32
          %add3A_685 = arith.addi %mul3A_432, %add3A_684 : i32
          %swap3A_686 = arith.index_cast %add3A_685 : i32 to index
          %swap3A_687 = arith.constant 16 : index
          %swap3A_688 = tpu.vector_load %arg13[%swap3A_686, %swap3A_687] {strides = array<i32>} : memref<64x128xf32, #tpu.memory_space<vmem>>, vector<1x16xf32>,
          %swap3A_689 = vector.shape_cast %swap3A_688 : vector<1x16xf32> to vector<16xf32>
          %swap3A_690 = vector.shape_cast %mul3A_683 : vector<16xf32> to vector<1x16xf32>
          tpu.vector_store %arg13[%swap3A_686, %swap3A_687], %swap3A_690 {strides = array<i32>} : memref<64x128xf32, #tpu.memory_space<vmem>>, vector<1x16xf32>,
          %add3A_691 = arith.constant 2 : i32
          %add3A_692 = arith.addi %mul3A_432, %add3A_691 : i32
          %get3A_693 = arith.index_cast %add3A_692 : i32 to index
          %get3A_694 = arith.constant 32 : index
          %get3A_695 = tpu.vector_load %arg13[%get3A_693, %get3A_694] {strides = array<i32>} : memref<64x128xf32, #tpu.memory_space<vmem>>, vector<1x16xf32>,
          %get3A_696 = vector.shape_cast %get3A_695 : vector<1x16xf32> to vector<16xf32>
          %mul3A_697 = arith.mulf %get3A_696, %add3A_457 : vector<16xf32>
          %add3A_698 = arith.constant 2 : i32
          %add3A_699 = arith.addi %mul3A_432, %add3A_698 : i32
          %swap3A_700 = arith.index_cast %add3A_699 : i32 to index
          %swap3A_701 = arith.constant 32 : index
          %swap3A_702 = tpu.vector_load %arg13[%swap3A_700, %swap3A_701] {strides = array<i32>} : memref<64x128xf32, #tpu.memory_space<vmem>>, vector<1x16xf32>,
          %swap3A_703 = vector.shape_cast %swap3A_702 : vector<1x16xf32> to vector<16xf32>
          %swap3A_704 = vector.shape_cast %mul3A_697 : vector<16xf32> to vector<1x16xf32>
          tpu.vector_store %arg13[%swap3A_700, %swap3A_701], %swap3A_704 {strides = array<i32>} : memref<64x128xf32, #tpu.memory_space<vmem>>, vector<1x16xf32>,
          %add3A_705 = arith.constant 2 : i32
          %add3A_706 = arith.addi %mul3A_432, %add3A_705 : i32
          %get3A_707 = arith.index_cast %add3A_706 : i32 to index
          %get3A_708 = arith.constant 48 : index
          %get3A_709 = tpu.vector_load %arg13[%get3A_707, %get3A_708] {strides = array<i32>} : memref<64x128xf32, #tpu.memory_space<vmem>>, vector<1x16xf32>,
          %get3A_710 = vector.shape_cast %get3A_709 : vector<1x16xf32> to vector<16xf32>
          %mul3A_711 = arith.mulf %get3A_710, %add3A_457 : vector<16xf32>
          %add3A_712 = arith.constant 2 : i32
          %add3A_713 = arith.addi %mul3A_432, %add3A_712 : i32
          %swap3A_714 = arith.index_cast %add3A_713 : i32 to index
          %swap3A_715 = arith.constant 48 : index
          %swap3A_716 = tpu.vector_load %arg13[%swap3A_714, %swap3A_715] {strides = array<i32>} : memref<64x128xf32, #tpu.memory_space<vmem>>, vector<1x16xf32>,
          %swap3A_717 = vector.shape_cast %swap3A_716 : vector<1x16xf32> to vector<16xf32>
          %swap3A_718 = vector.shape_cast %mul3A_711 : vector<16xf32> to vector<1x16xf32>
          tpu.vector_store %arg13[%swap3A_714, %swap3A_715], %swap3A_718 {strides = array<i32>} : memref<64x128xf32, #tpu.memory_space<vmem>>, vector<1x16xf32>,
          %add3A_719 = arith.constant 2 : i32
          %add3A_720 = arith.addi %mul3A_432, %add3A_719 : i32
          %get3A_721 = arith.index_cast %add3A_720 : i32 to index
          %get3A_722 = arith.constant 64 : index
          %get3A_723 = tpu.vector_load %arg13[%get3A_721, %get3A_722] {strides = array<i32>} : memref<64x128xf32, #tpu.memory_space<vmem>>, vector<1x16xf32>,
          %get3A_724 = vector.shape_cast %get3A_723 : vector<1x16xf32> to vector<16xf32>
          %mul3A_725 = arith.mulf %get3A_724, %add3A_457 : vector<16xf32>
          %add3A_726 = arith.constant 2 : i32
          %add3A_727 = arith.addi %mul3A_432, %add3A_726 : i32
          %swap3A_728 = arith.index_cast %add3A_727 : i32 to index
          %swap3A_729 = arith.constant 64 : index
          %swap3A_730 = tpu.vector_load %arg13[%swap3A_728, %swap3A_729] {strides = array<i32>} : memref<64x128xf32, #tpu.memory_space<vmem>>, vector<1x16xf32>,
          %swap3A_731 = vector.shape_cast %swap3A_730 : vector<1x16xf32> to vector<16xf32>
          %swap3A_732 = vector.shape_cast %mul3A_725 : vector<16xf32> to vector<1x16xf32>
          tpu.vector_store %arg13[%swap3A_728, %swap3A_729], %swap3A_732 {strides = array<i32>} : memref<64x128xf32, #tpu.memory_space<vmem>>, vector<1x16xf32>,
          %add3A_733 = arith.constant 2 : i32
          %add3A_734 = arith.addi %mul3A_432, %add3A_733 : i32
          %get3A_735 = arith.index_cast %add3A_734 : i32 to index
          %get3A_736 = arith.constant 80 : index
          %get3A_737 = tpu.vector_load %arg13[%get3A_735, %get3A_736] {strides = array<i32>} : memref<64x128xf32, #tpu.memory_space<vmem>>, vector<1x16xf32>,
          %get3A_738 = vector.shape_cast %get3A_737 : vector<1x16xf32> to vector<16xf32>
          %mul3A_739 = arith.mulf %get3A_738, %add3A_457 : vector<16xf32>
          %add3A_740 = arith.constant 2 : i32
          %add3A_741 = arith.addi %mul3A_432, %add3A_740 : i32
          %swap3A_742 = arith.index_cast %add3A_741 : i32 to index
          %swap3A_743 = arith.constant 80 : index
          %swap3A_744 = tpu.vector_load %arg13[%swap3A_742, %swap3A_743] {strides = array<i32>} : memref<64x128xf32, #tpu.memory_space<vmem>>, vector<1x16xf32>,
          %swap3A_745 = vector.shape_cast %swap3A_744 : vector<1x16xf32> to vector<16xf32>
          %swap3A_746 = vector.shape_cast %mul3A_739 : vector<16xf32> to vector<1x16xf32>
          tpu.vector_store %arg13[%swap3A_742, %swap3A_743], %swap3A_746 {strides = array<i32>} : memref<64x128xf32, #tpu.memory_space<vmem>>, vector<1x16xf32>,
          %add3A_747 = arith.constant 2 : i32
          %add3A_748 = arith.addi %mul3A_432, %add3A_747 : i32
          %get3A_749 = arith.index_cast %add3A_748 : i32 to index
          %get3A_750 = arith.constant 96 : index
          %get3A_751 = tpu.vector_load %arg13[%get3A_749, %get3A_750] {strides = array<i32>} : memref<64x128xf32, #tpu.memory_space<vmem>>, vector<1x16xf32>,
          %get3A_752 = vector.shape_cast %get3A_751 : vector<1x16xf32> to vector<16xf32>
          %mul3A_753 = arith.mulf %get3A_752, %add3A_457 : vector<16xf32>
          %add3A_754 = arith.constant 2 : i32
          %add3A_755 = arith.addi %mul3A_432, %add3A_754 : i32
          %swap3A_756 = arith.index_cast %add3A_755 : i32 to index
          %swap3A_757 = arith.constant 96 : index
          %swap3A_758 = tpu.vector_load %arg13[%swap3A_756, %swap3A_757] {strides = array<i32>} : memref<64x128xf32, #tpu.memory_space<vmem>>, vector<1x16xf32>,
          %swap3A_759 = vector.shape_cast %swap3A_758 : vector<1x16xf32> to vector<16xf32>
          %swap3A_760 = vector.shape_cast %mul3A_753 : vector<16xf32> to vector<1x16xf32>
          tpu.vector_store %arg13[%swap3A_756, %swap3A_757], %swap3A_760 {strides = array<i32>} : memref<64x128xf32, #tpu.memory_space<vmem>>, vector<1x16xf32>,
          %add3A_761 = arith.constant 3 : i32
          %add3A_762 = arith.addi %mul3A_432, %add3A_761 : i32
          %get3A_763 = arith.index_cast %add3A_762 : i32 to index
          %get3A_764 = arith.constant 0 : index
          %get3A_765 = tpu.vector_load %arg13[%get3A_763, %get3A_764] {strides = array<i32>} : memref<64x128xf32, #tpu.memory_space<vmem>>, vector<1x16xf32>,
          %get3A_766 = vector.shape_cast %get3A_765 : vector<1x16xf32> to vector<16xf32>
          %mul3A_767 = arith.mulf %get3A_766, %add3A_466 : vector<16xf32>
          %add3A_768 = arith.constant 3 : i32
          %add3A_769 = arith.addi %mul3A_432, %add3A_768 : i32
          %swap3A_770 = arith.index_cast %add3A_769 : i32 to index
          %swap3A_771 = arith.constant 0 : index
          %swap3A_772 = tpu.vector_load %arg13[%swap3A_770, %swap3A_771] {strides = array<i32>} : memref<64x128xf32, #tpu.memory_space<vmem>>, vector<1x16xf32>,
          %swap3A_773 = vector.shape_cast %swap3A_772 : vector<1x16xf32> to vector<16xf32>
          %swap3A_774 = vector.shape_cast %mul3A_767 : vector<16xf32> to vector<1x16xf32>
          tpu.vector_store %arg13[%swap3A_770, %swap3A_771], %swap3A_774 {strides = array<i32>} : memref<64x128xf32, #tpu.memory_space<vmem>>, vector<1x16xf32>,
          %add3A_775 = arith.constant 3 : i32
          %add3A_776 = arith.addi %mul3A_432, %add3A_775 : i32
          %get3A_777 = arith.index_cast %add3A_776 : i32 to index
          %get3A_778 = arith.constant 16 : index
          %get3A_779 = tpu.vector_load %arg13[%get3A_777, %get3A_778] {strides = array<i32>} : memref<64x128xf32, #tpu.memory_space<vmem>>, vector<1x16xf32>,
          %get3A_780 = vector.shape_cast %get3A_779 : vector<1x16xf32> to vector<16xf32>
          %mul3A_781 = arith.mulf %get3A_780, %add3A_466 : vector<16xf32>
          %add3A_782 = arith.constant 3 : i32
          %add3A_783 = arith.addi %mul3A_432, %add3A_782 : i32
          %swap3A_784 = arith.index_cast %add3A_783 : i32 to index
          %swap3A_785 = arith.constant 16 : index
          %swap3A_786 = tpu.vector_load %arg13[%swap3A_784, %swap3A_785] {strides = array<i32>} : memref<64x128xf32, #tpu.memory_space<vmem>>, vector<1x16xf32>,
          %swap3A_787 = vector.shape_cast %swap3A_786 : vector<1x16xf32> to vector<16xf32>
          %swap3A_788 = vector.shape_cast %mul3A_781 : vector<16xf32> to vector<1x16xf32>
          tpu.vector_store %arg13[%swap3A_784, %swap3A_785], %swap3A_788 {strides = array<i32>} : memref<64x128xf32, #tpu.memory_space<vmem>>, vector<1x16xf32>,
          %add3A_789 = arith.constant 3 : i32
          %add3A_790 = arith.addi %mul3A_432, %add3A_789 : i32
          %get3A_791 = arith.index_cast %add3A_790 : i32 to index
          %get3A_792 = arith.constant 32 : index
          %get3A_793 = tpu.vector_load %arg13[%get3A_791, %get3A_792] {strides = array<i32>} : memref<64x128xf32, #tpu.memory_space<vmem>>, vector<1x16xf32>,
          %get3A_794 = vector.shape_cast %get3A_793 : vector<1x16xf32> to vector<16xf32>
          %mul3A_795 = arith.mulf %get3A_794, %add3A_466 : vector<16xf32>
          %add3A_796 = arith.constant 3 : i32
          %add3A_797 = arith.addi %mul3A_432, %add3A_796 : i32
          %swap3A_798 = arith.index_cast %add3A_797 : i32 to index
          %swap3A_799 = arith.constant 32 : index
          %swap3A_800 = tpu.vector_load %arg13[%swap3A_798, %swap3A_799] {strides = array<i32>} : memref<64x128xf32, #tpu.memory_space<vmem>>, vector<1x16xf32>,
          %swap3A_801 = vector.shape_cast %swap3A_800 : vector<1x16xf32> to vector<16xf32>
          %swap3A_802 = vector.shape_cast %mul3A_795 : vector<16xf32> to vector<1x16xf32>
          tpu.vector_store %arg13[%swap3A_798, %swap3A_799], %swap3A_802 {strides = array<i32>} : memref<64x128xf32, #tpu.memory_space<vmem>>, vector<1x16xf32>,
          %add3A_803 = arith.constant 3 : i32
          %add3A_804 = arith.addi %mul3A_432, %add3A_803 : i32
          %get3A_805 = arith.index_cast %add3A_804 : i32 to index
          %get3A_806 = arith.constant 48 : index
          %get3A_807 = tpu.vector_load %arg13[%get3A_805, %get3A_806] {strides = array<i32>} : memref<64x128xf32, #tpu.memory_space<vmem>>, vector<1x16xf32>,
          %get3A_808 = vector.shape_cast %get3A_807 : vector<1x16xf32> to vector<16xf32>
          %mul3A_809 = arith.mulf %get3A_808, %add3A_466 : vector<16xf32>
          %add3A_810 = arith.constant 3 : i32
          %add3A_811 = arith.addi %mul3A_432, %add3A_810 : i32
          %swap3A_812 = arith.index_cast %add3A_811 : i32 to index
          %swap3A_813 = arith.constant 48 : index
          %swap3A_814 = tpu.vector_load %arg13[%swap3A_812, %swap3A_813] {strides = array<i32>} : memref<64x128xf32, #tpu.memory_space<vmem>>, vector<1x16xf32>,
          %swap3A_815 = vector.shape_cast %swap3A_814 : vector<1x16xf32> to vector<16xf32>
          %swap3A_816 = vector.shape_cast %mul3A_809 : vector<16xf32> to vector<1x16xf32>
          tpu.vector_store %arg13[%swap3A_812, %swap3A_813], %swap3A_816 {strides = array<i32>} : memref<64x128xf32, #tpu.memory_space<vmem>>, vector<1x16xf32>,
          %add3A_817 = arith.constant 3 : i32
          %add3A_818 = arith.addi %mul3A_432, %add3A_817 : i32
          %get3A_819 = arith.index_cast %add3A_818 : i32 to index
          %get3A_820 = arith.constant 64 : index
          %get3A_821 = tpu.vector_load %arg13[%get3A_819, %get3A_820] {strides = array<i32>} : memref<64x128xf32, #tpu.memory_space<vmem>>, vector<1x16xf32>,
          %get3A_822 = vector.shape_cast %get3A_821 : vector<1x16xf32> to vector<16xf32>
          %mul3A_823 = arith.mulf %get3A_822, %add3A_466 : vector<16xf32>
          %add3A_824 = arith.constant 3 : i32
          %add3A_825 = arith.addi %mul3A_432, %add3A_824 : i32
          %swap3A_826 = arith.index_cast %add3A_825 : i32 to index
          %swap3A_827 = arith.constant 64 : index
          %swap3A_828 = tpu.vector_load %arg13[%swap3A_826, %swap3A_827] {strides = array<i32>} : memref<64x128xf32, #tpu.memory_space<vmem>>, vector<1x16xf32>,
          %swap3A_829 = vector.shape_cast %swap3A_828 : vector<1x16xf32> to vector<16xf32>
          %swap3A_830 = vector.shape_cast %mul3A_823 : vector<16xf32> to vector<1x16xf32>
          tpu.vector_store %arg13[%swap3A_826, %swap3A_827], %swap3A_830 {strides = array<i32>} : memref<64x128xf32, #tpu.memory_space<vmem>>, vector<1x16xf32>,
          %add3A_831 = arith.constant 3 : i32
          %add3A_832 = arith.addi %mul3A_432, %add3A_831 : i32
          %get3A_833 = arith.index_cast %add3A_832 : i32 to index
          %get3A_834 = arith.constant 80 : index
          %get3A_835 = tpu.vector_load %arg13[%get3A_833, %get3A_834] {strides = array<i32>} : memref<64x128xf32, #tpu.memory_space<vmem>>, vector<1x16xf32>,
          %get3A_836 = vector.shape_cast %get3A_835 : vector<1x16xf32> to vector<16xf32>
          %mul3A_837 = arith.mulf %get3A_836, %add3A_466 : vector<16xf32>
          %add3A_838 = arith.constant 3 : i32
          %add3A_839 = arith.addi %mul3A_432, %add3A_838 : i32
          %swap3A_840 = arith.index_cast %add3A_839 : i32 to index
          %swap3A_841 = arith.constant 80 : index
          %swap3A_842 = tpu.vector_load %arg13[%swap3A_840, %swap3A_841] {strides = array<i32>} : memref<64x128xf32, #tpu.memory_space<vmem>>, vector<1x16xf32>,
          %swap3A_843 = vector.shape_cast %swap3A_842 : vector<1x16xf32> to vector<16xf32>
          %swap3A_844 = vector.shape_cast %mul3A_837 : vector<16xf32> to vector<1x16xf32>
          tpu.vector_store %arg13[%swap3A_840, %swap3A_841], %swap3A_844 {strides = array<i32>} : memref<64x128xf32, #tpu.memory_space<vmem>>, vector<1x16xf32>,
          %add3A_845 = arith.constant 3 : i32
          %add3A_846 = arith.addi %mul3A_432, %add3A_845 : i32
          %get3A_847 = arith.index_cast %add3A_846 : i32 to index
          %get3A_848 = arith.constant 96 : index
          %get3A_849 = tpu.vector_load %arg13[%get3A_847, %get3A_848] {strides = array<i32>} : memref<64x128xf32, #tpu.memory_space<vmem>>, vector<1x16xf32>,
          %get3A_850 = vector.shape_cast %get3A_849 : vector<1x16xf32> to vector<16xf32>
          %mul3A_851 = arith.mulf %get3A_850, %add3A_466 : vector<16xf32>
          %add3A_852 = arith.constant 3 : i32
          %add3A_853 = arith.addi %mul3A_432, %add3A_852 : i32
          %swap3A_854 = arith.index_cast %add3A_853 : i32 to index
          %swap3A_855 = arith.constant 96 : index
          %swap3A_856 = tpu.vector_load %arg13[%swap3A_854, %swap3A_855] {strides = array<i32>} : memref<64x128xf32, #tpu.memory_space<vmem>>, vector<1x16xf32>,
          %swap3A_857 = vector.shape_cast %swap3A_856 : vector<1x16xf32> to vector<16xf32>
          %swap3A_858 = vector.shape_cast %mul3A_851 : vector<16xf32> to vector<1x16xf32>
          tpu.vector_store %arg13[%swap3A_854, %swap3A_855], %swap3A_858 {strides = array<i32>} : memref<64x128xf32, #tpu.memory_space<vmem>>, vector<1x16xf32>,
          %scan3A_859 = arith.constant 0 : i32
          scf.yield %scan3A_859 : i32
        }
        %scan3A_414 = arith.constant 16 : i32
        "tpu.region"() ({
          %run_scoped3A = tpu.sem_alloc : memref<!tpu.dma_semaphore, #tpu.memory_space<semaphore_mem>>
          %dma_start3A_429 = arith.constant 0 : i32
          %dma_start3A_430 = arith.constant 0 : i32
          %dma_start3A_431 = tpu.memref_slice %arg20[%dma_start3A_429, %dma_start3A_430] : memref<12544x128xf32, #tpu.memory_space<vmem_shared>> -> memref<12544x128xf32, #tpu.memory_space<vmem_shared>>
          tpu.enqueue_indirect_dma source(%arg13 : memref<64x128xf32, #tpu.memory_space<vmem>>) target(%dma_start3A_431 : memref<12544x128xf32, #tpu.memory_space<vmem_shared>>) offsets(%arg11 : memref<64xi32, #tpu.memory_space<vmem>>) semaphore(%run_scoped3A : memref<!tpu.dma_semaphore, #tpu.memory_space<semaphore_mem>>) {add = true}
          %dma_wait3A_432 = arith.constant 0 : i32
          %dma_wait3A_433 = arith.constant 0 : i32
          %dma_wait3A_434 = tpu.memref_slice %arg20[%dma_wait3A_432, %dma_wait3A_433] : memref<12544x128xf32, #tpu.memory_space<vmem_shared>> -> memref<12544x128xf32, #tpu.memory_space<vmem_shared>>
          tpu.wait_indirect_dma semaphore(%run_scoped3A : memref<!tpu.dma_semaphore, #tpu.memory_space<semaphore_mem>>) src(%arg13 : memref<64x128xf32, #tpu.memory_space<vmem>>) dst(%dma_wait3A_434 : memref<12544x128xf32, #tpu.memory_space<vmem_shared>>)
          tpu.yield
        }) : () -> ()
        %lt3A_415 = arith.constant 27 : i32
        %lt3A_416 = arith.cmpi slt, %scan3A_266, %lt3A_415 : i32
        %convert_element_type3A = arith.extui %lt3A_416 : i1 to i32
        %cond3A = arith.constant 0 : i32
        %cond3A_417 = arith.cmpi ne, %convert_element_type3A, %cond3A : i32
        scf.if %cond3A_417 {
          %mul3A_429 = arith.constant 2 : i32
          %mul3A_430 = arith.muli %mul3A_429, %scan3A_266 : i32
          %add3A_431 = arith.constant 2 : i32
          %add3A_432 = arith.addi %mul3A_430, %add3A_431 : i32
          %mul3A_433 = arith.constant 64 : i32
          %mul3A_434 = arith.muli %add3A_432, %mul3A_433 : i32
          %add3A_435 = arith.constant 0 : i32
          %add3A_436 = arith.addi %mul3A_434, %add3A_435 : i32
          %get3A_437 = arith.index_cast %add3A_436 : i32 to index
          %get3A_438 = tpu.vector_load %arg8[%get3A_437] {strides = array<i32>} : memref<3584xi32, #tpu.memory_space<vmem>>, vector<16xi32>,
          %get3A_439 = vector.shape_cast %get3A_438 : vector<16xi32> to vector<16xi32>
          %ge3A_440 = vector.broadcast %mul3A_6 : i32 to vector<16xi32>
          %ge3A_441 = arith.cmpi sge, %get3A_439, %ge3A_440 : vector<16xi32>
          %lt3A_442 = vector.broadcast %add3A_8 : i32 to vector<16xi32>
          %lt3A_443 = arith.cmpi slt, %get3A_439, %lt3A_442 : vector<16xi32>
          %and3A_444 = arith.andi %ge3A_441, %lt3A_443 : vector<16xi1>
          %get3A_445 = arith.index_cast %add3A_436 : i32 to index
          %get3A_446 = tpu.vector_load %arg7[%get3A_445] {strides = array<i32>} : memref<3584xi32, #tpu.memory_space<vmem>>, vector<16xi32>,
          %get3A_447 = vector.shape_cast %get3A_446 : vector<16xi32> to vector<16xi32>
          %swap3A_448 = arith.constant 0 : index
          %swap3A_449 = tpu.vector_load %arg10[%swap3A_448] {strides = array<i32>} : memref<64xi32, #tpu.memory_space<vmem>>, vector<16xi32>,
          %swap3A_450 = vector.shape_cast %swap3A_449 : vector<16xi32> to vector<16xi32>
          %swap3A_451 = vector.shape_cast %get3A_447 : vector<16xi32> to vector<16xi32>
          tpu.vector_store %arg10[%swap3A_448], %swap3A_451 {strides = array<i32>} : memref<64xi32, #tpu.memory_space<vmem>>, vector<16xi32>,
          %get3A_452 = arith.index_cast %add3A_436 : i32 to index
          %get3A_453 = tpu.vector_load %arg9[%get3A_452] {strides = array<i32>} : memref<3584xf32, #tpu.memory_space<vmem>>, vector<16xf32>,
          %get3A_454 = vector.shape_cast %get3A_453 : vector<16xf32> to vector<16xf32>
          %select_n3A_455 = arith.select %and3A_444, %get3A_454, %broadcast_in_dim3A_0 : vector<16xi1>, vector<16xf32>
          %swap3A_456 = arith.constant 0 : index
          %swap3A_457 = tpu.vector_load %arg12[%swap3A_456] {strides = array<i32>} : memref<80xf32, #tpu.memory_space<vmem>>, vector<16xf32>,
          %swap3A_458 = vector.shape_cast %swap3A_457 : vector<16xf32> to vector<16xf32>
          %swap3A_459 = vector.shape_cast %select_n3A_455 : vector<16xf32> to vector<16xf32>
          tpu.vector_store %arg12[%swap3A_456], %swap3A_459 {strides = array<i32>} : memref<80xf32, #tpu.memory_space<vmem>>, vector<16xf32>,
          %sub3A_460 = vector.broadcast %mul3A_6 : i32 to vector<16xi32>
          %sub3A_461 = arith.subi %get3A_439, %sub3A_460 : vector<16xi32>
          %select_n3A_462 = arith.select %and3A_444, %sub3A_461, %broadcast_in_dim3A_2 : vector<16xi1>, vector<16xi32>
          %swap3A_463 = arith.constant 0 : index
          %swap3A_464 = tpu.vector_load %arg11[%swap3A_463] {strides = array<i32>} : memref<64xi32, #tpu.memory_space<vmem>>, vector<16xi32>,
          %swap3A_465 = vector.shape_cast %swap3A_464 : vector<16xi32> to vector<16xi32>
          %swap3A_466 = vector.shape_cast %select_n3A_462 : vector<16xi32> to vector<16xi32>
          tpu.vector_store %arg11[%swap3A_463], %swap3A_466 {strides = array<i32>} : memref<64xi32, #tpu.memory_space<vmem>>, vector<16xi32>,
          %add3A_467 = arith.constant 16 : i32
          %add3A_468 = arith.addi %mul3A_434, %add3A_467 : i32
          %get3A_469 = arith.index_cast %add3A_468 : i32 to index
          %get3A_470 = tpu.vector_load %arg8[%get3A_469] {strides = array<i32>} : memref<3584xi32, #tpu.memory_space<vmem>>, vector<16xi32>,
          %get3A_471 = vector.shape_cast %get3A_470 : vector<16xi32> to vector<16xi32>
          %ge3A_472 = vector.broadcast %mul3A_6 : i32 to vector<16xi32>
          %ge3A_473 = arith.cmpi sge, %get3A_471, %ge3A_472 : vector<16xi32>
          %lt3A_474 = vector.broadcast %add3A_8 : i32 to vector<16xi32>
          %lt3A_475 = arith.cmpi slt, %get3A_471, %lt3A_474 : vector<16xi32>
          %and3A_476 = arith.andi %ge3A_473, %lt3A_475 : vector<16xi1>
          %get3A_477 = arith.index_cast %add3A_468 : i32 to index
          %get3A_478 = tpu.vector_load %arg7[%get3A_477] {strides = array<i32>} : memref<3584xi32, #tpu.memory_space<vmem>>, vector<16xi32>,
          %get3A_479 = vector.shape_cast %get3A_478 : vector<16xi32> to vector<16xi32>
          %swap3A_480 = arith.constant 16 : index
          %swap3A_481 = tpu.vector_load %arg10[%swap3A_480] {strides = array<i32>} : memref<64xi32, #tpu.memory_space<vmem>>, vector<16xi32>,
          %swap3A_482 = vector.shape_cast %swap3A_481 : vector<16xi32> to vector<16xi32>
          %swap3A_483 = vector.shape_cast %get3A_479 : vector<16xi32> to vector<16xi32>
          tpu.vector_store %arg10[%swap3A_480], %swap3A_483 {strides = array<i32>} : memref<64xi32, #tpu.memory_space<vmem>>, vector<16xi32>,
          %get3A_484 = arith.index_cast %add3A_468 : i32 to index
          %get3A_485 = tpu.vector_load %arg9[%get3A_484] {strides = array<i32>} : memref<3584xf32, #tpu.memory_space<vmem>>, vector<16xf32>,
          %get3A_486 = vector.shape_cast %get3A_485 : vector<16xf32> to vector<16xf32>
          %select_n3A_487 = arith.select %and3A_476, %get3A_486, %broadcast_in_dim3A_0 : vector<16xi1>, vector<16xf32>
          %swap3A_488 = arith.constant 16 : index
          %swap3A_489 = tpu.vector_load %arg12[%swap3A_488] {strides = array<i32>} : memref<80xf32, #tpu.memory_space<vmem>>, vector<16xf32>,
          %swap3A_490 = vector.shape_cast %swap3A_489 : vector<16xf32> to vector<16xf32>
          %swap3A_491 = vector.shape_cast %select_n3A_487 : vector<16xf32> to vector<16xf32>
          tpu.vector_store %arg12[%swap3A_488], %swap3A_491 {strides = array<i32>} : memref<80xf32, #tpu.memory_space<vmem>>, vector<16xf32>,
          %sub3A_492 = vector.broadcast %mul3A_6 : i32 to vector<16xi32>
          %sub3A_493 = arith.subi %get3A_471, %sub3A_492 : vector<16xi32>
          %select_n3A_494 = arith.select %and3A_476, %sub3A_493, %broadcast_in_dim3A_2 : vector<16xi1>, vector<16xi32>
          %swap3A_495 = arith.constant 16 : index
          %swap3A_496 = tpu.vector_load %arg11[%swap3A_495] {strides = array<i32>} : memref<64xi32, #tpu.memory_space<vmem>>, vector<16xi32>,
          %swap3A_497 = vector.shape_cast %swap3A_496 : vector<16xi32> to vector<16xi32>
          %swap3A_498 = vector.shape_cast %select_n3A_494 : vector<16xi32> to vector<16xi32>
          tpu.vector_store %arg11[%swap3A_495], %swap3A_498 {strides = array<i32>} : memref<64xi32, #tpu.memory_space<vmem>>, vector<16xi32>,
          %add3A_499 = arith.constant 32 : i32
          %add3A_500 = arith.addi %mul3A_434, %add3A_499 : i32
          %get3A_501 = arith.index_cast %add3A_500 : i32 to index
          %get3A_502 = tpu.vector_load %arg8[%get3A_501] {strides = array<i32>} : memref<3584xi32, #tpu.memory_space<vmem>>, vector<16xi32>,
          %get3A_503 = vector.shape_cast %get3A_502 : vector<16xi32> to vector<16xi32>
          %ge3A_504 = vector.broadcast %mul3A_6 : i32 to vector<16xi32>
          %ge3A_505 = arith.cmpi sge, %get3A_503, %ge3A_504 : vector<16xi32>
          %lt3A_506 = vector.broadcast %add3A_8 : i32 to vector<16xi32>
          %lt3A_507 = arith.cmpi slt, %get3A_503, %lt3A_506 : vector<16xi32>
          %and3A_508 = arith.andi %ge3A_505, %lt3A_507 : vector<16xi1>
          %get3A_509 = arith.index_cast %add3A_500 : i32 to index
          %get3A_510 = tpu.vector_load %arg7[%get3A_509] {strides = array<i32>} : memref<3584xi32, #tpu.memory_space<vmem>>, vector<16xi32>,
          %get3A_511 = vector.shape_cast %get3A_510 : vector<16xi32> to vector<16xi32>
          %swap3A_512 = arith.constant 32 : index
          %swap3A_513 = tpu.vector_load %arg10[%swap3A_512] {strides = array<i32>} : memref<64xi32, #tpu.memory_space<vmem>>, vector<16xi32>,
          %swap3A_514 = vector.shape_cast %swap3A_513 : vector<16xi32> to vector<16xi32>
          %swap3A_515 = vector.shape_cast %get3A_511 : vector<16xi32> to vector<16xi32>
          tpu.vector_store %arg10[%swap3A_512], %swap3A_515 {strides = array<i32>} : memref<64xi32, #tpu.memory_space<vmem>>, vector<16xi32>,
          %get3A_516 = arith.index_cast %add3A_500 : i32 to index
          %get3A_517 = tpu.vector_load %arg9[%get3A_516] {strides = array<i32>} : memref<3584xf32, #tpu.memory_space<vmem>>, vector<16xf32>,
          %get3A_518 = vector.shape_cast %get3A_517 : vector<16xf32> to vector<16xf32>
          %select_n3A_519 = arith.select %and3A_508, %get3A_518, %broadcast_in_dim3A_0 : vector<16xi1>, vector<16xf32>
          %swap3A_520 = arith.constant 32 : index
          %swap3A_521 = tpu.vector_load %arg12[%swap3A_520] {strides = array<i32>} : memref<80xf32, #tpu.memory_space<vmem>>, vector<16xf32>,
          %swap3A_522 = vector.shape_cast %swap3A_521 : vector<16xf32> to vector<16xf32>
          %swap3A_523 = vector.shape_cast %select_n3A_519 : vector<16xf32> to vector<16xf32>
          tpu.vector_store %arg12[%swap3A_520], %swap3A_523 {strides = array<i32>} : memref<80xf32, #tpu.memory_space<vmem>>, vector<16xf32>,
          %sub3A_524 = vector.broadcast %mul3A_6 : i32 to vector<16xi32>
          %sub3A_525 = arith.subi %get3A_503, %sub3A_524 : vector<16xi32>
          %select_n3A_526 = arith.select %and3A_508, %sub3A_525, %broadcast_in_dim3A_2 : vector<16xi1>, vector<16xi32>
          %swap3A_527 = arith.constant 32 : index
          %swap3A_528 = tpu.vector_load %arg11[%swap3A_527] {strides = array<i32>} : memref<64xi32, #tpu.memory_space<vmem>>, vector<16xi32>,
          %swap3A_529 = vector.shape_cast %swap3A_528 : vector<16xi32> to vector<16xi32>
          %swap3A_530 = vector.shape_cast %select_n3A_526 : vector<16xi32> to vector<16xi32>
          tpu.vector_store %arg11[%swap3A_527], %swap3A_530 {strides = array<i32>} : memref<64xi32, #tpu.memory_space<vmem>>, vector<16xi32>,
          %add3A_531 = arith.constant 48 : i32
          %add3A_532 = arith.addi %mul3A_434, %add3A_531 : i32
          %get3A_533 = arith.index_cast %add3A_532 : i32 to index
          %get3A_534 = tpu.vector_load %arg8[%get3A_533] {strides = array<i32>} : memref<3584xi32, #tpu.memory_space<vmem>>, vector<16xi32>,
          %get3A_535 = vector.shape_cast %get3A_534 : vector<16xi32> to vector<16xi32>
          %ge3A_536 = vector.broadcast %mul3A_6 : i32 to vector<16xi32>
          %ge3A_537 = arith.cmpi sge, %get3A_535, %ge3A_536 : vector<16xi32>
          %lt3A_538 = vector.broadcast %add3A_8 : i32 to vector<16xi32>
          %lt3A_539 = arith.cmpi slt, %get3A_535, %lt3A_538 : vector<16xi32>
          %and3A_540 = arith.andi %ge3A_537, %lt3A_539 : vector<16xi1>
          %get3A_541 = arith.index_cast %add3A_532 : i32 to index
          %get3A_542 = tpu.vector_load %arg7[%get3A_541] {strides = array<i32>} : memref<3584xi32, #tpu.memory_space<vmem>>, vector<16xi32>,
          %get3A_543 = vector.shape_cast %get3A_542 : vector<16xi32> to vector<16xi32>
          %swap3A_544 = arith.constant 48 : index
          %swap3A_545 = tpu.vector_load %arg10[%swap3A_544] {strides = array<i32>} : memref<64xi32, #tpu.memory_space<vmem>>, vector<16xi32>,
          %swap3A_546 = vector.shape_cast %swap3A_545 : vector<16xi32> to vector<16xi32>
          %swap3A_547 = vector.shape_cast %get3A_543 : vector<16xi32> to vector<16xi32>
          tpu.vector_store %arg10[%swap3A_544], %swap3A_547 {strides = array<i32>} : memref<64xi32, #tpu.memory_space<vmem>>, vector<16xi32>,
          %get3A_548 = arith.index_cast %add3A_532 : i32 to index
          %get3A_549 = tpu.vector_load %arg9[%get3A_548] {strides = array<i32>} : memref<3584xf32, #tpu.memory_space<vmem>>, vector<16xf32>,
          %get3A_550 = vector.shape_cast %get3A_549 : vector<16xf32> to vector<16xf32>
          %select_n3A_551 = arith.select %and3A_540, %get3A_550, %broadcast_in_dim3A_0 : vector<16xi1>, vector<16xf32>
          %swap3A_552 = arith.constant 48 : index
          %swap3A_553 = tpu.vector_load %arg12[%swap3A_552] {strides = array<i32>} : memref<80xf32, #tpu.memory_space<vmem>>, vector<16xf32>,
          %swap3A_554 = vector.shape_cast %swap3A_553 : vector<16xf32> to vector<16xf32>
          %swap3A_555 = vector.shape_cast %select_n3A_551 : vector<16xf32> to vector<16xf32>
          tpu.vector_store %arg12[%swap3A_552], %swap3A_555 {strides = array<i32>} : memref<80xf32, #tpu.memory_space<vmem>>, vector<16xf32>,
          %sub3A_556 = vector.broadcast %mul3A_6 : i32 to vector<16xi32>
          %sub3A_557 = arith.subi %get3A_535, %sub3A_556 : vector<16xi32>
          %select_n3A_558 = arith.select %and3A_540, %sub3A_557, %broadcast_in_dim3A_2 : vector<16xi1>, vector<16xi32>
          %swap3A_559 = arith.constant 48 : index
          %swap3A_560 = tpu.vector_load %arg11[%swap3A_559] {strides = array<i32>} : memref<64xi32, #tpu.memory_space<vmem>>, vector<16xi32>,
          %swap3A_561 = vector.shape_cast %swap3A_560 : vector<16xi32> to vector<16xi32>
          %swap3A_562 = vector.shape_cast %select_n3A_558 : vector<16xi32> to vector<16xi32>
          tpu.vector_store %arg11[%swap3A_559], %swap3A_562 {strides = array<i32>} : memref<64xi32, #tpu.memory_space<vmem>>, vector<16xi32>,
          %dma_start3A_563 = arith.constant 0 : i32
          %dma_start3A_564 = arith.constant 0 : i32
          %dma_start3A_565 = tpu.memref_slice %arg5[%dma_start3A_563, %dma_start3A_564] : memref<50000x128xf32, #tpu.memory_space<hbm>> -> memref<50000x128xf32, #tpu.memory_space<hbm>>
          tpu.enqueue_indirect_dma source(%dma_start3A_565 : memref<50000x128xf32, #tpu.memory_space<hbm>>) target(%arg13 : memref<64x128xf32, #tpu.memory_space<vmem>>) offsets(%arg10 : memref<64xi32, #tpu.memory_space<vmem>>) semaphore(%arg14 : memref<!tpu.dma_semaphore, #tpu.memory_space<semaphore_mem>>)
        } else {
        }
        %dma_wait3A_418 = arith.constant 0 : i32
        %dma_wait3A_419 = arith.constant 0 : i32
        %dma_wait3A_420 = tpu.memref_slice %arg5[%dma_wait3A_418, %dma_wait3A_419] : memref<50000x128xf32, #tpu.memory_space<hbm>> -> memref<50000x128xf32, #tpu.memory_space<hbm>>
        tpu.wait_indirect_dma semaphore(%arg19 : memref<!tpu.dma_semaphore, #tpu.memory_space<semaphore_mem>>) src(%dma_wait3A_420 : memref<50000x128xf32, #tpu.memory_space<hbm>>) dst(%arg18 : memref<64x128xf32, #tpu.memory_space<vmem>>)
        %scan3A_421 = arith.constant 0 : i32
        %scan3A_422 = arith.constant 0 : i32
        %scan3A_423 = arith.constant 16 : i32
        %scan3A_424 = arith.addi %scan3A_422, %scan3A_423 : i32
        %scan3A_425 = arith.constant 1 : i32
        %scan3A_426 = scf.for %scan3A_429 = %scan3A_422 to %scan3A_424 step %scan3A_425 iter_args(%scan3A_430 = %scan3A_421) -> (i32)  : i32 {
          %mul3A_431 = arith.constant 4 : i32
          %mul3A_432 = arith.muli %mul3A_431, %scan3A_429 : i32
          %add3A_433 = arith.constant 0 : i32
          %add3A_434 = arith.addi %mul3A_432, %add3A_433 : i32
          %get3A_435 = arith.index_cast %add3A_434 : i32 to index
          %get3A_436 = tpu.vector_load %arg17[%get3A_435] {strides = array<i32>} : memref<80xf32, #tpu.memory_space<vmem>>, vector<16xf32>,
          %get3A_437 = vector.shape_cast %get3A_436 : vector<16xf32> to vector<16xf32>
          %slice3A = vector.extract_strided_slice %get3A_437 {offsets = [0], sizes = [1], strides = [1]} : vector<16xf32> to vector<1xf32>
          %squeeze3A = vector.extract %slice3A[0] : f32 from vector<1xf32>
          %add3A_438 = vector.broadcast %squeeze3A : f32 to vector<16xf32>
          %add3A_439 = arith.addf %broadcast_in_dim3A_0, %add3A_438 : vector<16xf32>
          %add3A_440 = arith.constant 1 : i32
          %add3A_441 = arith.addi %mul3A_432, %add3A_440 : i32
          %get3A_442 = arith.index_cast %add3A_441 : i32 to index
          %get3A_443 = tpu.vector_load %arg17[%get3A_442] {strides = array<i32>} : memref<80xf32, #tpu.memory_space<vmem>>, vector<16xf32>,
          %get3A_444 = vector.shape_cast %get3A_443 : vector<16xf32> to vector<16xf32>
          %slice3A_445 = vector.extract_strided_slice %get3A_444 {offsets = [0], sizes = [1], strides = [1]} : vector<16xf32> to vector<1xf32>
          %squeeze3A_446 = vector.extract %slice3A_445[0] : f32 from vector<1xf32>
          %add3A_447 = vector.broadcast %squeeze3A_446 : f32 to vector<16xf32>
          %add3A_448 = arith.addf %broadcast_in_dim3A_0, %add3A_447 : vector<16xf32>
          %add3A_449 = arith.constant 2 : i32
          %add3A_450 = arith.addi %mul3A_432, %add3A_449 : i32
          %get3A_451 = arith.index_cast %add3A_450 : i32 to index
          %get3A_452 = tpu.vector_load %arg17[%get3A_451] {strides = array<i32>} : memref<80xf32, #tpu.memory_space<vmem>>, vector<16xf32>,
          %get3A_453 = vector.shape_cast %get3A_452 : vector<16xf32> to vector<16xf32>
          %slice3A_454 = vector.extract_strided_slice %get3A_453 {offsets = [0], sizes = [1], strides = [1]} : vector<16xf32> to vector<1xf32>
          %squeeze3A_455 = vector.extract %slice3A_454[0] : f32 from vector<1xf32>
          %add3A_456 = vector.broadcast %squeeze3A_455 : f32 to vector<16xf32>
          %add3A_457 = arith.addf %broadcast_in_dim3A_0, %add3A_456 : vector<16xf32>
          %add3A_458 = arith.constant 3 : i32
          %add3A_459 = arith.addi %mul3A_432, %add3A_458 : i32
          %get3A_460 = arith.index_cast %add3A_459 : i32 to index
          %get3A_461 = tpu.vector_load %arg17[%get3A_460] {strides = array<i32>} : memref<80xf32, #tpu.memory_space<vmem>>, vector<16xf32>,
          %get3A_462 = vector.shape_cast %get3A_461 : vector<16xf32> to vector<16xf32>
          %slice3A_463 = vector.extract_strided_slice %get3A_462 {offsets = [0], sizes = [1], strides = [1]} : vector<16xf32> to vector<1xf32>
          %squeeze3A_464 = vector.extract %slice3A_463[0] : f32 from vector<1xf32>
          %add3A_465 = vector.broadcast %squeeze3A_464 : f32 to vector<16xf32>
          %add3A_466 = arith.addf %broadcast_in_dim3A_0, %add3A_465 : vector<16xf32>
          %add3A_467 = arith.constant 0 : i32
          %add3A_468 = arith.addi %mul3A_432, %add3A_467 : i32
          %get3A_469 = arith.index_cast %add3A_468 : i32 to index
          %get3A_470 = arith.constant 0 : index
          %get3A_471 = tpu.vector_load %arg18[%get3A_469, %get3A_470] {strides = array<i32>} : memref<64x128xf32, #tpu.memory_space<vmem>>, vector<1x16xf32>,
          %get3A_472 = vector.shape_cast %get3A_471 : vector<1x16xf32> to vector<16xf32>
          %mul3A_473 = arith.mulf %get3A_472, %add3A_439 : vector<16xf32>
          %add3A_474 = arith.constant 0 : i32
          %add3A_475 = arith.addi %mul3A_432, %add3A_474 : i32
          %swap3A_476 = arith.index_cast %add3A_475 : i32 to index
          %swap3A_477 = arith.constant 0 : index
          %swap3A_478 = tpu.vector_load %arg18[%swap3A_476, %swap3A_477] {strides = array<i32>} : memref<64x128xf32, #tpu.memory_space<vmem>>, vector<1x16xf32>,
          %swap3A_479 = vector.shape_cast %swap3A_478 : vector<1x16xf32> to vector<16xf32>
          %swap3A_480 = vector.shape_cast %mul3A_473 : vector<16xf32> to vector<1x16xf32>
          tpu.vector_store %arg18[%swap3A_476, %swap3A_477], %swap3A_480 {strides = array<i32>} : memref<64x128xf32, #tpu.memory_space<vmem>>, vector<1x16xf32>,
          %add3A_481 = arith.constant 0 : i32
          %add3A_482 = arith.addi %mul3A_432, %add3A_481 : i32
          %get3A_483 = arith.index_cast %add3A_482 : i32 to index
          %get3A_484 = arith.constant 16 : index
          %get3A_485 = tpu.vector_load %arg18[%get3A_483, %get3A_484] {strides = array<i32>} : memref<64x128xf32, #tpu.memory_space<vmem>>, vector<1x16xf32>,
          %get3A_486 = vector.shape_cast %get3A_485 : vector<1x16xf32> to vector<16xf32>
          %mul3A_487 = arith.mulf %get3A_486, %add3A_439 : vector<16xf32>
          %add3A_488 = arith.constant 0 : i32
          %add3A_489 = arith.addi %mul3A_432, %add3A_488 : i32
          %swap3A_490 = arith.index_cast %add3A_489 : i32 to index
          %swap3A_491 = arith.constant 16 : index
          %swap3A_492 = tpu.vector_load %arg18[%swap3A_490, %swap3A_491] {strides = array<i32>} : memref<64x128xf32, #tpu.memory_space<vmem>>, vector<1x16xf32>,
          %swap3A_493 = vector.shape_cast %swap3A_492 : vector<1x16xf32> to vector<16xf32>
          %swap3A_494 = vector.shape_cast %mul3A_487 : vector<16xf32> to vector<1x16xf32>
          tpu.vector_store %arg18[%swap3A_490, %swap3A_491], %swap3A_494 {strides = array<i32>} : memref<64x128xf32, #tpu.memory_space<vmem>>, vector<1x16xf32>,
          %add3A_495 = arith.constant 0 : i32
          %add3A_496 = arith.addi %mul3A_432, %add3A_495 : i32
          %get3A_497 = arith.index_cast %add3A_496 : i32 to index
          %get3A_498 = arith.constant 32 : index
          %get3A_499 = tpu.vector_load %arg18[%get3A_497, %get3A_498] {strides = array<i32>} : memref<64x128xf32, #tpu.memory_space<vmem>>, vector<1x16xf32>,
          %get3A_500 = vector.shape_cast %get3A_499 : vector<1x16xf32> to vector<16xf32>
          %mul3A_501 = arith.mulf %get3A_500, %add3A_439 : vector<16xf32>
          %add3A_502 = arith.constant 0 : i32
          %add3A_503 = arith.addi %mul3A_432, %add3A_502 : i32
          %swap3A_504 = arith.index_cast %add3A_503 : i32 to index
          %swap3A_505 = arith.constant 32 : index
          %swap3A_506 = tpu.vector_load %arg18[%swap3A_504, %swap3A_505] {strides = array<i32>} : memref<64x128xf32, #tpu.memory_space<vmem>>, vector<1x16xf32>,
          %swap3A_507 = vector.shape_cast %swap3A_506 : vector<1x16xf32> to vector<16xf32>
          %swap3A_508 = vector.shape_cast %mul3A_501 : vector<16xf32> to vector<1x16xf32>
          tpu.vector_store %arg18[%swap3A_504, %swap3A_505], %swap3A_508 {strides = array<i32>} : memref<64x128xf32, #tpu.memory_space<vmem>>, vector<1x16xf32>,
          %add3A_509 = arith.constant 0 : i32
          %add3A_510 = arith.addi %mul3A_432, %add3A_509 : i32
          %get3A_511 = arith.index_cast %add3A_510 : i32 to index
          %get3A_512 = arith.constant 48 : index
          %get3A_513 = tpu.vector_load %arg18[%get3A_511, %get3A_512] {strides = array<i32>} : memref<64x128xf32, #tpu.memory_space<vmem>>, vector<1x16xf32>,
          %get3A_514 = vector.shape_cast %get3A_513 : vector<1x16xf32> to vector<16xf32>
          %mul3A_515 = arith.mulf %get3A_514, %add3A_439 : vector<16xf32>
          %add3A_516 = arith.constant 0 : i32
          %add3A_517 = arith.addi %mul3A_432, %add3A_516 : i32
          %swap3A_518 = arith.index_cast %add3A_517 : i32 to index
          %swap3A_519 = arith.constant 48 : index
          %swap3A_520 = tpu.vector_load %arg18[%swap3A_518, %swap3A_519] {strides = array<i32>} : memref<64x128xf32, #tpu.memory_space<vmem>>, vector<1x16xf32>,
          %swap3A_521 = vector.shape_cast %swap3A_520 : vector<1x16xf32> to vector<16xf32>
          %swap3A_522 = vector.shape_cast %mul3A_515 : vector<16xf32> to vector<1x16xf32>
          tpu.vector_store %arg18[%swap3A_518, %swap3A_519], %swap3A_522 {strides = array<i32>} : memref<64x128xf32, #tpu.memory_space<vmem>>, vector<1x16xf32>,
          %add3A_523 = arith.constant 0 : i32
          %add3A_524 = arith.addi %mul3A_432, %add3A_523 : i32
          %get3A_525 = arith.index_cast %add3A_524 : i32 to index
          %get3A_526 = arith.constant 64 : index
          %get3A_527 = tpu.vector_load %arg18[%get3A_525, %get3A_526] {strides = array<i32>} : memref<64x128xf32, #tpu.memory_space<vmem>>, vector<1x16xf32>,
          %get3A_528 = vector.shape_cast %get3A_527 : vector<1x16xf32> to vector<16xf32>
          %mul3A_529 = arith.mulf %get3A_528, %add3A_439 : vector<16xf32>
          %add3A_530 = arith.constant 0 : i32
          %add3A_531 = arith.addi %mul3A_432, %add3A_530 : i32
          %swap3A_532 = arith.index_cast %add3A_531 : i32 to index
          %swap3A_533 = arith.constant 64 : index
          %swap3A_534 = tpu.vector_load %arg18[%swap3A_532, %swap3A_533] {strides = array<i32>} : memref<64x128xf32, #tpu.memory_space<vmem>>, vector<1x16xf32>,
          %swap3A_535 = vector.shape_cast %swap3A_534 : vector<1x16xf32> to vector<16xf32>
          %swap3A_536 = vector.shape_cast %mul3A_529 : vector<16xf32> to vector<1x16xf32>
          tpu.vector_store %arg18[%swap3A_532, %swap3A_533], %swap3A_536 {strides = array<i32>} : memref<64x128xf32, #tpu.memory_space<vmem>>, vector<1x16xf32>,
          %add3A_537 = arith.constant 0 : i32
          %add3A_538 = arith.addi %mul3A_432, %add3A_537 : i32
          %get3A_539 = arith.index_cast %add3A_538 : i32 to index
          %get3A_540 = arith.constant 80 : index
          %get3A_541 = tpu.vector_load %arg18[%get3A_539, %get3A_540] {strides = array<i32>} : memref<64x128xf32, #tpu.memory_space<vmem>>, vector<1x16xf32>,
          %get3A_542 = vector.shape_cast %get3A_541 : vector<1x16xf32> to vector<16xf32>
          %mul3A_543 = arith.mulf %get3A_542, %add3A_439 : vector<16xf32>
          %add3A_544 = arith.constant 0 : i32
          %add3A_545 = arith.addi %mul3A_432, %add3A_544 : i32
          %swap3A_546 = arith.index_cast %add3A_545 : i32 to index
          %swap3A_547 = arith.constant 80 : index
          %swap3A_548 = tpu.vector_load %arg18[%swap3A_546, %swap3A_547] {strides = array<i32>} : memref<64x128xf32, #tpu.memory_space<vmem>>, vector<1x16xf32>,
          %swap3A_549 = vector.shape_cast %swap3A_548 : vector<1x16xf32> to vector<16xf32>
          %swap3A_550 = vector.shape_cast %mul3A_543 : vector<16xf32> to vector<1x16xf32>
          tpu.vector_store %arg18[%swap3A_546, %swap3A_547], %swap3A_550 {strides = array<i32>} : memref<64x128xf32, #tpu.memory_space<vmem>>, vector<1x16xf32>,
          %add3A_551 = arith.constant 0 : i32
          %add3A_552 = arith.addi %mul3A_432, %add3A_551 : i32
          %get3A_553 = arith.index_cast %add3A_552 : i32 to index
          %get3A_554 = arith.constant 96 : index
          %get3A_555 = tpu.vector_load %arg18[%get3A_553, %get3A_554] {strides = array<i32>} : memref<64x128xf32, #tpu.memory_space<vmem>>, vector<1x16xf32>,
          %get3A_556 = vector.shape_cast %get3A_555 : vector<1x16xf32> to vector<16xf32>
          %mul3A_557 = arith.mulf %get3A_556, %add3A_439 : vector<16xf32>
          %add3A_558 = arith.constant 0 : i32
          %add3A_559 = arith.addi %mul3A_432, %add3A_558 : i32
          %swap3A_560 = arith.index_cast %add3A_559 : i32 to index
          %swap3A_561 = arith.constant 96 : index
          %swap3A_562 = tpu.vector_load %arg18[%swap3A_560, %swap3A_561] {strides = array<i32>} : memref<64x128xf32, #tpu.memory_space<vmem>>, vector<1x16xf32>,
          %swap3A_563 = vector.shape_cast %swap3A_562 : vector<1x16xf32> to vector<16xf32>
          %swap3A_564 = vector.shape_cast %mul3A_557 : vector<16xf32> to vector<1x16xf32>
          tpu.vector_store %arg18[%swap3A_560, %swap3A_561], %swap3A_564 {strides = array<i32>} : memref<64x128xf32, #tpu.memory_space<vmem>>, vector<1x16xf32>,
          %add3A_565 = arith.constant 1 : i32
          %add3A_566 = arith.addi %mul3A_432, %add3A_565 : i32
          %get3A_567 = arith.index_cast %add3A_566 : i32 to index
          %get3A_568 = arith.constant 0 : index
          %get3A_569 = tpu.vector_load %arg18[%get3A_567, %get3A_568] {strides = array<i32>} : memref<64x128xf32, #tpu.memory_space<vmem>>, vector<1x16xf32>,
          %get3A_570 = vector.shape_cast %get3A_569 : vector<1x16xf32> to vector<16xf32>
          %mul3A_571 = arith.mulf %get3A_570, %add3A_448 : vector<16xf32>
          %add3A_572 = arith.constant 1 : i32
          %add3A_573 = arith.addi %mul3A_432, %add3A_572 : i32
          %swap3A_574 = arith.index_cast %add3A_573 : i32 to index
          %swap3A_575 = arith.constant 0 : index
          %swap3A_576 = tpu.vector_load %arg18[%swap3A_574, %swap3A_575] {strides = array<i32>} : memref<64x128xf32, #tpu.memory_space<vmem>>, vector<1x16xf32>,
          %swap3A_577 = vector.shape_cast %swap3A_576 : vector<1x16xf32> to vector<16xf32>
          %swap3A_578 = vector.shape_cast %mul3A_571 : vector<16xf32> to vector<1x16xf32>
          tpu.vector_store %arg18[%swap3A_574, %swap3A_575], %swap3A_578 {strides = array<i32>} : memref<64x128xf32, #tpu.memory_space<vmem>>, vector<1x16xf32>,
          %add3A_579 = arith.constant 1 : i32
          %add3A_580 = arith.addi %mul3A_432, %add3A_579 : i32
          %get3A_581 = arith.index_cast %add3A_580 : i32 to index
          %get3A_582 = arith.constant 16 : index
          %get3A_583 = tpu.vector_load %arg18[%get3A_581, %get3A_582] {strides = array<i32>} : memref<64x128xf32, #tpu.memory_space<vmem>>, vector<1x16xf32>,
          %get3A_584 = vector.shape_cast %get3A_583 : vector<1x16xf32> to vector<16xf32>
          %mul3A_585 = arith.mulf %get3A_584, %add3A_448 : vector<16xf32>
          %add3A_586 = arith.constant 1 : i32
          %add3A_587 = arith.addi %mul3A_432, %add3A_586 : i32
          %swap3A_588 = arith.index_cast %add3A_587 : i32 to index
          %swap3A_589 = arith.constant 16 : index
          %swap3A_590 = tpu.vector_load %arg18[%swap3A_588, %swap3A_589] {strides = array<i32>} : memref<64x128xf32, #tpu.memory_space<vmem>>, vector<1x16xf32>,
          %swap3A_591 = vector.shape_cast %swap3A_590 : vector<1x16xf32> to vector<16xf32>
          %swap3A_592 = vector.shape_cast %mul3A_585 : vector<16xf32> to vector<1x16xf32>
          tpu.vector_store %arg18[%swap3A_588, %swap3A_589], %swap3A_592 {strides = array<i32>} : memref<64x128xf32, #tpu.memory_space<vmem>>, vector<1x16xf32>,
          %add3A_593 = arith.constant 1 : i32
          %add3A_594 = arith.addi %mul3A_432, %add3A_593 : i32
          %get3A_595 = arith.index_cast %add3A_594 : i32 to index
          %get3A_596 = arith.constant 32 : index
          %get3A_597 = tpu.vector_load %arg18[%get3A_595, %get3A_596] {strides = array<i32>} : memref<64x128xf32, #tpu.memory_space<vmem>>, vector<1x16xf32>,
          %get3A_598 = vector.shape_cast %get3A_597 : vector<1x16xf32> to vector<16xf32>
          %mul3A_599 = arith.mulf %get3A_598, %add3A_448 : vector<16xf32>
          %add3A_600 = arith.constant 1 : i32
          %add3A_601 = arith.addi %mul3A_432, %add3A_600 : i32
          %swap3A_602 = arith.index_cast %add3A_601 : i32 to index
          %swap3A_603 = arith.constant 32 : index
          %swap3A_604 = tpu.vector_load %arg18[%swap3A_602, %swap3A_603] {strides = array<i32>} : memref<64x128xf32, #tpu.memory_space<vmem>>, vector<1x16xf32>,
          %swap3A_605 = vector.shape_cast %swap3A_604 : vector<1x16xf32> to vector<16xf32>
          %swap3A_606 = vector.shape_cast %mul3A_599 : vector<16xf32> to vector<1x16xf32>
          tpu.vector_store %arg18[%swap3A_602, %swap3A_603], %swap3A_606 {strides = array<i32>} : memref<64x128xf32, #tpu.memory_space<vmem>>, vector<1x16xf32>,
          %add3A_607 = arith.constant 1 : i32
          %add3A_608 = arith.addi %mul3A_432, %add3A_607 : i32
          %get3A_609 = arith.index_cast %add3A_608 : i32 to index
          %get3A_610 = arith.constant 48 : index
          %get3A_611 = tpu.vector_load %arg18[%get3A_609, %get3A_610] {strides = array<i32>} : memref<64x128xf32, #tpu.memory_space<vmem>>, vector<1x16xf32>,
          %get3A_612 = vector.shape_cast %get3A_611 : vector<1x16xf32> to vector<16xf32>
          %mul3A_613 = arith.mulf %get3A_612, %add3A_448 : vector<16xf32>
          %add3A_614 = arith.constant 1 : i32
          %add3A_615 = arith.addi %mul3A_432, %add3A_614 : i32
          %swap3A_616 = arith.index_cast %add3A_615 : i32 to index
          %swap3A_617 = arith.constant 48 : index
          %swap3A_618 = tpu.vector_load %arg18[%swap3A_616, %swap3A_617] {strides = array<i32>} : memref<64x128xf32, #tpu.memory_space<vmem>>, vector<1x16xf32>,
          %swap3A_619 = vector.shape_cast %swap3A_618 : vector<1x16xf32> to vector<16xf32>
          %swap3A_620 = vector.shape_cast %mul3A_613 : vector<16xf32> to vector<1x16xf32>
          tpu.vector_store %arg18[%swap3A_616, %swap3A_617], %swap3A_620 {strides = array<i32>} : memref<64x128xf32, #tpu.memory_space<vmem>>, vector<1x16xf32>,
          %add3A_621 = arith.constant 1 : i32
          %add3A_622 = arith.addi %mul3A_432, %add3A_621 : i32
          %get3A_623 = arith.index_cast %add3A_622 : i32 to index
          %get3A_624 = arith.constant 64 : index
          %get3A_625 = tpu.vector_load %arg18[%get3A_623, %get3A_624] {strides = array<i32>} : memref<64x128xf32, #tpu.memory_space<vmem>>, vector<1x16xf32>,
          %get3A_626 = vector.shape_cast %get3A_625 : vector<1x16xf32> to vector<16xf32>
          %mul3A_627 = arith.mulf %get3A_626, %add3A_448 : vector<16xf32>
          %add3A_628 = arith.constant 1 : i32
          %add3A_629 = arith.addi %mul3A_432, %add3A_628 : i32
          %swap3A_630 = arith.index_cast %add3A_629 : i32 to index
          %swap3A_631 = arith.constant 64 : index
          %swap3A_632 = tpu.vector_load %arg18[%swap3A_630, %swap3A_631] {strides = array<i32>} : memref<64x128xf32, #tpu.memory_space<vmem>>, vector<1x16xf32>,
          %swap3A_633 = vector.shape_cast %swap3A_632 : vector<1x16xf32> to vector<16xf32>
          %swap3A_634 = vector.shape_cast %mul3A_627 : vector<16xf32> to vector<1x16xf32>
          tpu.vector_store %arg18[%swap3A_630, %swap3A_631], %swap3A_634 {strides = array<i32>} : memref<64x128xf32, #tpu.memory_space<vmem>>, vector<1x16xf32>,
          %add3A_635 = arith.constant 1 : i32
          %add3A_636 = arith.addi %mul3A_432, %add3A_635 : i32
          %get3A_637 = arith.index_cast %add3A_636 : i32 to index
          %get3A_638 = arith.constant 80 : index
          %get3A_639 = tpu.vector_load %arg18[%get3A_637, %get3A_638] {strides = array<i32>} : memref<64x128xf32, #tpu.memory_space<vmem>>, vector<1x16xf32>,
          %get3A_640 = vector.shape_cast %get3A_639 : vector<1x16xf32> to vector<16xf32>
          %mul3A_641 = arith.mulf %get3A_640, %add3A_448 : vector<16xf32>
          %add3A_642 = arith.constant 1 : i32
          %add3A_643 = arith.addi %mul3A_432, %add3A_642 : i32
          %swap3A_644 = arith.index_cast %add3A_643 : i32 to index
          %swap3A_645 = arith.constant 80 : index
          %swap3A_646 = tpu.vector_load %arg18[%swap3A_644, %swap3A_645] {strides = array<i32>} : memref<64x128xf32, #tpu.memory_space<vmem>>, vector<1x16xf32>,
          %swap3A_647 = vector.shape_cast %swap3A_646 : vector<1x16xf32> to vector<16xf32>
          %swap3A_648 = vector.shape_cast %mul3A_641 : vector<16xf32> to vector<1x16xf32>
          tpu.vector_store %arg18[%swap3A_644, %swap3A_645], %swap3A_648 {strides = array<i32>} : memref<64x128xf32, #tpu.memory_space<vmem>>, vector<1x16xf32>,
          %add3A_649 = arith.constant 1 : i32
          %add3A_650 = arith.addi %mul3A_432, %add3A_649 : i32
          %get3A_651 = arith.index_cast %add3A_650 : i32 to index
          %get3A_652 = arith.constant 96 : index
          %get3A_653 = tpu.vector_load %arg18[%get3A_651, %get3A_652] {strides = array<i32>} : memref<64x128xf32, #tpu.memory_space<vmem>>, vector<1x16xf32>,
          %get3A_654 = vector.shape_cast %get3A_653 : vector<1x16xf32> to vector<16xf32>
          %mul3A_655 = arith.mulf %get3A_654, %add3A_448 : vector<16xf32>
          %add3A_656 = arith.constant 1 : i32
          %add3A_657 = arith.addi %mul3A_432, %add3A_656 : i32
          %swap3A_658 = arith.index_cast %add3A_657 : i32 to index
          %swap3A_659 = arith.constant 96 : index
          %swap3A_660 = tpu.vector_load %arg18[%swap3A_658, %swap3A_659] {strides = array<i32>} : memref<64x128xf32, #tpu.memory_space<vmem>>, vector<1x16xf32>,
          %swap3A_661 = vector.shape_cast %swap3A_660 : vector<1x16xf32> to vector<16xf32>
          %swap3A_662 = vector.shape_cast %mul3A_655 : vector<16xf32> to vector<1x16xf32>
          tpu.vector_store %arg18[%swap3A_658, %swap3A_659], %swap3A_662 {strides = array<i32>} : memref<64x128xf32, #tpu.memory_space<vmem>>, vector<1x16xf32>,
          %add3A_663 = arith.constant 2 : i32
          %add3A_664 = arith.addi %mul3A_432, %add3A_663 : i32
          %get3A_665 = arith.index_cast %add3A_664 : i32 to index
          %get3A_666 = arith.constant 0 : index
          %get3A_667 = tpu.vector_load %arg18[%get3A_665, %get3A_666] {strides = array<i32>} : memref<64x128xf32, #tpu.memory_space<vmem>>, vector<1x16xf32>,
          %get3A_668 = vector.shape_cast %get3A_667 : vector<1x16xf32> to vector<16xf32>
          %mul3A_669 = arith.mulf %get3A_668, %add3A_457 : vector<16xf32>
          %add3A_670 = arith.constant 2 : i32
          %add3A_671 = arith.addi %mul3A_432, %add3A_670 : i32
          %swap3A_672 = arith.index_cast %add3A_671 : i32 to index
          %swap3A_673 = arith.constant 0 : index
          %swap3A_674 = tpu.vector_load %arg18[%swap3A_672, %swap3A_673] {strides = array<i32>} : memref<64x128xf32, #tpu.memory_space<vmem>>, vector<1x16xf32>,
          %swap3A_675 = vector.shape_cast %swap3A_674 : vector<1x16xf32> to vector<16xf32>
          %swap3A_676 = vector.shape_cast %mul3A_669 : vector<16xf32> to vector<1x16xf32>
          tpu.vector_store %arg18[%swap3A_672, %swap3A_673], %swap3A_676 {strides = array<i32>} : memref<64x128xf32, #tpu.memory_space<vmem>>, vector<1x16xf32>,
          %add3A_677 = arith.constant 2 : i32
          %add3A_678 = arith.addi %mul3A_432, %add3A_677 : i32
          %get3A_679 = arith.index_cast %add3A_678 : i32 to index
          %get3A_680 = arith.constant 16 : index
          %get3A_681 = tpu.vector_load %arg18[%get3A_679, %get3A_680] {strides = array<i32>} : memref<64x128xf32, #tpu.memory_space<vmem>>, vector<1x16xf32>,
          %get3A_682 = vector.shape_cast %get3A_681 : vector<1x16xf32> to vector<16xf32>
          %mul3A_683 = arith.mulf %get3A_682, %add3A_457 : vector<16xf32>
          %add3A_684 = arith.constant 2 : i32
          %add3A_685 = arith.addi %mul3A_432, %add3A_684 : i32
          %swap3A_686 = arith.index_cast %add3A_685 : i32 to index
          %swap3A_687 = arith.constant 16 : index
          %swap3A_688 = tpu.vector_load %arg18[%swap3A_686, %swap3A_687] {strides = array<i32>} : memref<64x128xf32, #tpu.memory_space<vmem>>, vector<1x16xf32>,
          %swap3A_689 = vector.shape_cast %swap3A_688 : vector<1x16xf32> to vector<16xf32>
          %swap3A_690 = vector.shape_cast %mul3A_683 : vector<16xf32> to vector<1x16xf32>
          tpu.vector_store %arg18[%swap3A_686, %swap3A_687], %swap3A_690 {strides = array<i32>} : memref<64x128xf32, #tpu.memory_space<vmem>>, vector<1x16xf32>,
          %add3A_691 = arith.constant 2 : i32
          %add3A_692 = arith.addi %mul3A_432, %add3A_691 : i32
          %get3A_693 = arith.index_cast %add3A_692 : i32 to index
          %get3A_694 = arith.constant 32 : index
          %get3A_695 = tpu.vector_load %arg18[%get3A_693, %get3A_694] {strides = array<i32>} : memref<64x128xf32, #tpu.memory_space<vmem>>, vector<1x16xf32>,
          %get3A_696 = vector.shape_cast %get3A_695 : vector<1x16xf32> to vector<16xf32>
          %mul3A_697 = arith.mulf %get3A_696, %add3A_457 : vector<16xf32>
          %add3A_698 = arith.constant 2 : i32
          %add3A_699 = arith.addi %mul3A_432, %add3A_698 : i32
          %swap3A_700 = arith.index_cast %add3A_699 : i32 to index
          %swap3A_701 = arith.constant 32 : index
          %swap3A_702 = tpu.vector_load %arg18[%swap3A_700, %swap3A_701] {strides = array<i32>} : memref<64x128xf32, #tpu.memory_space<vmem>>, vector<1x16xf32>,
          %swap3A_703 = vector.shape_cast %swap3A_702 : vector<1x16xf32> to vector<16xf32>
          %swap3A_704 = vector.shape_cast %mul3A_697 : vector<16xf32> to vector<1x16xf32>
          tpu.vector_store %arg18[%swap3A_700, %swap3A_701], %swap3A_704 {strides = array<i32>} : memref<64x128xf32, #tpu.memory_space<vmem>>, vector<1x16xf32>,
          %add3A_705 = arith.constant 2 : i32
          %add3A_706 = arith.addi %mul3A_432, %add3A_705 : i32
          %get3A_707 = arith.index_cast %add3A_706 : i32 to index
          %get3A_708 = arith.constant 48 : index
          %get3A_709 = tpu.vector_load %arg18[%get3A_707, %get3A_708] {strides = array<i32>} : memref<64x128xf32, #tpu.memory_space<vmem>>, vector<1x16xf32>,
          %get3A_710 = vector.shape_cast %get3A_709 : vector<1x16xf32> to vector<16xf32>
          %mul3A_711 = arith.mulf %get3A_710, %add3A_457 : vector<16xf32>
          %add3A_712 = arith.constant 2 : i32
          %add3A_713 = arith.addi %mul3A_432, %add3A_712 : i32
          %swap3A_714 = arith.index_cast %add3A_713 : i32 to index
          %swap3A_715 = arith.constant 48 : index
          %swap3A_716 = tpu.vector_load %arg18[%swap3A_714, %swap3A_715] {strides = array<i32>} : memref<64x128xf32, #tpu.memory_space<vmem>>, vector<1x16xf32>,
          %swap3A_717 = vector.shape_cast %swap3A_716 : vector<1x16xf32> to vector<16xf32>
          %swap3A_718 = vector.shape_cast %mul3A_711 : vector<16xf32> to vector<1x16xf32>
          tpu.vector_store %arg18[%swap3A_714, %swap3A_715], %swap3A_718 {strides = array<i32>} : memref<64x128xf32, #tpu.memory_space<vmem>>, vector<1x16xf32>,
          %add3A_719 = arith.constant 2 : i32
          %add3A_720 = arith.addi %mul3A_432, %add3A_719 : i32
          %get3A_721 = arith.index_cast %add3A_720 : i32 to index
          %get3A_722 = arith.constant 64 : index
          %get3A_723 = tpu.vector_load %arg18[%get3A_721, %get3A_722] {strides = array<i32>} : memref<64x128xf32, #tpu.memory_space<vmem>>, vector<1x16xf32>,
          %get3A_724 = vector.shape_cast %get3A_723 : vector<1x16xf32> to vector<16xf32>
          %mul3A_725 = arith.mulf %get3A_724, %add3A_457 : vector<16xf32>
          %add3A_726 = arith.constant 2 : i32
          %add3A_727 = arith.addi %mul3A_432, %add3A_726 : i32
          %swap3A_728 = arith.index_cast %add3A_727 : i32 to index
          %swap3A_729 = arith.constant 64 : index
          %swap3A_730 = tpu.vector_load %arg18[%swap3A_728, %swap3A_729] {strides = array<i32>} : memref<64x128xf32, #tpu.memory_space<vmem>>, vector<1x16xf32>,
          %swap3A_731 = vector.shape_cast %swap3A_730 : vector<1x16xf32> to vector<16xf32>
          %swap3A_732 = vector.shape_cast %mul3A_725 : vector<16xf32> to vector<1x16xf32>
          tpu.vector_store %arg18[%swap3A_728, %swap3A_729], %swap3A_732 {strides = array<i32>} : memref<64x128xf32, #tpu.memory_space<vmem>>, vector<1x16xf32>,
          %add3A_733 = arith.constant 2 : i32
          %add3A_734 = arith.addi %mul3A_432, %add3A_733 : i32
          %get3A_735 = arith.index_cast %add3A_734 : i32 to index
          %get3A_736 = arith.constant 80 : index
          %get3A_737 = tpu.vector_load %arg18[%get3A_735, %get3A_736] {strides = array<i32>} : memref<64x128xf32, #tpu.memory_space<vmem>>, vector<1x16xf32>,
          %get3A_738 = vector.shape_cast %get3A_737 : vector<1x16xf32> to vector<16xf32>
          %mul3A_739 = arith.mulf %get3A_738, %add3A_457 : vector<16xf32>
          %add3A_740 = arith.constant 2 : i32
          %add3A_741 = arith.addi %mul3A_432, %add3A_740 : i32
          %swap3A_742 = arith.index_cast %add3A_741 : i32 to index
          %swap3A_743 = arith.constant 80 : index
          %swap3A_744 = tpu.vector_load %arg18[%swap3A_742, %swap3A_743] {strides = array<i32>} : memref<64x128xf32, #tpu.memory_space<vmem>>, vector<1x16xf32>,
          %swap3A_745 = vector.shape_cast %swap3A_744 : vector<1x16xf32> to vector<16xf32>
          %swap3A_746 = vector.shape_cast %mul3A_739 : vector<16xf32> to vector<1x16xf32>
          tpu.vector_store %arg18[%swap3A_742, %swap3A_743], %swap3A_746 {strides = array<i32>} : memref<64x128xf32, #tpu.memory_space<vmem>>, vector<1x16xf32>,
          %add3A_747 = arith.constant 2 : i32
          %add3A_748 = arith.addi %mul3A_432, %add3A_747 : i32
          %get3A_749 = arith.index_cast %add3A_748 : i32 to index
          %get3A_750 = arith.constant 96 : index
          %get3A_751 = tpu.vector_load %arg18[%get3A_749, %get3A_750] {strides = array<i32>} : memref<64x128xf32, #tpu.memory_space<vmem>>, vector<1x16xf32>,
          %get3A_752 = vector.shape_cast %get3A_751 : vector<1x16xf32> to vector<16xf32>
          %mul3A_753 = arith.mulf %get3A_752, %add3A_457 : vector<16xf32>
          %add3A_754 = arith.constant 2 : i32
          %add3A_755 = arith.addi %mul3A_432, %add3A_754 : i32
          %swap3A_756 = arith.index_cast %add3A_755 : i32 to index
          %swap3A_757 = arith.constant 96 : index
          %swap3A_758 = tpu.vector_load %arg18[%swap3A_756, %swap3A_757] {strides = array<i32>} : memref<64x128xf32, #tpu.memory_space<vmem>>, vector<1x16xf32>,
          %swap3A_759 = vector.shape_cast %swap3A_758 : vector<1x16xf32> to vector<16xf32>
          %swap3A_760 = vector.shape_cast %mul3A_753 : vector<16xf32> to vector<1x16xf32>
          tpu.vector_store %arg18[%swap3A_756, %swap3A_757], %swap3A_760 {strides = array<i32>} : memref<64x128xf32, #tpu.memory_space<vmem>>, vector<1x16xf32>,
          %add3A_761 = arith.constant 3 : i32
          %add3A_762 = arith.addi %mul3A_432, %add3A_761 : i32
          %get3A_763 = arith.index_cast %add3A_762 : i32 to index
          %get3A_764 = arith.constant 0 : index
          %get3A_765 = tpu.vector_load %arg18[%get3A_763, %get3A_764] {strides = array<i32>} : memref<64x128xf32, #tpu.memory_space<vmem>>, vector<1x16xf32>,
          %get3A_766 = vector.shape_cast %get3A_765 : vector<1x16xf32> to vector<16xf32>
          %mul3A_767 = arith.mulf %get3A_766, %add3A_466 : vector<16xf32>
          %add3A_768 = arith.constant 3 : i32
          %add3A_769 = arith.addi %mul3A_432, %add3A_768 : i32
          %swap3A_770 = arith.index_cast %add3A_769 : i32 to index
          %swap3A_771 = arith.constant 0 : index
          %swap3A_772 = tpu.vector_load %arg18[%swap3A_770, %swap3A_771] {strides = array<i32>} : memref<64x128xf32, #tpu.memory_space<vmem>>, vector<1x16xf32>,
          %swap3A_773 = vector.shape_cast %swap3A_772 : vector<1x16xf32> to vector<16xf32>
          %swap3A_774 = vector.shape_cast %mul3A_767 : vector<16xf32> to vector<1x16xf32>
          tpu.vector_store %arg18[%swap3A_770, %swap3A_771], %swap3A_774 {strides = array<i32>} : memref<64x128xf32, #tpu.memory_space<vmem>>, vector<1x16xf32>,
          %add3A_775 = arith.constant 3 : i32
          %add3A_776 = arith.addi %mul3A_432, %add3A_775 : i32
          %get3A_777 = arith.index_cast %add3A_776 : i32 to index
          %get3A_778 = arith.constant 16 : index
          %get3A_779 = tpu.vector_load %arg18[%get3A_777, %get3A_778] {strides = array<i32>} : memref<64x128xf32, #tpu.memory_space<vmem>>, vector<1x16xf32>,
          %get3A_780 = vector.shape_cast %get3A_779 : vector<1x16xf32> to vector<16xf32>
          %mul3A_781 = arith.mulf %get3A_780, %add3A_466 : vector<16xf32>
          %add3A_782 = arith.constant 3 : i32
          %add3A_783 = arith.addi %mul3A_432, %add3A_782 : i32
          %swap3A_784 = arith.index_cast %add3A_783 : i32 to index
          %swap3A_785 = arith.constant 16 : index
          %swap3A_786 = tpu.vector_load %arg18[%swap3A_784, %swap3A_785] {strides = array<i32>} : memref<64x128xf32, #tpu.memory_space<vmem>>, vector<1x16xf32>,
          %swap3A_787 = vector.shape_cast %swap3A_786 : vector<1x16xf32> to vector<16xf32>
          %swap3A_788 = vector.shape_cast %mul3A_781 : vector<16xf32> to vector<1x16xf32>
          tpu.vector_store %arg18[%swap3A_784, %swap3A_785], %swap3A_788 {strides = array<i32>} : memref<64x128xf32, #tpu.memory_space<vmem>>, vector<1x16xf32>,
          %add3A_789 = arith.constant 3 : i32
          %add3A_790 = arith.addi %mul3A_432, %add3A_789 : i32
          %get3A_791 = arith.index_cast %add3A_790 : i32 to index
          %get3A_792 = arith.constant 32 : index
          %get3A_793 = tpu.vector_load %arg18[%get3A_791, %get3A_792] {strides = array<i32>} : memref<64x128xf32, #tpu.memory_space<vmem>>, vector<1x16xf32>,
          %get3A_794 = vector.shape_cast %get3A_793 : vector<1x16xf32> to vector<16xf32>
          %mul3A_795 = arith.mulf %get3A_794, %add3A_466 : vector<16xf32>
          %add3A_796 = arith.constant 3 : i32
          %add3A_797 = arith.addi %mul3A_432, %add3A_796 : i32
          %swap3A_798 = arith.index_cast %add3A_797 : i32 to index
          %swap3A_799 = arith.constant 32 : index
          %swap3A_800 = tpu.vector_load %arg18[%swap3A_798, %swap3A_799] {strides = array<i32>} : memref<64x128xf32, #tpu.memory_space<vmem>>, vector<1x16xf32>,
          %swap3A_801 = vector.shape_cast %swap3A_800 : vector<1x16xf32> to vector<16xf32>
          %swap3A_802 = vector.shape_cast %mul3A_795 : vector<16xf32> to vector<1x16xf32>
          tpu.vector_store %arg18[%swap3A_798, %swap3A_799], %swap3A_802 {strides = array<i32>} : memref<64x128xf32, #tpu.memory_space<vmem>>, vector<1x16xf32>,
          %add3A_803 = arith.constant 3 : i32
          %add3A_804 = arith.addi %mul3A_432, %add3A_803 : i32
          %get3A_805 = arith.index_cast %add3A_804 : i32 to index
          %get3A_806 = arith.constant 48 : index
          %get3A_807 = tpu.vector_load %arg18[%get3A_805, %get3A_806] {strides = array<i32>} : memref<64x128xf32, #tpu.memory_space<vmem>>, vector<1x16xf32>,
          %get3A_808 = vector.shape_cast %get3A_807 : vector<1x16xf32> to vector<16xf32>
          %mul3A_809 = arith.mulf %get3A_808, %add3A_466 : vector<16xf32>
          %add3A_810 = arith.constant 3 : i32
          %add3A_811 = arith.addi %mul3A_432, %add3A_810 : i32
          %swap3A_812 = arith.index_cast %add3A_811 : i32 to index
          %swap3A_813 = arith.constant 48 : index
          %swap3A_814 = tpu.vector_load %arg18[%swap3A_812, %swap3A_813] {strides = array<i32>} : memref<64x128xf32, #tpu.memory_space<vmem>>, vector<1x16xf32>,
          %swap3A_815 = vector.shape_cast %swap3A_814 : vector<1x16xf32> to vector<16xf32>
          %swap3A_816 = vector.shape_cast %mul3A_809 : vector<16xf32> to vector<1x16xf32>
          tpu.vector_store %arg18[%swap3A_812, %swap3A_813], %swap3A_816 {strides = array<i32>} : memref<64x128xf32, #tpu.memory_space<vmem>>, vector<1x16xf32>,
          %add3A_817 = arith.constant 3 : i32
          %add3A_818 = arith.addi %mul3A_432, %add3A_817 : i32
          %get3A_819 = arith.index_cast %add3A_818 : i32 to index
          %get3A_820 = arith.constant 64 : index
          %get3A_821 = tpu.vector_load %arg18[%get3A_819, %get3A_820] {strides = array<i32>} : memref<64x128xf32, #tpu.memory_space<vmem>>, vector<1x16xf32>,
          %get3A_822 = vector.shape_cast %get3A_821 : vector<1x16xf32> to vector<16xf32>
          %mul3A_823 = arith.mulf %get3A_822, %add3A_466 : vector<16xf32>
          %add3A_824 = arith.constant 3 : i32
          %add3A_825 = arith.addi %mul3A_432, %add3A_824 : i32
          %swap3A_826 = arith.index_cast %add3A_825 : i32 to index
          %swap3A_827 = arith.constant 64 : index
          %swap3A_828 = tpu.vector_load %arg18[%swap3A_826, %swap3A_827] {strides = array<i32>} : memref<64x128xf32, #tpu.memory_space<vmem>>, vector<1x16xf32>,
          %swap3A_829 = vector.shape_cast %swap3A_828 : vector<1x16xf32> to vector<16xf32>
          %swap3A_830 = vector.shape_cast %mul3A_823 : vector<16xf32> to vector<1x16xf32>
          tpu.vector_store %arg18[%swap3A_826, %swap3A_827], %swap3A_830 {strides = array<i32>} : memref<64x128xf32, #tpu.memory_space<vmem>>, vector<1x16xf32>,
          %add3A_831 = arith.constant 3 : i32
          %add3A_832 = arith.addi %mul3A_432, %add3A_831 : i32
          %get3A_833 = arith.index_cast %add3A_832 : i32 to index
          %get3A_834 = arith.constant 80 : index
          %get3A_835 = tpu.vector_load %arg18[%get3A_833, %get3A_834] {strides = array<i32>} : memref<64x128xf32, #tpu.memory_space<vmem>>, vector<1x16xf32>,
          %get3A_836 = vector.shape_cast %get3A_835 : vector<1x16xf32> to vector<16xf32>
          %mul3A_837 = arith.mulf %get3A_836, %add3A_466 : vector<16xf32>
          %add3A_838 = arith.constant 3 : i32
          %add3A_839 = arith.addi %mul3A_432, %add3A_838 : i32
          %swap3A_840 = arith.index_cast %add3A_839 : i32 to index
          %swap3A_841 = arith.constant 80 : index
          %swap3A_842 = tpu.vector_load %arg18[%swap3A_840, %swap3A_841] {strides = array<i32>} : memref<64x128xf32, #tpu.memory_space<vmem>>, vector<1x16xf32>,
          %swap3A_843 = vector.shape_cast %swap3A_842 : vector<1x16xf32> to vector<16xf32>
          %swap3A_844 = vector.shape_cast %mul3A_837 : vector<16xf32> to vector<1x16xf32>
          tpu.vector_store %arg18[%swap3A_840, %swap3A_841], %swap3A_844 {strides = array<i32>} : memref<64x128xf32, #tpu.memory_space<vmem>>, vector<1x16xf32>,
          %add3A_845 = arith.constant 3 : i32
          %add3A_846 = arith.addi %mul3A_432, %add3A_845 : i32
          %get3A_847 = arith.index_cast %add3A_846 : i32 to index
          %get3A_848 = arith.constant 96 : index
          %get3A_849 = tpu.vector_load %arg18[%get3A_847, %get3A_848] {strides = array<i32>} : memref<64x128xf32, #tpu.memory_space<vmem>>, vector<1x16xf32>,
          %get3A_850 = vector.shape_cast %get3A_849 : vector<1x16xf32> to vector<16xf32>
          %mul3A_851 = arith.mulf %get3A_850, %add3A_466 : vector<16xf32>
          %add3A_852 = arith.constant 3 : i32
          %add3A_853 = arith.addi %mul3A_432, %add3A_852 : i32
          %swap3A_854 = arith.index_cast %add3A_853 : i32 to index
          %swap3A_855 = arith.constant 96 : index
          %swap3A_856 = tpu.vector_load %arg18[%swap3A_854, %swap3A_855] {strides = array<i32>} : memref<64x128xf32, #tpu.memory_space<vmem>>, vector<1x16xf32>,
          %swap3A_857 = vector.shape_cast %swap3A_856 : vector<1x16xf32> to vector<16xf32>
          %swap3A_858 = vector.shape_cast %mul3A_851 : vector<16xf32> to vector<1x16xf32>
          tpu.vector_store %arg18[%swap3A_854, %swap3A_855], %swap3A_858 {strides = array<i32>} : memref<64x128xf32, #tpu.memory_space<vmem>>, vector<1x16xf32>,
          %scan3A_859 = arith.constant 0 : i32
          scf.yield %scan3A_859 : i32
        }
        %scan3A_427 = arith.constant 16 : i32
        "tpu.region"() ({
          %run_scoped3A = tpu.sem_alloc : memref<!tpu.dma_semaphore, #tpu.memory_space<semaphore_mem>>
          %dma_start3A_429 = arith.constant 0 : i32
          %dma_start3A_430 = arith.constant 0 : i32
          %dma_start3A_431 = tpu.memref_slice %arg20[%dma_start3A_429, %dma_start3A_430] : memref<12544x128xf32, #tpu.memory_space<vmem_shared>> -> memref<12544x128xf32, #tpu.memory_space<vmem_shared>>
          tpu.enqueue_indirect_dma source(%arg18 : memref<64x128xf32, #tpu.memory_space<vmem>>) target(%dma_start3A_431 : memref<12544x128xf32, #tpu.memory_space<vmem_shared>>) offsets(%arg16 : memref<64xi32, #tpu.memory_space<vmem>>) semaphore(%run_scoped3A : memref<!tpu.dma_semaphore, #tpu.memory_space<semaphore_mem>>) {add = true}
          %dma_wait3A_432 = arith.constant 0 : i32
          %dma_wait3A_433 = arith.constant 0 : i32
          %dma_wait3A_434 = tpu.memref_slice %arg20[%dma_wait3A_432, %dma_wait3A_433] : memref<12544x128xf32, #tpu.memory_space<vmem_shared>> -> memref<12544x128xf32, #tpu.memory_space<vmem_shared>>
          tpu.wait_indirect_dma semaphore(%run_scoped3A : memref<!tpu.dma_semaphore, #tpu.memory_space<semaphore_mem>>) src(%arg18 : memref<64x128xf32, #tpu.memory_space<vmem>>) dst(%dma_wait3A_434 : memref<12544x128xf32, #tpu.memory_space<vmem_shared>>)
          tpu.yield
        }) : () -> ()
        %scan3A_428 = arith.constant 0 : i32
        scf.yield %scan3A_428 : i32
      }
      %scan3A_264 = arith.constant 28 : i32
      %scan3A_265 = arith.constant 0 : i32
      scf.yield %scan3A_265 : i32
    }
    %scan3A_57 = arith.constant 14 : i32
    %barrier3A_58 = arith.constant 0 : index
    tpu.barrier barrier_id(%barrier3A_58)
    %add3A_59 = arith.addi %mul3A_6, %mul3A_10 : i32
    "tpu.region"() ({
      %run_scoped3A = tpu.sem_alloc : memref<!tpu.dma_semaphore, #tpu.memory_space<semaphore_mem>>
      %dma_start3A = arith.constant 0 : i32
      %dma_start3A_124 = tpu.memref_slice %arg6[%add3A_59, %dma_start3A] : memref<50176x128xf32, #tpu.memory_space<hbm>> -> memref<784x128xf32, #tpu.memory_space<hbm>>
      %dma_start3A_125 = arith.constant 0 : i32
      %dma_start3A_126 = tpu.memref_slice %arg20[%mul3A_10, %dma_start3A_125] : memref<12544x128xf32, #tpu.memory_space<vmem_shared>> -> memref<784x128xf32, #tpu.memory_space<vmem_shared>>
      tpu.enqueue_dma source(%dma_start3A_126 : memref<784x128xf32, #tpu.memory_space<vmem_shared>>) target(%dma_start3A_124 : memref<784x128xf32, #tpu.memory_space<hbm>>) target_semaphore(%run_scoped3A : memref<!tpu.dma_semaphore, #tpu.memory_space<semaphore_mem>>)
      %dma_wait3A = arith.constant 0 : i32
      %dma_wait3A_127 = tpu.memref_slice %arg6[%add3A_59, %dma_wait3A] : memref<50176x128xf32, #tpu.memory_space<hbm>> -> memref<784x128xf32, #tpu.memory_space<hbm>>
      %dma_wait3A_128 = arith.constant 0 : i32
      %dma_wait3A_129 = tpu.memref_slice %arg20[%mul3A_10, %dma_wait3A_128] : memref<12544x128xf32, #tpu.memory_space<vmem_shared>> -> memref<784x128xf32, #tpu.memory_space<vmem_shared>>
      tpu.wait_dma2 semaphore(%run_scoped3A : memref<!tpu.dma_semaphore, #tpu.memory_space<semaphore_mem>>) src(%dma_wait3A_129 : memref<784x128xf32, #tpu.memory_space<vmem_shared>>) dst(%dma_wait3A_127 : memref<784x128xf32, #tpu.memory_space<hbm>>)
      tpu.yield
    }) : () -> ()
    %barrier3A_60 = arith.constant 0 : index
    tpu.barrier barrier_id(%barrier3A_60)
    %mul3A_61 = arith.constant 2 : i32
    %mul3A_62 = arith.muli %arg0, %mul3A_61 : i32
    %add3A_63 = arith.constant 1 : i32
    %add3A_64 = arith.addi %mul3A_62, %add3A_63 : i32
    %mul3A_65 = arith.constant 12544 : i32
    %mul3A_66 = arith.muli %add3A_64, %mul3A_65 : i32
    %add3A_67 = arith.constant 12544 : i32
    %add3A_68 = arith.addi %mul3A_66, %add3A_67 : i32
    %mul3A_69 = arith.constant 784 : i32
    %mul3A_70 = arith.muli %arg1, %mul3A_69 : i32
    %scan3A_71 = arith.constant 0 : i32
    %scan3A_72 = arith.constant 0 : i32
    %scan3A_73 = arith.constant 64 : i32
    %scan3A_74 = arith.addi %scan3A_72, %scan3A_73 : i32
    %scan3A_75 = arith.constant 1 : i32
    %scan3A_76 = scf.for %scan3A_124 = %scan3A_72 to %scan3A_74 step %scan3A_75 iter_args(%scan3A_125 = %scan3A_71) -> (i32)  : i32 {
      %swap3A = arith.index_cast %scan3A_124 : i32 to index
      %swap3A_126 = arith.constant 0 : index
      %swap3A_127 = tpu.vector_load %arg13[%swap3A, %swap3A_126] {strides = array<i32>} : memref<64x128xf32, #tpu.memory_space<vmem>>, vector<1x16xf32>,
      %swap3A_128 = vector.shape_cast %swap3A_127 : vector<1x16xf32> to vector<16xf32>
      %swap3A_129 = vector.shape_cast %broadcast_in_dim3A_0 : vector<16xf32> to vector<1x16xf32>
      tpu.vector_store %arg13[%swap3A, %swap3A_126], %swap3A_129 {strides = array<i32>} : memref<64x128xf32, #tpu.memory_space<vmem>>, vector<1x16xf32>,
      %swap3A_130 = arith.index_cast %scan3A_124 : i32 to index
      %swap3A_131 = arith.constant 16 : index
      %swap3A_132 = tpu.vector_load %arg13[%swap3A_130, %swap3A_131] {strides = array<i32>} : memref<64x128xf32, #tpu.memory_space<vmem>>, vector<1x16xf32>,
      %swap3A_133 = vector.shape_cast %swap3A_132 : vector<1x16xf32> to vector<16xf32>
      %swap3A_134 = vector.shape_cast %broadcast_in_dim3A_0 : vector<16xf32> to vector<1x16xf32>
      tpu.vector_store %arg13[%swap3A_130, %swap3A_131], %swap3A_134 {strides = array<i32>} : memref<64x128xf32, #tpu.memory_space<vmem>>, vector<1x16xf32>,
      %swap3A_135 = arith.index_cast %scan3A_124 : i32 to index
      %swap3A_136 = arith.constant 32 : index
      %swap3A_137 = tpu.vector_load %arg13[%swap3A_135, %swap3A_136] {strides = array<i32>} : memref<64x128xf32, #tpu.memory_space<vmem>>, vector<1x16xf32>,
      %swap3A_138 = vector.shape_cast %swap3A_137 : vector<1x16xf32> to vector<16xf32>
      %swap3A_139 = vector.shape_cast %broadcast_in_dim3A_0 : vector<16xf32> to vector<1x16xf32>
      tpu.vector_store %arg13[%swap3A_135, %swap3A_136], %swap3A_139 {strides = array<i32>} : memref<64x128xf32, #tpu.memory_space<vmem>>, vector<1x16xf32>,
      %swap3A_140 = arith.index_cast %scan3A_124 : i32 to index
      %swap3A_141 = arith.constant 48 : index
      %swap3A_142 = tpu.vector_load %arg13[%swap3A_140, %swap3A_141] {strides = array<i32>} : memref<64x128xf32, #tpu.memory_space<vmem>>, vector<1x16xf32>,
      %swap3A_143 = vector.shape_cast %swap3A_142 : vector<1x16xf32> to vector<16xf32>
      %swap3A_144 = vector.shape_cast %broadcast_in_dim3A_0 : vector<16xf32> to vector<1x16xf32>
      tpu.vector_store %arg13[%swap3A_140, %swap3A_141], %swap3A_144 {strides = array<i32>} : memref<64x128xf32, #tpu.memory_space<vmem>>, vector<1x16xf32>,
      %swap3A_145 = arith.index_cast %scan3A_124 : i32 to index
      %swap3A_146 = arith.constant 64 : index
      %swap3A_147 = tpu.vector_load %arg13[%swap3A_145, %swap3A_146] {strides = array<i32>} : memref<64x128xf32, #tpu.memory_space<vmem>>, vector<1x16xf32>,
      %swap3A_148 = vector.shape_cast %swap3A_147 : vector<1x16xf32> to vector<16xf32>
      %swap3A_149 = vector.shape_cast %broadcast_in_dim3A_0 : vector<16xf32> to vector<1x16xf32>
      tpu.vector_store %arg13[%swap3A_145, %swap3A_146], %swap3A_149 {strides = array<i32>} : memref<64x128xf32, #tpu.memory_space<vmem>>, vector<1x16xf32>,
      %swap3A_150 = arith.index_cast %scan3A_124 : i32 to index
      %swap3A_151 = arith.constant 80 : index
      %swap3A_152 = tpu.vector_load %arg13[%swap3A_150, %swap3A_151] {strides = array<i32>} : memref<64x128xf32, #tpu.memory_space<vmem>>, vector<1x16xf32>,
      %swap3A_153 = vector.shape_cast %swap3A_152 : vector<1x16xf32> to vector<16xf32>
      %swap3A_154 = vector.shape_cast %broadcast_in_dim3A_0 : vector<16xf32> to vector<1x16xf32>
      tpu.vector_store %arg13[%swap3A_150, %swap3A_151], %swap3A_154 {strides = array<i32>} : memref<64x128xf32, #tpu.memory_space<vmem>>, vector<1x16xf32>,
      %swap3A_155 = arith.index_cast %scan3A_124 : i32 to index
      %swap3A_156 = arith.constant 96 : index
      %swap3A_157 = tpu.vector_load %arg13[%swap3A_155, %swap3A_156] {strides = array<i32>} : memref<64x128xf32, #tpu.memory_space<vmem>>, vector<1x16xf32>,
      %swap3A_158 = vector.shape_cast %swap3A_157 : vector<1x16xf32> to vector<16xf32>
      %swap3A_159 = vector.shape_cast %broadcast_in_dim3A_0 : vector<16xf32> to vector<1x16xf32>
      tpu.vector_store %arg13[%swap3A_155, %swap3A_156], %swap3A_159 {strides = array<i32>} : memref<64x128xf32, #tpu.memory_space<vmem>>, vector<1x16xf32>,
      %swap3A_160 = arith.index_cast %scan3A_124 : i32 to index
      %swap3A_161 = arith.constant 112 : index
      %swap3A_162 = tpu.vector_load %arg13[%swap3A_160, %swap3A_161] {strides = array<i32>} : memref<64x128xf32, #tpu.memory_space<vmem>>, vector<1x16xf32>,
      %swap3A_163 = vector.shape_cast %swap3A_162 : vector<1x16xf32> to vector<16xf32>
      %swap3A_164 = vector.shape_cast %broadcast_in_dim3A_0 : vector<16xf32> to vector<1x16xf32>
      tpu.vector_store %arg13[%swap3A_160, %swap3A_161], %swap3A_164 {strides = array<i32>} : memref<64x128xf32, #tpu.memory_space<vmem>>, vector<1x16xf32>,
      %scan3A_165 = arith.constant 0 : i32
      scf.yield %scan3A_165 : i32
    }
    %scan3A_77 = arith.constant 64 : i32
    %scan3A_78 = arith.constant 0 : i32
    %scan3A_79 = arith.constant 0 : i32
    %scan3A_80 = arith.constant 64 : i32
    %scan3A_81 = arith.addi %scan3A_79, %scan3A_80 : i32
    %scan3A_82 = arith.constant 1 : i32
    %scan3A_83 = scf.for %scan3A_124 = %scan3A_79 to %scan3A_81 step %scan3A_82 iter_args(%scan3A_125 = %scan3A_78) -> (i32)  : i32 {
      %swap3A = arith.index_cast %scan3A_124 : i32 to index
      %swap3A_126 = arith.constant 0 : index
      %swap3A_127 = tpu.vector_load %arg18[%swap3A, %swap3A_126] {strides = array<i32>} : memref<64x128xf32, #tpu.memory_space<vmem>>, vector<1x16xf32>,
      %swap3A_128 = vector.shape_cast %swap3A_127 : vector<1x16xf32> to vector<16xf32>
      %swap3A_129 = vector.shape_cast %broadcast_in_dim3A_0 : vector<16xf32> to vector<1x16xf32>
      tpu.vector_store %arg18[%swap3A, %swap3A_126], %swap3A_129 {strides = array<i32>} : memref<64x128xf32, #tpu.memory_space<vmem>>, vector<1x16xf32>,
      %swap3A_130 = arith.index_cast %scan3A_124 : i32 to index
      %swap3A_131 = arith.constant 16 : index
      %swap3A_132 = tpu.vector_load %arg18[%swap3A_130, %swap3A_131] {strides = array<i32>} : memref<64x128xf32, #tpu.memory_space<vmem>>, vector<1x16xf32>,
      %swap3A_133 = vector.shape_cast %swap3A_132 : vector<1x16xf32> to vector<16xf32>
      %swap3A_134 = vector.shape_cast %broadcast_in_dim3A_0 : vector<16xf32> to vector<1x16xf32>
      tpu.vector_store %arg18[%swap3A_130, %swap3A_131], %swap3A_134 {strides = array<i32>} : memref<64x128xf32, #tpu.memory_space<vmem>>, vector<1x16xf32>,
      %swap3A_135 = arith.index_cast %scan3A_124 : i32 to index
      %swap3A_136 = arith.constant 32 : index
      %swap3A_137 = tpu.vector_load %arg18[%swap3A_135, %swap3A_136] {strides = array<i32>} : memref<64x128xf32, #tpu.memory_space<vmem>>, vector<1x16xf32>,
      %swap3A_138 = vector.shape_cast %swap3A_137 : vector<1x16xf32> to vector<16xf32>
      %swap3A_139 = vector.shape_cast %broadcast_in_dim3A_0 : vector<16xf32> to vector<1x16xf32>
      tpu.vector_store %arg18[%swap3A_135, %swap3A_136], %swap3A_139 {strides = array<i32>} : memref<64x128xf32, #tpu.memory_space<vmem>>, vector<1x16xf32>,
      %swap3A_140 = arith.index_cast %scan3A_124 : i32 to index
      %swap3A_141 = arith.constant 48 : index
      %swap3A_142 = tpu.vector_load %arg18[%swap3A_140, %swap3A_141] {strides = array<i32>} : memref<64x128xf32, #tpu.memory_space<vmem>>, vector<1x16xf32>,
      %swap3A_143 = vector.shape_cast %swap3A_142 : vector<1x16xf32> to vector<16xf32>
      %swap3A_144 = vector.shape_cast %broadcast_in_dim3A_0 : vector<16xf32> to vector<1x16xf32>
      tpu.vector_store %arg18[%swap3A_140, %swap3A_141], %swap3A_144 {strides = array<i32>} : memref<64x128xf32, #tpu.memory_space<vmem>>, vector<1x16xf32>,
      %swap3A_145 = arith.index_cast %scan3A_124 : i32 to index
      %swap3A_146 = arith.constant 64 : index
      %swap3A_147 = tpu.vector_load %arg18[%swap3A_145, %swap3A_146] {strides = array<i32>} : memref<64x128xf32, #tpu.memory_space<vmem>>, vector<1x16xf32>,
      %swap3A_148 = vector.shape_cast %swap3A_147 : vector<1x16xf32> to vector<16xf32>
      %swap3A_149 = vector.shape_cast %broadcast_in_dim3A_0 : vector<16xf32> to vector<1x16xf32>
      tpu.vector_store %arg18[%swap3A_145, %swap3A_146], %swap3A_149 {strides = array<i32>} : memref<64x128xf32, #tpu.memory_space<vmem>>, vector<1x16xf32>,
      %swap3A_150 = arith.index_cast %scan3A_124 : i32 to index
      %swap3A_151 = arith.constant 80 : index
      %swap3A_152 = tpu.vector_load %arg18[%swap3A_150, %swap3A_151] {strides = array<i32>} : memref<64x128xf32, #tpu.memory_space<vmem>>, vector<1x16xf32>,
      %swap3A_153 = vector.shape_cast %swap3A_152 : vector<1x16xf32> to vector<16xf32>
      %swap3A_154 = vector.shape_cast %broadcast_in_dim3A_0 : vector<16xf32> to vector<1x16xf32>
      tpu.vector_store %arg18[%swap3A_150, %swap3A_151], %swap3A_154 {strides = array<i32>} : memref<64x128xf32, #tpu.memory_space<vmem>>, vector<1x16xf32>,
      %swap3A_155 = arith.index_cast %scan3A_124 : i32 to index
      %swap3A_156 = arith.constant 96 : index
      %swap3A_157 = tpu.vector_load %arg18[%swap3A_155, %swap3A_156] {strides = array<i32>} : memref<64x128xf32, #tpu.memory_space<vmem>>, vector<1x16xf32>,
      %swap3A_158 = vector.shape_cast %swap3A_157 : vector<1x16xf32> to vector<16xf32>
      %swap3A_159 = vector.shape_cast %broadcast_in_dim3A_0 : vector<16xf32> to vector<1x16xf32>
      tpu.vector_store %arg18[%swap3A_155, %swap3A_156], %swap3A_159 {strides = array<i32>} : memref<64x128xf32, #tpu.memory_space<vmem>>, vector<1x16xf32>,
      %swap3A_160 = arith.index_cast %scan3A_124 : i32 to index
      %swap3A_161 = arith.constant 112 : index
      %swap3A_162 = tpu.vector_load %arg18[%swap3A_160, %swap3A_161] {strides = array<i32>} : memref<64x128xf32, #tpu.memory_space<vmem>>, vector<1x16xf32>,
      %swap3A_163 = vector.shape_cast %swap3A_162 : vector<1x16xf32> to vector<16xf32>
      %swap3A_164 = vector.shape_cast %broadcast_in_dim3A_0 : vector<16xf32> to vector<1x16xf32>
      tpu.vector_store %arg18[%swap3A_160, %swap3A_161], %swap3A_164 {strides = array<i32>} : memref<64x128xf32, #tpu.memory_space<vmem>>, vector<1x16xf32>,
      %scan3A_165 = arith.constant 0 : i32
      scf.yield %scan3A_165 : i32
    }
    %scan3A_84 = arith.constant 64 : i32
    %add3A_85 = arith.constant 0 : i32
    %add3A_86 = arith.addi %mul3A_70, %add3A_85 : i32
    "tpu.region"() ({
      %run_scoped3A = tpu.sem_alloc : memref<!tpu.dma_semaphore, #tpu.memory_space<semaphore_mem>>
      %dma_start3A = arith.constant 0 : i32
      %dma_start3A_124 = tpu.memref_slice %arg20[%add3A_86, %dma_start3A] : memref<12544x128xf32, #tpu.memory_space<vmem_shared>> -> memref<64x128xf32, #tpu.memory_space<vmem_shared>>
      %dma_start3A_125 = arith.constant 0 : i32
      %dma_start3A_126 = tpu.memref_slice %arg20[%add3A_86, %dma_start3A_125] : memref<12544x128xf32, #tpu.memory_space<vmem_shared>> -> memref<64x128xf32, #tpu.memory_space<vmem_shared>>
      tpu.enqueue_dma source(%arg13 : memref<64x128xf32, #tpu.memory_space<vmem>>) target(%dma_start3A_126 : memref<64x128xf32, #tpu.memory_space<vmem_shared>>) target_semaphore(%run_scoped3A : memref<!tpu.dma_semaphore, #tpu.memory_space<semaphore_mem>>)
      %dma_wait3A = arith.constant 0 : i32
      %dma_wait3A_127 = tpu.memref_slice %arg20[%add3A_86, %dma_wait3A] : memref<12544x128xf32, #tpu.memory_space<vmem_shared>> -> memref<64x128xf32, #tpu.memory_space<vmem_shared>>
      %dma_wait3A_128 = arith.constant 0 : i32
      %dma_wait3A_129 = tpu.memref_slice %arg20[%add3A_86, %dma_wait3A_128] : memref<12544x128xf32, #tpu.memory_space<vmem_shared>> -> memref<64x128xf32, #tpu.memory_space<vmem_shared>>
      tpu.wait_dma2 semaphore(%run_scoped3A : memref<!tpu.dma_semaphore, #tpu.memory_space<semaphore_mem>>) src(%arg13 : memref<64x128xf32, #tpu.memory_space<vmem>>) dst(%dma_wait3A_129 : memref<64x128xf32, #tpu.memory_space<vmem_shared>>)
      tpu.yield
    }) : () -> ()
    %add3A_87 = arith.constant 64 : i32
    %add3A_88 = arith.addi %mul3A_70, %add3A_87 : i32
    "tpu.region"() ({
      %run_scoped3A = tpu.sem_alloc : memref<!tpu.dma_semaphore, #tpu.memory_space<semaphore_mem>>
      %dma_start3A = arith.constant 0 : i32
      %dma_start3A_124 = tpu.memref_slice %arg20[%add3A_88, %dma_start3A] : memref<12544x128xf32, #tpu.memory_space<vmem_shared>> -> memref<64x128xf32, #tpu.memory_space<vmem_shared>>
      %dma_start3A_125 = arith.constant 0 : i32
      %dma_start3A_126 = tpu.memref_slice %arg20[%add3A_88, %dma_start3A_125] : memref<12544x128xf32, #tpu.memory_space<vmem_shared>> -> memref<64x128xf32, #tpu.memory_space<vmem_shared>>
      tpu.enqueue_dma source(%arg18 : memref<64x128xf32, #tpu.memory_space<vmem>>) target(%dma_start3A_126 : memref<64x128xf32, #tpu.memory_space<vmem_shared>>) target_semaphore(%run_scoped3A : memref<!tpu.dma_semaphore, #tpu.memory_space<semaphore_mem>>)
      %dma_wait3A = arith.constant 0 : i32
      %dma_wait3A_127 = tpu.memref_slice %arg20[%add3A_88, %dma_wait3A] : memref<12544x128xf32, #tpu.memory_space<vmem_shared>> -> memref<64x128xf32, #tpu.memory_space<vmem_shared>>
      %dma_wait3A_128 = arith.constant 0 : i32
      %dma_wait3A_129 = tpu.memref_slice %arg20[%add3A_88, %dma_wait3A_128] : memref<12544x128xf32, #tpu.memory_space<vmem_shared>> -> memref<64x128xf32, #tpu.memory_space<vmem_shared>>
      tpu.wait_dma2 semaphore(%run_scoped3A : memref<!tpu.dma_semaphore, #tpu.memory_space<semaphore_mem>>) src(%arg18 : memref<64x128xf32, #tpu.memory_space<vmem>>) dst(%dma_wait3A_129 : memref<64x128xf32, #tpu.memory_space<vmem_shared>>)
      tpu.yield
    }) : () -> ()
    %add3A_89 = arith.constant 128 : i32
    %add3A_90 = arith.addi %mul3A_70, %add3A_89 : i32
    "tpu.region"() ({
      %run_scoped3A = tpu.sem_alloc : memref<!tpu.dma_semaphore, #tpu.memory_space<semaphore_mem>>
      %dma_start3A = arith.constant 0 : i32
      %dma_start3A_124 = tpu.memref_slice %arg20[%add3A_90, %dma_start3A] : memref<12544x128xf32, #tpu.memory_space<vmem_shared>> -> memref<64x128xf32, #tpu.memory_space<vmem_shared>>
      %dma_start3A_125 = arith.constant 0 : i32
      %dma_start3A_126 = tpu.memref_slice %arg20[%add3A_90, %dma_start3A_125] : memref<12544x128xf32, #tpu.memory_space<vmem_shared>> -> memref<64x128xf32, #tpu.memory_space<vmem_shared>>
      tpu.enqueue_dma source(%arg13 : memref<64x128xf32, #tpu.memory_space<vmem>>) target(%dma_start3A_126 : memref<64x128xf32, #tpu.memory_space<vmem_shared>>) target_semaphore(%run_scoped3A : memref<!tpu.dma_semaphore, #tpu.memory_space<semaphore_mem>>)
      %dma_wait3A = arith.constant 0 : i32
      %dma_wait3A_127 = tpu.memref_slice %arg20[%add3A_90, %dma_wait3A] : memref<12544x128xf32, #tpu.memory_space<vmem_shared>> -> memref<64x128xf32, #tpu.memory_space<vmem_shared>>
      %dma_wait3A_128 = arith.constant 0 : i32
      %dma_wait3A_129 = tpu.memref_slice %arg20[%add3A_90, %dma_wait3A_128] : memref<12544x128xf32, #tpu.memory_space<vmem_shared>> -> memref<64x128xf32, #tpu.memory_space<vmem_shared>>
      tpu.wait_dma2 semaphore(%run_scoped3A : memref<!tpu.dma_semaphore, #tpu.memory_space<semaphore_mem>>) src(%arg13 : memref<64x128xf32, #tpu.memory_space<vmem>>) dst(%dma_wait3A_129 : memref<64x128xf32, #tpu.memory_space<vmem_shared>>)
      tpu.yield
    }) : () -> ()
    %add3A_91 = arith.constant 192 : i32
    %add3A_92 = arith.addi %mul3A_70, %add3A_91 : i32
    "tpu.region"() ({
      %run_scoped3A = tpu.sem_alloc : memref<!tpu.dma_semaphore, #tpu.memory_space<semaphore_mem>>
      %dma_start3A = arith.constant 0 : i32
      %dma_start3A_124 = tpu.memref_slice %arg20[%add3A_92, %dma_start3A] : memref<12544x128xf32, #tpu.memory_space<vmem_shared>> -> memref<64x128xf32, #tpu.memory_space<vmem_shared>>
      %dma_start3A_125 = arith.constant 0 : i32
      %dma_start3A_126 = tpu.memref_slice %arg20[%add3A_92, %dma_start3A_125] : memref<12544x128xf32, #tpu.memory_space<vmem_shared>> -> memref<64x128xf32, #tpu.memory_space<vmem_shared>>
      tpu.enqueue_dma source(%arg18 : memref<64x128xf32, #tpu.memory_space<vmem>>) target(%dma_start3A_126 : memref<64x128xf32, #tpu.memory_space<vmem_shared>>) target_semaphore(%run_scoped3A : memref<!tpu.dma_semaphore, #tpu.memory_space<semaphore_mem>>)
      %dma_wait3A = arith.constant 0 : i32
      %dma_wait3A_127 = tpu.memref_slice %arg20[%add3A_92, %dma_wait3A] : memref<12544x128xf32, #tpu.memory_space<vmem_shared>> -> memref<64x128xf32, #tpu.memory_space<vmem_shared>>
      %dma_wait3A_128 = arith.constant 0 : i32
      %dma_wait3A_129 = tpu.memref_slice %arg20[%add3A_92, %dma_wait3A_128] : memref<12544x128xf32, #tpu.memory_space<vmem_shared>> -> memref<64x128xf32, #tpu.memory_space<vmem_shared>>
      tpu.wait_dma2 semaphore(%run_scoped3A : memref<!tpu.dma_semaphore, #tpu.memory_space<semaphore_mem>>) src(%arg18 : memref<64x128xf32, #tpu.memory_space<vmem>>) dst(%dma_wait3A_129 : memref<64x128xf32, #tpu.memory_space<vmem_shared>>)
      tpu.yield
    }) : () -> ()
    %add3A_93 = arith.constant 256 : i32
    %add3A_94 = arith.addi %mul3A_70, %add3A_93 : i32
    "tpu.region"() ({
      %run_scoped3A = tpu.sem_alloc : memref<!tpu.dma_semaphore, #tpu.memory_space<semaphore_mem>>
      %dma_start3A = arith.constant 0 : i32
      %dma_start3A_124 = tpu.memref_slice %arg20[%add3A_94, %dma_start3A] : memref<12544x128xf32, #tpu.memory_space<vmem_shared>> -> memref<64x128xf32, #tpu.memory_space<vmem_shared>>
      %dma_start3A_125 = arith.constant 0 : i32
      %dma_start3A_126 = tpu.memref_slice %arg20[%add3A_94, %dma_start3A_125] : memref<12544x128xf32, #tpu.memory_space<vmem_shared>> -> memref<64x128xf32, #tpu.memory_space<vmem_shared>>
      tpu.enqueue_dma source(%arg13 : memref<64x128xf32, #tpu.memory_space<vmem>>) target(%dma_start3A_126 : memref<64x128xf32, #tpu.memory_space<vmem_shared>>) target_semaphore(%run_scoped3A : memref<!tpu.dma_semaphore, #tpu.memory_space<semaphore_mem>>)
      %dma_wait3A = arith.constant 0 : i32
      %dma_wait3A_127 = tpu.memref_slice %arg20[%add3A_94, %dma_wait3A] : memref<12544x128xf32, #tpu.memory_space<vmem_shared>> -> memref<64x128xf32, #tpu.memory_space<vmem_shared>>
      %dma_wait3A_128 = arith.constant 0 : i32
      %dma_wait3A_129 = tpu.memref_slice %arg20[%add3A_94, %dma_wait3A_128] : memref<12544x128xf32, #tpu.memory_space<vmem_shared>> -> memref<64x128xf32, #tpu.memory_space<vmem_shared>>
      tpu.wait_dma2 semaphore(%run_scoped3A : memref<!tpu.dma_semaphore, #tpu.memory_space<semaphore_mem>>) src(%arg13 : memref<64x128xf32, #tpu.memory_space<vmem>>) dst(%dma_wait3A_129 : memref<64x128xf32, #tpu.memory_space<vmem_shared>>)
      tpu.yield
    }) : () -> ()
    %add3A_95 = arith.constant 320 : i32
    %add3A_96 = arith.addi %mul3A_70, %add3A_95 : i32
    "tpu.region"() ({
      %run_scoped3A = tpu.sem_alloc : memref<!tpu.dma_semaphore, #tpu.memory_space<semaphore_mem>>
      %dma_start3A = arith.constant 0 : i32
      %dma_start3A_124 = tpu.memref_slice %arg20[%add3A_96, %dma_start3A] : memref<12544x128xf32, #tpu.memory_space<vmem_shared>> -> memref<64x128xf32, #tpu.memory_space<vmem_shared>>
      %dma_start3A_125 = arith.constant 0 : i32
      %dma_start3A_126 = tpu.memref_slice %arg20[%add3A_96, %dma_start3A_125] : memref<12544x128xf32, #tpu.memory_space<vmem_shared>> -> memref<64x128xf32, #tpu.memory_space<vmem_shared>>
      tpu.enqueue_dma source(%arg18 : memref<64x128xf32, #tpu.memory_space<vmem>>) target(%dma_start3A_126 : memref<64x128xf32, #tpu.memory_space<vmem_shared>>) target_semaphore(%run_scoped3A : memref<!tpu.dma_semaphore, #tpu.memory_space<semaphore_mem>>)
      %dma_wait3A = arith.constant 0 : i32
      %dma_wait3A_127 = tpu.memref_slice %arg20[%add3A_96, %dma_wait3A] : memref<12544x128xf32, #tpu.memory_space<vmem_shared>> -> memref<64x128xf32, #tpu.memory_space<vmem_shared>>
      %dma_wait3A_128 = arith.constant 0 : i32
      %dma_wait3A_129 = tpu.memref_slice %arg20[%add3A_96, %dma_wait3A_128] : memref<12544x128xf32, #tpu.memory_space<vmem_shared>> -> memref<64x128xf32, #tpu.memory_space<vmem_shared>>
      tpu.wait_dma2 semaphore(%run_scoped3A : memref<!tpu.dma_semaphore, #tpu.memory_space<semaphore_mem>>) src(%arg18 : memref<64x128xf32, #tpu.memory_space<vmem>>) dst(%dma_wait3A_129 : memref<64x128xf32, #tpu.memory_space<vmem_shared>>)
      tpu.yield
    }) : () -> ()
    %add3A_97 = arith.constant 384 : i32
    %add3A_98 = arith.addi %mul3A_70, %add3A_97 : i32
    "tpu.region"() ({
      %run_scoped3A = tpu.sem_alloc : memref<!tpu.dma_semaphore, #tpu.memory_space<semaphore_mem>>
      %dma_start3A = arith.constant 0 : i32
      %dma_start3A_124 = tpu.memref_slice %arg20[%add3A_98, %dma_start3A] : memref<12544x128xf32, #tpu.memory_space<vmem_shared>> -> memref<64x128xf32, #tpu.memory_space<vmem_shared>>
      %dma_start3A_125 = arith.constant 0 : i32
      %dma_start3A_126 = tpu.memref_slice %arg20[%add3A_98, %dma_start3A_125] : memref<12544x128xf32, #tpu.memory_space<vmem_shared>> -> memref<64x128xf32, #tpu.memory_space<vmem_shared>>
      tpu.enqueue_dma source(%arg13 : memref<64x128xf32, #tpu.memory_space<vmem>>) target(%dma_start3A_126 : memref<64x128xf32, #tpu.memory_space<vmem_shared>>) target_semaphore(%run_scoped3A : memref<!tpu.dma_semaphore, #tpu.memory_space<semaphore_mem>>)
      %dma_wait3A = arith.constant 0 : i32
      %dma_wait3A_127 = tpu.memref_slice %arg20[%add3A_98, %dma_wait3A] : memref<12544x128xf32, #tpu.memory_space<vmem_shared>> -> memref<64x128xf32, #tpu.memory_space<vmem_shared>>
      %dma_wait3A_128 = arith.constant 0 : i32
      %dma_wait3A_129 = tpu.memref_slice %arg20[%add3A_98, %dma_wait3A_128] : memref<12544x128xf32, #tpu.memory_space<vmem_shared>> -> memref<64x128xf32, #tpu.memory_space<vmem_shared>>
      tpu.wait_dma2 semaphore(%run_scoped3A : memref<!tpu.dma_semaphore, #tpu.memory_space<semaphore_mem>>) src(%arg13 : memref<64x128xf32, #tpu.memory_space<vmem>>) dst(%dma_wait3A_129 : memref<64x128xf32, #tpu.memory_space<vmem_shared>>)
      tpu.yield
    }) : () -> ()
    %add3A_99 = arith.constant 448 : i32
    %add3A_100 = arith.addi %mul3A_70, %add3A_99 : i32
    "tpu.region"() ({
      %run_scoped3A = tpu.sem_alloc : memref<!tpu.dma_semaphore, #tpu.memory_space<semaphore_mem>>
      %dma_start3A = arith.constant 0 : i32
      %dma_start3A_124 = tpu.memref_slice %arg20[%add3A_100, %dma_start3A] : memref<12544x128xf32, #tpu.memory_space<vmem_shared>> -> memref<64x128xf32, #tpu.memory_space<vmem_shared>>
      %dma_start3A_125 = arith.constant 0 : i32
      %dma_start3A_126 = tpu.memref_slice %arg20[%add3A_100, %dma_start3A_125] : memref<12544x128xf32, #tpu.memory_space<vmem_shared>> -> memref<64x128xf32, #tpu.memory_space<vmem_shared>>
      tpu.enqueue_dma source(%arg18 : memref<64x128xf32, #tpu.memory_space<vmem>>) target(%dma_start3A_126 : memref<64x128xf32, #tpu.memory_space<vmem_shared>>) target_semaphore(%run_scoped3A : memref<!tpu.dma_semaphore, #tpu.memory_space<semaphore_mem>>)
      %dma_wait3A = arith.constant 0 : i32
      %dma_wait3A_127 = tpu.memref_slice %arg20[%add3A_100, %dma_wait3A] : memref<12544x128xf32, #tpu.memory_space<vmem_shared>> -> memref<64x128xf32, #tpu.memory_space<vmem_shared>>
      %dma_wait3A_128 = arith.constant 0 : i32
      %dma_wait3A_129 = tpu.memref_slice %arg20[%add3A_100, %dma_wait3A_128] : memref<12544x128xf32, #tpu.memory_space<vmem_shared>> -> memref<64x128xf32, #tpu.memory_space<vmem_shared>>
      tpu.wait_dma2 semaphore(%run_scoped3A : memref<!tpu.dma_semaphore, #tpu.memory_space<semaphore_mem>>) src(%arg18 : memref<64x128xf32, #tpu.memory_space<vmem>>) dst(%dma_wait3A_129 : memref<64x128xf32, #tpu.memory_space<vmem_shared>>)
      tpu.yield
    }) : () -> ()
    %add3A_101 = arith.constant 512 : i32
    %add3A_102 = arith.addi %mul3A_70, %add3A_101 : i32
    "tpu.region"() ({
      %run_scoped3A = tpu.sem_alloc : memref<!tpu.dma_semaphore, #tpu.memory_space<semaphore_mem>>
      %dma_start3A = arith.constant 0 : i32
      %dma_start3A_124 = tpu.memref_slice %arg20[%add3A_102, %dma_start3A] : memref<12544x128xf32, #tpu.memory_space<vmem_shared>> -> memref<64x128xf32, #tpu.memory_space<vmem_shared>>
      %dma_start3A_125 = arith.constant 0 : i32
      %dma_start3A_126 = tpu.memref_slice %arg20[%add3A_102, %dma_start3A_125] : memref<12544x128xf32, #tpu.memory_space<vmem_shared>> -> memref<64x128xf32, #tpu.memory_space<vmem_shared>>
      tpu.enqueue_dma source(%arg13 : memref<64x128xf32, #tpu.memory_space<vmem>>) target(%dma_start3A_126 : memref<64x128xf32, #tpu.memory_space<vmem_shared>>) target_semaphore(%run_scoped3A : memref<!tpu.dma_semaphore, #tpu.memory_space<semaphore_mem>>)
      %dma_wait3A = arith.constant 0 : i32
      %dma_wait3A_127 = tpu.memref_slice %arg20[%add3A_102, %dma_wait3A] : memref<12544x128xf32, #tpu.memory_space<vmem_shared>> -> memref<64x128xf32, #tpu.memory_space<vmem_shared>>
      %dma_wait3A_128 = arith.constant 0 : i32
      %dma_wait3A_129 = tpu.memref_slice %arg20[%add3A_102, %dma_wait3A_128] : memref<12544x128xf32, #tpu.memory_space<vmem_shared>> -> memref<64x128xf32, #tpu.memory_space<vmem_shared>>
      tpu.wait_dma2 semaphore(%run_scoped3A : memref<!tpu.dma_semaphore, #tpu.memory_space<semaphore_mem>>) src(%arg13 : memref<64x128xf32, #tpu.memory_space<vmem>>) dst(%dma_wait3A_129 : memref<64x128xf32, #tpu.memory_space<vmem_shared>>)
      tpu.yield
    }) : () -> ()
    %add3A_103 = arith.constant 576 : i32
    %add3A_104 = arith.addi %mul3A_70, %add3A_103 : i32
    "tpu.region"() ({
      %run_scoped3A = tpu.sem_alloc : memref<!tpu.dma_semaphore, #tpu.memory_space<semaphore_mem>>
      %dma_start3A = arith.constant 0 : i32
      %dma_start3A_124 = tpu.memref_slice %arg20[%add3A_104, %dma_start3A] : memref<12544x128xf32, #tpu.memory_space<vmem_shared>> -> memref<64x128xf32, #tpu.memory_space<vmem_shared>>
      %dma_start3A_125 = arith.constant 0 : i32
      %dma_start3A_126 = tpu.memref_slice %arg20[%add3A_104, %dma_start3A_125] : memref<12544x128xf32, #tpu.memory_space<vmem_shared>> -> memref<64x128xf32, #tpu.memory_space<vmem_shared>>
      tpu.enqueue_dma source(%arg18 : memref<64x128xf32, #tpu.memory_space<vmem>>) target(%dma_start3A_126 : memref<64x128xf32, #tpu.memory_space<vmem_shared>>) target_semaphore(%run_scoped3A : memref<!tpu.dma_semaphore, #tpu.memory_space<semaphore_mem>>)
      %dma_wait3A = arith.constant 0 : i32
      %dma_wait3A_127 = tpu.memref_slice %arg20[%add3A_104, %dma_wait3A] : memref<12544x128xf32, #tpu.memory_space<vmem_shared>> -> memref<64x128xf32, #tpu.memory_space<vmem_shared>>
      %dma_wait3A_128 = arith.constant 0 : i32
      %dma_wait3A_129 = tpu.memref_slice %arg20[%add3A_104, %dma_wait3A_128] : memref<12544x128xf32, #tpu.memory_space<vmem_shared>> -> memref<64x128xf32, #tpu.memory_space<vmem_shared>>
      tpu.wait_dma2 semaphore(%run_scoped3A : memref<!tpu.dma_semaphore, #tpu.memory_space<semaphore_mem>>) src(%arg18 : memref<64x128xf32, #tpu.memory_space<vmem>>) dst(%dma_wait3A_129 : memref<64x128xf32, #tpu.memory_space<vmem_shared>>)
      tpu.yield
    }) : () -> ()
    %add3A_105 = arith.constant 640 : i32
    %add3A_106 = arith.addi %mul3A_70, %add3A_105 : i32
    "tpu.region"() ({
      %run_scoped3A = tpu.sem_alloc : memref<!tpu.dma_semaphore, #tpu.memory_space<semaphore_mem>>
      %dma_start3A = arith.constant 0 : i32
      %dma_start3A_124 = tpu.memref_slice %arg20[%add3A_106, %dma_start3A] : memref<12544x128xf32, #tpu.memory_space<vmem_shared>> -> memref<64x128xf32, #tpu.memory_space<vmem_shared>>
      %dma_start3A_125 = arith.constant 0 : i32
      %dma_start3A_126 = tpu.memref_slice %arg20[%add3A_106, %dma_start3A_125] : memref<12544x128xf32, #tpu.memory_space<vmem_shared>> -> memref<64x128xf32, #tpu.memory_space<vmem_shared>>
      tpu.enqueue_dma source(%arg13 : memref<64x128xf32, #tpu.memory_space<vmem>>) target(%dma_start3A_126 : memref<64x128xf32, #tpu.memory_space<vmem_shared>>) target_semaphore(%run_scoped3A : memref<!tpu.dma_semaphore, #tpu.memory_space<semaphore_mem>>)
      %dma_wait3A = arith.constant 0 : i32
      %dma_wait3A_127 = tpu.memref_slice %arg20[%add3A_106, %dma_wait3A] : memref<12544x128xf32, #tpu.memory_space<vmem_shared>> -> memref<64x128xf32, #tpu.memory_space<vmem_shared>>
      %dma_wait3A_128 = arith.constant 0 : i32
      %dma_wait3A_129 = tpu.memref_slice %arg20[%add3A_106, %dma_wait3A_128] : memref<12544x128xf32, #tpu.memory_space<vmem_shared>> -> memref<64x128xf32, #tpu.memory_space<vmem_shared>>
      tpu.wait_dma2 semaphore(%run_scoped3A : memref<!tpu.dma_semaphore, #tpu.memory_space<semaphore_mem>>) src(%arg13 : memref<64x128xf32, #tpu.memory_space<vmem>>) dst(%dma_wait3A_129 : memref<64x128xf32, #tpu.memory_space<vmem_shared>>)
      tpu.yield
    }) : () -> ()
    %add3A_107 = arith.constant 704 : i32
    %add3A_108 = arith.addi %mul3A_70, %add3A_107 : i32
    "tpu.region"() ({
      %run_scoped3A = tpu.sem_alloc : memref<!tpu.dma_semaphore, #tpu.memory_space<semaphore_mem>>
      %dma_start3A = arith.constant 0 : i32
      %dma_start3A_124 = tpu.memref_slice %arg20[%add3A_108, %dma_start3A] : memref<12544x128xf32, #tpu.memory_space<vmem_shared>> -> memref<64x128xf32, #tpu.memory_space<vmem_shared>>
      %dma_start3A_125 = arith.constant 0 : i32
      %dma_start3A_126 = tpu.memref_slice %arg20[%add3A_108, %dma_start3A_125] : memref<12544x128xf32, #tpu.memory_space<vmem_shared>> -> memref<64x128xf32, #tpu.memory_space<vmem_shared>>
      tpu.enqueue_dma source(%arg18 : memref<64x128xf32, #tpu.memory_space<vmem>>) target(%dma_start3A_126 : memref<64x128xf32, #tpu.memory_space<vmem_shared>>) target_semaphore(%run_scoped3A : memref<!tpu.dma_semaphore, #tpu.memory_space<semaphore_mem>>)
      %dma_wait3A = arith.constant 0 : i32
      %dma_wait3A_127 = tpu.memref_slice %arg20[%add3A_108, %dma_wait3A] : memref<12544x128xf32, #tpu.memory_space<vmem_shared>> -> memref<64x128xf32, #tpu.memory_space<vmem_shared>>
      %dma_wait3A_128 = arith.constant 0 : i32
      %dma_wait3A_129 = tpu.memref_slice %arg20[%add3A_108, %dma_wait3A_128] : memref<12544x128xf32, #tpu.memory_space<vmem_shared>> -> memref<64x128xf32, #tpu.memory_space<vmem_shared>>
      tpu.wait_dma2 semaphore(%run_scoped3A : memref<!tpu.dma_semaphore, #tpu.memory_space<semaphore_mem>>) src(%arg18 : memref<64x128xf32, #tpu.memory_space<vmem>>) dst(%dma_wait3A_129 : memref<64x128xf32, #tpu.memory_space<vmem_shared>>)
      tpu.yield
    }) : () -> ()
    %add3A_109 = arith.constant 784 : i32
    %add3A_110 = arith.addi %mul3A_70, %add3A_109 : i32
    %sub3A_111 = arith.constant 16 : i32
    %sub3A_112 = arith.subi %add3A_110, %sub3A_111 : i32
    "tpu.region"() ({
      %run_scoped3A = tpu.sem_alloc : memref<!tpu.dma_semaphore, #tpu.memory_space<semaphore_mem>>
      %dma_start3A = arith.constant 0 : i32
      %dma_start3A_124 = arith.constant 0 : i32
      %dma_start3A_125 = tpu.memref_slice %arg13[%dma_start3A, %dma_start3A_124] : memref<64x128xf32, #tpu.memory_space<vmem>> -> memref<16x128xf32, #tpu.memory_space<vmem>>
      %dma_start3A_126 = arith.constant 0 : i32
      %dma_start3A_127 = tpu.memref_slice %arg20[%sub3A_112, %dma_start3A_126] : memref<12544x128xf32, #tpu.memory_space<vmem_shared>> -> memref<16x128xf32, #tpu.memory_space<vmem_shared>>
      %dma_start3A_128 = arith.constant 0 : i32
      %dma_start3A_129 = tpu.memref_slice %arg20[%sub3A_112, %dma_start3A_128] : memref<12544x128xf32, #tpu.memory_space<vmem_shared>> -> memref<16x128xf32, #tpu.memory_space<vmem_shared>>
      %dma_start3A_130 = arith.constant 0 : i32
      %dma_start3A_131 = arith.constant 0 : i32
      %dma_start3A_132 = tpu.memref_slice %arg13[%dma_start3A_130, %dma_start3A_131] : memref<64x128xf32, #tpu.memory_space<vmem>> -> memref<16x128xf32, #tpu.memory_space<vmem>>
      tpu.enqueue_dma source(%dma_start3A_132 : memref<16x128xf32, #tpu.memory_space<vmem>>) target(%dma_start3A_129 : memref<16x128xf32, #tpu.memory_space<vmem_shared>>) target_semaphore(%run_scoped3A : memref<!tpu.dma_semaphore, #tpu.memory_space<semaphore_mem>>)
      %dma_wait3A = arith.constant 0 : i32
      %dma_wait3A_133 = arith.constant 0 : i32
      %dma_wait3A_134 = tpu.memref_slice %arg13[%dma_wait3A, %dma_wait3A_133] : memref<64x128xf32, #tpu.memory_space<vmem>> -> memref<16x128xf32, #tpu.memory_space<vmem>>
      %dma_wait3A_135 = arith.constant 0 : i32
      %dma_wait3A_136 = tpu.memref_slice %arg20[%sub3A_112, %dma_wait3A_135] : memref<12544x128xf32, #tpu.memory_space<vmem_shared>> -> memref<16x128xf32, #tpu.memory_space<vmem_shared>>
      %dma_wait3A_137 = arith.constant 0 : i32
      %dma_wait3A_138 = tpu.memref_slice %arg20[%sub3A_112, %dma_wait3A_137] : memref<12544x128xf32, #tpu.memory_space<vmem_shared>> -> memref<16x128xf32, #tpu.memory_space<vmem_shared>>
      %dma_wait3A_139 = arith.constant 0 : i32
      %dma_wait3A_140 = arith.constant 0 : i32
      %dma_wait3A_141 = tpu.memref_slice %arg13[%dma_wait3A_139, %dma_wait3A_140] : memref<64x128xf32, #tpu.memory_space<vmem>> -> memref<16x128xf32, #tpu.memory_space<vmem>>
      tpu.wait_dma2 semaphore(%run_scoped3A : memref<!tpu.dma_semaphore, #tpu.memory_space<semaphore_mem>>) src(%dma_wait3A_141 : memref<16x128xf32, #tpu.memory_space<vmem>>) dst(%dma_wait3A_138 : memref<16x128xf32, #tpu.memory_space<vmem_shared>>)
      tpu.yield
    }) : () -> ()
    %barrier3A_113 = arith.constant 0 : index
    tpu.barrier barrier_id(%barrier3A_113)
    %scan3A_114 = arith.constant 0 : i32
    %scan3A_115 = arith.constant 0 : i32
    %scan3A_116 = arith.constant 14 : i32
    %scan3A_117 = arith.addi %scan3A_115, %scan3A_116 : i32
    %scan3A_118 = arith.constant 1 : i32
    %scan3A_119 = scf.for %scan3A_124 = %scan3A_115 to %scan3A_117 step %scan3A_118 iter_args(%scan3A_125 = %scan3A_114) -> (i32)  : i32 {
      %mul3A_126 = arith.constant 50176 : i32
      %mul3A_127 = arith.muli %arg1, %mul3A_126 : i32
      %mul3A_128 = arith.constant 3584 : i32
      %mul3A_129 = arith.muli %scan3A_124, %mul3A_128 : i32
      %add3A_130 = arith.addi %mul3A_127, %mul3A_129 : i32
      %dma_start3A = tpu.memref_slice %arg2[%add3A_130] : memref<802816xi32, #tpu.memory_space<hbm>> -> memref<3584xi32, #tpu.memory_space<hbm>>
      %dma_start3A_131 = tpu.memref_slice %arg2[%add3A_130] : memref<802816xi32, #tpu.memory_space<hbm>> -> memref<3584xi32, #tpu.memory_space<hbm>>
      tpu.enqueue_dma source(%dma_start3A_131 : memref<3584xi32, #tpu.memory_space<hbm>>) target(%arg7 : memref<3584xi32, #tpu.memory_space<vmem>>) target_semaphore(%arg14 : memref<!tpu.dma_semaphore, #tpu.memory_space<semaphore_mem>>)
      %dma_start3A_132 = tpu.memref_slice %arg3[%add3A_130] : memref<802816xi32, #tpu.memory_space<hbm>> -> memref<3584xi32, #tpu.memory_space<hbm>>
      %dma_start3A_133 = tpu.memref_slice %arg3[%add3A_130] : memref<802816xi32, #tpu.memory_space<hbm>> -> memref<3584xi32, #tpu.memory_space<hbm>>
      tpu.enqueue_dma source(%dma_start3A_133 : memref<3584xi32, #tpu.memory_space<hbm>>) target(%arg8 : memref<3584xi32, #tpu.memory_space<vmem>>) target_semaphore(%arg19 : memref<!tpu.dma_semaphore, #tpu.memory_space<semaphore_mem>>)
      %dma_start3A_134 = tpu.memref_slice %arg4[%add3A_130] : memref<802816xf32, #tpu.memory_space<hbm>> -> memref<3584xf32, #tpu.memory_space<hbm>>
      %dma_start3A_135 = tpu.memref_slice %arg4[%add3A_130] : memref<802816xf32, #tpu.memory_space<hbm>> -> memref<3584xf32, #tpu.memory_space<hbm>>
      tpu.enqueue_dma source(%dma_start3A_135 : memref<3584xf32, #tpu.memory_space<hbm>>) target(%arg9 : memref<3584xf32, #tpu.memory_space<vmem>>) target_semaphore(%arg14 : memref<!tpu.dma_semaphore, #tpu.memory_space<semaphore_mem>>)
      %dma_wait3A = tpu.memref_slice %arg2[%add3A_130] : memref<802816xi32, #tpu.memory_space<hbm>> -> memref<3584xi32, #tpu.memory_space<hbm>>
      %dma_wait3A_136 = tpu.memref_slice %arg2[%add3A_130] : memref<802816xi32, #tpu.memory_space<hbm>> -> memref<3584xi32, #tpu.memory_space<hbm>>
      tpu.wait_dma2 semaphore(%arg14 : memref<!tpu.dma_semaphore, #tpu.memory_space<semaphore_mem>>) src(%dma_wait3A_136 : memref<3584xi32, #tpu.memory_space<hbm>>) dst(%arg7 : memref<3584xi32, #tpu.memory_space<vmem>>)
      %dma_wait3A_137 = tpu.memref_slice %arg3[%add3A_130] : memref<802816xi32, #tpu.memory_space<hbm>> -> memref<3584xi32, #tpu.memory_space<hbm>>
      %dma_wait3A_138 = tpu.memref_slice %arg3[%add3A_130] : memref<802816xi32, #tpu.memory_space<hbm>> -> memref<3584xi32, #tpu.memory_space<hbm>>
      tpu.wait_dma2 semaphore(%arg19 : memref<!tpu.dma_semaphore, #tpu.memory_space<semaphore_mem>>) src(%dma_wait3A_138 : memref<3584xi32, #tpu.memory_space<hbm>>) dst(%arg8 : memref<3584xi32, #tpu.memory_space<vmem>>)
      %dma_wait3A_139 = tpu.memref_slice %arg4[%add3A_130] : memref<802816xf32, #tpu.memory_space<hbm>> -> memref<3584xf32, #tpu.memory_space<hbm>>
      %dma_wait3A_140 = tpu.memref_slice %arg4[%add3A_130] : memref<802816xf32, #tpu.memory_space<hbm>> -> memref<3584xf32, #tpu.memory_space<hbm>>
      tpu.wait_dma2 semaphore(%arg14 : memref<!tpu.dma_semaphore, #tpu.memory_space<semaphore_mem>>) src(%dma_wait3A_140 : memref<3584xf32, #tpu.memory_space<hbm>>) dst(%arg9 : memref<3584xf32, #tpu.memory_space<vmem>>)
      %get3A = arith.constant 0 : index
      %get3A_141 = tpu.vector_load %arg8[%get3A] {strides = array<i32>} : memref<3584xi32, #tpu.memory_space<vmem>>, vector<16xi32>,
      %get3A_142 = vector.shape_cast %get3A_141 : vector<16xi32> to vector<16xi32>
      %ge3A = vector.broadcast %mul3A_66 : i32 to vector<16xi32>
      %ge3A_143 = arith.cmpi sge, %get3A_142, %ge3A : vector<16xi32>
      %lt3A = vector.broadcast %add3A_68 : i32 to vector<16xi32>
      %lt3A_144 = arith.cmpi slt, %get3A_142, %lt3A : vector<16xi32>
      %and3A = arith.andi %ge3A_143, %lt3A_144 : vector<16xi1>
      %get3A_145 = arith.constant 0 : index
      %get3A_146 = tpu.vector_load %arg7[%get3A_145] {strides = array<i32>} : memref<3584xi32, #tpu.memory_space<vmem>>, vector<16xi32>,
      %get3A_147 = vector.shape_cast %get3A_146 : vector<16xi32> to vector<16xi32>
      %swap3A = arith.constant 0 : index
      %swap3A_148 = tpu.vector_load %arg10[%swap3A] {strides = array<i32>} : memref<64xi32, #tpu.memory_space<vmem>>, vector<16xi32>,
      %swap3A_149 = vector.shape_cast %swap3A_148 : vector<16xi32> to vector<16xi32>
      %swap3A_150 = vector.shape_cast %get3A_147 : vector<16xi32> to vector<16xi32>
      tpu.vector_store %arg10[%swap3A], %swap3A_150 {strides = array<i32>} : memref<64xi32, #tpu.memory_space<vmem>>, vector<16xi32>,
      %get3A_151 = arith.constant 0 : index
      %get3A_152 = tpu.vector_load %arg9[%get3A_151] {strides = array<i32>} : memref<3584xf32, #tpu.memory_space<vmem>>, vector<16xf32>,
      %get3A_153 = vector.shape_cast %get3A_152 : vector<16xf32> to vector<16xf32>
      %select_n3A = arith.select %and3A, %get3A_153, %broadcast_in_dim3A_0 : vector<16xi1>, vector<16xf32>
      %swap3A_154 = arith.constant 0 : index
      %swap3A_155 = tpu.vector_load %arg12[%swap3A_154] {strides = array<i32>} : memref<80xf32, #tpu.memory_space<vmem>>, vector<16xf32>,
      %swap3A_156 = vector.shape_cast %swap3A_155 : vector<16xf32> to vector<16xf32>
      %swap3A_157 = vector.shape_cast %select_n3A : vector<16xf32> to vector<16xf32>
      tpu.vector_store %arg12[%swap3A_154], %swap3A_157 {strides = array<i32>} : memref<80xf32, #tpu.memory_space<vmem>>, vector<16xf32>,
      %sub3A_158 = vector.broadcast %mul3A_66 : i32 to vector<16xi32>
      %sub3A_159 = arith.subi %get3A_142, %sub3A_158 : vector<16xi32>
      %select_n3A_160 = arith.select %and3A, %sub3A_159, %broadcast_in_dim3A_2 : vector<16xi1>, vector<16xi32>
      %swap3A_161 = arith.constant 0 : index
      %swap3A_162 = tpu.vector_load %arg11[%swap3A_161] {strides = array<i32>} : memref<64xi32, #tpu.memory_space<vmem>>, vector<16xi32>,
      %swap3A_163 = vector.shape_cast %swap3A_162 : vector<16xi32> to vector<16xi32>
      %swap3A_164 = vector.shape_cast %select_n3A_160 : vector<16xi32> to vector<16xi32>
      tpu.vector_store %arg11[%swap3A_161], %swap3A_164 {strides = array<i32>} : memref<64xi32, #tpu.memory_space<vmem>>, vector<16xi32>,
      %get3A_165 = arith.constant 16 : index
      %get3A_166 = tpu.vector_load %arg8[%get3A_165] {strides = array<i32>} : memref<3584xi32, #tpu.memory_space<vmem>>, vector<16xi32>,
      %get3A_167 = vector.shape_cast %get3A_166 : vector<16xi32> to vector<16xi32>
      %ge3A_168 = vector.broadcast %mul3A_66 : i32 to vector<16xi32>
      %ge3A_169 = arith.cmpi sge, %get3A_167, %ge3A_168 : vector<16xi32>
      %lt3A_170 = vector.broadcast %add3A_68 : i32 to vector<16xi32>
      %lt3A_171 = arith.cmpi slt, %get3A_167, %lt3A_170 : vector<16xi32>
      %and3A_172 = arith.andi %ge3A_169, %lt3A_171 : vector<16xi1>
      %get3A_173 = arith.constant 16 : index
      %get3A_174 = tpu.vector_load %arg7[%get3A_173] {strides = array<i32>} : memref<3584xi32, #tpu.memory_space<vmem>>, vector<16xi32>,
      %get3A_175 = vector.shape_cast %get3A_174 : vector<16xi32> to vector<16xi32>
      %swap3A_176 = arith.constant 16 : index
      %swap3A_177 = tpu.vector_load %arg10[%swap3A_176] {strides = array<i32>} : memref<64xi32, #tpu.memory_space<vmem>>, vector<16xi32>,
      %swap3A_178 = vector.shape_cast %swap3A_177 : vector<16xi32> to vector<16xi32>
      %swap3A_179 = vector.shape_cast %get3A_175 : vector<16xi32> to vector<16xi32>
      tpu.vector_store %arg10[%swap3A_176], %swap3A_179 {strides = array<i32>} : memref<64xi32, #tpu.memory_space<vmem>>, vector<16xi32>,
      %get3A_180 = arith.constant 16 : index
      %get3A_181 = tpu.vector_load %arg9[%get3A_180] {strides = array<i32>} : memref<3584xf32, #tpu.memory_space<vmem>>, vector<16xf32>,
      %get3A_182 = vector.shape_cast %get3A_181 : vector<16xf32> to vector<16xf32>
      %select_n3A_183 = arith.select %and3A_172, %get3A_182, %broadcast_in_dim3A_0 : vector<16xi1>, vector<16xf32>
      %swap3A_184 = arith.constant 16 : index
      %swap3A_185 = tpu.vector_load %arg12[%swap3A_184] {strides = array<i32>} : memref<80xf32, #tpu.memory_space<vmem>>, vector<16xf32>,
      %swap3A_186 = vector.shape_cast %swap3A_185 : vector<16xf32> to vector<16xf32>
      %swap3A_187 = vector.shape_cast %select_n3A_183 : vector<16xf32> to vector<16xf32>
      tpu.vector_store %arg12[%swap3A_184], %swap3A_187 {strides = array<i32>} : memref<80xf32, #tpu.memory_space<vmem>>, vector<16xf32>,
      %sub3A_188 = vector.broadcast %mul3A_66 : i32 to vector<16xi32>
      %sub3A_189 = arith.subi %get3A_167, %sub3A_188 : vector<16xi32>
      %select_n3A_190 = arith.select %and3A_172, %sub3A_189, %broadcast_in_dim3A_2 : vector<16xi1>, vector<16xi32>
      %swap3A_191 = arith.constant 16 : index
      %swap3A_192 = tpu.vector_load %arg11[%swap3A_191] {strides = array<i32>} : memref<64xi32, #tpu.memory_space<vmem>>, vector<16xi32>,
      %swap3A_193 = vector.shape_cast %swap3A_192 : vector<16xi32> to vector<16xi32>
      %swap3A_194 = vector.shape_cast %select_n3A_190 : vector<16xi32> to vector<16xi32>
      tpu.vector_store %arg11[%swap3A_191], %swap3A_194 {strides = array<i32>} : memref<64xi32, #tpu.memory_space<vmem>>, vector<16xi32>,
      %get3A_195 = arith.constant 32 : index
      %get3A_196 = tpu.vector_load %arg8[%get3A_195] {strides = array<i32>} : memref<3584xi32, #tpu.memory_space<vmem>>, vector<16xi32>,
      %get3A_197 = vector.shape_cast %get3A_196 : vector<16xi32> to vector<16xi32>
      %ge3A_198 = vector.broadcast %mul3A_66 : i32 to vector<16xi32>
      %ge3A_199 = arith.cmpi sge, %get3A_197, %ge3A_198 : vector<16xi32>
      %lt3A_200 = vector.broadcast %add3A_68 : i32 to vector<16xi32>
      %lt3A_201 = arith.cmpi slt, %get3A_197, %lt3A_200 : vector<16xi32>
      %and3A_202 = arith.andi %ge3A_199, %lt3A_201 : vector<16xi1>
      %get3A_203 = arith.constant 32 : index
      %get3A_204 = tpu.vector_load %arg7[%get3A_203] {strides = array<i32>} : memref<3584xi32, #tpu.memory_space<vmem>>, vector<16xi32>,
      %get3A_205 = vector.shape_cast %get3A_204 : vector<16xi32> to vector<16xi32>
      %swap3A_206 = arith.constant 32 : index
      %swap3A_207 = tpu.vector_load %arg10[%swap3A_206] {strides = array<i32>} : memref<64xi32, #tpu.memory_space<vmem>>, vector<16xi32>,
      %swap3A_208 = vector.shape_cast %swap3A_207 : vector<16xi32> to vector<16xi32>
      %swap3A_209 = vector.shape_cast %get3A_205 : vector<16xi32> to vector<16xi32>
      tpu.vector_store %arg10[%swap3A_206], %swap3A_209 {strides = array<i32>} : memref<64xi32, #tpu.memory_space<vmem>>, vector<16xi32>,
      %get3A_210 = arith.constant 32 : index
      %get3A_211 = tpu.vector_load %arg9[%get3A_210] {strides = array<i32>} : memref<3584xf32, #tpu.memory_space<vmem>>, vector<16xf32>,
      %get3A_212 = vector.shape_cast %get3A_211 : vector<16xf32> to vector<16xf32>
      %select_n3A_213 = arith.select %and3A_202, %get3A_212, %broadcast_in_dim3A_0 : vector<16xi1>, vector<16xf32>
      %swap3A_214 = arith.constant 32 : index
      %swap3A_215 = tpu.vector_load %arg12[%swap3A_214] {strides = array<i32>} : memref<80xf32, #tpu.memory_space<vmem>>, vector<16xf32>,
      %swap3A_216 = vector.shape_cast %swap3A_215 : vector<16xf32> to vector<16xf32>
      %swap3A_217 = vector.shape_cast %select_n3A_213 : vector<16xf32> to vector<16xf32>
      tpu.vector_store %arg12[%swap3A_214], %swap3A_217 {strides = array<i32>} : memref<80xf32, #tpu.memory_space<vmem>>, vector<16xf32>,
      %sub3A_218 = vector.broadcast %mul3A_66 : i32 to vector<16xi32>
      %sub3A_219 = arith.subi %get3A_197, %sub3A_218 : vector<16xi32>
      %select_n3A_220 = arith.select %and3A_202, %sub3A_219, %broadcast_in_dim3A_2 : vector<16xi1>, vector<16xi32>
      %swap3A_221 = arith.constant 32 : index
      %swap3A_222 = tpu.vector_load %arg11[%swap3A_221] {strides = array<i32>} : memref<64xi32, #tpu.memory_space<vmem>>, vector<16xi32>,
      %swap3A_223 = vector.shape_cast %swap3A_222 : vector<16xi32> to vector<16xi32>
      %swap3A_224 = vector.shape_cast %select_n3A_220 : vector<16xi32> to vector<16xi32>
      tpu.vector_store %arg11[%swap3A_221], %swap3A_224 {strides = array<i32>} : memref<64xi32, #tpu.memory_space<vmem>>, vector<16xi32>,
      %get3A_225 = arith.constant 48 : index
      %get3A_226 = tpu.vector_load %arg8[%get3A_225] {strides = array<i32>} : memref<3584xi32, #tpu.memory_space<vmem>>, vector<16xi32>,
      %get3A_227 = vector.shape_cast %get3A_226 : vector<16xi32> to vector<16xi32>
      %ge3A_228 = vector.broadcast %mul3A_66 : i32 to vector<16xi32>
      %ge3A_229 = arith.cmpi sge, %get3A_227, %ge3A_228 : vector<16xi32>
      %lt3A_230 = vector.broadcast %add3A_68 : i32 to vector<16xi32>
      %lt3A_231 = arith.cmpi slt, %get3A_227, %lt3A_230 : vector<16xi32>
      %and3A_232 = arith.andi %ge3A_229, %lt3A_231 : vector<16xi1>
      %get3A_233 = arith.constant 48 : index
      %get3A_234 = tpu.vector_load %arg7[%get3A_233] {strides = array<i32>} : memref<3584xi32, #tpu.memory_space<vmem>>, vector<16xi32>,
      %get3A_235 = vector.shape_cast %get3A_234 : vector<16xi32> to vector<16xi32>
      %swap3A_236 = arith.constant 48 : index
      %swap3A_237 = tpu.vector_load %arg10[%swap3A_236] {strides = array<i32>} : memref<64xi32, #tpu.memory_space<vmem>>, vector<16xi32>,
      %swap3A_238 = vector.shape_cast %swap3A_237 : vector<16xi32> to vector<16xi32>
      %swap3A_239 = vector.shape_cast %get3A_235 : vector<16xi32> to vector<16xi32>
      tpu.vector_store %arg10[%swap3A_236], %swap3A_239 {strides = array<i32>} : memref<64xi32, #tpu.memory_space<vmem>>, vector<16xi32>,
      %get3A_240 = arith.constant 48 : index
      %get3A_241 = tpu.vector_load %arg9[%get3A_240] {strides = array<i32>} : memref<3584xf32, #tpu.memory_space<vmem>>, vector<16xf32>,
      %get3A_242 = vector.shape_cast %get3A_241 : vector<16xf32> to vector<16xf32>
      %select_n3A_243 = arith.select %and3A_232, %get3A_242, %broadcast_in_dim3A_0 : vector<16xi1>, vector<16xf32>
      %swap3A_244 = arith.constant 48 : index
      %swap3A_245 = tpu.vector_load %arg12[%swap3A_244] {strides = array<i32>} : memref<80xf32, #tpu.memory_space<vmem>>, vector<16xf32>,
      %swap3A_246 = vector.shape_cast %swap3A_245 : vector<16xf32> to vector<16xf32>
      %swap3A_247 = vector.shape_cast %select_n3A_243 : vector<16xf32> to vector<16xf32>
      tpu.vector_store %arg12[%swap3A_244], %swap3A_247 {strides = array<i32>} : memref<80xf32, #tpu.memory_space<vmem>>, vector<16xf32>,
      %sub3A_248 = vector.broadcast %mul3A_66 : i32 to vector<16xi32>
      %sub3A_249 = arith.subi %get3A_227, %sub3A_248 : vector<16xi32>
      %select_n3A_250 = arith.select %and3A_232, %sub3A_249, %broadcast_in_dim3A_2 : vector<16xi1>, vector<16xi32>
      %swap3A_251 = arith.constant 48 : index
      %swap3A_252 = tpu.vector_load %arg11[%swap3A_251] {strides = array<i32>} : memref<64xi32, #tpu.memory_space<vmem>>, vector<16xi32>,
      %swap3A_253 = vector.shape_cast %swap3A_252 : vector<16xi32> to vector<16xi32>
      %swap3A_254 = vector.shape_cast %select_n3A_250 : vector<16xi32> to vector<16xi32>
      tpu.vector_store %arg11[%swap3A_251], %swap3A_254 {strides = array<i32>} : memref<64xi32, #tpu.memory_space<vmem>>, vector<16xi32>,
      %dma_start3A_255 = arith.constant 0 : i32
      %dma_start3A_256 = arith.constant 0 : i32
      %dma_start3A_257 = tpu.memref_slice %arg5[%dma_start3A_255, %dma_start3A_256] : memref<50000x128xf32, #tpu.memory_space<hbm>> -> memref<50000x128xf32, #tpu.memory_space<hbm>>
      tpu.enqueue_indirect_dma source(%dma_start3A_257 : memref<50000x128xf32, #tpu.memory_space<hbm>>) target(%arg13 : memref<64x128xf32, #tpu.memory_space<vmem>>) offsets(%arg10 : memref<64xi32, #tpu.memory_space<vmem>>) semaphore(%arg14 : memref<!tpu.dma_semaphore, #tpu.memory_space<semaphore_mem>>)
      %scan3A_258 = arith.constant 0 : i32
      %scan3A_259 = arith.constant 0 : i32
      %scan3A_260 = arith.constant 28 : i32
      %scan3A_261 = arith.addi %scan3A_259, %scan3A_260 : i32
      %scan3A_262 = arith.constant 1 : i32
      %scan3A_263 = scf.for %scan3A_266 = %scan3A_259 to %scan3A_261 step %scan3A_262 iter_args(%scan3A_267 = %scan3A_258) -> (i32)  : i32 {
        %mul3A_268 = arith.constant 2 : i32
        %mul3A_269 = arith.muli %mul3A_268, %scan3A_266 : i32
        %add3A_270 = arith.constant 1 : i32
        %add3A_271 = arith.addi %mul3A_269, %add3A_270 : i32
        %mul3A_272 = arith.constant 64 : i32
        %mul3A_273 = arith.muli %add3A_271, %mul3A_272 : i32
        %add3A_274 = arith.constant 0 : i32
        %add3A_275 = arith.addi %mul3A_273, %add3A_274 : i32
        %get3A_276 = arith.index_cast %add3A_275 : i32 to index
        %get3A_277 = tpu.vector_load %arg8[%get3A_276] {strides = array<i32>} : memref<3584xi32, #tpu.memory_space<vmem>>, vector<16xi32>,
        %get3A_278 = vector.shape_cast %get3A_277 : vector<16xi32> to vector<16xi32>
        %ge3A_279 = vector.broadcast %mul3A_66 : i32 to vector<16xi32>
        %ge3A_280 = arith.cmpi sge, %get3A_278, %ge3A_279 : vector<16xi32>
        %lt3A_281 = vector.broadcast %add3A_68 : i32 to vector<16xi32>
        %lt3A_282 = arith.cmpi slt, %get3A_278, %lt3A_281 : vector<16xi32>
        %and3A_283 = arith.andi %ge3A_280, %lt3A_282 : vector<16xi1>
        %get3A_284 = arith.index_cast %add3A_275 : i32 to index
        %get3A_285 = tpu.vector_load %arg7[%get3A_284] {strides = array<i32>} : memref<3584xi32, #tpu.memory_space<vmem>>, vector<16xi32>,
        %get3A_286 = vector.shape_cast %get3A_285 : vector<16xi32> to vector<16xi32>
        %swap3A_287 = arith.constant 0 : index
        %swap3A_288 = tpu.vector_load %arg15[%swap3A_287] {strides = array<i32>} : memref<64xi32, #tpu.memory_space<vmem>>, vector<16xi32>,
        %swap3A_289 = vector.shape_cast %swap3A_288 : vector<16xi32> to vector<16xi32>
        %swap3A_290 = vector.shape_cast %get3A_286 : vector<16xi32> to vector<16xi32>
        tpu.vector_store %arg15[%swap3A_287], %swap3A_290 {strides = array<i32>} : memref<64xi32, #tpu.memory_space<vmem>>, vector<16xi32>,
        %get3A_291 = arith.index_cast %add3A_275 : i32 to index
        %get3A_292 = tpu.vector_load %arg9[%get3A_291] {strides = array<i32>} : memref<3584xf32, #tpu.memory_space<vmem>>, vector<16xf32>,
        %get3A_293 = vector.shape_cast %get3A_292 : vector<16xf32> to vector<16xf32>
        %select_n3A_294 = arith.select %and3A_283, %get3A_293, %broadcast_in_dim3A_0 : vector<16xi1>, vector<16xf32>
        %swap3A_295 = arith.constant 0 : index
        %swap3A_296 = tpu.vector_load %arg17[%swap3A_295] {strides = array<i32>} : memref<80xf32, #tpu.memory_space<vmem>>, vector<16xf32>,
        %swap3A_297 = vector.shape_cast %swap3A_296 : vector<16xf32> to vector<16xf32>
        %swap3A_298 = vector.shape_cast %select_n3A_294 : vector<16xf32> to vector<16xf32>
        tpu.vector_store %arg17[%swap3A_295], %swap3A_298 {strides = array<i32>} : memref<80xf32, #tpu.memory_space<vmem>>, vector<16xf32>,
        %sub3A_299 = vector.broadcast %mul3A_66 : i32 to vector<16xi32>
        %sub3A_300 = arith.subi %get3A_278, %sub3A_299 : vector<16xi32>
        %select_n3A_301 = arith.select %and3A_283, %sub3A_300, %broadcast_in_dim3A_2 : vector<16xi1>, vector<16xi32>
        %swap3A_302 = arith.constant 0 : index
        %swap3A_303 = tpu.vector_load %arg16[%swap3A_302] {strides = array<i32>} : memref<64xi32, #tpu.memory_space<vmem>>, vector<16xi32>,
        %swap3A_304 = vector.shape_cast %swap3A_303 : vector<16xi32> to vector<16xi32>
        %swap3A_305 = vector.shape_cast %select_n3A_301 : vector<16xi32> to vector<16xi32>
        tpu.vector_store %arg16[%swap3A_302], %swap3A_305 {strides = array<i32>} : memref<64xi32, #tpu.memory_space<vmem>>, vector<16xi32>,
        %add3A_306 = arith.constant 16 : i32
        %add3A_307 = arith.addi %mul3A_273, %add3A_306 : i32
        %get3A_308 = arith.index_cast %add3A_307 : i32 to index
        %get3A_309 = tpu.vector_load %arg8[%get3A_308] {strides = array<i32>} : memref<3584xi32, #tpu.memory_space<vmem>>, vector<16xi32>,
        %get3A_310 = vector.shape_cast %get3A_309 : vector<16xi32> to vector<16xi32>
        %ge3A_311 = vector.broadcast %mul3A_66 : i32 to vector<16xi32>
        %ge3A_312 = arith.cmpi sge, %get3A_310, %ge3A_311 : vector<16xi32>
        %lt3A_313 = vector.broadcast %add3A_68 : i32 to vector<16xi32>
        %lt3A_314 = arith.cmpi slt, %get3A_310, %lt3A_313 : vector<16xi32>
        %and3A_315 = arith.andi %ge3A_312, %lt3A_314 : vector<16xi1>
        %get3A_316 = arith.index_cast %add3A_307 : i32 to index
        %get3A_317 = tpu.vector_load %arg7[%get3A_316] {strides = array<i32>} : memref<3584xi32, #tpu.memory_space<vmem>>, vector<16xi32>,
        %get3A_318 = vector.shape_cast %get3A_317 : vector<16xi32> to vector<16xi32>
        %swap3A_319 = arith.constant 16 : index
        %swap3A_320 = tpu.vector_load %arg15[%swap3A_319] {strides = array<i32>} : memref<64xi32, #tpu.memory_space<vmem>>, vector<16xi32>,
        %swap3A_321 = vector.shape_cast %swap3A_320 : vector<16xi32> to vector<16xi32>
        %swap3A_322 = vector.shape_cast %get3A_318 : vector<16xi32> to vector<16xi32>
        tpu.vector_store %arg15[%swap3A_319], %swap3A_322 {strides = array<i32>} : memref<64xi32, #tpu.memory_space<vmem>>, vector<16xi32>,
        %get3A_323 = arith.index_cast %add3A_307 : i32 to index
        %get3A_324 = tpu.vector_load %arg9[%get3A_323] {strides = array<i32>} : memref<3584xf32, #tpu.memory_space<vmem>>, vector<16xf32>,
        %get3A_325 = vector.shape_cast %get3A_324 : vector<16xf32> to vector<16xf32>
        %select_n3A_326 = arith.select %and3A_315, %get3A_325, %broadcast_in_dim3A_0 : vector<16xi1>, vector<16xf32>
        %swap3A_327 = arith.constant 16 : index
        %swap3A_328 = tpu.vector_load %arg17[%swap3A_327] {strides = array<i32>} : memref<80xf32, #tpu.memory_space<vmem>>, vector<16xf32>,
        %swap3A_329 = vector.shape_cast %swap3A_328 : vector<16xf32> to vector<16xf32>
        %swap3A_330 = vector.shape_cast %select_n3A_326 : vector<16xf32> to vector<16xf32>
        tpu.vector_store %arg17[%swap3A_327], %swap3A_330 {strides = array<i32>} : memref<80xf32, #tpu.memory_space<vmem>>, vector<16xf32>,
        %sub3A_331 = vector.broadcast %mul3A_66 : i32 to vector<16xi32>
        %sub3A_332 = arith.subi %get3A_310, %sub3A_331 : vector<16xi32>
        %select_n3A_333 = arith.select %and3A_315, %sub3A_332, %broadcast_in_dim3A_2 : vector<16xi1>, vector<16xi32>
        %swap3A_334 = arith.constant 16 : index
        %swap3A_335 = tpu.vector_load %arg16[%swap3A_334] {strides = array<i32>} : memref<64xi32, #tpu.memory_space<vmem>>, vector<16xi32>,
        %swap3A_336 = vector.shape_cast %swap3A_335 : vector<16xi32> to vector<16xi32>
        %swap3A_337 = vector.shape_cast %select_n3A_333 : vector<16xi32> to vector<16xi32>
        tpu.vector_store %arg16[%swap3A_334], %swap3A_337 {strides = array<i32>} : memref<64xi32, #tpu.memory_space<vmem>>, vector<16xi32>,
        %add3A_338 = arith.constant 32 : i32
        %add3A_339 = arith.addi %mul3A_273, %add3A_338 : i32
        %get3A_340 = arith.index_cast %add3A_339 : i32 to index
        %get3A_341 = tpu.vector_load %arg8[%get3A_340] {strides = array<i32>} : memref<3584xi32, #tpu.memory_space<vmem>>, vector<16xi32>,
        %get3A_342 = vector.shape_cast %get3A_341 : vector<16xi32> to vector<16xi32>
        %ge3A_343 = vector.broadcast %mul3A_66 : i32 to vector<16xi32>
        %ge3A_344 = arith.cmpi sge, %get3A_342, %ge3A_343 : vector<16xi32>
        %lt3A_345 = vector.broadcast %add3A_68 : i32 to vector<16xi32>
        %lt3A_346 = arith.cmpi slt, %get3A_342, %lt3A_345 : vector<16xi32>
        %and3A_347 = arith.andi %ge3A_344, %lt3A_346 : vector<16xi1>
        %get3A_348 = arith.index_cast %add3A_339 : i32 to index
        %get3A_349 = tpu.vector_load %arg7[%get3A_348] {strides = array<i32>} : memref<3584xi32, #tpu.memory_space<vmem>>, vector<16xi32>,
        %get3A_350 = vector.shape_cast %get3A_349 : vector<16xi32> to vector<16xi32>
        %swap3A_351 = arith.constant 32 : index
        %swap3A_352 = tpu.vector_load %arg15[%swap3A_351] {strides = array<i32>} : memref<64xi32, #tpu.memory_space<vmem>>, vector<16xi32>,
        %swap3A_353 = vector.shape_cast %swap3A_352 : vector<16xi32> to vector<16xi32>
        %swap3A_354 = vector.shape_cast %get3A_350 : vector<16xi32> to vector<16xi32>
        tpu.vector_store %arg15[%swap3A_351], %swap3A_354 {strides = array<i32>} : memref<64xi32, #tpu.memory_space<vmem>>, vector<16xi32>,
        %get3A_355 = arith.index_cast %add3A_339 : i32 to index
        %get3A_356 = tpu.vector_load %arg9[%get3A_355] {strides = array<i32>} : memref<3584xf32, #tpu.memory_space<vmem>>, vector<16xf32>,
        %get3A_357 = vector.shape_cast %get3A_356 : vector<16xf32> to vector<16xf32>
        %select_n3A_358 = arith.select %and3A_347, %get3A_357, %broadcast_in_dim3A_0 : vector<16xi1>, vector<16xf32>
        %swap3A_359 = arith.constant 32 : index
        %swap3A_360 = tpu.vector_load %arg17[%swap3A_359] {strides = array<i32>} : memref<80xf32, #tpu.memory_space<vmem>>, vector<16xf32>,
        %swap3A_361 = vector.shape_cast %swap3A_360 : vector<16xf32> to vector<16xf32>
        %swap3A_362 = vector.shape_cast %select_n3A_358 : vector<16xf32> to vector<16xf32>
        tpu.vector_store %arg17[%swap3A_359], %swap3A_362 {strides = array<i32>} : memref<80xf32, #tpu.memory_space<vmem>>, vector<16xf32>,
        %sub3A_363 = vector.broadcast %mul3A_66 : i32 to vector<16xi32>
        %sub3A_364 = arith.subi %get3A_342, %sub3A_363 : vector<16xi32>
        %select_n3A_365 = arith.select %and3A_347, %sub3A_364, %broadcast_in_dim3A_2 : vector<16xi1>, vector<16xi32>
        %swap3A_366 = arith.constant 32 : index
        %swap3A_367 = tpu.vector_load %arg16[%swap3A_366] {strides = array<i32>} : memref<64xi32, #tpu.memory_space<vmem>>, vector<16xi32>,
        %swap3A_368 = vector.shape_cast %swap3A_367 : vector<16xi32> to vector<16xi32>
        %swap3A_369 = vector.shape_cast %select_n3A_365 : vector<16xi32> to vector<16xi32>
        tpu.vector_store %arg16[%swap3A_366], %swap3A_369 {strides = array<i32>} : memref<64xi32, #tpu.memory_space<vmem>>, vector<16xi32>,
        %add3A_370 = arith.constant 48 : i32
        %add3A_371 = arith.addi %mul3A_273, %add3A_370 : i32
        %get3A_372 = arith.index_cast %add3A_371 : i32 to index
        %get3A_373 = tpu.vector_load %arg8[%get3A_372] {strides = array<i32>} : memref<3584xi32, #tpu.memory_space<vmem>>, vector<16xi32>,
        %get3A_374 = vector.shape_cast %get3A_373 : vector<16xi32> to vector<16xi32>
        %ge3A_375 = vector.broadcast %mul3A_66 : i32 to vector<16xi32>
        %ge3A_376 = arith.cmpi sge, %get3A_374, %ge3A_375 : vector<16xi32>
        %lt3A_377 = vector.broadcast %add3A_68 : i32 to vector<16xi32>
        %lt3A_378 = arith.cmpi slt, %get3A_374, %lt3A_377 : vector<16xi32>
        %and3A_379 = arith.andi %ge3A_376, %lt3A_378 : vector<16xi1>
        %get3A_380 = arith.index_cast %add3A_371 : i32 to index
        %get3A_381 = tpu.vector_load %arg7[%get3A_380] {strides = array<i32>} : memref<3584xi32, #tpu.memory_space<vmem>>, vector<16xi32>,
        %get3A_382 = vector.shape_cast %get3A_381 : vector<16xi32> to vector<16xi32>
        %swap3A_383 = arith.constant 48 : index
        %swap3A_384 = tpu.vector_load %arg15[%swap3A_383] {strides = array<i32>} : memref<64xi32, #tpu.memory_space<vmem>>, vector<16xi32>,
        %swap3A_385 = vector.shape_cast %swap3A_384 : vector<16xi32> to vector<16xi32>
        %swap3A_386 = vector.shape_cast %get3A_382 : vector<16xi32> to vector<16xi32>
        tpu.vector_store %arg15[%swap3A_383], %swap3A_386 {strides = array<i32>} : memref<64xi32, #tpu.memory_space<vmem>>, vector<16xi32>,
        %get3A_387 = arith.index_cast %add3A_371 : i32 to index
        %get3A_388 = tpu.vector_load %arg9[%get3A_387] {strides = array<i32>} : memref<3584xf32, #tpu.memory_space<vmem>>, vector<16xf32>,
        %get3A_389 = vector.shape_cast %get3A_388 : vector<16xf32> to vector<16xf32>
        %select_n3A_390 = arith.select %and3A_379, %get3A_389, %broadcast_in_dim3A_0 : vector<16xi1>, vector<16xf32>
        %swap3A_391 = arith.constant 48 : index
        %swap3A_392 = tpu.vector_load %arg17[%swap3A_391] {strides = array<i32>} : memref<80xf32, #tpu.memory_space<vmem>>, vector<16xf32>,
        %swap3A_393 = vector.shape_cast %swap3A_392 : vector<16xf32> to vector<16xf32>
        %swap3A_394 = vector.shape_cast %select_n3A_390 : vector<16xf32> to vector<16xf32>
        tpu.vector_store %arg17[%swap3A_391], %swap3A_394 {strides = array<i32>} : memref<80xf32, #tpu.memory_space<vmem>>, vector<16xf32>,
        %sub3A_395 = vector.broadcast %mul3A_66 : i32 to vector<16xi32>
        %sub3A_396 = arith.subi %get3A_374, %sub3A_395 : vector<16xi32>
        %select_n3A_397 = arith.select %and3A_379, %sub3A_396, %broadcast_in_dim3A_2 : vector<16xi1>, vector<16xi32>
        %swap3A_398 = arith.constant 48 : index
        %swap3A_399 = tpu.vector_load %arg16[%swap3A_398] {strides = array<i32>} : memref<64xi32, #tpu.memory_space<vmem>>, vector<16xi32>,
        %swap3A_400 = vector.shape_cast %swap3A_399 : vector<16xi32> to vector<16xi32>
        %swap3A_401 = vector.shape_cast %select_n3A_397 : vector<16xi32> to vector<16xi32>
        tpu.vector_store %arg16[%swap3A_398], %swap3A_401 {strides = array<i32>} : memref<64xi32, #tpu.memory_space<vmem>>, vector<16xi32>,
        %dma_start3A_402 = arith.constant 0 : i32
        %dma_start3A_403 = arith.constant 0 : i32
        %dma_start3A_404 = tpu.memref_slice %arg5[%dma_start3A_402, %dma_start3A_403] : memref<50000x128xf32, #tpu.memory_space<hbm>> -> memref<50000x128xf32, #tpu.memory_space<hbm>>
        tpu.enqueue_indirect_dma source(%dma_start3A_404 : memref<50000x128xf32, #tpu.memory_space<hbm>>) target(%arg18 : memref<64x128xf32, #tpu.memory_space<vmem>>) offsets(%arg15 : memref<64xi32, #tpu.memory_space<vmem>>) semaphore(%arg19 : memref<!tpu.dma_semaphore, #tpu.memory_space<semaphore_mem>>)
        %dma_wait3A_405 = arith.constant 0 : i32
        %dma_wait3A_406 = arith.constant 0 : i32
        %dma_wait3A_407 = tpu.memref_slice %arg5[%dma_wait3A_405, %dma_wait3A_406] : memref<50000x128xf32, #tpu.memory_space<hbm>> -> memref<50000x128xf32, #tpu.memory_space<hbm>>
        tpu.wait_indirect_dma semaphore(%arg14 : memref<!tpu.dma_semaphore, #tpu.memory_space<semaphore_mem>>) src(%dma_wait3A_407 : memref<50000x128xf32, #tpu.memory_space<hbm>>) dst(%arg13 : memref<64x128xf32, #tpu.memory_space<vmem>>)
        %scan3A_408 = arith.constant 0 : i32
        %scan3A_409 = arith.constant 0 : i32
        %scan3A_410 = arith.constant 16 : i32
        %scan3A_411 = arith.addi %scan3A_409, %scan3A_410 : i32
        %scan3A_412 = arith.constant 1 : i32
        %scan3A_413 = scf.for %scan3A_429 = %scan3A_409 to %scan3A_411 step %scan3A_412 iter_args(%scan3A_430 = %scan3A_408) -> (i32)  : i32 {
          %mul3A_431 = arith.constant 4 : i32
          %mul3A_432 = arith.muli %mul3A_431, %scan3A_429 : i32
          %add3A_433 = arith.constant 0 : i32
          %add3A_434 = arith.addi %mul3A_432, %add3A_433 : i32
          %get3A_435 = arith.index_cast %add3A_434 : i32 to index
          %get3A_436 = tpu.vector_load %arg12[%get3A_435] {strides = array<i32>} : memref<80xf32, #tpu.memory_space<vmem>>, vector<16xf32>,
          %get3A_437 = vector.shape_cast %get3A_436 : vector<16xf32> to vector<16xf32>
          %slice3A = vector.extract_strided_slice %get3A_437 {offsets = [0], sizes = [1], strides = [1]} : vector<16xf32> to vector<1xf32>
          %squeeze3A = vector.extract %slice3A[0] : f32 from vector<1xf32>
          %add3A_438 = vector.broadcast %squeeze3A : f32 to vector<16xf32>
          %add3A_439 = arith.addf %broadcast_in_dim3A_0, %add3A_438 : vector<16xf32>
          %add3A_440 = arith.constant 1 : i32
          %add3A_441 = arith.addi %mul3A_432, %add3A_440 : i32
          %get3A_442 = arith.index_cast %add3A_441 : i32 to index
          %get3A_443 = tpu.vector_load %arg12[%get3A_442] {strides = array<i32>} : memref<80xf32, #tpu.memory_space<vmem>>, vector<16xf32>,
          %get3A_444 = vector.shape_cast %get3A_443 : vector<16xf32> to vector<16xf32>
          %slice3A_445 = vector.extract_strided_slice %get3A_444 {offsets = [0], sizes = [1], strides = [1]} : vector<16xf32> to vector<1xf32>
          %squeeze3A_446 = vector.extract %slice3A_445[0] : f32 from vector<1xf32>
          %add3A_447 = vector.broadcast %squeeze3A_446 : f32 to vector<16xf32>
          %add3A_448 = arith.addf %broadcast_in_dim3A_0, %add3A_447 : vector<16xf32>
          %add3A_449 = arith.constant 2 : i32
          %add3A_450 = arith.addi %mul3A_432, %add3A_449 : i32
          %get3A_451 = arith.index_cast %add3A_450 : i32 to index
          %get3A_452 = tpu.vector_load %arg12[%get3A_451] {strides = array<i32>} : memref<80xf32, #tpu.memory_space<vmem>>, vector<16xf32>,
          %get3A_453 = vector.shape_cast %get3A_452 : vector<16xf32> to vector<16xf32>
          %slice3A_454 = vector.extract_strided_slice %get3A_453 {offsets = [0], sizes = [1], strides = [1]} : vector<16xf32> to vector<1xf32>
          %squeeze3A_455 = vector.extract %slice3A_454[0] : f32 from vector<1xf32>
          %add3A_456 = vector.broadcast %squeeze3A_455 : f32 to vector<16xf32>
          %add3A_457 = arith.addf %broadcast_in_dim3A_0, %add3A_456 : vector<16xf32>
          %add3A_458 = arith.constant 3 : i32
          %add3A_459 = arith.addi %mul3A_432, %add3A_458 : i32
          %get3A_460 = arith.index_cast %add3A_459 : i32 to index
          %get3A_461 = tpu.vector_load %arg12[%get3A_460] {strides = array<i32>} : memref<80xf32, #tpu.memory_space<vmem>>, vector<16xf32>,
          %get3A_462 = vector.shape_cast %get3A_461 : vector<16xf32> to vector<16xf32>
          %slice3A_463 = vector.extract_strided_slice %get3A_462 {offsets = [0], sizes = [1], strides = [1]} : vector<16xf32> to vector<1xf32>
          %squeeze3A_464 = vector.extract %slice3A_463[0] : f32 from vector<1xf32>
          %add3A_465 = vector.broadcast %squeeze3A_464 : f32 to vector<16xf32>
          %add3A_466 = arith.addf %broadcast_in_dim3A_0, %add3A_465 : vector<16xf32>
          %add3A_467 = arith.constant 0 : i32
          %add3A_468 = arith.addi %mul3A_432, %add3A_467 : i32
          %get3A_469 = arith.index_cast %add3A_468 : i32 to index
          %get3A_470 = arith.constant 0 : index
          %get3A_471 = tpu.vector_load %arg13[%get3A_469, %get3A_470] {strides = array<i32>} : memref<64x128xf32, #tpu.memory_space<vmem>>, vector<1x16xf32>,
          %get3A_472 = vector.shape_cast %get3A_471 : vector<1x16xf32> to vector<16xf32>
          %mul3A_473 = arith.mulf %get3A_472, %add3A_439 : vector<16xf32>
          %add3A_474 = arith.constant 0 : i32
          %add3A_475 = arith.addi %mul3A_432, %add3A_474 : i32
          %swap3A_476 = arith.index_cast %add3A_475 : i32 to index
          %swap3A_477 = arith.constant 0 : index
          %swap3A_478 = tpu.vector_load %arg13[%swap3A_476, %swap3A_477] {strides = array<i32>} : memref<64x128xf32, #tpu.memory_space<vmem>>, vector<1x16xf32>,
          %swap3A_479 = vector.shape_cast %swap3A_478 : vector<1x16xf32> to vector<16xf32>
          %swap3A_480 = vector.shape_cast %mul3A_473 : vector<16xf32> to vector<1x16xf32>
          tpu.vector_store %arg13[%swap3A_476, %swap3A_477], %swap3A_480 {strides = array<i32>} : memref<64x128xf32, #tpu.memory_space<vmem>>, vector<1x16xf32>,
          %add3A_481 = arith.constant 0 : i32
          %add3A_482 = arith.addi %mul3A_432, %add3A_481 : i32
          %get3A_483 = arith.index_cast %add3A_482 : i32 to index
          %get3A_484 = arith.constant 16 : index
          %get3A_485 = tpu.vector_load %arg13[%get3A_483, %get3A_484] {strides = array<i32>} : memref<64x128xf32, #tpu.memory_space<vmem>>, vector<1x16xf32>,
          %get3A_486 = vector.shape_cast %get3A_485 : vector<1x16xf32> to vector<16xf32>
          %mul3A_487 = arith.mulf %get3A_486, %add3A_439 : vector<16xf32>
          %add3A_488 = arith.constant 0 : i32
          %add3A_489 = arith.addi %mul3A_432, %add3A_488 : i32
          %swap3A_490 = arith.index_cast %add3A_489 : i32 to index
          %swap3A_491 = arith.constant 16 : index
          %swap3A_492 = tpu.vector_load %arg13[%swap3A_490, %swap3A_491] {strides = array<i32>} : memref<64x128xf32, #tpu.memory_space<vmem>>, vector<1x16xf32>,
          %swap3A_493 = vector.shape_cast %swap3A_492 : vector<1x16xf32> to vector<16xf32>
          %swap3A_494 = vector.shape_cast %mul3A_487 : vector<16xf32> to vector<1x16xf32>
          tpu.vector_store %arg13[%swap3A_490, %swap3A_491], %swap3A_494 {strides = array<i32>} : memref<64x128xf32, #tpu.memory_space<vmem>>, vector<1x16xf32>,
          %add3A_495 = arith.constant 0 : i32
          %add3A_496 = arith.addi %mul3A_432, %add3A_495 : i32
          %get3A_497 = arith.index_cast %add3A_496 : i32 to index
          %get3A_498 = arith.constant 32 : index
          %get3A_499 = tpu.vector_load %arg13[%get3A_497, %get3A_498] {strides = array<i32>} : memref<64x128xf32, #tpu.memory_space<vmem>>, vector<1x16xf32>,
          %get3A_500 = vector.shape_cast %get3A_499 : vector<1x16xf32> to vector<16xf32>
          %mul3A_501 = arith.mulf %get3A_500, %add3A_439 : vector<16xf32>
          %add3A_502 = arith.constant 0 : i32
          %add3A_503 = arith.addi %mul3A_432, %add3A_502 : i32
          %swap3A_504 = arith.index_cast %add3A_503 : i32 to index
          %swap3A_505 = arith.constant 32 : index
          %swap3A_506 = tpu.vector_load %arg13[%swap3A_504, %swap3A_505] {strides = array<i32>} : memref<64x128xf32, #tpu.memory_space<vmem>>, vector<1x16xf32>,
          %swap3A_507 = vector.shape_cast %swap3A_506 : vector<1x16xf32> to vector<16xf32>
          %swap3A_508 = vector.shape_cast %mul3A_501 : vector<16xf32> to vector<1x16xf32>
          tpu.vector_store %arg13[%swap3A_504, %swap3A_505], %swap3A_508 {strides = array<i32>} : memref<64x128xf32, #tpu.memory_space<vmem>>, vector<1x16xf32>,
          %add3A_509 = arith.constant 0 : i32
          %add3A_510 = arith.addi %mul3A_432, %add3A_509 : i32
          %get3A_511 = arith.index_cast %add3A_510 : i32 to index
          %get3A_512 = arith.constant 48 : index
          %get3A_513 = tpu.vector_load %arg13[%get3A_511, %get3A_512] {strides = array<i32>} : memref<64x128xf32, #tpu.memory_space<vmem>>, vector<1x16xf32>,
          %get3A_514 = vector.shape_cast %get3A_513 : vector<1x16xf32> to vector<16xf32>
          %mul3A_515 = arith.mulf %get3A_514, %add3A_439 : vector<16xf32>
          %add3A_516 = arith.constant 0 : i32
          %add3A_517 = arith.addi %mul3A_432, %add3A_516 : i32
          %swap3A_518 = arith.index_cast %add3A_517 : i32 to index
          %swap3A_519 = arith.constant 48 : index
          %swap3A_520 = tpu.vector_load %arg13[%swap3A_518, %swap3A_519] {strides = array<i32>} : memref<64x128xf32, #tpu.memory_space<vmem>>, vector<1x16xf32>,
          %swap3A_521 = vector.shape_cast %swap3A_520 : vector<1x16xf32> to vector<16xf32>
          %swap3A_522 = vector.shape_cast %mul3A_515 : vector<16xf32> to vector<1x16xf32>
          tpu.vector_store %arg13[%swap3A_518, %swap3A_519], %swap3A_522 {strides = array<i32>} : memref<64x128xf32, #tpu.memory_space<vmem>>, vector<1x16xf32>,
          %add3A_523 = arith.constant 0 : i32
          %add3A_524 = arith.addi %mul3A_432, %add3A_523 : i32
          %get3A_525 = arith.index_cast %add3A_524 : i32 to index
          %get3A_526 = arith.constant 64 : index
          %get3A_527 = tpu.vector_load %arg13[%get3A_525, %get3A_526] {strides = array<i32>} : memref<64x128xf32, #tpu.memory_space<vmem>>, vector<1x16xf32>,
          %get3A_528 = vector.shape_cast %get3A_527 : vector<1x16xf32> to vector<16xf32>
          %mul3A_529 = arith.mulf %get3A_528, %add3A_439 : vector<16xf32>
          %add3A_530 = arith.constant 0 : i32
          %add3A_531 = arith.addi %mul3A_432, %add3A_530 : i32
          %swap3A_532 = arith.index_cast %add3A_531 : i32 to index
          %swap3A_533 = arith.constant 64 : index
          %swap3A_534 = tpu.vector_load %arg13[%swap3A_532, %swap3A_533] {strides = array<i32>} : memref<64x128xf32, #tpu.memory_space<vmem>>, vector<1x16xf32>,
          %swap3A_535 = vector.shape_cast %swap3A_534 : vector<1x16xf32> to vector<16xf32>
          %swap3A_536 = vector.shape_cast %mul3A_529 : vector<16xf32> to vector<1x16xf32>
          tpu.vector_store %arg13[%swap3A_532, %swap3A_533], %swap3A_536 {strides = array<i32>} : memref<64x128xf32, #tpu.memory_space<vmem>>, vector<1x16xf32>,
          %add3A_537 = arith.constant 0 : i32
          %add3A_538 = arith.addi %mul3A_432, %add3A_537 : i32
          %get3A_539 = arith.index_cast %add3A_538 : i32 to index
          %get3A_540 = arith.constant 80 : index
          %get3A_541 = tpu.vector_load %arg13[%get3A_539, %get3A_540] {strides = array<i32>} : memref<64x128xf32, #tpu.memory_space<vmem>>, vector<1x16xf32>,
          %get3A_542 = vector.shape_cast %get3A_541 : vector<1x16xf32> to vector<16xf32>
          %mul3A_543 = arith.mulf %get3A_542, %add3A_439 : vector<16xf32>
          %add3A_544 = arith.constant 0 : i32
          %add3A_545 = arith.addi %mul3A_432, %add3A_544 : i32
          %swap3A_546 = arith.index_cast %add3A_545 : i32 to index
          %swap3A_547 = arith.constant 80 : index
          %swap3A_548 = tpu.vector_load %arg13[%swap3A_546, %swap3A_547] {strides = array<i32>} : memref<64x128xf32, #tpu.memory_space<vmem>>, vector<1x16xf32>,
          %swap3A_549 = vector.shape_cast %swap3A_548 : vector<1x16xf32> to vector<16xf32>
          %swap3A_550 = vector.shape_cast %mul3A_543 : vector<16xf32> to vector<1x16xf32>
          tpu.vector_store %arg13[%swap3A_546, %swap3A_547], %swap3A_550 {strides = array<i32>} : memref<64x128xf32, #tpu.memory_space<vmem>>, vector<1x16xf32>,
          %add3A_551 = arith.constant 0 : i32
          %add3A_552 = arith.addi %mul3A_432, %add3A_551 : i32
          %get3A_553 = arith.index_cast %add3A_552 : i32 to index
          %get3A_554 = arith.constant 96 : index
          %get3A_555 = tpu.vector_load %arg13[%get3A_553, %get3A_554] {strides = array<i32>} : memref<64x128xf32, #tpu.memory_space<vmem>>, vector<1x16xf32>,
          %get3A_556 = vector.shape_cast %get3A_555 : vector<1x16xf32> to vector<16xf32>
          %mul3A_557 = arith.mulf %get3A_556, %add3A_439 : vector<16xf32>
          %add3A_558 = arith.constant 0 : i32
          %add3A_559 = arith.addi %mul3A_432, %add3A_558 : i32
          %swap3A_560 = arith.index_cast %add3A_559 : i32 to index
          %swap3A_561 = arith.constant 96 : index
          %swap3A_562 = tpu.vector_load %arg13[%swap3A_560, %swap3A_561] {strides = array<i32>} : memref<64x128xf32, #tpu.memory_space<vmem>>, vector<1x16xf32>,
          %swap3A_563 = vector.shape_cast %swap3A_562 : vector<1x16xf32> to vector<16xf32>
          %swap3A_564 = vector.shape_cast %mul3A_557 : vector<16xf32> to vector<1x16xf32>
          tpu.vector_store %arg13[%swap3A_560, %swap3A_561], %swap3A_564 {strides = array<i32>} : memref<64x128xf32, #tpu.memory_space<vmem>>, vector<1x16xf32>,
          %add3A_565 = arith.constant 1 : i32
          %add3A_566 = arith.addi %mul3A_432, %add3A_565 : i32
          %get3A_567 = arith.index_cast %add3A_566 : i32 to index
          %get3A_568 = arith.constant 0 : index
          %get3A_569 = tpu.vector_load %arg13[%get3A_567, %get3A_568] {strides = array<i32>} : memref<64x128xf32, #tpu.memory_space<vmem>>, vector<1x16xf32>,
          %get3A_570 = vector.shape_cast %get3A_569 : vector<1x16xf32> to vector<16xf32>
          %mul3A_571 = arith.mulf %get3A_570, %add3A_448 : vector<16xf32>
          %add3A_572 = arith.constant 1 : i32
          %add3A_573 = arith.addi %mul3A_432, %add3A_572 : i32
          %swap3A_574 = arith.index_cast %add3A_573 : i32 to index
          %swap3A_575 = arith.constant 0 : index
          %swap3A_576 = tpu.vector_load %arg13[%swap3A_574, %swap3A_575] {strides = array<i32>} : memref<64x128xf32, #tpu.memory_space<vmem>>, vector<1x16xf32>,
          %swap3A_577 = vector.shape_cast %swap3A_576 : vector<1x16xf32> to vector<16xf32>
          %swap3A_578 = vector.shape_cast %mul3A_571 : vector<16xf32> to vector<1x16xf32>
          tpu.vector_store %arg13[%swap3A_574, %swap3A_575], %swap3A_578 {strides = array<i32>} : memref<64x128xf32, #tpu.memory_space<vmem>>, vector<1x16xf32>,
          %add3A_579 = arith.constant 1 : i32
          %add3A_580 = arith.addi %mul3A_432, %add3A_579 : i32
          %get3A_581 = arith.index_cast %add3A_580 : i32 to index
          %get3A_582 = arith.constant 16 : index
          %get3A_583 = tpu.vector_load %arg13[%get3A_581, %get3A_582] {strides = array<i32>} : memref<64x128xf32, #tpu.memory_space<vmem>>, vector<1x16xf32>,
          %get3A_584 = vector.shape_cast %get3A_583 : vector<1x16xf32> to vector<16xf32>
          %mul3A_585 = arith.mulf %get3A_584, %add3A_448 : vector<16xf32>
          %add3A_586 = arith.constant 1 : i32
          %add3A_587 = arith.addi %mul3A_432, %add3A_586 : i32
          %swap3A_588 = arith.index_cast %add3A_587 : i32 to index
          %swap3A_589 = arith.constant 16 : index
          %swap3A_590 = tpu.vector_load %arg13[%swap3A_588, %swap3A_589] {strides = array<i32>} : memref<64x128xf32, #tpu.memory_space<vmem>>, vector<1x16xf32>,
          %swap3A_591 = vector.shape_cast %swap3A_590 : vector<1x16xf32> to vector<16xf32>
          %swap3A_592 = vector.shape_cast %mul3A_585 : vector<16xf32> to vector<1x16xf32>
          tpu.vector_store %arg13[%swap3A_588, %swap3A_589], %swap3A_592 {strides = array<i32>} : memref<64x128xf32, #tpu.memory_space<vmem>>, vector<1x16xf32>,
          %add3A_593 = arith.constant 1 : i32
          %add3A_594 = arith.addi %mul3A_432, %add3A_593 : i32
          %get3A_595 = arith.index_cast %add3A_594 : i32 to index
          %get3A_596 = arith.constant 32 : index
          %get3A_597 = tpu.vector_load %arg13[%get3A_595, %get3A_596] {strides = array<i32>} : memref<64x128xf32, #tpu.memory_space<vmem>>, vector<1x16xf32>,
          %get3A_598 = vector.shape_cast %get3A_597 : vector<1x16xf32> to vector<16xf32>
          %mul3A_599 = arith.mulf %get3A_598, %add3A_448 : vector<16xf32>
          %add3A_600 = arith.constant 1 : i32
          %add3A_601 = arith.addi %mul3A_432, %add3A_600 : i32
          %swap3A_602 = arith.index_cast %add3A_601 : i32 to index
          %swap3A_603 = arith.constant 32 : index
          %swap3A_604 = tpu.vector_load %arg13[%swap3A_602, %swap3A_603] {strides = array<i32>} : memref<64x128xf32, #tpu.memory_space<vmem>>, vector<1x16xf32>,
          %swap3A_605 = vector.shape_cast %swap3A_604 : vector<1x16xf32> to vector<16xf32>
          %swap3A_606 = vector.shape_cast %mul3A_599 : vector<16xf32> to vector<1x16xf32>
          tpu.vector_store %arg13[%swap3A_602, %swap3A_603], %swap3A_606 {strides = array<i32>} : memref<64x128xf32, #tpu.memory_space<vmem>>, vector<1x16xf32>,
          %add3A_607 = arith.constant 1 : i32
          %add3A_608 = arith.addi %mul3A_432, %add3A_607 : i32
          %get3A_609 = arith.index_cast %add3A_608 : i32 to index
          %get3A_610 = arith.constant 48 : index
          %get3A_611 = tpu.vector_load %arg13[%get3A_609, %get3A_610] {strides = array<i32>} : memref<64x128xf32, #tpu.memory_space<vmem>>, vector<1x16xf32>,
          %get3A_612 = vector.shape_cast %get3A_611 : vector<1x16xf32> to vector<16xf32>
          %mul3A_613 = arith.mulf %get3A_612, %add3A_448 : vector<16xf32>
          %add3A_614 = arith.constant 1 : i32
          %add3A_615 = arith.addi %mul3A_432, %add3A_614 : i32
          %swap3A_616 = arith.index_cast %add3A_615 : i32 to index
          %swap3A_617 = arith.constant 48 : index
          %swap3A_618 = tpu.vector_load %arg13[%swap3A_616, %swap3A_617] {strides = array<i32>} : memref<64x128xf32, #tpu.memory_space<vmem>>, vector<1x16xf32>,
          %swap3A_619 = vector.shape_cast %swap3A_618 : vector<1x16xf32> to vector<16xf32>
          %swap3A_620 = vector.shape_cast %mul3A_613 : vector<16xf32> to vector<1x16xf32>
          tpu.vector_store %arg13[%swap3A_616, %swap3A_617], %swap3A_620 {strides = array<i32>} : memref<64x128xf32, #tpu.memory_space<vmem>>, vector<1x16xf32>,
          %add3A_621 = arith.constant 1 : i32
          %add3A_622 = arith.addi %mul3A_432, %add3A_621 : i32
          %get3A_623 = arith.index_cast %add3A_622 : i32 to index
          %get3A_624 = arith.constant 64 : index
          %get3A_625 = tpu.vector_load %arg13[%get3A_623, %get3A_624] {strides = array<i32>} : memref<64x128xf32, #tpu.memory_space<vmem>>, vector<1x16xf32>,
          %get3A_626 = vector.shape_cast %get3A_625 : vector<1x16xf32> to vector<16xf32>
          %mul3A_627 = arith.mulf %get3A_626, %add3A_448 : vector<16xf32>
          %add3A_628 = arith.constant 1 : i32
          %add3A_629 = arith.addi %mul3A_432, %add3A_628 : i32
          %swap3A_630 = arith.index_cast %add3A_629 : i32 to index
          %swap3A_631 = arith.constant 64 : index
          %swap3A_632 = tpu.vector_load %arg13[%swap3A_630, %swap3A_631] {strides = array<i32>} : memref<64x128xf32, #tpu.memory_space<vmem>>, vector<1x16xf32>,
          %swap3A_633 = vector.shape_cast %swap3A_632 : vector<1x16xf32> to vector<16xf32>
          %swap3A_634 = vector.shape_cast %mul3A_627 : vector<16xf32> to vector<1x16xf32>
          tpu.vector_store %arg13[%swap3A_630, %swap3A_631], %swap3A_634 {strides = array<i32>} : memref<64x128xf32, #tpu.memory_space<vmem>>, vector<1x16xf32>,
          %add3A_635 = arith.constant 1 : i32
          %add3A_636 = arith.addi %mul3A_432, %add3A_635 : i32
          %get3A_637 = arith.index_cast %add3A_636 : i32 to index
          %get3A_638 = arith.constant 80 : index
          %get3A_639 = tpu.vector_load %arg13[%get3A_637, %get3A_638] {strides = array<i32>} : memref<64x128xf32, #tpu.memory_space<vmem>>, vector<1x16xf32>,
          %get3A_640 = vector.shape_cast %get3A_639 : vector<1x16xf32> to vector<16xf32>
          %mul3A_641 = arith.mulf %get3A_640, %add3A_448 : vector<16xf32>
          %add3A_642 = arith.constant 1 : i32
          %add3A_643 = arith.addi %mul3A_432, %add3A_642 : i32
          %swap3A_644 = arith.index_cast %add3A_643 : i32 to index
          %swap3A_645 = arith.constant 80 : index
          %swap3A_646 = tpu.vector_load %arg13[%swap3A_644, %swap3A_645] {strides = array<i32>} : memref<64x128xf32, #tpu.memory_space<vmem>>, vector<1x16xf32>,
          %swap3A_647 = vector.shape_cast %swap3A_646 : vector<1x16xf32> to vector<16xf32>
          %swap3A_648 = vector.shape_cast %mul3A_641 : vector<16xf32> to vector<1x16xf32>
          tpu.vector_store %arg13[%swap3A_644, %swap3A_645], %swap3A_648 {strides = array<i32>} : memref<64x128xf32, #tpu.memory_space<vmem>>, vector<1x16xf32>,
          %add3A_649 = arith.constant 1 : i32
          %add3A_650 = arith.addi %mul3A_432, %add3A_649 : i32
          %get3A_651 = arith.index_cast %add3A_650 : i32 to index
          %get3A_652 = arith.constant 96 : index
          %get3A_653 = tpu.vector_load %arg13[%get3A_651, %get3A_652] {strides = array<i32>} : memref<64x128xf32, #tpu.memory_space<vmem>>, vector<1x16xf32>,
          %get3A_654 = vector.shape_cast %get3A_653 : vector<1x16xf32> to vector<16xf32>
          %mul3A_655 = arith.mulf %get3A_654, %add3A_448 : vector<16xf32>
          %add3A_656 = arith.constant 1 : i32
          %add3A_657 = arith.addi %mul3A_432, %add3A_656 : i32
          %swap3A_658 = arith.index_cast %add3A_657 : i32 to index
          %swap3A_659 = arith.constant 96 : index
          %swap3A_660 = tpu.vector_load %arg13[%swap3A_658, %swap3A_659] {strides = array<i32>} : memref<64x128xf32, #tpu.memory_space<vmem>>, vector<1x16xf32>,
          %swap3A_661 = vector.shape_cast %swap3A_660 : vector<1x16xf32> to vector<16xf32>
          %swap3A_662 = vector.shape_cast %mul3A_655 : vector<16xf32> to vector<1x16xf32>
          tpu.vector_store %arg13[%swap3A_658, %swap3A_659], %swap3A_662 {strides = array<i32>} : memref<64x128xf32, #tpu.memory_space<vmem>>, vector<1x16xf32>,
          %add3A_663 = arith.constant 2 : i32
          %add3A_664 = arith.addi %mul3A_432, %add3A_663 : i32
          %get3A_665 = arith.index_cast %add3A_664 : i32 to index
          %get3A_666 = arith.constant 0 : index
          %get3A_667 = tpu.vector_load %arg13[%get3A_665, %get3A_666] {strides = array<i32>} : memref<64x128xf32, #tpu.memory_space<vmem>>, vector<1x16xf32>,
          %get3A_668 = vector.shape_cast %get3A_667 : vector<1x16xf32> to vector<16xf32>
          %mul3A_669 = arith.mulf %get3A_668, %add3A_457 : vector<16xf32>
          %add3A_670 = arith.constant 2 : i32
          %add3A_671 = arith.addi %mul3A_432, %add3A_670 : i32
          %swap3A_672 = arith.index_cast %add3A_671 : i32 to index
          %swap3A_673 = arith.constant 0 : index
          %swap3A_674 = tpu.vector_load %arg13[%swap3A_672, %swap3A_673] {strides = array<i32>} : memref<64x128xf32, #tpu.memory_space<vmem>>, vector<1x16xf32>,
          %swap3A_675 = vector.shape_cast %swap3A_674 : vector<1x16xf32> to vector<16xf32>
          %swap3A_676 = vector.shape_cast %mul3A_669 : vector<16xf32> to vector<1x16xf32>
          tpu.vector_store %arg13[%swap3A_672, %swap3A_673], %swap3A_676 {strides = array<i32>} : memref<64x128xf32, #tpu.memory_space<vmem>>, vector<1x16xf32>,
          %add3A_677 = arith.constant 2 : i32
          %add3A_678 = arith.addi %mul3A_432, %add3A_677 : i32
          %get3A_679 = arith.index_cast %add3A_678 : i32 to index
          %get3A_680 = arith.constant 16 : index
          %get3A_681 = tpu.vector_load %arg13[%get3A_679, %get3A_680] {strides = array<i32>} : memref<64x128xf32, #tpu.memory_space<vmem>>, vector<1x16xf32>,
          %get3A_682 = vector.shape_cast %get3A_681 : vector<1x16xf32> to vector<16xf32>
          %mul3A_683 = arith.mulf %get3A_682, %add3A_457 : vector<16xf32>
          %add3A_684 = arith.constant 2 : i32
          %add3A_685 = arith.addi %mul3A_432, %add3A_684 : i32
          %swap3A_686 = arith.index_cast %add3A_685 : i32 to index
          %swap3A_687 = arith.constant 16 : index
          %swap3A_688 = tpu.vector_load %arg13[%swap3A_686, %swap3A_687] {strides = array<i32>} : memref<64x128xf32, #tpu.memory_space<vmem>>, vector<1x16xf32>,
          %swap3A_689 = vector.shape_cast %swap3A_688 : vector<1x16xf32> to vector<16xf32>
          %swap3A_690 = vector.shape_cast %mul3A_683 : vector<16xf32> to vector<1x16xf32>
          tpu.vector_store %arg13[%swap3A_686, %swap3A_687], %swap3A_690 {strides = array<i32>} : memref<64x128xf32, #tpu.memory_space<vmem>>, vector<1x16xf32>,
          %add3A_691 = arith.constant 2 : i32
          %add3A_692 = arith.addi %mul3A_432, %add3A_691 : i32
          %get3A_693 = arith.index_cast %add3A_692 : i32 to index
          %get3A_694 = arith.constant 32 : index
          %get3A_695 = tpu.vector_load %arg13[%get3A_693, %get3A_694] {strides = array<i32>} : memref<64x128xf32, #tpu.memory_space<vmem>>, vector<1x16xf32>,
          %get3A_696 = vector.shape_cast %get3A_695 : vector<1x16xf32> to vector<16xf32>
          %mul3A_697 = arith.mulf %get3A_696, %add3A_457 : vector<16xf32>
          %add3A_698 = arith.constant 2 : i32
          %add3A_699 = arith.addi %mul3A_432, %add3A_698 : i32
          %swap3A_700 = arith.index_cast %add3A_699 : i32 to index
          %swap3A_701 = arith.constant 32 : index
          %swap3A_702 = tpu.vector_load %arg13[%swap3A_700, %swap3A_701] {strides = array<i32>} : memref<64x128xf32, #tpu.memory_space<vmem>>, vector<1x16xf32>,
          %swap3A_703 = vector.shape_cast %swap3A_702 : vector<1x16xf32> to vector<16xf32>
          %swap3A_704 = vector.shape_cast %mul3A_697 : vector<16xf32> to vector<1x16xf32>
          tpu.vector_store %arg13[%swap3A_700, %swap3A_701], %swap3A_704 {strides = array<i32>} : memref<64x128xf32, #tpu.memory_space<vmem>>, vector<1x16xf32>,
          %add3A_705 = arith.constant 2 : i32
          %add3A_706 = arith.addi %mul3A_432, %add3A_705 : i32
          %get3A_707 = arith.index_cast %add3A_706 : i32 to index
          %get3A_708 = arith.constant 48 : index
          %get3A_709 = tpu.vector_load %arg13[%get3A_707, %get3A_708] {strides = array<i32>} : memref<64x128xf32, #tpu.memory_space<vmem>>, vector<1x16xf32>,
          %get3A_710 = vector.shape_cast %get3A_709 : vector<1x16xf32> to vector<16xf32>
          %mul3A_711 = arith.mulf %get3A_710, %add3A_457 : vector<16xf32>
          %add3A_712 = arith.constant 2 : i32
          %add3A_713 = arith.addi %mul3A_432, %add3A_712 : i32
          %swap3A_714 = arith.index_cast %add3A_713 : i32 to index
          %swap3A_715 = arith.constant 48 : index
          %swap3A_716 = tpu.vector_load %arg13[%swap3A_714, %swap3A_715] {strides = array<i32>} : memref<64x128xf32, #tpu.memory_space<vmem>>, vector<1x16xf32>,
          %swap3A_717 = vector.shape_cast %swap3A_716 : vector<1x16xf32> to vector<16xf32>
          %swap3A_718 = vector.shape_cast %mul3A_711 : vector<16xf32> to vector<1x16xf32>
          tpu.vector_store %arg13[%swap3A_714, %swap3A_715], %swap3A_718 {strides = array<i32>} : memref<64x128xf32, #tpu.memory_space<vmem>>, vector<1x16xf32>,
          %add3A_719 = arith.constant 2 : i32
          %add3A_720 = arith.addi %mul3A_432, %add3A_719 : i32
          %get3A_721 = arith.index_cast %add3A_720 : i32 to index
          %get3A_722 = arith.constant 64 : index
          %get3A_723 = tpu.vector_load %arg13[%get3A_721, %get3A_722] {strides = array<i32>} : memref<64x128xf32, #tpu.memory_space<vmem>>, vector<1x16xf32>,
          %get3A_724 = vector.shape_cast %get3A_723 : vector<1x16xf32> to vector<16xf32>
          %mul3A_725 = arith.mulf %get3A_724, %add3A_457 : vector<16xf32>
          %add3A_726 = arith.constant 2 : i32
          %add3A_727 = arith.addi %mul3A_432, %add3A_726 : i32
          %swap3A_728 = arith.index_cast %add3A_727 : i32 to index
          %swap3A_729 = arith.constant 64 : index
          %swap3A_730 = tpu.vector_load %arg13[%swap3A_728, %swap3A_729] {strides = array<i32>} : memref<64x128xf32, #tpu.memory_space<vmem>>, vector<1x16xf32>,
          %swap3A_731 = vector.shape_cast %swap3A_730 : vector<1x16xf32> to vector<16xf32>
          %swap3A_732 = vector.shape_cast %mul3A_725 : vector<16xf32> to vector<1x16xf32>
          tpu.vector_store %arg13[%swap3A_728, %swap3A_729], %swap3A_732 {strides = array<i32>} : memref<64x128xf32, #tpu.memory_space<vmem>>, vector<1x16xf32>,
          %add3A_733 = arith.constant 2 : i32
          %add3A_734 = arith.addi %mul3A_432, %add3A_733 : i32
          %get3A_735 = arith.index_cast %add3A_734 : i32 to index
          %get3A_736 = arith.constant 80 : index
          %get3A_737 = tpu.vector_load %arg13[%get3A_735, %get3A_736] {strides = array<i32>} : memref<64x128xf32, #tpu.memory_space<vmem>>, vector<1x16xf32>,
          %get3A_738 = vector.shape_cast %get3A_737 : vector<1x16xf32> to vector<16xf32>
          %mul3A_739 = arith.mulf %get3A_738, %add3A_457 : vector<16xf32>
          %add3A_740 = arith.constant 2 : i32
          %add3A_741 = arith.addi %mul3A_432, %add3A_740 : i32
          %swap3A_742 = arith.index_cast %add3A_741 : i32 to index
          %swap3A_743 = arith.constant 80 : index
          %swap3A_744 = tpu.vector_load %arg13[%swap3A_742, %swap3A_743] {strides = array<i32>} : memref<64x128xf32, #tpu.memory_space<vmem>>, vector<1x16xf32>,
          %swap3A_745 = vector.shape_cast %swap3A_744 : vector<1x16xf32> to vector<16xf32>
          %swap3A_746 = vector.shape_cast %mul3A_739 : vector<16xf32> to vector<1x16xf32>
          tpu.vector_store %arg13[%swap3A_742, %swap3A_743], %swap3A_746 {strides = array<i32>} : memref<64x128xf32, #tpu.memory_space<vmem>>, vector<1x16xf32>,
          %add3A_747 = arith.constant 2 : i32
          %add3A_748 = arith.addi %mul3A_432, %add3A_747 : i32
          %get3A_749 = arith.index_cast %add3A_748 : i32 to index
          %get3A_750 = arith.constant 96 : index
          %get3A_751 = tpu.vector_load %arg13[%get3A_749, %get3A_750] {strides = array<i32>} : memref<64x128xf32, #tpu.memory_space<vmem>>, vector<1x16xf32>,
          %get3A_752 = vector.shape_cast %get3A_751 : vector<1x16xf32> to vector<16xf32>
          %mul3A_753 = arith.mulf %get3A_752, %add3A_457 : vector<16xf32>
          %add3A_754 = arith.constant 2 : i32
          %add3A_755 = arith.addi %mul3A_432, %add3A_754 : i32
          %swap3A_756 = arith.index_cast %add3A_755 : i32 to index
          %swap3A_757 = arith.constant 96 : index
          %swap3A_758 = tpu.vector_load %arg13[%swap3A_756, %swap3A_757] {strides = array<i32>} : memref<64x128xf32, #tpu.memory_space<vmem>>, vector<1x16xf32>,
          %swap3A_759 = vector.shape_cast %swap3A_758 : vector<1x16xf32> to vector<16xf32>
          %swap3A_760 = vector.shape_cast %mul3A_753 : vector<16xf32> to vector<1x16xf32>
          tpu.vector_store %arg13[%swap3A_756, %swap3A_757], %swap3A_760 {strides = array<i32>} : memref<64x128xf32, #tpu.memory_space<vmem>>, vector<1x16xf32>,
          %add3A_761 = arith.constant 3 : i32
          %add3A_762 = arith.addi %mul3A_432, %add3A_761 : i32
          %get3A_763 = arith.index_cast %add3A_762 : i32 to index
          %get3A_764 = arith.constant 0 : index
          %get3A_765 = tpu.vector_load %arg13[%get3A_763, %get3A_764] {strides = array<i32>} : memref<64x128xf32, #tpu.memory_space<vmem>>, vector<1x16xf32>,
          %get3A_766 = vector.shape_cast %get3A_765 : vector<1x16xf32> to vector<16xf32>
          %mul3A_767 = arith.mulf %get3A_766, %add3A_466 : vector<16xf32>
          %add3A_768 = arith.constant 3 : i32
          %add3A_769 = arith.addi %mul3A_432, %add3A_768 : i32
          %swap3A_770 = arith.index_cast %add3A_769 : i32 to index
          %swap3A_771 = arith.constant 0 : index
          %swap3A_772 = tpu.vector_load %arg13[%swap3A_770, %swap3A_771] {strides = array<i32>} : memref<64x128xf32, #tpu.memory_space<vmem>>, vector<1x16xf32>,
          %swap3A_773 = vector.shape_cast %swap3A_772 : vector<1x16xf32> to vector<16xf32>
          %swap3A_774 = vector.shape_cast %mul3A_767 : vector<16xf32> to vector<1x16xf32>
          tpu.vector_store %arg13[%swap3A_770, %swap3A_771], %swap3A_774 {strides = array<i32>} : memref<64x128xf32, #tpu.memory_space<vmem>>, vector<1x16xf32>,
          %add3A_775 = arith.constant 3 : i32
          %add3A_776 = arith.addi %mul3A_432, %add3A_775 : i32
          %get3A_777 = arith.index_cast %add3A_776 : i32 to index
          %get3A_778 = arith.constant 16 : index
          %get3A_779 = tpu.vector_load %arg13[%get3A_777, %get3A_778] {strides = array<i32>} : memref<64x128xf32, #tpu.memory_space<vmem>>, vector<1x16xf32>,
          %get3A_780 = vector.shape_cast %get3A_779 : vector<1x16xf32> to vector<16xf32>
          %mul3A_781 = arith.mulf %get3A_780, %add3A_466 : vector<16xf32>
          %add3A_782 = arith.constant 3 : i32
          %add3A_783 = arith.addi %mul3A_432, %add3A_782 : i32
          %swap3A_784 = arith.index_cast %add3A_783 : i32 to index
          %swap3A_785 = arith.constant 16 : index
          %swap3A_786 = tpu.vector_load %arg13[%swap3A_784, %swap3A_785] {strides = array<i32>} : memref<64x128xf32, #tpu.memory_space<vmem>>, vector<1x16xf32>,
          %swap3A_787 = vector.shape_cast %swap3A_786 : vector<1x16xf32> to vector<16xf32>
          %swap3A_788 = vector.shape_cast %mul3A_781 : vector<16xf32> to vector<1x16xf32>
          tpu.vector_store %arg13[%swap3A_784, %swap3A_785], %swap3A_788 {strides = array<i32>} : memref<64x128xf32, #tpu.memory_space<vmem>>, vector<1x16xf32>,
          %add3A_789 = arith.constant 3 : i32
          %add3A_790 = arith.addi %mul3A_432, %add3A_789 : i32
          %get3A_791 = arith.index_cast %add3A_790 : i32 to index
          %get3A_792 = arith.constant 32 : index
          %get3A_793 = tpu.vector_load %arg13[%get3A_791, %get3A_792] {strides = array<i32>} : memref<64x128xf32, #tpu.memory_space<vmem>>, vector<1x16xf32>,
          %get3A_794 = vector.shape_cast %get3A_793 : vector<1x16xf32> to vector<16xf32>
          %mul3A_795 = arith.mulf %get3A_794, %add3A_466 : vector<16xf32>
          %add3A_796 = arith.constant 3 : i32
          %add3A_797 = arith.addi %mul3A_432, %add3A_796 : i32
          %swap3A_798 = arith.index_cast %add3A_797 : i32 to index
          %swap3A_799 = arith.constant 32 : index
          %swap3A_800 = tpu.vector_load %arg13[%swap3A_798, %swap3A_799] {strides = array<i32>} : memref<64x128xf32, #tpu.memory_space<vmem>>, vector<1x16xf32>,
          %swap3A_801 = vector.shape_cast %swap3A_800 : vector<1x16xf32> to vector<16xf32>
          %swap3A_802 = vector.shape_cast %mul3A_795 : vector<16xf32> to vector<1x16xf32>
          tpu.vector_store %arg13[%swap3A_798, %swap3A_799], %swap3A_802 {strides = array<i32>} : memref<64x128xf32, #tpu.memory_space<vmem>>, vector<1x16xf32>,
          %add3A_803 = arith.constant 3 : i32
          %add3A_804 = arith.addi %mul3A_432, %add3A_803 : i32
          %get3A_805 = arith.index_cast %add3A_804 : i32 to index
          %get3A_806 = arith.constant 48 : index
          %get3A_807 = tpu.vector_load %arg13[%get3A_805, %get3A_806] {strides = array<i32>} : memref<64x128xf32, #tpu.memory_space<vmem>>, vector<1x16xf32>,
          %get3A_808 = vector.shape_cast %get3A_807 : vector<1x16xf32> to vector<16xf32>
          %mul3A_809 = arith.mulf %get3A_808, %add3A_466 : vector<16xf32>
          %add3A_810 = arith.constant 3 : i32
          %add3A_811 = arith.addi %mul3A_432, %add3A_810 : i32
          %swap3A_812 = arith.index_cast %add3A_811 : i32 to index
          %swap3A_813 = arith.constant 48 : index
          %swap3A_814 = tpu.vector_load %arg13[%swap3A_812, %swap3A_813] {strides = array<i32>} : memref<64x128xf32, #tpu.memory_space<vmem>>, vector<1x16xf32>,
          %swap3A_815 = vector.shape_cast %swap3A_814 : vector<1x16xf32> to vector<16xf32>
          %swap3A_816 = vector.shape_cast %mul3A_809 : vector<16xf32> to vector<1x16xf32>
          tpu.vector_store %arg13[%swap3A_812, %swap3A_813], %swap3A_816 {strides = array<i32>} : memref<64x128xf32, #tpu.memory_space<vmem>>, vector<1x16xf32>,
          %add3A_817 = arith.constant 3 : i32
          %add3A_818 = arith.addi %mul3A_432, %add3A_817 : i32
          %get3A_819 = arith.index_cast %add3A_818 : i32 to index
          %get3A_820 = arith.constant 64 : index
          %get3A_821 = tpu.vector_load %arg13[%get3A_819, %get3A_820] {strides = array<i32>} : memref<64x128xf32, #tpu.memory_space<vmem>>, vector<1x16xf32>,
          %get3A_822 = vector.shape_cast %get3A_821 : vector<1x16xf32> to vector<16xf32>
          %mul3A_823 = arith.mulf %get3A_822, %add3A_466 : vector<16xf32>
          %add3A_824 = arith.constant 3 : i32
          %add3A_825 = arith.addi %mul3A_432, %add3A_824 : i32
          %swap3A_826 = arith.index_cast %add3A_825 : i32 to index
          %swap3A_827 = arith.constant 64 : index
          %swap3A_828 = tpu.vector_load %arg13[%swap3A_826, %swap3A_827] {strides = array<i32>} : memref<64x128xf32, #tpu.memory_space<vmem>>, vector<1x16xf32>,
          %swap3A_829 = vector.shape_cast %swap3A_828 : vector<1x16xf32> to vector<16xf32>
          %swap3A_830 = vector.shape_cast %mul3A_823 : vector<16xf32> to vector<1x16xf32>
          tpu.vector_store %arg13[%swap3A_826, %swap3A_827], %swap3A_830 {strides = array<i32>} : memref<64x128xf32, #tpu.memory_space<vmem>>, vector<1x16xf32>,
          %add3A_831 = arith.constant 3 : i32
          %add3A_832 = arith.addi %mul3A_432, %add3A_831 : i32
          %get3A_833 = arith.index_cast %add3A_832 : i32 to index
          %get3A_834 = arith.constant 80 : index
          %get3A_835 = tpu.vector_load %arg13[%get3A_833, %get3A_834] {strides = array<i32>} : memref<64x128xf32, #tpu.memory_space<vmem>>, vector<1x16xf32>,
          %get3A_836 = vector.shape_cast %get3A_835 : vector<1x16xf32> to vector<16xf32>
          %mul3A_837 = arith.mulf %get3A_836, %add3A_466 : vector<16xf32>
          %add3A_838 = arith.constant 3 : i32
          %add3A_839 = arith.addi %mul3A_432, %add3A_838 : i32
          %swap3A_840 = arith.index_cast %add3A_839 : i32 to index
          %swap3A_841 = arith.constant 80 : index
          %swap3A_842 = tpu.vector_load %arg13[%swap3A_840, %swap3A_841] {strides = array<i32>} : memref<64x128xf32, #tpu.memory_space<vmem>>, vector<1x16xf32>,
          %swap3A_843 = vector.shape_cast %swap3A_842 : vector<1x16xf32> to vector<16xf32>
          %swap3A_844 = vector.shape_cast %mul3A_837 : vector<16xf32> to vector<1x16xf32>
          tpu.vector_store %arg13[%swap3A_840, %swap3A_841], %swap3A_844 {strides = array<i32>} : memref<64x128xf32, #tpu.memory_space<vmem>>, vector<1x16xf32>,
          %add3A_845 = arith.constant 3 : i32
          %add3A_846 = arith.addi %mul3A_432, %add3A_845 : i32
          %get3A_847 = arith.index_cast %add3A_846 : i32 to index
          %get3A_848 = arith.constant 96 : index
          %get3A_849 = tpu.vector_load %arg13[%get3A_847, %get3A_848] {strides = array<i32>} : memref<64x128xf32, #tpu.memory_space<vmem>>, vector<1x16xf32>,
          %get3A_850 = vector.shape_cast %get3A_849 : vector<1x16xf32> to vector<16xf32>
          %mul3A_851 = arith.mulf %get3A_850, %add3A_466 : vector<16xf32>
          %add3A_852 = arith.constant 3 : i32
          %add3A_853 = arith.addi %mul3A_432, %add3A_852 : i32
          %swap3A_854 = arith.index_cast %add3A_853 : i32 to index
          %swap3A_855 = arith.constant 96 : index
          %swap3A_856 = tpu.vector_load %arg13[%swap3A_854, %swap3A_855] {strides = array<i32>} : memref<64x128xf32, #tpu.memory_space<vmem>>, vector<1x16xf32>,
          %swap3A_857 = vector.shape_cast %swap3A_856 : vector<1x16xf32> to vector<16xf32>
          %swap3A_858 = vector.shape_cast %mul3A_851 : vector<16xf32> to vector<1x16xf32>
          tpu.vector_store %arg13[%swap3A_854, %swap3A_855], %swap3A_858 {strides = array<i32>} : memref<64x128xf32, #tpu.memory_space<vmem>>, vector<1x16xf32>,
          %scan3A_859 = arith.constant 0 : i32
          scf.yield %scan3A_859 : i32
        }
        %scan3A_414 = arith.constant 16 : i32
        "tpu.region"() ({
          %run_scoped3A = tpu.sem_alloc : memref<!tpu.dma_semaphore, #tpu.memory_space<semaphore_mem>>
          %dma_start3A_429 = arith.constant 0 : i32
          %dma_start3A_430 = arith.constant 0 : i32
          %dma_start3A_431 = tpu.memref_slice %arg20[%dma_start3A_429, %dma_start3A_430] : memref<12544x128xf32, #tpu.memory_space<vmem_shared>> -> memref<12544x128xf32, #tpu.memory_space<vmem_shared>>
          tpu.enqueue_indirect_dma source(%arg13 : memref<64x128xf32, #tpu.memory_space<vmem>>) target(%dma_start3A_431 : memref<12544x128xf32, #tpu.memory_space<vmem_shared>>) offsets(%arg11 : memref<64xi32, #tpu.memory_space<vmem>>) semaphore(%run_scoped3A : memref<!tpu.dma_semaphore, #tpu.memory_space<semaphore_mem>>) {add = true}
          %dma_wait3A_432 = arith.constant 0 : i32
          %dma_wait3A_433 = arith.constant 0 : i32
          %dma_wait3A_434 = tpu.memref_slice %arg20[%dma_wait3A_432, %dma_wait3A_433] : memref<12544x128xf32, #tpu.memory_space<vmem_shared>> -> memref<12544x128xf32, #tpu.memory_space<vmem_shared>>
          tpu.wait_indirect_dma semaphore(%run_scoped3A : memref<!tpu.dma_semaphore, #tpu.memory_space<semaphore_mem>>) src(%arg13 : memref<64x128xf32, #tpu.memory_space<vmem>>) dst(%dma_wait3A_434 : memref<12544x128xf32, #tpu.memory_space<vmem_shared>>)
          tpu.yield
        }) : () -> ()
        %lt3A_415 = arith.constant 27 : i32
        %lt3A_416 = arith.cmpi slt, %scan3A_266, %lt3A_415 : i32
        %convert_element_type3A = arith.extui %lt3A_416 : i1 to i32
        %cond3A = arith.constant 0 : i32
        %cond3A_417 = arith.cmpi ne, %convert_element_type3A, %cond3A : i32
        scf.if %cond3A_417 {
          %mul3A_429 = arith.constant 2 : i32
          %mul3A_430 = arith.muli %mul3A_429, %scan3A_266 : i32
          %add3A_431 = arith.constant 2 : i32
          %add3A_432 = arith.addi %mul3A_430, %add3A_431 : i32
          %mul3A_433 = arith.constant 64 : i32
          %mul3A_434 = arith.muli %add3A_432, %mul3A_433 : i32
          %add3A_435 = arith.constant 0 : i32
          %add3A_436 = arith.addi %mul3A_434, %add3A_435 : i32
          %get3A_437 = arith.index_cast %add3A_436 : i32 to index
          %get3A_438 = tpu.vector_load %arg8[%get3A_437] {strides = array<i32>} : memref<3584xi32, #tpu.memory_space<vmem>>, vector<16xi32>,
          %get3A_439 = vector.shape_cast %get3A_438 : vector<16xi32> to vector<16xi32>
          %ge3A_440 = vector.broadcast %mul3A_66 : i32 to vector<16xi32>
          %ge3A_441 = arith.cmpi sge, %get3A_439, %ge3A_440 : vector<16xi32>
          %lt3A_442 = vector.broadcast %add3A_68 : i32 to vector<16xi32>
          %lt3A_443 = arith.cmpi slt, %get3A_439, %lt3A_442 : vector<16xi32>
          %and3A_444 = arith.andi %ge3A_441, %lt3A_443 : vector<16xi1>
          %get3A_445 = arith.index_cast %add3A_436 : i32 to index
          %get3A_446 = tpu.vector_load %arg7[%get3A_445] {strides = array<i32>} : memref<3584xi32, #tpu.memory_space<vmem>>, vector<16xi32>,
          %get3A_447 = vector.shape_cast %get3A_446 : vector<16xi32> to vector<16xi32>
          %swap3A_448 = arith.constant 0 : index
          %swap3A_449 = tpu.vector_load %arg10[%swap3A_448] {strides = array<i32>} : memref<64xi32, #tpu.memory_space<vmem>>, vector<16xi32>,
          %swap3A_450 = vector.shape_cast %swap3A_449 : vector<16xi32> to vector<16xi32>
          %swap3A_451 = vector.shape_cast %get3A_447 : vector<16xi32> to vector<16xi32>
          tpu.vector_store %arg10[%swap3A_448], %swap3A_451 {strides = array<i32>} : memref<64xi32, #tpu.memory_space<vmem>>, vector<16xi32>,
          %get3A_452 = arith.index_cast %add3A_436 : i32 to index
          %get3A_453 = tpu.vector_load %arg9[%get3A_452] {strides = array<i32>} : memref<3584xf32, #tpu.memory_space<vmem>>, vector<16xf32>,
          %get3A_454 = vector.shape_cast %get3A_453 : vector<16xf32> to vector<16xf32>
          %select_n3A_455 = arith.select %and3A_444, %get3A_454, %broadcast_in_dim3A_0 : vector<16xi1>, vector<16xf32>
          %swap3A_456 = arith.constant 0 : index
          %swap3A_457 = tpu.vector_load %arg12[%swap3A_456] {strides = array<i32>} : memref<80xf32, #tpu.memory_space<vmem>>, vector<16xf32>,
          %swap3A_458 = vector.shape_cast %swap3A_457 : vector<16xf32> to vector<16xf32>
          %swap3A_459 = vector.shape_cast %select_n3A_455 : vector<16xf32> to vector<16xf32>
          tpu.vector_store %arg12[%swap3A_456], %swap3A_459 {strides = array<i32>} : memref<80xf32, #tpu.memory_space<vmem>>, vector<16xf32>,
          %sub3A_460 = vector.broadcast %mul3A_66 : i32 to vector<16xi32>
          %sub3A_461 = arith.subi %get3A_439, %sub3A_460 : vector<16xi32>
          %select_n3A_462 = arith.select %and3A_444, %sub3A_461, %broadcast_in_dim3A_2 : vector<16xi1>, vector<16xi32>
          %swap3A_463 = arith.constant 0 : index
          %swap3A_464 = tpu.vector_load %arg11[%swap3A_463] {strides = array<i32>} : memref<64xi32, #tpu.memory_space<vmem>>, vector<16xi32>,
          %swap3A_465 = vector.shape_cast %swap3A_464 : vector<16xi32> to vector<16xi32>
          %swap3A_466 = vector.shape_cast %select_n3A_462 : vector<16xi32> to vector<16xi32>
          tpu.vector_store %arg11[%swap3A_463], %swap3A_466 {strides = array<i32>} : memref<64xi32, #tpu.memory_space<vmem>>, vector<16xi32>,
          %add3A_467 = arith.constant 16 : i32
          %add3A_468 = arith.addi %mul3A_434, %add3A_467 : i32
          %get3A_469 = arith.index_cast %add3A_468 : i32 to index
          %get3A_470 = tpu.vector_load %arg8[%get3A_469] {strides = array<i32>} : memref<3584xi32, #tpu.memory_space<vmem>>, vector<16xi32>,
          %get3A_471 = vector.shape_cast %get3A_470 : vector<16xi32> to vector<16xi32>
          %ge3A_472 = vector.broadcast %mul3A_66 : i32 to vector<16xi32>
          %ge3A_473 = arith.cmpi sge, %get3A_471, %ge3A_472 : vector<16xi32>
          %lt3A_474 = vector.broadcast %add3A_68 : i32 to vector<16xi32>
          %lt3A_475 = arith.cmpi slt, %get3A_471, %lt3A_474 : vector<16xi32>
          %and3A_476 = arith.andi %ge3A_473, %lt3A_475 : vector<16xi1>
          %get3A_477 = arith.index_cast %add3A_468 : i32 to index
          %get3A_478 = tpu.vector_load %arg7[%get3A_477] {strides = array<i32>} : memref<3584xi32, #tpu.memory_space<vmem>>, vector<16xi32>,
          %get3A_479 = vector.shape_cast %get3A_478 : vector<16xi32> to vector<16xi32>
          %swap3A_480 = arith.constant 16 : index
          %swap3A_481 = tpu.vector_load %arg10[%swap3A_480] {strides = array<i32>} : memref<64xi32, #tpu.memory_space<vmem>>, vector<16xi32>,
          %swap3A_482 = vector.shape_cast %swap3A_481 : vector<16xi32> to vector<16xi32>
          %swap3A_483 = vector.shape_cast %get3A_479 : vector<16xi32> to vector<16xi32>
          tpu.vector_store %arg10[%swap3A_480], %swap3A_483 {strides = array<i32>} : memref<64xi32, #tpu.memory_space<vmem>>, vector<16xi32>,
          %get3A_484 = arith.index_cast %add3A_468 : i32 to index
          %get3A_485 = tpu.vector_load %arg9[%get3A_484] {strides = array<i32>} : memref<3584xf32, #tpu.memory_space<vmem>>, vector<16xf32>,
          %get3A_486 = vector.shape_cast %get3A_485 : vector<16xf32> to vector<16xf32>
          %select_n3A_487 = arith.select %and3A_476, %get3A_486, %broadcast_in_dim3A_0 : vector<16xi1>, vector<16xf32>
          %swap3A_488 = arith.constant 16 : index
          %swap3A_489 = tpu.vector_load %arg12[%swap3A_488] {strides = array<i32>} : memref<80xf32, #tpu.memory_space<vmem>>, vector<16xf32>,
          %swap3A_490 = vector.shape_cast %swap3A_489 : vector<16xf32> to vector<16xf32>
          %swap3A_491 = vector.shape_cast %select_n3A_487 : vector<16xf32> to vector<16xf32>
          tpu.vector_store %arg12[%swap3A_488], %swap3A_491 {strides = array<i32>} : memref<80xf32, #tpu.memory_space<vmem>>, vector<16xf32>,
          %sub3A_492 = vector.broadcast %mul3A_66 : i32 to vector<16xi32>
          %sub3A_493 = arith.subi %get3A_471, %sub3A_492 : vector<16xi32>
          %select_n3A_494 = arith.select %and3A_476, %sub3A_493, %broadcast_in_dim3A_2 : vector<16xi1>, vector<16xi32>
          %swap3A_495 = arith.constant 16 : index
          %swap3A_496 = tpu.vector_load %arg11[%swap3A_495] {strides = array<i32>} : memref<64xi32, #tpu.memory_space<vmem>>, vector<16xi32>,
          %swap3A_497 = vector.shape_cast %swap3A_496 : vector<16xi32> to vector<16xi32>
          %swap3A_498 = vector.shape_cast %select_n3A_494 : vector<16xi32> to vector<16xi32>
          tpu.vector_store %arg11[%swap3A_495], %swap3A_498 {strides = array<i32>} : memref<64xi32, #tpu.memory_space<vmem>>, vector<16xi32>,
          %add3A_499 = arith.constant 32 : i32
          %add3A_500 = arith.addi %mul3A_434, %add3A_499 : i32
          %get3A_501 = arith.index_cast %add3A_500 : i32 to index
          %get3A_502 = tpu.vector_load %arg8[%get3A_501] {strides = array<i32>} : memref<3584xi32, #tpu.memory_space<vmem>>, vector<16xi32>,
          %get3A_503 = vector.shape_cast %get3A_502 : vector<16xi32> to vector<16xi32>
          %ge3A_504 = vector.broadcast %mul3A_66 : i32 to vector<16xi32>
          %ge3A_505 = arith.cmpi sge, %get3A_503, %ge3A_504 : vector<16xi32>
          %lt3A_506 = vector.broadcast %add3A_68 : i32 to vector<16xi32>
          %lt3A_507 = arith.cmpi slt, %get3A_503, %lt3A_506 : vector<16xi32>
          %and3A_508 = arith.andi %ge3A_505, %lt3A_507 : vector<16xi1>
          %get3A_509 = arith.index_cast %add3A_500 : i32 to index
          %get3A_510 = tpu.vector_load %arg7[%get3A_509] {strides = array<i32>} : memref<3584xi32, #tpu.memory_space<vmem>>, vector<16xi32>,
          %get3A_511 = vector.shape_cast %get3A_510 : vector<16xi32> to vector<16xi32>
          %swap3A_512 = arith.constant 32 : index
          %swap3A_513 = tpu.vector_load %arg10[%swap3A_512] {strides = array<i32>} : memref<64xi32, #tpu.memory_space<vmem>>, vector<16xi32>,
          %swap3A_514 = vector.shape_cast %swap3A_513 : vector<16xi32> to vector<16xi32>
          %swap3A_515 = vector.shape_cast %get3A_511 : vector<16xi32> to vector<16xi32>
          tpu.vector_store %arg10[%swap3A_512], %swap3A_515 {strides = array<i32>} : memref<64xi32, #tpu.memory_space<vmem>>, vector<16xi32>,
          %get3A_516 = arith.index_cast %add3A_500 : i32 to index
          %get3A_517 = tpu.vector_load %arg9[%get3A_516] {strides = array<i32>} : memref<3584xf32, #tpu.memory_space<vmem>>, vector<16xf32>,
          %get3A_518 = vector.shape_cast %get3A_517 : vector<16xf32> to vector<16xf32>
          %select_n3A_519 = arith.select %and3A_508, %get3A_518, %broadcast_in_dim3A_0 : vector<16xi1>, vector<16xf32>
          %swap3A_520 = arith.constant 32 : index
          %swap3A_521 = tpu.vector_load %arg12[%swap3A_520] {strides = array<i32>} : memref<80xf32, #tpu.memory_space<vmem>>, vector<16xf32>,
          %swap3A_522 = vector.shape_cast %swap3A_521 : vector<16xf32> to vector<16xf32>
          %swap3A_523 = vector.shape_cast %select_n3A_519 : vector<16xf32> to vector<16xf32>
          tpu.vector_store %arg12[%swap3A_520], %swap3A_523 {strides = array<i32>} : memref<80xf32, #tpu.memory_space<vmem>>, vector<16xf32>,
          %sub3A_524 = vector.broadcast %mul3A_66 : i32 to vector<16xi32>
          %sub3A_525 = arith.subi %get3A_503, %sub3A_524 : vector<16xi32>
          %select_n3A_526 = arith.select %and3A_508, %sub3A_525, %broadcast_in_dim3A_2 : vector<16xi1>, vector<16xi32>
          %swap3A_527 = arith.constant 32 : index
          %swap3A_528 = tpu.vector_load %arg11[%swap3A_527] {strides = array<i32>} : memref<64xi32, #tpu.memory_space<vmem>>, vector<16xi32>,
          %swap3A_529 = vector.shape_cast %swap3A_528 : vector<16xi32> to vector<16xi32>
          %swap3A_530 = vector.shape_cast %select_n3A_526 : vector<16xi32> to vector<16xi32>
          tpu.vector_store %arg11[%swap3A_527], %swap3A_530 {strides = array<i32>} : memref<64xi32, #tpu.memory_space<vmem>>, vector<16xi32>,
          %add3A_531 = arith.constant 48 : i32
          %add3A_532 = arith.addi %mul3A_434, %add3A_531 : i32
          %get3A_533 = arith.index_cast %add3A_532 : i32 to index
          %get3A_534 = tpu.vector_load %arg8[%get3A_533] {strides = array<i32>} : memref<3584xi32, #tpu.memory_space<vmem>>, vector<16xi32>,
          %get3A_535 = vector.shape_cast %get3A_534 : vector<16xi32> to vector<16xi32>
          %ge3A_536 = vector.broadcast %mul3A_66 : i32 to vector<16xi32>
          %ge3A_537 = arith.cmpi sge, %get3A_535, %ge3A_536 : vector<16xi32>
          %lt3A_538 = vector.broadcast %add3A_68 : i32 to vector<16xi32>
          %lt3A_539 = arith.cmpi slt, %get3A_535, %lt3A_538 : vector<16xi32>
          %and3A_540 = arith.andi %ge3A_537, %lt3A_539 : vector<16xi1>
          %get3A_541 = arith.index_cast %add3A_532 : i32 to index
          %get3A_542 = tpu.vector_load %arg7[%get3A_541] {strides = array<i32>} : memref<3584xi32, #tpu.memory_space<vmem>>, vector<16xi32>,
          %get3A_543 = vector.shape_cast %get3A_542 : vector<16xi32> to vector<16xi32>
          %swap3A_544 = arith.constant 48 : index
          %swap3A_545 = tpu.vector_load %arg10[%swap3A_544] {strides = array<i32>} : memref<64xi32, #tpu.memory_space<vmem>>, vector<16xi32>,
          %swap3A_546 = vector.shape_cast %swap3A_545 : vector<16xi32> to vector<16xi32>
          %swap3A_547 = vector.shape_cast %get3A_543 : vector<16xi32> to vector<16xi32>
          tpu.vector_store %arg10[%swap3A_544], %swap3A_547 {strides = array<i32>} : memref<64xi32, #tpu.memory_space<vmem>>, vector<16xi32>,
          %get3A_548 = arith.index_cast %add3A_532 : i32 to index
          %get3A_549 = tpu.vector_load %arg9[%get3A_548] {strides = array<i32>} : memref<3584xf32, #tpu.memory_space<vmem>>, vector<16xf32>,
          %get3A_550 = vector.shape_cast %get3A_549 : vector<16xf32> to vector<16xf32>
          %select_n3A_551 = arith.select %and3A_540, %get3A_550, %broadcast_in_dim3A_0 : vector<16xi1>, vector<16xf32>
          %swap3A_552 = arith.constant 48 : index
          %swap3A_553 = tpu.vector_load %arg12[%swap3A_552] {strides = array<i32>} : memref<80xf32, #tpu.memory_space<vmem>>, vector<16xf32>,
          %swap3A_554 = vector.shape_cast %swap3A_553 : vector<16xf32> to vector<16xf32>
          %swap3A_555 = vector.shape_cast %select_n3A_551 : vector<16xf32> to vector<16xf32>
          tpu.vector_store %arg12[%swap3A_552], %swap3A_555 {strides = array<i32>} : memref<80xf32, #tpu.memory_space<vmem>>, vector<16xf32>,
          %sub3A_556 = vector.broadcast %mul3A_66 : i32 to vector<16xi32>
          %sub3A_557 = arith.subi %get3A_535, %sub3A_556 : vector<16xi32>
          %select_n3A_558 = arith.select %and3A_540, %sub3A_557, %broadcast_in_dim3A_2 : vector<16xi1>, vector<16xi32>
          %swap3A_559 = arith.constant 48 : index
          %swap3A_560 = tpu.vector_load %arg11[%swap3A_559] {strides = array<i32>} : memref<64xi32, #tpu.memory_space<vmem>>, vector<16xi32>,
          %swap3A_561 = vector.shape_cast %swap3A_560 : vector<16xi32> to vector<16xi32>
          %swap3A_562 = vector.shape_cast %select_n3A_558 : vector<16xi32> to vector<16xi32>
          tpu.vector_store %arg11[%swap3A_559], %swap3A_562 {strides = array<i32>} : memref<64xi32, #tpu.memory_space<vmem>>, vector<16xi32>,
          %dma_start3A_563 = arith.constant 0 : i32
          %dma_start3A_564 = arith.constant 0 : i32
          %dma_start3A_565 = tpu.memref_slice %arg5[%dma_start3A_563, %dma_start3A_564] : memref<50000x128xf32, #tpu.memory_space<hbm>> -> memref<50000x128xf32, #tpu.memory_space<hbm>>
          tpu.enqueue_indirect_dma source(%dma_start3A_565 : memref<50000x128xf32, #tpu.memory_space<hbm>>) target(%arg13 : memref<64x128xf32, #tpu.memory_space<vmem>>) offsets(%arg10 : memref<64xi32, #tpu.memory_space<vmem>>) semaphore(%arg14 : memref<!tpu.dma_semaphore, #tpu.memory_space<semaphore_mem>>)
        } else {
        }
        %dma_wait3A_418 = arith.constant 0 : i32
        %dma_wait3A_419 = arith.constant 0 : i32
        %dma_wait3A_420 = tpu.memref_slice %arg5[%dma_wait3A_418, %dma_wait3A_419] : memref<50000x128xf32, #tpu.memory_space<hbm>> -> memref<50000x128xf32, #tpu.memory_space<hbm>>
        tpu.wait_indirect_dma semaphore(%arg19 : memref<!tpu.dma_semaphore, #tpu.memory_space<semaphore_mem>>) src(%dma_wait3A_420 : memref<50000x128xf32, #tpu.memory_space<hbm>>) dst(%arg18 : memref<64x128xf32, #tpu.memory_space<vmem>>)
        %scan3A_421 = arith.constant 0 : i32
        %scan3A_422 = arith.constant 0 : i32
        %scan3A_423 = arith.constant 16 : i32
        %scan3A_424 = arith.addi %scan3A_422, %scan3A_423 : i32
        %scan3A_425 = arith.constant 1 : i32
        %scan3A_426 = scf.for %scan3A_429 = %scan3A_422 to %scan3A_424 step %scan3A_425 iter_args(%scan3A_430 = %scan3A_421) -> (i32)  : i32 {
          %mul3A_431 = arith.constant 4 : i32
          %mul3A_432 = arith.muli %mul3A_431, %scan3A_429 : i32
          %add3A_433 = arith.constant 0 : i32
          %add3A_434 = arith.addi %mul3A_432, %add3A_433 : i32
          %get3A_435 = arith.index_cast %add3A_434 : i32 to index
          %get3A_436 = tpu.vector_load %arg17[%get3A_435] {strides = array<i32>} : memref<80xf32, #tpu.memory_space<vmem>>, vector<16xf32>,
          %get3A_437 = vector.shape_cast %get3A_436 : vector<16xf32> to vector<16xf32>
          %slice3A = vector.extract_strided_slice %get3A_437 {offsets = [0], sizes = [1], strides = [1]} : vector<16xf32> to vector<1xf32>
          %squeeze3A = vector.extract %slice3A[0] : f32 from vector<1xf32>
          %add3A_438 = vector.broadcast %squeeze3A : f32 to vector<16xf32>
          %add3A_439 = arith.addf %broadcast_in_dim3A_0, %add3A_438 : vector<16xf32>
          %add3A_440 = arith.constant 1 : i32
          %add3A_441 = arith.addi %mul3A_432, %add3A_440 : i32
          %get3A_442 = arith.index_cast %add3A_441 : i32 to index
          %get3A_443 = tpu.vector_load %arg17[%get3A_442] {strides = array<i32>} : memref<80xf32, #tpu.memory_space<vmem>>, vector<16xf32>,
          %get3A_444 = vector.shape_cast %get3A_443 : vector<16xf32> to vector<16xf32>
          %slice3A_445 = vector.extract_strided_slice %get3A_444 {offsets = [0], sizes = [1], strides = [1]} : vector<16xf32> to vector<1xf32>
          %squeeze3A_446 = vector.extract %slice3A_445[0] : f32 from vector<1xf32>
          %add3A_447 = vector.broadcast %squeeze3A_446 : f32 to vector<16xf32>
          %add3A_448 = arith.addf %broadcast_in_dim3A_0, %add3A_447 : vector<16xf32>
          %add3A_449 = arith.constant 2 : i32
          %add3A_450 = arith.addi %mul3A_432, %add3A_449 : i32
          %get3A_451 = arith.index_cast %add3A_450 : i32 to index
          %get3A_452 = tpu.vector_load %arg17[%get3A_451] {strides = array<i32>} : memref<80xf32, #tpu.memory_space<vmem>>, vector<16xf32>,
          %get3A_453 = vector.shape_cast %get3A_452 : vector<16xf32> to vector<16xf32>
          %slice3A_454 = vector.extract_strided_slice %get3A_453 {offsets = [0], sizes = [1], strides = [1]} : vector<16xf32> to vector<1xf32>
          %squeeze3A_455 = vector.extract %slice3A_454[0] : f32 from vector<1xf32>
          %add3A_456 = vector.broadcast %squeeze3A_455 : f32 to vector<16xf32>
          %add3A_457 = arith.addf %broadcast_in_dim3A_0, %add3A_456 : vector<16xf32>
          %add3A_458 = arith.constant 3 : i32
          %add3A_459 = arith.addi %mul3A_432, %add3A_458 : i32
          %get3A_460 = arith.index_cast %add3A_459 : i32 to index
          %get3A_461 = tpu.vector_load %arg17[%get3A_460] {strides = array<i32>} : memref<80xf32, #tpu.memory_space<vmem>>, vector<16xf32>,
          %get3A_462 = vector.shape_cast %get3A_461 : vector<16xf32> to vector<16xf32>
          %slice3A_463 = vector.extract_strided_slice %get3A_462 {offsets = [0], sizes = [1], strides = [1]} : vector<16xf32> to vector<1xf32>
          %squeeze3A_464 = vector.extract %slice3A_463[0] : f32 from vector<1xf32>
          %add3A_465 = vector.broadcast %squeeze3A_464 : f32 to vector<16xf32>
          %add3A_466 = arith.addf %broadcast_in_dim3A_0, %add3A_465 : vector<16xf32>
          %add3A_467 = arith.constant 0 : i32
          %add3A_468 = arith.addi %mul3A_432, %add3A_467 : i32
          %get3A_469 = arith.index_cast %add3A_468 : i32 to index
          %get3A_470 = arith.constant 0 : index
          %get3A_471 = tpu.vector_load %arg18[%get3A_469, %get3A_470] {strides = array<i32>} : memref<64x128xf32, #tpu.memory_space<vmem>>, vector<1x16xf32>,
          %get3A_472 = vector.shape_cast %get3A_471 : vector<1x16xf32> to vector<16xf32>
          %mul3A_473 = arith.mulf %get3A_472, %add3A_439 : vector<16xf32>
          %add3A_474 = arith.constant 0 : i32
          %add3A_475 = arith.addi %mul3A_432, %add3A_474 : i32
          %swap3A_476 = arith.index_cast %add3A_475 : i32 to index
          %swap3A_477 = arith.constant 0 : index
          %swap3A_478 = tpu.vector_load %arg18[%swap3A_476, %swap3A_477] {strides = array<i32>} : memref<64x128xf32, #tpu.memory_space<vmem>>, vector<1x16xf32>,
          %swap3A_479 = vector.shape_cast %swap3A_478 : vector<1x16xf32> to vector<16xf32>
          %swap3A_480 = vector.shape_cast %mul3A_473 : vector<16xf32> to vector<1x16xf32>
          tpu.vector_store %arg18[%swap3A_476, %swap3A_477], %swap3A_480 {strides = array<i32>} : memref<64x128xf32, #tpu.memory_space<vmem>>, vector<1x16xf32>,
          %add3A_481 = arith.constant 0 : i32
          %add3A_482 = arith.addi %mul3A_432, %add3A_481 : i32
          %get3A_483 = arith.index_cast %add3A_482 : i32 to index
          %get3A_484 = arith.constant 16 : index
          %get3A_485 = tpu.vector_load %arg18[%get3A_483, %get3A_484] {strides = array<i32>} : memref<64x128xf32, #tpu.memory_space<vmem>>, vector<1x16xf32>,
          %get3A_486 = vector.shape_cast %get3A_485 : vector<1x16xf32> to vector<16xf32>
          %mul3A_487 = arith.mulf %get3A_486, %add3A_439 : vector<16xf32>
          %add3A_488 = arith.constant 0 : i32
          %add3A_489 = arith.addi %mul3A_432, %add3A_488 : i32
          %swap3A_490 = arith.index_cast %add3A_489 : i32 to index
          %swap3A_491 = arith.constant 16 : index
          %swap3A_492 = tpu.vector_load %arg18[%swap3A_490, %swap3A_491] {strides = array<i32>} : memref<64x128xf32, #tpu.memory_space<vmem>>, vector<1x16xf32>,
          %swap3A_493 = vector.shape_cast %swap3A_492 : vector<1x16xf32> to vector<16xf32>
          %swap3A_494 = vector.shape_cast %mul3A_487 : vector<16xf32> to vector<1x16xf32>
          tpu.vector_store %arg18[%swap3A_490, %swap3A_491], %swap3A_494 {strides = array<i32>} : memref<64x128xf32, #tpu.memory_space<vmem>>, vector<1x16xf32>,
          %add3A_495 = arith.constant 0 : i32
          %add3A_496 = arith.addi %mul3A_432, %add3A_495 : i32
          %get3A_497 = arith.index_cast %add3A_496 : i32 to index
          %get3A_498 = arith.constant 32 : index
          %get3A_499 = tpu.vector_load %arg18[%get3A_497, %get3A_498] {strides = array<i32>} : memref<64x128xf32, #tpu.memory_space<vmem>>, vector<1x16xf32>,
          %get3A_500 = vector.shape_cast %get3A_499 : vector<1x16xf32> to vector<16xf32>
          %mul3A_501 = arith.mulf %get3A_500, %add3A_439 : vector<16xf32>
          %add3A_502 = arith.constant 0 : i32
          %add3A_503 = arith.addi %mul3A_432, %add3A_502 : i32
          %swap3A_504 = arith.index_cast %add3A_503 : i32 to index
          %swap3A_505 = arith.constant 32 : index
          %swap3A_506 = tpu.vector_load %arg18[%swap3A_504, %swap3A_505] {strides = array<i32>} : memref<64x128xf32, #tpu.memory_space<vmem>>, vector<1x16xf32>,
          %swap3A_507 = vector.shape_cast %swap3A_506 : vector<1x16xf32> to vector<16xf32>
          %swap3A_508 = vector.shape_cast %mul3A_501 : vector<16xf32> to vector<1x16xf32>
          tpu.vector_store %arg18[%swap3A_504, %swap3A_505], %swap3A_508 {strides = array<i32>} : memref<64x128xf32, #tpu.memory_space<vmem>>, vector<1x16xf32>,
          %add3A_509 = arith.constant 0 : i32
          %add3A_510 = arith.addi %mul3A_432, %add3A_509 : i32
          %get3A_511 = arith.index_cast %add3A_510 : i32 to index
          %get3A_512 = arith.constant 48 : index
          %get3A_513 = tpu.vector_load %arg18[%get3A_511, %get3A_512] {strides = array<i32>} : memref<64x128xf32, #tpu.memory_space<vmem>>, vector<1x16xf32>,
          %get3A_514 = vector.shape_cast %get3A_513 : vector<1x16xf32> to vector<16xf32>
          %mul3A_515 = arith.mulf %get3A_514, %add3A_439 : vector<16xf32>
          %add3A_516 = arith.constant 0 : i32
          %add3A_517 = arith.addi %mul3A_432, %add3A_516 : i32
          %swap3A_518 = arith.index_cast %add3A_517 : i32 to index
          %swap3A_519 = arith.constant 48 : index
          %swap3A_520 = tpu.vector_load %arg18[%swap3A_518, %swap3A_519] {strides = array<i32>} : memref<64x128xf32, #tpu.memory_space<vmem>>, vector<1x16xf32>,
          %swap3A_521 = vector.shape_cast %swap3A_520 : vector<1x16xf32> to vector<16xf32>
          %swap3A_522 = vector.shape_cast %mul3A_515 : vector<16xf32> to vector<1x16xf32>
          tpu.vector_store %arg18[%swap3A_518, %swap3A_519], %swap3A_522 {strides = array<i32>} : memref<64x128xf32, #tpu.memory_space<vmem>>, vector<1x16xf32>,
          %add3A_523 = arith.constant 0 : i32
          %add3A_524 = arith.addi %mul3A_432, %add3A_523 : i32
          %get3A_525 = arith.index_cast %add3A_524 : i32 to index
          %get3A_526 = arith.constant 64 : index
          %get3A_527 = tpu.vector_load %arg18[%get3A_525, %get3A_526] {strides = array<i32>} : memref<64x128xf32, #tpu.memory_space<vmem>>, vector<1x16xf32>,
          %get3A_528 = vector.shape_cast %get3A_527 : vector<1x16xf32> to vector<16xf32>
          %mul3A_529 = arith.mulf %get3A_528, %add3A_439 : vector<16xf32>
          %add3A_530 = arith.constant 0 : i32
          %add3A_531 = arith.addi %mul3A_432, %add3A_530 : i32
          %swap3A_532 = arith.index_cast %add3A_531 : i32 to index
          %swap3A_533 = arith.constant 64 : index
          %swap3A_534 = tpu.vector_load %arg18[%swap3A_532, %swap3A_533] {strides = array<i32>} : memref<64x128xf32, #tpu.memory_space<vmem>>, vector<1x16xf32>,
          %swap3A_535 = vector.shape_cast %swap3A_534 : vector<1x16xf32> to vector<16xf32>
          %swap3A_536 = vector.shape_cast %mul3A_529 : vector<16xf32> to vector<1x16xf32>
          tpu.vector_store %arg18[%swap3A_532, %swap3A_533], %swap3A_536 {strides = array<i32>} : memref<64x128xf32, #tpu.memory_space<vmem>>, vector<1x16xf32>,
          %add3A_537 = arith.constant 0 : i32
          %add3A_538 = arith.addi %mul3A_432, %add3A_537 : i32
          %get3A_539 = arith.index_cast %add3A_538 : i32 to index
          %get3A_540 = arith.constant 80 : index
          %get3A_541 = tpu.vector_load %arg18[%get3A_539, %get3A_540] {strides = array<i32>} : memref<64x128xf32, #tpu.memory_space<vmem>>, vector<1x16xf32>,
          %get3A_542 = vector.shape_cast %get3A_541 : vector<1x16xf32> to vector<16xf32>
          %mul3A_543 = arith.mulf %get3A_542, %add3A_439 : vector<16xf32>
          %add3A_544 = arith.constant 0 : i32
          %add3A_545 = arith.addi %mul3A_432, %add3A_544 : i32
          %swap3A_546 = arith.index_cast %add3A_545 : i32 to index
          %swap3A_547 = arith.constant 80 : index
          %swap3A_548 = tpu.vector_load %arg18[%swap3A_546, %swap3A_547] {strides = array<i32>} : memref<64x128xf32, #tpu.memory_space<vmem>>, vector<1x16xf32>,
          %swap3A_549 = vector.shape_cast %swap3A_548 : vector<1x16xf32> to vector<16xf32>
          %swap3A_550 = vector.shape_cast %mul3A_543 : vector<16xf32> to vector<1x16xf32>
          tpu.vector_store %arg18[%swap3A_546, %swap3A_547], %swap3A_550 {strides = array<i32>} : memref<64x128xf32, #tpu.memory_space<vmem>>, vector<1x16xf32>,
          %add3A_551 = arith.constant 0 : i32
          %add3A_552 = arith.addi %mul3A_432, %add3A_551 : i32
          %get3A_553 = arith.index_cast %add3A_552 : i32 to index
          %get3A_554 = arith.constant 96 : index
          %get3A_555 = tpu.vector_load %arg18[%get3A_553, %get3A_554] {strides = array<i32>} : memref<64x128xf32, #tpu.memory_space<vmem>>, vector<1x16xf32>,
          %get3A_556 = vector.shape_cast %get3A_555 : vector<1x16xf32> to vector<16xf32>
          %mul3A_557 = arith.mulf %get3A_556, %add3A_439 : vector<16xf32>
          %add3A_558 = arith.constant 0 : i32
          %add3A_559 = arith.addi %mul3A_432, %add3A_558 : i32
          %swap3A_560 = arith.index_cast %add3A_559 : i32 to index
          %swap3A_561 = arith.constant 96 : index
          %swap3A_562 = tpu.vector_load %arg18[%swap3A_560, %swap3A_561] {strides = array<i32>} : memref<64x128xf32, #tpu.memory_space<vmem>>, vector<1x16xf32>,
          %swap3A_563 = vector.shape_cast %swap3A_562 : vector<1x16xf32> to vector<16xf32>
          %swap3A_564 = vector.shape_cast %mul3A_557 : vector<16xf32> to vector<1x16xf32>
          tpu.vector_store %arg18[%swap3A_560, %swap3A_561], %swap3A_564 {strides = array<i32>} : memref<64x128xf32, #tpu.memory_space<vmem>>, vector<1x16xf32>,
          %add3A_565 = arith.constant 1 : i32
          %add3A_566 = arith.addi %mul3A_432, %add3A_565 : i32
          %get3A_567 = arith.index_cast %add3A_566 : i32 to index
          %get3A_568 = arith.constant 0 : index
          %get3A_569 = tpu.vector_load %arg18[%get3A_567, %get3A_568] {strides = array<i32>} : memref<64x128xf32, #tpu.memory_space<vmem>>, vector<1x16xf32>,
          %get3A_570 = vector.shape_cast %get3A_569 : vector<1x16xf32> to vector<16xf32>
          %mul3A_571 = arith.mulf %get3A_570, %add3A_448 : vector<16xf32>
          %add3A_572 = arith.constant 1 : i32
          %add3A_573 = arith.addi %mul3A_432, %add3A_572 : i32
          %swap3A_574 = arith.index_cast %add3A_573 : i32 to index
          %swap3A_575 = arith.constant 0 : index
          %swap3A_576 = tpu.vector_load %arg18[%swap3A_574, %swap3A_575] {strides = array<i32>} : memref<64x128xf32, #tpu.memory_space<vmem>>, vector<1x16xf32>,
          %swap3A_577 = vector.shape_cast %swap3A_576 : vector<1x16xf32> to vector<16xf32>
          %swap3A_578 = vector.shape_cast %mul3A_571 : vector<16xf32> to vector<1x16xf32>
          tpu.vector_store %arg18[%swap3A_574, %swap3A_575], %swap3A_578 {strides = array<i32>} : memref<64x128xf32, #tpu.memory_space<vmem>>, vector<1x16xf32>,
          %add3A_579 = arith.constant 1 : i32
          %add3A_580 = arith.addi %mul3A_432, %add3A_579 : i32
          %get3A_581 = arith.index_cast %add3A_580 : i32 to index
          %get3A_582 = arith.constant 16 : index
          %get3A_583 = tpu.vector_load %arg18[%get3A_581, %get3A_582] {strides = array<i32>} : memref<64x128xf32, #tpu.memory_space<vmem>>, vector<1x16xf32>,
          %get3A_584 = vector.shape_cast %get3A_583 : vector<1x16xf32> to vector<16xf32>
          %mul3A_585 = arith.mulf %get3A_584, %add3A_448 : vector<16xf32>
          %add3A_586 = arith.constant 1 : i32
          %add3A_587 = arith.addi %mul3A_432, %add3A_586 : i32
          %swap3A_588 = arith.index_cast %add3A_587 : i32 to index
          %swap3A_589 = arith.constant 16 : index
          %swap3A_590 = tpu.vector_load %arg18[%swap3A_588, %swap3A_589] {strides = array<i32>} : memref<64x128xf32, #tpu.memory_space<vmem>>, vector<1x16xf32>,
          %swap3A_591 = vector.shape_cast %swap3A_590 : vector<1x16xf32> to vector<16xf32>
          %swap3A_592 = vector.shape_cast %mul3A_585 : vector<16xf32> to vector<1x16xf32>
          tpu.vector_store %arg18[%swap3A_588, %swap3A_589], %swap3A_592 {strides = array<i32>} : memref<64x128xf32, #tpu.memory_space<vmem>>, vector<1x16xf32>,
          %add3A_593 = arith.constant 1 : i32
          %add3A_594 = arith.addi %mul3A_432, %add3A_593 : i32
          %get3A_595 = arith.index_cast %add3A_594 : i32 to index
          %get3A_596 = arith.constant 32 : index
          %get3A_597 = tpu.vector_load %arg18[%get3A_595, %get3A_596] {strides = array<i32>} : memref<64x128xf32, #tpu.memory_space<vmem>>, vector<1x16xf32>,
          %get3A_598 = vector.shape_cast %get3A_597 : vector<1x16xf32> to vector<16xf32>
          %mul3A_599 = arith.mulf %get3A_598, %add3A_448 : vector<16xf32>
          %add3A_600 = arith.constant 1 : i32
          %add3A_601 = arith.addi %mul3A_432, %add3A_600 : i32
          %swap3A_602 = arith.index_cast %add3A_601 : i32 to index
          %swap3A_603 = arith.constant 32 : index
          %swap3A_604 = tpu.vector_load %arg18[%swap3A_602, %swap3A_603] {strides = array<i32>} : memref<64x128xf32, #tpu.memory_space<vmem>>, vector<1x16xf32>,
          %swap3A_605 = vector.shape_cast %swap3A_604 : vector<1x16xf32> to vector<16xf32>
          %swap3A_606 = vector.shape_cast %mul3A_599 : vector<16xf32> to vector<1x16xf32>
          tpu.vector_store %arg18[%swap3A_602, %swap3A_603], %swap3A_606 {strides = array<i32>} : memref<64x128xf32, #tpu.memory_space<vmem>>, vector<1x16xf32>,
          %add3A_607 = arith.constant 1 : i32
          %add3A_608 = arith.addi %mul3A_432, %add3A_607 : i32
          %get3A_609 = arith.index_cast %add3A_608 : i32 to index
          %get3A_610 = arith.constant 48 : index
          %get3A_611 = tpu.vector_load %arg18[%get3A_609, %get3A_610] {strides = array<i32>} : memref<64x128xf32, #tpu.memory_space<vmem>>, vector<1x16xf32>,
          %get3A_612 = vector.shape_cast %get3A_611 : vector<1x16xf32> to vector<16xf32>
          %mul3A_613 = arith.mulf %get3A_612, %add3A_448 : vector<16xf32>
          %add3A_614 = arith.constant 1 : i32
          %add3A_615 = arith.addi %mul3A_432, %add3A_614 : i32
          %swap3A_616 = arith.index_cast %add3A_615 : i32 to index
          %swap3A_617 = arith.constant 48 : index
          %swap3A_618 = tpu.vector_load %arg18[%swap3A_616, %swap3A_617] {strides = array<i32>} : memref<64x128xf32, #tpu.memory_space<vmem>>, vector<1x16xf32>,
          %swap3A_619 = vector.shape_cast %swap3A_618 : vector<1x16xf32> to vector<16xf32>
          %swap3A_620 = vector.shape_cast %mul3A_613 : vector<16xf32> to vector<1x16xf32>
          tpu.vector_store %arg18[%swap3A_616, %swap3A_617], %swap3A_620 {strides = array<i32>} : memref<64x128xf32, #tpu.memory_space<vmem>>, vector<1x16xf32>,
          %add3A_621 = arith.constant 1 : i32
          %add3A_622 = arith.addi %mul3A_432, %add3A_621 : i32
          %get3A_623 = arith.index_cast %add3A_622 : i32 to index
          %get3A_624 = arith.constant 64 : index
          %get3A_625 = tpu.vector_load %arg18[%get3A_623, %get3A_624] {strides = array<i32>} : memref<64x128xf32, #tpu.memory_space<vmem>>, vector<1x16xf32>,
          %get3A_626 = vector.shape_cast %get3A_625 : vector<1x16xf32> to vector<16xf32>
          %mul3A_627 = arith.mulf %get3A_626, %add3A_448 : vector<16xf32>
          %add3A_628 = arith.constant 1 : i32
          %add3A_629 = arith.addi %mul3A_432, %add3A_628 : i32
          %swap3A_630 = arith.index_cast %add3A_629 : i32 to index
          %swap3A_631 = arith.constant 64 : index
          %swap3A_632 = tpu.vector_load %arg18[%swap3A_630, %swap3A_631] {strides = array<i32>} : memref<64x128xf32, #tpu.memory_space<vmem>>, vector<1x16xf32>,
          %swap3A_633 = vector.shape_cast %swap3A_632 : vector<1x16xf32> to vector<16xf32>
          %swap3A_634 = vector.shape_cast %mul3A_627 : vector<16xf32> to vector<1x16xf32>
          tpu.vector_store %arg18[%swap3A_630, %swap3A_631], %swap3A_634 {strides = array<i32>} : memref<64x128xf32, #tpu.memory_space<vmem>>, vector<1x16xf32>,
          %add3A_635 = arith.constant 1 : i32
          %add3A_636 = arith.addi %mul3A_432, %add3A_635 : i32
          %get3A_637 = arith.index_cast %add3A_636 : i32 to index
          %get3A_638 = arith.constant 80 : index
          %get3A_639 = tpu.vector_load %arg18[%get3A_637, %get3A_638] {strides = array<i32>} : memref<64x128xf32, #tpu.memory_space<vmem>>, vector<1x16xf32>,
          %get3A_640 = vector.shape_cast %get3A_639 : vector<1x16xf32> to vector<16xf32>
          %mul3A_641 = arith.mulf %get3A_640, %add3A_448 : vector<16xf32>
          %add3A_642 = arith.constant 1 : i32
          %add3A_643 = arith.addi %mul3A_432, %add3A_642 : i32
          %swap3A_644 = arith.index_cast %add3A_643 : i32 to index
          %swap3A_645 = arith.constant 80 : index
          %swap3A_646 = tpu.vector_load %arg18[%swap3A_644, %swap3A_645] {strides = array<i32>} : memref<64x128xf32, #tpu.memory_space<vmem>>, vector<1x16xf32>,
          %swap3A_647 = vector.shape_cast %swap3A_646 : vector<1x16xf32> to vector<16xf32>
          %swap3A_648 = vector.shape_cast %mul3A_641 : vector<16xf32> to vector<1x16xf32>
          tpu.vector_store %arg18[%swap3A_644, %swap3A_645], %swap3A_648 {strides = array<i32>} : memref<64x128xf32, #tpu.memory_space<vmem>>, vector<1x16xf32>,
          %add3A_649 = arith.constant 1 : i32
          %add3A_650 = arith.addi %mul3A_432, %add3A_649 : i32
          %get3A_651 = arith.index_cast %add3A_650 : i32 to index
          %get3A_652 = arith.constant 96 : index
          %get3A_653 = tpu.vector_load %arg18[%get3A_651, %get3A_652] {strides = array<i32>} : memref<64x128xf32, #tpu.memory_space<vmem>>, vector<1x16xf32>,
          %get3A_654 = vector.shape_cast %get3A_653 : vector<1x16xf32> to vector<16xf32>
          %mul3A_655 = arith.mulf %get3A_654, %add3A_448 : vector<16xf32>
          %add3A_656 = arith.constant 1 : i32
          %add3A_657 = arith.addi %mul3A_432, %add3A_656 : i32
          %swap3A_658 = arith.index_cast %add3A_657 : i32 to index
          %swap3A_659 = arith.constant 96 : index
          %swap3A_660 = tpu.vector_load %arg18[%swap3A_658, %swap3A_659] {strides = array<i32>} : memref<64x128xf32, #tpu.memory_space<vmem>>, vector<1x16xf32>,
          %swap3A_661 = vector.shape_cast %swap3A_660 : vector<1x16xf32> to vector<16xf32>
          %swap3A_662 = vector.shape_cast %mul3A_655 : vector<16xf32> to vector<1x16xf32>
          tpu.vector_store %arg18[%swap3A_658, %swap3A_659], %swap3A_662 {strides = array<i32>} : memref<64x128xf32, #tpu.memory_space<vmem>>, vector<1x16xf32>,
          %add3A_663 = arith.constant 2 : i32
          %add3A_664 = arith.addi %mul3A_432, %add3A_663 : i32
          %get3A_665 = arith.index_cast %add3A_664 : i32 to index
          %get3A_666 = arith.constant 0 : index
          %get3A_667 = tpu.vector_load %arg18[%get3A_665, %get3A_666] {strides = array<i32>} : memref<64x128xf32, #tpu.memory_space<vmem>>, vector<1x16xf32>,
          %get3A_668 = vector.shape_cast %get3A_667 : vector<1x16xf32> to vector<16xf32>
          %mul3A_669 = arith.mulf %get3A_668, %add3A_457 : vector<16xf32>
          %add3A_670 = arith.constant 2 : i32
          %add3A_671 = arith.addi %mul3A_432, %add3A_670 : i32
          %swap3A_672 = arith.index_cast %add3A_671 : i32 to index
          %swap3A_673 = arith.constant 0 : index
          %swap3A_674 = tpu.vector_load %arg18[%swap3A_672, %swap3A_673] {strides = array<i32>} : memref<64x128xf32, #tpu.memory_space<vmem>>, vector<1x16xf32>,
          %swap3A_675 = vector.shape_cast %swap3A_674 : vector<1x16xf32> to vector<16xf32>
          %swap3A_676 = vector.shape_cast %mul3A_669 : vector<16xf32> to vector<1x16xf32>
          tpu.vector_store %arg18[%swap3A_672, %swap3A_673], %swap3A_676 {strides = array<i32>} : memref<64x128xf32, #tpu.memory_space<vmem>>, vector<1x16xf32>,
          %add3A_677 = arith.constant 2 : i32
          %add3A_678 = arith.addi %mul3A_432, %add3A_677 : i32
          %get3A_679 = arith.index_cast %add3A_678 : i32 to index
          %get3A_680 = arith.constant 16 : index
          %get3A_681 = tpu.vector_load %arg18[%get3A_679, %get3A_680] {strides = array<i32>} : memref<64x128xf32, #tpu.memory_space<vmem>>, vector<1x16xf32>,
          %get3A_682 = vector.shape_cast %get3A_681 : vector<1x16xf32> to vector<16xf32>
          %mul3A_683 = arith.mulf %get3A_682, %add3A_457 : vector<16xf32>
          %add3A_684 = arith.constant 2 : i32
          %add3A_685 = arith.addi %mul3A_432, %add3A_684 : i32
          %swap3A_686 = arith.index_cast %add3A_685 : i32 to index
          %swap3A_687 = arith.constant 16 : index
          %swap3A_688 = tpu.vector_load %arg18[%swap3A_686, %swap3A_687] {strides = array<i32>} : memref<64x128xf32, #tpu.memory_space<vmem>>, vector<1x16xf32>,
          %swap3A_689 = vector.shape_cast %swap3A_688 : vector<1x16xf32> to vector<16xf32>
          %swap3A_690 = vector.shape_cast %mul3A_683 : vector<16xf32> to vector<1x16xf32>
          tpu.vector_store %arg18[%swap3A_686, %swap3A_687], %swap3A_690 {strides = array<i32>} : memref<64x128xf32, #tpu.memory_space<vmem>>, vector<1x16xf32>,
          %add3A_691 = arith.constant 2 : i32
          %add3A_692 = arith.addi %mul3A_432, %add3A_691 : i32
          %get3A_693 = arith.index_cast %add3A_692 : i32 to index
          %get3A_694 = arith.constant 32 : index
          %get3A_695 = tpu.vector_load %arg18[%get3A_693, %get3A_694] {strides = array<i32>} : memref<64x128xf32, #tpu.memory_space<vmem>>, vector<1x16xf32>,
          %get3A_696 = vector.shape_cast %get3A_695 : vector<1x16xf32> to vector<16xf32>
          %mul3A_697 = arith.mulf %get3A_696, %add3A_457 : vector<16xf32>
          %add3A_698 = arith.constant 2 : i32
          %add3A_699 = arith.addi %mul3A_432, %add3A_698 : i32
          %swap3A_700 = arith.index_cast %add3A_699 : i32 to index
          %swap3A_701 = arith.constant 32 : index
          %swap3A_702 = tpu.vector_load %arg18[%swap3A_700, %swap3A_701] {strides = array<i32>} : memref<64x128xf32, #tpu.memory_space<vmem>>, vector<1x16xf32>,
          %swap3A_703 = vector.shape_cast %swap3A_702 : vector<1x16xf32> to vector<16xf32>
          %swap3A_704 = vector.shape_cast %mul3A_697 : vector<16xf32> to vector<1x16xf32>
          tpu.vector_store %arg18[%swap3A_700, %swap3A_701], %swap3A_704 {strides = array<i32>} : memref<64x128xf32, #tpu.memory_space<vmem>>, vector<1x16xf32>,
          %add3A_705 = arith.constant 2 : i32
          %add3A_706 = arith.addi %mul3A_432, %add3A_705 : i32
          %get3A_707 = arith.index_cast %add3A_706 : i32 to index
          %get3A_708 = arith.constant 48 : index
          %get3A_709 = tpu.vector_load %arg18[%get3A_707, %get3A_708] {strides = array<i32>} : memref<64x128xf32, #tpu.memory_space<vmem>>, vector<1x16xf32>,
          %get3A_710 = vector.shape_cast %get3A_709 : vector<1x16xf32> to vector<16xf32>
          %mul3A_711 = arith.mulf %get3A_710, %add3A_457 : vector<16xf32>
          %add3A_712 = arith.constant 2 : i32
          %add3A_713 = arith.addi %mul3A_432, %add3A_712 : i32
          %swap3A_714 = arith.index_cast %add3A_713 : i32 to index
          %swap3A_715 = arith.constant 48 : index
          %swap3A_716 = tpu.vector_load %arg18[%swap3A_714, %swap3A_715] {strides = array<i32>} : memref<64x128xf32, #tpu.memory_space<vmem>>, vector<1x16xf32>,
          %swap3A_717 = vector.shape_cast %swap3A_716 : vector<1x16xf32> to vector<16xf32>
          %swap3A_718 = vector.shape_cast %mul3A_711 : vector<16xf32> to vector<1x16xf32>
          tpu.vector_store %arg18[%swap3A_714, %swap3A_715], %swap3A_718 {strides = array<i32>} : memref<64x128xf32, #tpu.memory_space<vmem>>, vector<1x16xf32>,
          %add3A_719 = arith.constant 2 : i32
          %add3A_720 = arith.addi %mul3A_432, %add3A_719 : i32
          %get3A_721 = arith.index_cast %add3A_720 : i32 to index
          %get3A_722 = arith.constant 64 : index
          %get3A_723 = tpu.vector_load %arg18[%get3A_721, %get3A_722] {strides = array<i32>} : memref<64x128xf32, #tpu.memory_space<vmem>>, vector<1x16xf32>,
          %get3A_724 = vector.shape_cast %get3A_723 : vector<1x16xf32> to vector<16xf32>
          %mul3A_725 = arith.mulf %get3A_724, %add3A_457 : vector<16xf32>
          %add3A_726 = arith.constant 2 : i32
          %add3A_727 = arith.addi %mul3A_432, %add3A_726 : i32
          %swap3A_728 = arith.index_cast %add3A_727 : i32 to index
          %swap3A_729 = arith.constant 64 : index
          %swap3A_730 = tpu.vector_load %arg18[%swap3A_728, %swap3A_729] {strides = array<i32>} : memref<64x128xf32, #tpu.memory_space<vmem>>, vector<1x16xf32>,
          %swap3A_731 = vector.shape_cast %swap3A_730 : vector<1x16xf32> to vector<16xf32>
          %swap3A_732 = vector.shape_cast %mul3A_725 : vector<16xf32> to vector<1x16xf32>
          tpu.vector_store %arg18[%swap3A_728, %swap3A_729], %swap3A_732 {strides = array<i32>} : memref<64x128xf32, #tpu.memory_space<vmem>>, vector<1x16xf32>,
          %add3A_733 = arith.constant 2 : i32
          %add3A_734 = arith.addi %mul3A_432, %add3A_733 : i32
          %get3A_735 = arith.index_cast %add3A_734 : i32 to index
          %get3A_736 = arith.constant 80 : index
          %get3A_737 = tpu.vector_load %arg18[%get3A_735, %get3A_736] {strides = array<i32>} : memref<64x128xf32, #tpu.memory_space<vmem>>, vector<1x16xf32>,
          %get3A_738 = vector.shape_cast %get3A_737 : vector<1x16xf32> to vector<16xf32>
          %mul3A_739 = arith.mulf %get3A_738, %add3A_457 : vector<16xf32>
          %add3A_740 = arith.constant 2 : i32
          %add3A_741 = arith.addi %mul3A_432, %add3A_740 : i32
          %swap3A_742 = arith.index_cast %add3A_741 : i32 to index
          %swap3A_743 = arith.constant 80 : index
          %swap3A_744 = tpu.vector_load %arg18[%swap3A_742, %swap3A_743] {strides = array<i32>} : memref<64x128xf32, #tpu.memory_space<vmem>>, vector<1x16xf32>,
          %swap3A_745 = vector.shape_cast %swap3A_744 : vector<1x16xf32> to vector<16xf32>
          %swap3A_746 = vector.shape_cast %mul3A_739 : vector<16xf32> to vector<1x16xf32>
          tpu.vector_store %arg18[%swap3A_742, %swap3A_743], %swap3A_746 {strides = array<i32>} : memref<64x128xf32, #tpu.memory_space<vmem>>, vector<1x16xf32>,
          %add3A_747 = arith.constant 2 : i32
          %add3A_748 = arith.addi %mul3A_432, %add3A_747 : i32
          %get3A_749 = arith.index_cast %add3A_748 : i32 to index
          %get3A_750 = arith.constant 96 : index
          %get3A_751 = tpu.vector_load %arg18[%get3A_749, %get3A_750] {strides = array<i32>} : memref<64x128xf32, #tpu.memory_space<vmem>>, vector<1x16xf32>,
          %get3A_752 = vector.shape_cast %get3A_751 : vector<1x16xf32> to vector<16xf32>
          %mul3A_753 = arith.mulf %get3A_752, %add3A_457 : vector<16xf32>
          %add3A_754 = arith.constant 2 : i32
          %add3A_755 = arith.addi %mul3A_432, %add3A_754 : i32
          %swap3A_756 = arith.index_cast %add3A_755 : i32 to index
          %swap3A_757 = arith.constant 96 : index
          %swap3A_758 = tpu.vector_load %arg18[%swap3A_756, %swap3A_757] {strides = array<i32>} : memref<64x128xf32, #tpu.memory_space<vmem>>, vector<1x16xf32>,
          %swap3A_759 = vector.shape_cast %swap3A_758 : vector<1x16xf32> to vector<16xf32>
          %swap3A_760 = vector.shape_cast %mul3A_753 : vector<16xf32> to vector<1x16xf32>
          tpu.vector_store %arg18[%swap3A_756, %swap3A_757], %swap3A_760 {strides = array<i32>} : memref<64x128xf32, #tpu.memory_space<vmem>>, vector<1x16xf32>,
          %add3A_761 = arith.constant 3 : i32
          %add3A_762 = arith.addi %mul3A_432, %add3A_761 : i32
          %get3A_763 = arith.index_cast %add3A_762 : i32 to index
          %get3A_764 = arith.constant 0 : index
          %get3A_765 = tpu.vector_load %arg18[%get3A_763, %get3A_764] {strides = array<i32>} : memref<64x128xf32, #tpu.memory_space<vmem>>, vector<1x16xf32>,
          %get3A_766 = vector.shape_cast %get3A_765 : vector<1x16xf32> to vector<16xf32>
          %mul3A_767 = arith.mulf %get3A_766, %add3A_466 : vector<16xf32>
          %add3A_768 = arith.constant 3 : i32
          %add3A_769 = arith.addi %mul3A_432, %add3A_768 : i32
          %swap3A_770 = arith.index_cast %add3A_769 : i32 to index
          %swap3A_771 = arith.constant 0 : index
          %swap3A_772 = tpu.vector_load %arg18[%swap3A_770, %swap3A_771] {strides = array<i32>} : memref<64x128xf32, #tpu.memory_space<vmem>>, vector<1x16xf32>,
          %swap3A_773 = vector.shape_cast %swap3A_772 : vector<1x16xf32> to vector<16xf32>
          %swap3A_774 = vector.shape_cast %mul3A_767 : vector<16xf32> to vector<1x16xf32>
          tpu.vector_store %arg18[%swap3A_770, %swap3A_771], %swap3A_774 {strides = array<i32>} : memref<64x128xf32, #tpu.memory_space<vmem>>, vector<1x16xf32>,
          %add3A_775 = arith.constant 3 : i32
          %add3A_776 = arith.addi %mul3A_432, %add3A_775 : i32
          %get3A_777 = arith.index_cast %add3A_776 : i32 to index
          %get3A_778 = arith.constant 16 : index
          %get3A_779 = tpu.vector_load %arg18[%get3A_777, %get3A_778] {strides = array<i32>} : memref<64x128xf32, #tpu.memory_space<vmem>>, vector<1x16xf32>,
          %get3A_780 = vector.shape_cast %get3A_779 : vector<1x16xf32> to vector<16xf32>
          %mul3A_781 = arith.mulf %get3A_780, %add3A_466 : vector<16xf32>
          %add3A_782 = arith.constant 3 : i32
          %add3A_783 = arith.addi %mul3A_432, %add3A_782 : i32
          %swap3A_784 = arith.index_cast %add3A_783 : i32 to index
          %swap3A_785 = arith.constant 16 : index
          %swap3A_786 = tpu.vector_load %arg18[%swap3A_784, %swap3A_785] {strides = array<i32>} : memref<64x128xf32, #tpu.memory_space<vmem>>, vector<1x16xf32>,
          %swap3A_787 = vector.shape_cast %swap3A_786 : vector<1x16xf32> to vector<16xf32>
          %swap3A_788 = vector.shape_cast %mul3A_781 : vector<16xf32> to vector<1x16xf32>
          tpu.vector_store %arg18[%swap3A_784, %swap3A_785], %swap3A_788 {strides = array<i32>} : memref<64x128xf32, #tpu.memory_space<vmem>>, vector<1x16xf32>,
          %add3A_789 = arith.constant 3 : i32
          %add3A_790 = arith.addi %mul3A_432, %add3A_789 : i32
          %get3A_791 = arith.index_cast %add3A_790 : i32 to index
          %get3A_792 = arith.constant 32 : index
          %get3A_793 = tpu.vector_load %arg18[%get3A_791, %get3A_792] {strides = array<i32>} : memref<64x128xf32, #tpu.memory_space<vmem>>, vector<1x16xf32>,
          %get3A_794 = vector.shape_cast %get3A_793 : vector<1x16xf32> to vector<16xf32>
          %mul3A_795 = arith.mulf %get3A_794, %add3A_466 : vector<16xf32>
          %add3A_796 = arith.constant 3 : i32
          %add3A_797 = arith.addi %mul3A_432, %add3A_796 : i32
          %swap3A_798 = arith.index_cast %add3A_797 : i32 to index
          %swap3A_799 = arith.constant 32 : index
          %swap3A_800 = tpu.vector_load %arg18[%swap3A_798, %swap3A_799] {strides = array<i32>} : memref<64x128xf32, #tpu.memory_space<vmem>>, vector<1x16xf32>,
          %swap3A_801 = vector.shape_cast %swap3A_800 : vector<1x16xf32> to vector<16xf32>
          %swap3A_802 = vector.shape_cast %mul3A_795 : vector<16xf32> to vector<1x16xf32>
          tpu.vector_store %arg18[%swap3A_798, %swap3A_799], %swap3A_802 {strides = array<i32>} : memref<64x128xf32, #tpu.memory_space<vmem>>, vector<1x16xf32>,
          %add3A_803 = arith.constant 3 : i32
          %add3A_804 = arith.addi %mul3A_432, %add3A_803 : i32
          %get3A_805 = arith.index_cast %add3A_804 : i32 to index
          %get3A_806 = arith.constant 48 : index
          %get3A_807 = tpu.vector_load %arg18[%get3A_805, %get3A_806] {strides = array<i32>} : memref<64x128xf32, #tpu.memory_space<vmem>>, vector<1x16xf32>,
          %get3A_808 = vector.shape_cast %get3A_807 : vector<1x16xf32> to vector<16xf32>
          %mul3A_809 = arith.mulf %get3A_808, %add3A_466 : vector<16xf32>
          %add3A_810 = arith.constant 3 : i32
          %add3A_811 = arith.addi %mul3A_432, %add3A_810 : i32
          %swap3A_812 = arith.index_cast %add3A_811 : i32 to index
          %swap3A_813 = arith.constant 48 : index
          %swap3A_814 = tpu.vector_load %arg18[%swap3A_812, %swap3A_813] {strides = array<i32>} : memref<64x128xf32, #tpu.memory_space<vmem>>, vector<1x16xf32>,
          %swap3A_815 = vector.shape_cast %swap3A_814 : vector<1x16xf32> to vector<16xf32>
          %swap3A_816 = vector.shape_cast %mul3A_809 : vector<16xf32> to vector<1x16xf32>
          tpu.vector_store %arg18[%swap3A_812, %swap3A_813], %swap3A_816 {strides = array<i32>} : memref<64x128xf32, #tpu.memory_space<vmem>>, vector<1x16xf32>,
          %add3A_817 = arith.constant 3 : i32
          %add3A_818 = arith.addi %mul3A_432, %add3A_817 : i32
          %get3A_819 = arith.index_cast %add3A_818 : i32 to index
          %get3A_820 = arith.constant 64 : index
          %get3A_821 = tpu.vector_load %arg18[%get3A_819, %get3A_820] {strides = array<i32>} : memref<64x128xf32, #tpu.memory_space<vmem>>, vector<1x16xf32>,
          %get3A_822 = vector.shape_cast %get3A_821 : vector<1x16xf32> to vector<16xf32>
          %mul3A_823 = arith.mulf %get3A_822, %add3A_466 : vector<16xf32>
          %add3A_824 = arith.constant 3 : i32
          %add3A_825 = arith.addi %mul3A_432, %add3A_824 : i32
          %swap3A_826 = arith.index_cast %add3A_825 : i32 to index
          %swap3A_827 = arith.constant 64 : index
          %swap3A_828 = tpu.vector_load %arg18[%swap3A_826, %swap3A_827] {strides = array<i32>} : memref<64x128xf32, #tpu.memory_space<vmem>>, vector<1x16xf32>,
          %swap3A_829 = vector.shape_cast %swap3A_828 : vector<1x16xf32> to vector<16xf32>
          %swap3A_830 = vector.shape_cast %mul3A_823 : vector<16xf32> to vector<1x16xf32>
          tpu.vector_store %arg18[%swap3A_826, %swap3A_827], %swap3A_830 {strides = array<i32>} : memref<64x128xf32, #tpu.memory_space<vmem>>, vector<1x16xf32>,
          %add3A_831 = arith.constant 3 : i32
          %add3A_832 = arith.addi %mul3A_432, %add3A_831 : i32
          %get3A_833 = arith.index_cast %add3A_832 : i32 to index
          %get3A_834 = arith.constant 80 : index
          %get3A_835 = tpu.vector_load %arg18[%get3A_833, %get3A_834] {strides = array<i32>} : memref<64x128xf32, #tpu.memory_space<vmem>>, vector<1x16xf32>,
          %get3A_836 = vector.shape_cast %get3A_835 : vector<1x16xf32> to vector<16xf32>
          %mul3A_837 = arith.mulf %get3A_836, %add3A_466 : vector<16xf32>
          %add3A_838 = arith.constant 3 : i32
          %add3A_839 = arith.addi %mul3A_432, %add3A_838 : i32
          %swap3A_840 = arith.index_cast %add3A_839 : i32 to index
          %swap3A_841 = arith.constant 80 : index
          %swap3A_842 = tpu.vector_load %arg18[%swap3A_840, %swap3A_841] {strides = array<i32>} : memref<64x128xf32, #tpu.memory_space<vmem>>, vector<1x16xf32>,
          %swap3A_843 = vector.shape_cast %swap3A_842 : vector<1x16xf32> to vector<16xf32>
          %swap3A_844 = vector.shape_cast %mul3A_837 : vector<16xf32> to vector<1x16xf32>
          tpu.vector_store %arg18[%swap3A_840, %swap3A_841], %swap3A_844 {strides = array<i32>} : memref<64x128xf32, #tpu.memory_space<vmem>>, vector<1x16xf32>,
          %add3A_845 = arith.constant 3 : i32
          %add3A_846 = arith.addi %mul3A_432, %add3A_845 : i32
          %get3A_847 = arith.index_cast %add3A_846 : i32 to index
          %get3A_848 = arith.constant 96 : index
          %get3A_849 = tpu.vector_load %arg18[%get3A_847, %get3A_848] {strides = array<i32>} : memref<64x128xf32, #tpu.memory_space<vmem>>, vector<1x16xf32>,
          %get3A_850 = vector.shape_cast %get3A_849 : vector<1x16xf32> to vector<16xf32>
          %mul3A_851 = arith.mulf %get3A_850, %add3A_466 : vector<16xf32>
          %add3A_852 = arith.constant 3 : i32
          %add3A_853 = arith.addi %mul3A_432, %add3A_852 : i32
          %swap3A_854 = arith.index_cast %add3A_853 : i32 to index
          %swap3A_855 = arith.constant 96 : index
          %swap3A_856 = tpu.vector_load %arg18[%swap3A_854, %swap3A_855] {strides = array<i32>} : memref<64x128xf32, #tpu.memory_space<vmem>>, vector<1x16xf32>,
          %swap3A_857 = vector.shape_cast %swap3A_856 : vector<1x16xf32> to vector<16xf32>
          %swap3A_858 = vector.shape_cast %mul3A_851 : vector<16xf32> to vector<1x16xf32>
          tpu.vector_store %arg18[%swap3A_854, %swap3A_855], %swap3A_858 {strides = array<i32>} : memref<64x128xf32, #tpu.memory_space<vmem>>, vector<1x16xf32>,
          %scan3A_859 = arith.constant 0 : i32
          scf.yield %scan3A_859 : i32
        }
        %scan3A_427 = arith.constant 16 : i32
        "tpu.region"() ({
          %run_scoped3A = tpu.sem_alloc : memref<!tpu.dma_semaphore, #tpu.memory_space<semaphore_mem>>
          %dma_start3A_429 = arith.constant 0 : i32
          %dma_start3A_430 = arith.constant 0 : i32
          %dma_start3A_431 = tpu.memref_slice %arg20[%dma_start3A_429, %dma_start3A_430] : memref<12544x128xf32, #tpu.memory_space<vmem_shared>> -> memref<12544x128xf32, #tpu.memory_space<vmem_shared>>
          tpu.enqueue_indirect_dma source(%arg18 : memref<64x128xf32, #tpu.memory_space<vmem>>) target(%dma_start3A_431 : memref<12544x128xf32, #tpu.memory_space<vmem_shared>>) offsets(%arg16 : memref<64xi32, #tpu.memory_space<vmem>>) semaphore(%run_scoped3A : memref<!tpu.dma_semaphore, #tpu.memory_space<semaphore_mem>>) {add = true}
          %dma_wait3A_432 = arith.constant 0 : i32
          %dma_wait3A_433 = arith.constant 0 : i32
          %dma_wait3A_434 = tpu.memref_slice %arg20[%dma_wait3A_432, %dma_wait3A_433] : memref<12544x128xf32, #tpu.memory_space<vmem_shared>> -> memref<12544x128xf32, #tpu.memory_space<vmem_shared>>
          tpu.wait_indirect_dma semaphore(%run_scoped3A : memref<!tpu.dma_semaphore, #tpu.memory_space<semaphore_mem>>) src(%arg18 : memref<64x128xf32, #tpu.memory_space<vmem>>) dst(%dma_wait3A_434 : memref<12544x128xf32, #tpu.memory_space<vmem_shared>>)
          tpu.yield
        }) : () -> ()
        %scan3A_428 = arith.constant 0 : i32
        scf.yield %scan3A_428 : i32
      }
      %scan3A_264 = arith.constant 28 : i32
      %scan3A_265 = arith.constant 0 : i32
      scf.yield %scan3A_265 : i32
    }
    %scan3A_120 = arith.constant 14 : i32
    %barrier3A_121 = arith.constant 0 : index
    tpu.barrier barrier_id(%barrier3A_121)
    %add3A_122 = arith.addi %mul3A_66, %mul3A_70 : i32
    "tpu.region"() ({
      %run_scoped3A = tpu.sem_alloc : memref<!tpu.dma_semaphore, #tpu.memory_space<semaphore_mem>>
      %dma_start3A = arith.constant 0 : i32
      %dma_start3A_124 = tpu.memref_slice %arg6[%add3A_122, %dma_start3A] : memref<50176x128xf32, #tpu.memory_space<hbm>> -> memref<784x128xf32, #tpu.memory_space<hbm>>
      %dma_start3A_125 = arith.constant 0 : i32
      %dma_start3A_126 = tpu.memref_slice %arg20[%mul3A_70, %dma_start3A_125] : memref<12544x128xf32, #tpu.memory_space<vmem_shared>> -> memref<784x128xf32, #tpu.memory_space<vmem_shared>>
      tpu.enqueue_dma source(%dma_start3A_126 : memref<784x128xf32, #tpu.memory_space<vmem_shared>>) target(%dma_start3A_124 : memref<784x128xf32, #tpu.memory_space<hbm>>) target_semaphore(%run_scoped3A : memref<!tpu.dma_semaphore, #tpu.memory_space<semaphore_mem>>)
      %dma_wait3A = arith.constant 0 : i32
      %dma_wait3A_127 = tpu.memref_slice %arg6[%add3A_122, %dma_wait3A] : memref<50176x128xf32, #tpu.memory_space<hbm>> -> memref<784x128xf32, #tpu.memory_space<hbm>>
      %dma_wait3A_128 = arith.constant 0 : i32
      %dma_wait3A_129 = tpu.memref_slice %arg20[%mul3A_70, %dma_wait3A_128] : memref<12544x128xf32, #tpu.memory_space<vmem_shared>> -> memref<784x128xf32, #tpu.memory_space<vmem_shared>>
      tpu.wait_dma2 semaphore(%run_scoped3A : memref<!tpu.dma_semaphore, #tpu.memory_space<semaphore_mem>>) src(%dma_wait3A_129 : memref<784x128xf32, #tpu.memory_space<vmem_shared>>) dst(%dma_wait3A_127 : memref<784x128xf32, #tpu.memory_space<hbm>>)
      tpu.yield
    }) : () -> ()
    %barrier3A_123 = arith.constant 0 : index
    tpu.barrier barrier_id(%barrier3A_123)
    return
  }
}

</mosaic_0001>

<sc_bundles>
// kernel: _sc_spmm.3.cloned.1.call-start
scs
__scs_entry_jumppad:
0x0: {  	(pc) =	sbr.rel $0x88, $3  }
0x1: {  	(tag) =	ssettag $0x0;
	lr =	simm.s32 $0x1  }
0x2: {  	[smem:$0x3F9D] =	sst lr;
	_ =	strace $0xD0000000  }
0x3: {  	_ = 	snop  }
0x4: {  	_ = 	snop  }
0x5: {  	_ = 	snop  }
0x6: {  	_ = 	snop  }
0x7: {  	_ = 	snop  }
__scs_overlays_trampoline_lowered:
0x8: {  	[smem:$0x3FAC] =	sst s0  }
0x9: {  	[smem:$0x3FAD] =	sst s1  }
0xa: {  	[smem:$0x3FAE] =	sst s2  }
0xb: {  	[smem:$0x3FAF] =	sst s3  }
0xc: {  	[smem:$0x3FB0] =	sst s4  }
0xd: {  	[smem:$0x3FB1] =	sst s5  }
0xe: {  	[smem:$0x3FB2] =	sst s6  }
0xf: {  	[smem:$0x3FB3] =	sst s7  }
0x10: {  	[smem:$0x3FB4] =	sst s8  }
0x11: {  	[smem:$0x3FB5] =	sst s9;
	s0 =	simm.s32 @!p0 $0x0  }
0x12: {  	s1 =	sld [smem:$0x3F9B];
	s0 =	simm.s32 @p0 $0x1  }
0x13: {  	[smem:$0x3FB6] =	sst s0;
	s0 =	simm.s32 @!p1 $0x0  }
0x14: {  	s2 =	sld [smem:$0x3F9A];
	s0 =	simm.s32 @p1 $0x1  }
0x15: {  	[smem:$0x3FB7] =	sst s0;
	s0 =	simm.s32 @!p2 $0x0  }
0x16: {  	s3 =	sld [smem:$0x3FDB];
	s0 =	simm.s32 @p2 $0x1  }
0x17: {  	s4 =	simm.s32 $0x1BF5;
	[smem:$0x3FB9] =	sst s0  }
0x18: {  	s0 =	sld [smem:$0x3F9C];
	_ =	swait.ge [sflag:s4], $0x0  }
0x19: {  	s7 =	sld [smem:$0x3F9D]  }
0x1a: {  	s8 =	sadd.s32 $0xFFFFE003, lr  }
0x1b: {  	s9 =	sadd.s32 $0xFFFFFEF7, lr;
	s5 =	simm.s32 $0xFFFFFFFF;
	p2 =	slt.u32 s8, $0xFFFFF086  }
0x1c: {  	p1 =	slt.u32 s9, $0xF7A;
	s5 =	simm.s32 @!p2 $0x0  }
0x1d: {  	s5 =	simm.s32 @p1 $0x1;
	p0 =	seq.s32 s7, s2  }
0x1e: {  	s7 =	smul.u32 @!p0 $0xF7A, s2;
	p2 =	seq.s32 @!p0 s5, $0x0  }
0x1f: {  	s9 =	smul.u32 $0xF7A, s1;
	s8 =	simm.s32 @!p0 $0x1BF5;
	p2 =	por !p2, p0  }
0x20: {  	[sflag:s8] =	ssyncset.s32 @!p0 $0xFFFFF086;
	s6 =	sadd.s32 @!p0 s3, s7;
	s7 =	simm.s32 @!p0 $0x108  }
0x21: {  	s3 =	sadd.s32 s3, s9;
	s6 =	sadd.s32 @!p0 $0x88, s6;
	s7 =	simm.s32 @p2 $0x1082  }
0x22: {  	[simem:s7], [sflag:s8] =	dma.local @!p0 [hbm:s6], $0xF7A  }
0x23: {  	s9 =	sor.u32 $0xD0000000, s2;
	s6 =	simm.s32 $0x108;
	_ =	swait.ge @!p0 [sflag:s8], $0x0  }
0x24: {  	s3 =	sadd.s32 $0x88, s3;
	s6 =	simm.s32 @!p1 $0x1082;
	[sflag:s4] =	ssyncset.s32 $0xFFFFF086  }
0x25: {  	[simem:s6], [sflag:s4] =	dma.local [hbm:s3], $0xF7A  }
0x26: {  	[smem:$0x3F9D] =	sst s1;
	(tag) =	ssettag s2;
	_ =	strace s9  }
0x27: {  	s1 =	sld [smem:$0x3FAD]  }
0x28: {  	s2 =	sld [smem:$0x3FAE]  }
0x29: {  	s4 =	sld [smem:$0x3FB0]  }
0x2a: {  	p0 =	seq.s32 s5, $0x0;
	s5 =	sld [smem:$0x3FB1]  }
0x2b: {  	s6 =	sld [smem:$0x3FB2]  }
0x2c: {  	s7 =	sld [smem:$0x3FB3]  }
0x2d: {  	s3 =	simm.s32 $0x108;
	s8 =	sld [smem:$0x3FB4]  }
0x2e: {  	s3 =	simm.s32 @!p0 $0x1082;
	s9 =	sld [smem:$0x3FB5]  }
0x2f: {  	lr =	sadd.s32 s0, s3;
	s0 =	sld [smem:$0x3FAC]  }
0x30: {  	s3 =	sld [smem:$0x3FAF]  }
0x31: {  	[smem:$0x3FB8] =	sst s10  }
0x32: {  	s10 =	sld [smem:$0x3FB6];
	_ =	sdelay $0x3  }
0x33: {  	p0 =	seq.s32 s10, $0x1;
	s10 =	sld [smem:$0x3FB8];
	_ =	sdelay $0x3  }
0x34: {  	[smem:$0x3FB8] =	sst s10  }
0x35: {  	s10 =	sld [smem:$0x3FB7];
	_ =	sdelay $0x3  }
0x36: {  	p1 =	seq.s32 s10, $0x1;
	s10 =	sld [smem:$0x3FB8];
	_ =	sdelay $0x3  }
0x37: {  	[smem:$0x3FB8] =	sst s10  }
0x38: {  	s10 =	sld [smem:$0x3FB9]  }
0x39: {  	_ = 	snop;
	(pc) =	sbr.ind lr, $3  }
0x3a: {  	_ = 	snop  }
0x3b: {  	_ = 	snop  }
0x3c: {  	p2 =	seq.s32 s10, $0x1;
	s10 =	sld [smem:$0x3FB8]  }
0x3d: {  	_ =	shalt  }
0x3e: {  	_ =	shalt  }
0x3f: {  	_ =	shalt  }
0x40: {  	_ =	shalt  }
0x41: {  	_ =	shalt  }
0x42: {  	_ =	shalt  }
0x43: {  	_ =	shalt  }
0x44: {  	_ =	shalt  }
0x45: {  	_ =	shalt  }
0x46: {  	_ =	shalt  }
0x47: {  	_ =	shalt  }
0x48: {  	_ =	shalt  }
0x49: {  	_ =	shalt  }
0x4a: {  	_ =	shalt  }
0x4b: {  	_ =	shalt  }
0x4c: {  	_ =	shalt  }
0x4d: {  	_ =	shalt  }
0x4e: {  	_ =	shalt  }
0x4f: {  	_ =	shalt  }
0x50: {  	_ =	shalt  }
0x51: {  	_ =	shalt  }
0x52: {  	_ =	shalt  }
0x53: {  	_ =	shalt  }
0x54: {  	_ =	shalt  }
0x55: {  	_ =	shalt  }
0x56: {  	_ =	shalt  }
0x57: {  	_ =	shalt  }
0x58: {  	_ =	shalt  }
0x59: {  	_ =	shalt  }
0x5a: {  	_ =	shalt  }
0x5b: {  	_ =	shalt  }
0x5c: {  	_ =	shalt  }
0x5d: {  	_ =	shalt  }
0x5e: {  	_ =	shalt  }
0x5f: {  	_ =	shalt  }
0x60: {  	_ =	shalt  }
0x61: {  	_ =	shalt  }
0x62: {  	_ =	shalt  }
0x63: {  	_ =	shalt  }
0x64: {  	_ =	shalt  }
0x65: {  	_ =	shalt  }
0x66: {  	_ =	shalt  }
0x67: {  	_ =	shalt  }
0x68: {  	_ =	shalt  }
0x69: {  	_ =	shalt  }
0x6a: {  	_ =	shalt  }
0x6b: {  	_ =	shalt  }
0x6c: {  	_ =	shalt  }
0x6d: {  	_ =	shalt  }
0x6e: {  	_ =	shalt  }
0x6f: {  	_ =	shalt  }
0x70: {  	_ =	shalt  }
0x71: {  	_ =	shalt  }
0x72: {  	_ =	shalt  }
0x73: {  	_ =	shalt  }
0x74: {  	_ =	shalt  }
0x75: {  	_ =	shalt  }
0x76: {  	_ =	shalt  }
0x77: {  	_ =	shalt  }
0x78: {  	_ =	shalt  }
0x79: {  	_ =	shalt  }
0x7a: {  	_ =	shalt  }
0x7b: {  	_ =	shalt  }
0x7c: {  	_ =	shalt  }
0x7d: {  	_ =	shalt  }
0x7e: {  	_ =	shalt  }
0x7f: {  	_ =	shalt  }
0x80: {  	_ =	shalt  }
0x81: {  	_ =	shalt  }
0x82: {  	_ =	shalt  }
0x83: {  	_ =	shalt  }
0x84: {  	_ =	shalt  }
0x85: {  	_ =	shalt  }
0x86: {  	_ =	shalt  }
0x87: {  	_ =	shalt  }
.Lfunc_end0:
.L_simem_size_0:
called_computation_lowered:
.L_overlay_start_0:
0x88: {  	s2 =	sld [smem:$0x3FD9]  }
0x89: {  	s3 =	sld [smem:$0x3FFE];
	_ =	sdelay $0x1  }
0x8a: {  	s1 =	srdreg.scid  }
0x8b: {  	s0 =	sand.u32 $0x1, s1  }
0x8c: {  	s18 =	sshll.u32 s0, $0xA;
	s2 =	sadd.s32 s3, s2  }
0x8d: {  	s2 =	sadd.s32 s2, s18  }
0x8e: {  	[smem:$0x3FC4] =	sst s2  }
0x8f: {  	_ = 	snop  }
0x90: {  	s2 =	sld [smem:$0x3FC9]  }
0x91: {  	s19 =	sld [smem:$0x3FC8]  }
0x92: {  	s4 =	sld [smem:$0x3FC7]  }
0x93: {  	s5 =	sld [smem:$0x3FC6]  }
0x94: {  	s6 =	sld [smem:$0x3FD0];
	(tm) =	ssettm $0x1  }
0x95: {  	s7 =	sld [smem:$0x3FFB];
	_ =	sdelay $0x3  }
0x96: {  	_ =	strace s7  }
0x97: {  	s7 =	sld [smem:$0x3FFC];
	_ =	sdelay $0x3  }
0x98: {  	_ =	strace s7  }
0x99: {  	s7 =	sld [smem:$0x3FFD];
	_ =	sdelay $0x3  }
0x9a: {  	_ =	strace s7  }
0x9b: {  	_ =	strace $0x8FFFFFFF  }
0x9c: {  	s20 =	sld [smem:$0x3FDB];
	_ =	sdelay $0x1  }
0x9d: {  	s8 =	simm.s32 $_scs_section_size  }
0x9e: {  	s9 =	simm.s32 $_size__tile_overlayer_lowered;
	s10 =	simm.s32 $_tile_overlayer_lowered  }
0x9f: {  	s23 =	simm.s32 $0x1BFF;
	s22 =	sshll.u32 s10, $0x1;
	s7 =	sadd.s32 s8, s20  }
0xa0: {  	s11 =	simm.s32 $0x0;
	s21 =	sshll.u32 s9, $0x1;
	s9 =	sadd.s32 s22, s7  }
0xa1: {  	[timem:s11], [sflag:s23] =	dma.local [hbm:s9], s21  }
0xa2: {  	_ =	swait.ge [sflag:s23], s21  }
0xa3: {  	s8 =	ssub.s32 $0x0, s21;
	[sflag:s23] =	ssyncset.done $0x0  }
0xa4: {  	[sflag:s23] =	ssyncadd.s32 s8;
	_ =	sdelay $0x1  }
0xa5: {  	s24 =	simm.s32 $0x1B8B  }
0xa6: {  	_ =	swait.ge [sflag:s24], $0x1  }
0xa7: {  	[sflag:s24] =	ssyncset.done $0x0  }
0xa8: {  	s25 =	simm.s32 $0x1B8E;
	[sflag:s24] =	ssyncadd.s32 $0xFFFFFFFF  }
0xa9: {  	s26 =	simm.s32 $execute0_lowered;
	[smem:$0x3FD2] =	sst s25  }
0xaa: {  	s8 =	sshll.u32 s26, $0x1;
	_ =	strace $0x80000046;
	[dreg:$0x1] =	wrdreg $0xFFFFFFFF  }
0xab: {  	s28 =	simm.s32 $_size_execute0_lowered;
	s7 =	sadd.s32 s7, s8;
	[dreg:$0x0] =	wrdreg $0x0  }
0xac: {  	s8 =	sshll.u32 s28, $0x1;
	[dreg:$0x2] =	wrdreg s7  }
0xad: {  	[dreg:$0x3] =	wrdreg s8  }
0xae: {  	[dreg:$0x4] =	wrdreg $0xC0  }
0xaf: {  	_ =	task [dreg:s11], $0x5FFFF  }
0xb0: {  	[dreg:$0x1] =	wrdreg $0xFFFFFFFF  }
0xb1: {  	[dreg:$0x0] =	wrdreg $0x60  }
0xb2: {  	[dreg:$0x2] =	wrdreg s2  }
0xb3: {  	[dreg:$0x3] =	wrdreg s19  }
0xb4: {  	[dreg:$0x4] =	wrdreg s4  }
0xb5: {  	[dreg:$0x5] =	wrdreg s5  }
0xb6: {  	[dreg:$0x6] =	wrdreg s6  }
0xb7: {  	[dreg:$0x7] =	wrdreg $0x6D000  }
0xb8: {  	[dreg:$0x8] =	wrdreg $0x9  }
0xb9: {  	_ =	task.clear_ibuf [dreg:s11], $0x9FFFF;
	_ =	strace $0x90000046  }
0xba: {  	s29 =	simm.s32 $0x9;
	_ =	strace $0x80000048  }
0xbb: {  	_ =	swait.ge [sflag:s29], $0x1  }
0xbc: {  	[sflag:s29] =	ssyncadd.s32 $0xFFFFFFFF  }
0xbd: {  	_ =	strace $0x90000048  }
0xbe: {  	_ =	sfence  }
0xbf: {  	s30 =	sld [smem:$0x0];
	_ =	sdelay $0x2  }
0xc0: {  	s31 =	sshll.u32 s1, $0xD;
	s1 =	sshrl.u32 s1, $0x2  }
0xc1: {  	s3 =	sand.u32 $0x4000, s31;
	s1 =	sadd.s32 s1, s30  }
0xc2: {  	s0 =	sor.u32 s3, s0;
	s1 =	sshll.u32 s1, $0x11  }
0xc3: {  	s0 =	sor.u32 s1, s0  }
0xc4: {  	s0 =	sadd.s32 $0x8F2B, s0  }
0xc5: {  	[sflag:s0] =	ssyncadd.remote.s32 $0x1  }
0xc6: {  	_ =	sfence.sel $0xFFFF  }
0xc7: {  	[dreg:$0x0] =	wrdreg $0xFFFFFFFF;
	(pc) =	sbr.abs _section_cstart, $3  }
0xc8: {  	[dreg:$0x1] =	wrdreg $0xFFFFFFFF  }
0xc9: {  	_ =	task.clear_ibuf [dreg:s11], $0x2FFFF;
	_ =	strace $0x9FFFFFFF  }
0xca: {  	(tm) =	ssettm $0x7FFFFFFF  }
0xcb: {  	_ =	shalt  }
tec
execute0_lowered:
.L_overlay_start_1:
0x0: {  	(tag) =	ssettag $0x1  }
0x1: {  	s0 =	rddreg [dreg:$0x0]  }
0x2: {  	s2 =	rddreg [dreg:$0x1]  }
0x3: {  	s3 =	rddreg [dreg:$0x2]  }
0x4: {  	s4 =	rddreg [dreg:$0x3]  }
0x5: {  	s1 =	rddreg [dreg:$0x4]  }
0x6: {  	s6 =	rddreg [dreg:$0x5]  }
0x7: {  	s5 =	srdreg.scid;
	s13 =	stileid.u32  }
0x8: {  	s7 =	simm.s32 $0x0;
	s28 =	simm.s32 $0x4D00;
	s29 =	simm.s32 $0xE00  }
0x9: {  	s30 =	simm.s32 $0x1C00;
	s5 =	sand.u32 $0x1, s5;
	s9 =	smul.u32 $0x62000, s13  }
0xa: {  	s31 =	simm.s32 $0x1;
	s11 =	smul.u32 $0x310, s13;
	s8 =	ssub.s32 $0x2, s5  }
0xb: {  	[smem:$0x7FF] =	sst s7;
	s5 =	smul.u32 $0x6200, s5;
	s10 =	sshrl.u32 s8, $0x1  }
0xc: {  	_ =	strace $0x80000047;
	s23 =	sshrl.u32 s9, $0x2;
	s10 =	ssub.s32 s8, s10  }
0xd: {  	s9 =	sadd.s32 $0x3100, s5;
	s8 =	sadd.s32 s23, s6;
	s20 =	sadd.s32 s11, s5  }
0xe: {  	s23 =	sadd.s32 $0x6200, s5;
	s12 =	sadd.s32 $0x6000, s8;
	[dreg:$0x7] =	wrdreg s8  }
0xf: {  	v0 =	vmov s5;
	s5 =	simm.s32 $0x40;
	s24 =	sadd.s32 $0x8000, s8;
	[dreg:$0x8] =	wrdreg s12  }
0x10: {  	s18 =	sadd.s32 $0x2000, s8;
	s25 =	sadd.s32 $0xA000, s8;
	[dreg:$0x9] =	wrdreg s24  }
0x11: {  	s19 =	sadd.s32 $0x4000, s8;
	s26 =	sadd.s32 $0xC000, s8;
	[dreg:$0xa] =	wrdreg s25  }
0x12: {  	s14 =	sadd.s32 $0xE000, s8;
	s15 =	sadd.s32 $0x10000, s8;
	[dreg:$0xb] =	wrdreg s26  }
0x13: {  	s16 =	sadd.s32 $0x12000, s8;
	s17 =	sadd.s32 $0x14000, s8;
	[dreg:$0xc] =	wrdreg s14  }
0x14: {  	s11 =	sadd.s32 s11, s9;
	s21 =	sadd.s32 $0x18000, s8;
	[dreg:$0xd] =	wrdreg s15  }
0x15: {  	s22 =	smax.u32 s10, $0x1;
	v2 =	vmov s23;
	s23 =	simm.s32 $0x2A80;
	[dreg:$0xe] =	wrdreg s16  }
0x16: {  	v1 =	vmov s9;
	s9 =	simm.s32 $0x4C00;
	[dreg:$0xf] =	wrdreg s17;
	s14 =	sadd.s32 $0x16000, s8  }
0x17: {  	s12 =	sshll.u32 s20, $0x4;
	s11 =	sshll.u32 s11, $0x4;
	[dreg:$0x13] =	wrdreg s21  }
0x18: {  	[dreg:$0x14] =	wrdreg s22;
	s24 =	smul.u32 $0xC400, s13;
	s25 =	simm.s32 $0x2B80  }
0x19: {  	s26 =	simm.s32 $0x3;
	[dreg:$0x10] =	wrdreg s14;
	s12 =	sadd.s32 s1, s12  }
0x1a: {  	s20 =	simm.s32 $0x2A00;
	s1 =	sadd.s32 s1, s11;
	[dreg:$0x11] =	wrdreg s12  }
0x1b: {  	v3 =	vimm.f32 $0.0e+00;
	s21 =	simm.s32 $0x4B80;
	[dreg:$0x12] =	wrdreg s1;
	s1 =	simm.s32 $0x2  }
.LBB2_1:
0x1c: {  	s10 =	simm.s32 $0x0;
	s11 =	simm.s32 $0x200  }
.LBB2_2:
0x1d: {  	p0 =	sne.s32 s11, $0x7E00;
	[tilespmem:s10+$0x2BF0] =	vst v3  }
0x1e: {  	[tilespmem:s10+$0x2B80] =	vst v3  }
0x1f: {  	[tilespmem:s10+$0x2B90] =	vst v3  }
.Ltmp0:
0x20: {  	[tilespmem:s10+$0x2BA0] =	vst v3;
	(pc) =	sbr.rel @p0 .LBB2_2-.Ltmp0, $4  }
0x21: {  	[tilespmem:s10+$0x2BB0] =	vst v3  }
0x22: {  	[tilespmem:s10+$0x2BC0] =	vst v3  }
0x23: {  	[tilespmem:s10+$0x2BD0] =	vst v3  }
0x24: {  	[tilespmem:s10+$0x2BE0] =	vst v3;
	s10 =	sshra.s32 s11, $0x2;
	s11 =	sadd.s32 $0x200, s11  }
0x25: {  	[tilespmem:s10+$0x2BF0] =	vst v3  }
0x26: {  	[tilespmem:s10+$0x2B80] =	vst v3  }
0x27: {  	[tilespmem:s10+$0x2B90] =	vst v3  }
0x28: {  	[tilespmem:s10+$0x2BA0] =	vst v3  }
0x29: {  	[tilespmem:s10+$0x2BB0] =	vst v3  }
0x2a: {  	[tilespmem:s10+$0x2BC0] =	vst v3  }
0x2b: {  	[tilespmem:s10+$0x2BD0] =	vst v3  }
0x2c: {  	[tilespmem:s10+$0x2BE0] =	vst v3;
	s10 =	simm.s32 $0x0;
	s11 =	simm.s32 $0x200  }
.LBB2_4:
0x2d: {  	p0 =	sne.s32 s11, $0x7E00;
	[tilespmem:s10+$0x4D70] =	vst v3  }
0x2e: {  	[tilespmem:s10+$0x4D00] =	vst v3  }
0x2f: {  	[tilespmem:s10+$0x4D10] =	vst v3  }
.Ltmp1:
0x30: {  	[tilespmem:s10+$0x4D20] =	vst v3;
	(pc) =	sbr.rel @p0 .LBB2_4-.Ltmp1, $4  }
0x31: {  	[tilespmem:s10+$0x4D30] =	vst v3  }
0x32: {  	[tilespmem:s10+$0x4D40] =	vst v3  }
0x33: {  	[tilespmem:s10+$0x4D50] =	vst v3  }
0x34: {  	[tilespmem:s10+$0x4D60] =	vst v3;
	s10 =	sshra.s32 s11, $0x2;
	s11 =	sadd.s32 $0x200, s11  }
0x35: {  	[tilespmem:s10+$0x4D70] =	vst v3  }
0x36: {  	[tilespmem:s10+$0x4D00] =	vst v3  }
0x37: {  	[tilespmem:s10+$0x4D10] =	vst v3  }
0x38: {  	[tilespmem:s10+$0x4D20] =	vst v3  }
0x39: {  	[tilespmem:s10+$0x4D30] =	vst v3  }
0x3a: {  	[tilespmem:s10+$0x4D40] =	vst v3  }
0x3b: {  	[tilespmem:s10+$0x4D50] =	vst v3  }
0x3c: {  	[tilespmem:s10+$0x4D60] =	vst v3  }
0x3d: {  	[spmem:s8] =	stream.linear.scatter [tilespmem:s25], [sflag:$0x3], $0x2000, $0x38;
	[tilespmem:$0x1F500] =	vst v63  }
0x3e: {  	_ =	swait.ge [sflag:s26], $0x2000  }
0x3f: {  	[sflag:s26] =	ssyncset.done $0x0  }
0x40: {  	[sflag:s26] =	ssyncadd.s32 $0xFFFFE000  }
0x41: {  	[spmem:s18] =	stream.linear.scatter [tilespmem:s28], [sflag:$0x3], $0x2000, $0x38;
	[tilespmem:$0x1F500] =	vst v63  }
0x42: {  	_ =	swait.ge [sflag:s26], $0x2000  }
0x43: {  	[sflag:s26] =	ssyncset.done $0x0  }
0x44: {  	[sflag:s26] =	ssyncadd.s32 $0xFFFFE000  }
0x45: {  	[spmem:s19] =	stream.linear.scatter [tilespmem:s25], [sflag:$0x3], $0x2000, $0x38;
	[tilespmem:$0x1F500] =	vst v63  }
0x46: {  	_ =	swait.ge [sflag:s26], $0x2000  }
0x47: {  	[sflag:s26] =	ssyncset.done $0x0  }
0x48: {  	s17 =	rddreg [dreg:$0x8];
	[sflag:s26] =	ssyncadd.s32 $0xFFFFE000  }
0x49: {  	[spmem:s17] =	stream.linear.scatter [tilespmem:s28], [sflag:$0x3], $0x2000, $0x38;
	[tilespmem:$0x1F500] =	vst v63  }
0x4a: {  	_ =	swait.ge [sflag:s26], $0x2000  }
0x4b: {  	[sflag:s26] =	ssyncset.done $0x0  }
0x4c: {  	s22 =	rddreg [dreg:$0x9];
	[sflag:s26] =	ssyncadd.s32 $0xFFFFE000  }
0x4d: {  	[spmem:s22] =	stream.linear.scatter [tilespmem:s25], [sflag:$0x3], $0x2000, $0x38;
	[tilespmem:$0x1F500] =	vst v63  }
0x4e: {  	_ =	swait.ge [sflag:s26], $0x2000  }
0x4f: {  	[sflag:s26] =	ssyncset.done $0x0  }
0x50: {  	s11 =	rddreg [dreg:$0xa];
	[sflag:s26] =	ssyncadd.s32 $0xFFFFE000  }
0x51: {  	[spmem:s11] =	stream.linear.scatter [tilespmem:s28], [sflag:$0x3], $0x2000, $0x38;
	[tilespmem:$0x1F500] =	vst v63  }
0x52: {  	_ =	swait.ge [sflag:s26], $0x2000  }
0x53: {  	[sflag:s26] =	ssyncset.done $0x0  }
0x54: {  	s12 =	rddreg [dreg:$0xb];
	[sflag:s26] =	ssyncadd.s32 $0xFFFFE000  }
0x55: {  	[spmem:s12] =	stream.linear.scatter [tilespmem:s25], [sflag:$0x3], $0x2000, $0x38;
	[tilespmem:$0x1F500] =	vst v63  }
0x56: {  	_ =	swait.ge [sflag:s26], $0x2000  }
0x57: {  	[sflag:s26] =	ssyncset.done $0x0  }
0x58: {  	s13 =	rddreg [dreg:$0xc];
	[sflag:s26] =	ssyncadd.s32 $0xFFFFE000  }
0x59: {  	[spmem:s13] =	stream.linear.scatter [tilespmem:s28], [sflag:$0x3], $0x2000, $0x38;
	[tilespmem:$0x1F500] =	vst v63  }
0x5a: {  	_ =	swait.ge [sflag:s26], $0x2000  }
0x5b: {  	[sflag:s26] =	ssyncset.done $0x0  }
0x5c: {  	s14 =	rddreg [dreg:$0xd];
	[sflag:s26] =	ssyncadd.s32 $0xFFFFE000  }
0x5d: {  	[spmem:s14] =	stream.linear.scatter [tilespmem:s25], [sflag:$0x3], $0x2000, $0x38;
	[tilespmem:$0x1F500] =	vst v63  }
0x5e: {  	_ =	swait.ge [sflag:s26], $0x2000  }
0x5f: {  	[sflag:s26] =	ssyncset.done $0x0  }
0x60: {  	s15 =	rddreg [dreg:$0xe];
	[sflag:s26] =	ssyncadd.s32 $0xFFFFE000  }
0x61: {  	[spmem:s15] =	stream.linear.scatter [tilespmem:s28], [sflag:$0x3], $0x2000, $0x38;
	[tilespmem:$0x1F500] =	vst v63  }
0x62: {  	_ =	swait.ge [sflag:s26], $0x2000  }
0x63: {  	[sflag:s26] =	ssyncset.done $0x0  }
0x64: {  	s16 =	rddreg [dreg:$0xf];
	[sflag:s26] =	ssyncadd.s32 $0xFFFFE000  }
0x65: {  	[spmem:s16] =	stream.linear.scatter [tilespmem:s25], [sflag:$0x3], $0x2000, $0x38;
	[tilespmem:$0x1F500] =	vst v63  }
0x66: {  	_ =	swait.ge [sflag:s26], $0x2000  }
0x67: {  	[sflag:s26] =	ssyncset.done $0x0  }
0x68: {  	s17 =	rddreg [dreg:$0x10];
	[sflag:s26] =	ssyncadd.s32 $0xFFFFE000  }
0x69: {  	[spmem:s17] =	stream.linear.scatter [tilespmem:s28], [sflag:$0x3], $0x2000, $0x38;
	[tilespmem:$0x1F500] =	vst v63  }
0x6a: {  	_ =	swait.ge [sflag:s26], $0x2000  }
0x6b: {  	[sflag:s26] =	ssyncset.done $0x0  }
0x6c: {  	s22 =	rddreg [dreg:$0x13];
	[sflag:s26] =	ssyncadd.s32 $0xFFFFE000  }
0x6d: {  	[spmem:s22] =	stream.linear.scatter [tilespmem:s25], [sflag:$0x3], $0x800, $0x38;
	[tilespmem:$0x1F500] =	vst v63  }
0x6e: {  	_ =	swait.ge [sflag:s26], $0x800  }
0x6f: {  	[sflag:s26] =	ssyncset.done $0x0  }
0x70: {  	[sflag:s26] =	ssyncadd.s32 $0xFFFFF800  }
0x71: {  	s10 =	simm.s32 $0x0;
	s11 =	simm.s32 $0x0;
	[bflag:$0x0] =	sbarrier.arrive $0xFFFF  }
.LBB2_6:
0x72: {  	s12 =	smul.u32 $0xE00, s11;
	_ =	sdelay $0x1  }
0x73: {  	s12 =	sadd.s32 s24, s12  }
0x74: {  	s12 =	sshrl.u32 s12, $0x3  }
0x75: {  	s13 =	sadd.s32 s0, s12  }
0x76: {  	[tilespmem:s10], [sflag:$0x1] =	stream.linear.gather [hbm4b:s13+s10], $0xE00, $0x38;
	[tilespmem:$0x1F500] =	vst v63  }
0x77: {  	s22 =	sadd.s32 s2, s12  }
0x78: {  	[tilespmem:s29], [sflag:$0x2] =	stream.linear.gather [hbm4b:s22+s10], $0xE00, $0x38;
	[tilespmem:$0x1F500] =	vst v63  }
0x79: {  	s12 =	sadd.s32 s3, s12  }
0x7a: {  	[tilespmem:s30], [sflag:$0x1] =	stream.linear.gather [hbm4b:s12+s10], $0xE00, $0x38;
	[tilespmem:$0x1F500] =	vst v63  }
0x7b: {  	_ =	swait.ge [sflag:s31], $0xE00  }
0x7c: {  	[sflag:s31] =	ssyncset.done $0x0  }
0x7d: {  	[sflag:s31] =	ssyncadd.s32 $0xFFFFF200  }
0x7e: {  	_ =	swait.ge [sflag:s1], $0xE00  }
0x7f: {  	[sflag:s1] =	ssyncset.done $0x0  }
0x80: {  	[sflag:s1] =	ssyncadd.s32 $0xFFFFF200  }
0x81: {  	_ =	swait.ge [sflag:s31], $0xE00  }
0x82: {  	[sflag:s31] =	ssyncset.done $0x0  }
0x83: {  	[sflag:s31] =	ssyncadd.s32 $0xFFFFF200  }
0x84: {  	v4 =	vld [tilespmem:$0xE00]  }
0x85: {  	v5 =	vld [tilespmem:$0x0]  }
0x86: {  	v6 =	vld [tilespmem:$0x1C00]  }
0x87: {  	v7 =	vld [tilespmem:$0xE10]  }
0x88: {  	v8 =	vld [tilespmem:$0x10]  }
0x89: {  	v9 =	vld [tilespmem:$0x1C10]  }
0x8a: {  	v10 =	vld [tilespmem:$0xE20];
	vm0 =	vge.s32 v4, v0;
	vm1 =	vlt.s32 v4, v1  }
0x8b: {  	v59 =	vld [tilespmem:$0x20];
	vm0 =	vmand vm0, vm1  }
0x8c: {  	v61 =	vld [tilespmem:$0x30];
	[tilespmem:$0x2A00] =	vst v5;
	v4 =	vsub.s32 v4, v0;
	v5 =	vnsel vm0, $0x0, v6  }
0x8d: {  	v4 =	vnsel vm0, $0x0, v4;
	[tilespmem:$0x2B00] =	vst v5;
	v5 =	vld [tilespmem:$0x1C20]  }
0x8e: {  	[tilespmem:$0x2A80] =	vst v4;
	v4 =	vld [tilespmem:$0xE30]  }
0x8f: {  	vm10 =	vge.s32 v7, v0;
	vm11 =	vlt.s32 v7, v1;
	[tilespmem:$0x2A10] =	vst v8  }
0x90: {  	v62 =	vld [tilespmem:$0x1C30];
	v7 =	vsub.s32 v7, v0;
	[tilespmem:$0x2A20] =	vst v59;
	vm0 =	vmand vm10, vm11  }
0x91: {  	vm12 =	vge.s32 v10, v0;
	vm13 =	vlt.s32 v10, v1;
	[tilespmem:$0x2A30] =	vst v61;
	v60 =	vnsel vm0, $0x0, v9  }
0x92: {  	v63 =	vsub.s32 v10, v0;
	v7 =	vnsel vm0, $0x0, v7;
	vm0 =	vmand vm12, vm13;
	[tilespmem:$0x2B10] =	vst v60  }
0x93: {  	[tilespmem:$0x2A90] =	vst v7;
	v5 =	vnsel vm0, $0x0, v5;
	vm14 =	vge.s32 v4, v0;
	vm15 =	vlt.s32 v4, v1  }
0x94: {  	[tilespmem:$0x2B20] =	vst v5;
	v5 =	vnsel vm0, $0x0, v63;
	vm0 =	vmand vm14, vm15  }
0x95: {  	v4 =	vsub.s32 v4, v0;
	[tilespmem:$0x2AA0] =	vst v5;
	v5 =	vnsel vm0, $0x0, v62  }
0x96: {  	v4 =	vnsel vm0, $0x0, v4;
	[tilespmem:$0x2B30] =	vst v5  }
0x97: {  	s12 =	simm.s32 $0x0;
	[tilespmem:$0x2AB0] =	vst v4  }
0x98: {  	[tilespmem:s25], [sflag:$0x1] =	stream.indirect.gather [hbm4b:s4+s5], $0x80, s20, s5, $0xb8;
	[tilespmem:$0x1F500] =	vst v63  }
.LBB2_7:
0x99: {  	s13 =	sshll.u32 s12, $0x7  }
0x9a: {  	v4 =	vld [tilespmem:s13+$0x40];
	_ =	sdelay $0x3  }
0x9b: {  	v5 =	vld [tilespmem:s13+$0xE40]  }
0x9c: {  	[tilespmem:$0x4B80] =	vst v4  }
0x9d: {  	v4 =	vld [tilespmem:s13+$0x1C40];
	_ =	sdelay $0x2  }
0x9e: {  	vm0 =	vge.s32 v5, v0;
	vm1 =	vlt.s32 v5, v1  }
0x9f: {  	vm0 =	vmand vm0, vm1  }
0xa0: {  	v5 =	vsub.s32 v5, v0;
	v4 =	vnsel vm0, $0x0, v4  }
0xa1: {  	[tilespmem:$0x4C80] =	vst v4;
	v4 =	vnsel vm0, $0x0, v5  }
0xa2: {  	[tilespmem:$0x4C00] =	vst v4  }
0xa3: {  	v4 =	vld [tilespmem:s13+$0x50];
	_ =	sdelay $0x3  }
0xa4: {  	v5 =	vld [tilespmem:s13+$0xE50]  }
0xa5: {  	[tilespmem:$0x4B90] =	vst v4  }
0xa6: {  	v4 =	vld [tilespmem:s13+$0x1C50];
	_ =	sdelay $0x2  }
0xa7: {  	vm10 =	vge.s32 v5, v0;
	vm11 =	vlt.s32 v5, v1  }
0xa8: {  	vm0 =	vmand vm10, vm11  }
0xa9: {  	v5 =	vsub.s32 v5, v0;
	v4 =	vnsel vm0, $0x0, v4  }
0xaa: {  	[tilespmem:$0x4C90] =	vst v4;
	v4 =	vnsel vm0, $0x0, v5  }
0xab: {  	[tilespmem:$0x4C10] =	vst v4  }
0xac: {  	v4 =	vld [tilespmem:s13+$0x60];
	_ =	sdelay $0x3  }
0xad: {  	v5 =	vld [tilespmem:s13+$0xE60]  }
0xae: {  	[tilespmem:$0x4BA0] =	vst v4  }
0xaf: {  	v4 =	vld [tilespmem:s13+$0x1C60];
	_ =	sdelay $0x2  }
0xb0: {  	vm12 =	vge.s32 v5, v0;
	vm13 =	vlt.s32 v5, v1  }
0xb1: {  	vm0 =	vmand vm12, vm13  }
0xb2: {  	v5 =	vsub.s32 v5, v0;
	v4 =	vnsel vm0, $0x0, v4  }
0xb3: {  	[tilespmem:$0x4CA0] =	vst v4;
	v4 =	vnsel vm0, $0x0, v5  }
0xb4: {  	[tilespmem:$0x4C20] =	vst v4  }
0xb5: {  	v4 =	vld [tilespmem:s13+$0x70];
	_ =	sdelay $0x3  }
0xb6: {  	v5 =	vld [tilespmem:s13+$0xE70]  }
0xb7: {  	[tilespmem:$0x4BB0] =	vst v4  }
0xb8: {  	v4 =	vld [tilespmem:s13+$0x1C70];
	_ =	sdelay $0x2  }
0xb9: {  	vm14 =	vge.s32 v5, v0;
	vm15 =	vlt.s32 v5, v1  }
0xba: {  	vm0 =	vmand vm14, vm15  }
0xbb: {  	v5 =	vsub.s32 v5, v0;
	v4 =	vnsel vm0, $0x0, v4  }
0xbc: {  	[tilespmem:$0x4CB0] =	vst v4;
	v4 =	vnsel vm0, $0x0, v5  }
0xbd: {  	[tilespmem:$0x4C30] =	vst v4  }
0xbe: {  	[tilespmem:s28], [sflag:$0x2] =	stream.indirect.gather [hbm4b:s4+s5], $0x80, s21, s5, $0xb8;
	[tilespmem:$0x1F500] =	vst v63  }
0xbf: {  	_ =	swait.ge [sflag:s31], $0x2000  }
0xc0: {  	[sflag:s31] =	ssyncset.done $0x0  }
0xc1: {  	s14 =	simm.s32 $0x2C80;
	[sflag:s31] =	ssyncadd.s32 $0xFFFFE000  }
0xc2: {  	v5 =	vld [tilespmem:s14+$0x20]  }
0xc3: {  	v4 =	vld [tilespmem:s14+$0xFFFFFF40]  }
0xc4: {  	v11 =	vld [tilespmem:s14+$0xB0]  }
0xc5: {  	v14 =	vld [tilespmem:s14+$0x90]  }
0xc6: {  	v16 =	vld [tilespmem:s14+$0xD0]  }
0xc7: {  	v24 =	vld [tilespmem:s14+$0xE0]  }
0xc8: {  	v12 =	vld [tilespmem:s14+$0xA0]  }
0xc9: {  	v6 =	vld [tilespmem:s14+$0x0]  }
0xca: {  	v13 =	vld [tilespmem:s14+$0x40]  }
0xcb: {  	s15 =	simm.s32 $0x0;
	v17 =	vld [tilespmem:s14+$0xC0]  }
0xcc: {  	v8 =	vld [tilespmem:s15+$0x2B03]  }
0xcd: {  	v9 =	vld [tilespmem:s15+$0x2B02]  }
0xce: {  	v10 =	vld [tilespmem:s15+$0x2B01]  }
0xcf: {  	v19 =	vld [tilespmem:s15+$0x2B00]  }
0xd0: {  	v7 =	vld [tilespmem:s14+$0x10]  }
0xd1: {  	v25 =	vld [tilespmem:s14+$0x80]  }
0xd2: {  	v15 =	vld [tilespmem:s14+$0xFFFFFF30]  }
0xd3: {  	v23 =	vld [tilespmem:s14+$0x60];
	v8 =	vadd.f32 $0.0e+00, v8;
	v9 =	vadd.f32 $0.0e+00, v9  }
0xd4: {  	v18 =	vld [tilespmem:s14+$0x30];
	v20 =	vadd.f32 $0.0e+00, v10;
	v19 =	vadd.f32 $0.0e+00, v19  }
0xd5: {  	v22 =	vld [tilespmem:s14+$0xFFFFFF80];
	v21 =	vbroadcast v8, $0x0;
	v10 =	vbroadcast v9, $0x0  }
0xd6: {  	v8 =	vbroadcast v20, $0x0;
	v20 =	vld [tilespmem:s14+$0xFFFFFFC0];
	v9 =	vbroadcast v19, $0x0  }
0xd7: {  	s16 =	simm.s32 $0x2C80;
	s15 =	simm.s32 $0x10;
	v19 =	vld [tilespmem:s14+$0xFFFFFF00];
	v25 =	vmul.f32 v25, v21;
	v24 =	vmul.f32 v24, v21  }
.LBB2_8:
0xd8: {  	p0 =	sne.s32 s15, $0xF0  }
0xd9: {  	v26 =	vld [tilespmem:s14+$0xFFFFFF60];
	v23 =	vmul.f32 v23, v10;
	[tilespmem:s14+$0x80] =	vst v25;
	v16 =	vmul.f32 v16, v21;
	s16 =	sadd.s32 $0x200, s16;
	s17 =	smov.u32 s15;
	s15 =	sadd.s32 $0x10, s15  }
0xda: {  	v14 =	vmul.f32 v14, v21;
	v17 =	vmul.f32 v17, v21;
	v25 =	vld [tilespmem:s14+$0xFFFFFFE0];
	[tilespmem:s14+$0xE0] =	vst v24  }
0xdb: {  	v11 =	vmul.f32 v11, v21;
	v24 =	vld [tilespmem:s14+$0xFFFFFF10];
	v22 =	vmul.f32 v22, v8;
	[tilespmem:s14+$0xD0] =	vst v16  }
0xdc: {  	v12 =	vmul.f32 v12, v21;
	v16 =	vld [tilespmem:s14+$0xFFFFFF50];
	v20 =	vmul.f32 v20, v8;
	[tilespmem:s14+$0x90] =	vst v14  }
0xdd: {  	v13 =	vmul.f32 v13, v10;
	v19 =	vmul.f32 v19, v9;
	v14 =	vld [tilespmem:s14+$0x50];
	[tilespmem:s14+$0xB0] =	vst v11  }
0xde: {  	v5 =	vmul.f32 v5, v10;
	v4 =	vmul.f32 v4, v9;
	v11 =	vld [tilespmem:s14+$0xFFFFFF20];
	[tilespmem:s14+$0xC0] =	vst v17  }
0xdf: {  	v18 =	vmul.f32 v18, v10;
	v17 =	vmul.f32 v25, v8;
	[tilespmem:s14+$0xA0] =	vst v12  }
0xe0: {  	v12 =	vmul.f32 v15, v9;
	v21 =	vmul.f32 v24, v9;
	[tilespmem:s14+$0x60] =	vst v23  }
0xe1: {  	v15 =	vmul.f32 v16, v9;
	v16 =	vmul.f32 v26, v9;
	v23 =	vld [tilespmem:s14+$0xFFFFFFD0];
	[tilespmem:s14+$0x40] =	vst v13  }
0xe2: {  	v6 =	vmul.f32 v6, v10;
	[tilespmem:s14+$0xFFFFFF80] =	vst v22;
	v13 =	vld [tilespmem:s14+$0xFFFFFF90];
	v14 =	vmul.f32 v14, v10  }
0xe3: {  	v7 =	vmul.f32 v7, v10;
	v9 =	vmul.f32 v11, v9;
	v11 =	vld [tilespmem:s14+$0xFFFFFFB0];
	[tilespmem:s14+$0x20] =	vst v5  }
0xe4: {  	v10 =	vld [tilespmem:s14+$0xFFFFFFA0];
	[tilespmem:s14+$0x30] =	vst v18  }
0xe5: {  	v5 =	vld [tilespmem:s16+$0x20];
	[tilespmem:s14+$0xFFFFFF30] =	vst v12  }
0xe6: {  	[tilespmem:s14+$0x0] =	vst v6  }
0xe7: {  	v6 =	vmul.f32 v23, v8;
	[tilespmem:s14+$0xFFFFFF40] =	vst v4  }
0xe8: {  	v18 =	vmul.f32 v13, v8;
	v4 =	vld [tilespmem:s16+$0xFFFFFF40];
	v22 =	vmul.f32 v11, v8;
	[tilespmem:s14+$0x10] =	vst v7  }
0xe9: {  	v7 =	vmul.f32 v10, v8;
	[tilespmem:s14+$0xFFFFFFC0] =	vst v20  }
0xea: {  	[tilespmem:s14+$0x50] =	vst v14  }
0xeb: {  	[tilespmem:s14+$0xFFFFFF60] =	vst v16  }
0xec: {  	v11 =	vld [tilespmem:s16+$0xB0];
	[tilespmem:s14+$0xFFFFFF20] =	vst v9  }
0xed: {  	v14 =	vld [tilespmem:s16+$0x90];
	[tilespmem:s14+$0xFFFFFF00] =	vst v19  }
0xee: {  	v16 =	vld [tilespmem:s16+$0xD0];
	[tilespmem:s14+$0xFFFFFFE0] =	vst v17  }
0xef: {  	v24 =	vld [tilespmem:s16+$0xE0];
	[tilespmem:s14+$0xFFFFFFD0] =	vst v6  }
0xf0: {  	v12 =	vld [tilespmem:s16+$0xA0];
	[tilespmem:s14+$0xFFFFFFA0] =	vst v7  }
0xf1: {  	v6 =	vld [tilespmem:s16+$0x0];
	[tilespmem:s14+$0xFFFFFF50] =	vst v15  }
0xf2: {  	v13 =	vld [tilespmem:s16+$0x40];
	[tilespmem:s14+$0xFFFFFF90] =	vst v18  }
0xf3: {  	v17 =	vld [tilespmem:s16+$0xC0];
	[tilespmem:s14+$0xFFFFFFB0] =	vst v22  }
0xf4: {  	s17 =	sshra.s32 s17, $0x2;
	v7 =	vld [tilespmem:s16+$0x10];
	[tilespmem:s14+$0xFFFFFF10] =	vst v21;
	s14 =	smov.u32 s16  }
0xf5: {  	v8 =	vld [tilespmem:s17+$0x2B03]  }
0xf6: {  	v9 =	vld [tilespmem:s17+$0x2B02]  }
0xf7: {  	v10 =	vld [tilespmem:s17+$0x2B01]  }
0xf8: {  	v19 =	vld [tilespmem:s17+$0x2B00]  }
0xf9: {  	v25 =	vld [tilespmem:s16+$0x80]  }
0xfa: {  	v8 =	vadd.f32 $0.0e+00, v8;
	v15 =	vld [tilespmem:s16+$0xFFFFFF30]  }
.Ltmp2:
0xfb: {  	v9 =	vadd.f32 $0.0e+00, v9;
	v23 =	vld [tilespmem:s16+$0x60];
	(pc) =	sbr.rel @p0 .LBB2_8-.Ltmp2, $4  }
0xfc: {  	v20 =	vadd.f32 $0.0e+00, v10;
	v21 =	vbroadcast v8, $0x0;
	v18 =	vld [tilespmem:s16+$0x30]  }
0xfd: {  	v19 =	vadd.f32 $0.0e+00, v19;
	v10 =	vbroadcast v9, $0x0;
	v22 =	vld [tilespmem:s16+$0xFFFFFF80]  }
0xfe: {  	v8 =	vbroadcast v20, $0x0;
	v20 =	vld [tilespmem:s16+$0xFFFFFFC0];
	v25 =	vmul.f32 v25, v21  }
0xff: {  	v24 =	vmul.f32 v24, v21;
	v9 =	vbroadcast v19, $0x0;
	v19 =	vld [tilespmem:s16+$0xFFFFFF00]  }
0x100: {  	[tilespmem:s14+$0x80] =	vst v25;
	v16 =	vmul.f32 v16, v21  }
0x101: {  	v14 =	vmul.f32 v14, v21;
	[tilespmem:s14+$0xE0] =	vst v24  }
0x102: {  	v11 =	vmul.f32 v11, v21;
	[tilespmem:s14+$0xD0] =	vst v16  }
0x103: {  	v12 =	vmul.f32 v12, v21;
	[tilespmem:s14+$0x90] =	vst v14  }
0x104: {  	v13 =	vmul.f32 v13, v10;
	[tilespmem:s14+$0xB0] =	vst v11  }
0x105: {  	v5 =	vmul.f32 v5, v10;
	[tilespmem:s14+$0xA0] =	vst v12  }
0x106: {  	v6 =	vmul.f32 v6, v10;
	[tilespmem:s14+$0x40] =	vst v13  }
0x107: {  	v7 =	vmul.f32 v7, v10;
	[tilespmem:s14+$0x20] =	vst v5  }
0x108: {  	v15 =	vmul.f32 v15, v9;
	[tilespmem:s14+$0x0] =	vst v6  }
0x109: {  	v4 =	vmul.f32 v4, v9;
	[tilespmem:s14+$0x10] =	vst v7  }
0x10a: {  	v16 =	vmul.f32 v17, v21;
	v14 =	vld [tilespmem:s14+$0x50];
	[tilespmem:s14+$0xFFFFFF30] =	vst v15  }
0x10b: {  	v11 =	vmul.f32 v23, v10;
	v12 =	vld [tilespmem:s14+$0xFFFFFF60];
	[tilespmem:s14+$0xFFFFFF40] =	vst v4  }
0x10c: {  	v17 =	vmul.f32 v18, v10;
	v5 =	vld [tilespmem:s14+$0xFFFFFF20];
	[tilespmem:s14+$0xC0] =	vst v16  }
0x10d: {  	v13 =	vld [tilespmem:s14+$0xFFFFFFE0];
	v6 =	vmul.f32 v20, v8;
	[tilespmem:s14+$0x60] =	vst v11  }
0x10e: {  	v16 =	vmul.f32 v22, v8;
	[tilespmem:s14+$0x30] =	vst v17  }
0x10f: {  	v17 =	vld [tilespmem:s14+$0xFFFFFFD0];
	[tilespmem:s14+$0xFFFFFFC0] =	vst v6;
	v4 =	vmul.f32 v14, v10  }
0x110: {  	v11 =	vld [tilespmem:s14+$0xFFFFFF50];
	[tilespmem:s14+$0xFFFFFF80] =	vst v16;
	v7 =	vmul.f32 v12, v9  }
0x111: {  	v15 =	vld [tilespmem:s14+$0xFFFFFF90];
	v5 =	vmul.f32 v5, v9;
	[tilespmem:s14+$0x50] =	vst v4  }
0x112: {  	v10 =	vld [tilespmem:s14+$0xFFFFFFA0];
	v6 =	vmul.f32 v13, v8;
	[tilespmem:s14+$0xFFFFFF60] =	vst v7  }
0x113: {  	v16 =	vld [tilespmem:s14+$0xFFFFFF10];
	v4 =	vmul.f32 v19, v9;
	[tilespmem:s14+$0xFFFFFF20] =	vst v5  }
0x114: {  	v18 =	vld [tilespmem:s14+$0xFFFFFFB0];
	v5 =	vmul.f32 v17, v8;
	[tilespmem:s14+$0xFFFFFFE0] =	vst v6  }
0x115: {  	v6 =	vmul.f32 v11, v9;
	[tilespmem:s14+$0xFFFFFF00] =	vst v4  }
0x116: {  	[tilespmem:s14+$0xFFFFFFD0] =	vst v5;
	v5 =	vmul.f32 v15, v8  }
0x117: {  	[tilespmem:s14+$0xFFFFFF50] =	vst v6;
	v4 =	vmul.f32 v10, v8  }
0x118: {  	v6 =	vmul.f32 v16, v9;
	[tilespmem:s14+$0xFFFFFF90] =	vst v5  }
0x119: {  	[tilespmem:s14+$0xFFFFFFA0] =	vst v4;
	v4 =	vmul.f32 v18, v8  }
0x11a: {  	[tilespmem:s14+$0xFFFFFF10] =	vst v6  }
0x11b: {  	[tilespmem:s14+$0xFFFFFFB0] =	vst v4  }
0x11c: {  	[spmem:s6] =	stream.indirect.scatter.add.f32 [tilespmem:s25], [sflag:$0x3], $0x80, s23, s5, $0xb8;
	[tilespmem:$0x1F500] =	vst v63  }
0x11d: {  	_ =	swait.ge [sflag:s26], $0x2000  }
0x11e: {  	[sflag:s26] =	ssyncset.done $0x0  }
0x11f: {  	p0 =	seq.s32 s12, $0x1B;
	[sflag:s26] =	ssyncadd.s32 $0xFFFFE000  }
0x120: {  	v4 =	vld @!p0 [tilespmem:s13+$0x80];
	_ =	sdelay $0x3  }
0x121: {  	v5 =	vld @!p0 [tilespmem:s13+$0xE80]  }
0x122: {  	[tilespmem:$0x2A00] =	vst @!p0 v4  }
0x123: {  	v4 =	vld @!p0 [tilespmem:s13+$0x1C80];
	_ =	sdelay $0x2  }
0x124: {  	vm0 =	vge.s32 @!p0 v5, v0;
	vm1 =	vlt.s32 @!p0 v5, v1  }
0x125: {  	vm0 =	vmand @!p0 vm0, vm1  }
0x126: {  	v5 =	vsub.s32 @!p0 v5, v0;
	v4 =	vnsel @!p0 vm0, $0x0, v4  }
0x127: {  	[tilespmem:$0x2B00] =	vst @!p0 v4;
	v4 =	vnsel @!p0 vm0, $0x0, v5  }
0x128: {  	[tilespmem:$0x2A80] =	vst @!p0 v4  }
0x129: {  	v4 =	vld @!p0 [tilespmem:s13+$0x90];
	_ =	sdelay $0x3  }
0x12a: {  	v5 =	vld @!p0 [tilespmem:s13+$0xE90]  }
0x12b: {  	[tilespmem:$0x2A10] =	vst @!p0 v4  }
0x12c: {  	v4 =	vld @!p0 [tilespmem:s13+$0x1C90];
	_ =	sdelay $0x2  }
0x12d: {  	vm0 =	vge.s32 @!p0 v5, v0;
	vm1 =	vlt.s32 @!p0 v5, v1  }
0x12e: {  	vm0 =	vmand @!p0 vm0, vm1  }
0x12f: {  	v5 =	vsub.s32 @!p0 v5, v0;
	v4 =	vnsel @!p0 vm0, $0x0, v4  }
0x130: {  	[tilespmem:$0x2B10] =	vst @!p0 v4;
	v4 =	vnsel @!p0 vm0, $0x0, v5  }
0x131: {  	[tilespmem:$0x2A90] =	vst @!p0 v4  }
0x132: {  	v4 =	vld @!p0 [tilespmem:s13+$0xA0];
	_ =	sdelay $0x3  }
0x133: {  	v5 =	vld @!p0 [tilespmem:s13+$0xEA0]  }
0x134: {  	[tilespmem:$0x2A20] =	vst @!p0 v4  }
0x135: {  	v4 =	vld @!p0 [tilespmem:s13+$0x1CA0];
	_ =	sdelay $0x2  }
0x136: {  	vm0 =	vge.s32 @!p0 v5, v0;
	vm1 =	vlt.s32 @!p0 v5, v1  }
0x137: {  	vm0 =	vmand @!p0 vm0, vm1  }
0x138: {  	v5 =	vsub.s32 @!p0 v5, v0;
	v4 =	vnsel @!p0 vm0, $0x0, v4  }
0x139: {  	[tilespmem:$0x2B20] =	vst @!p0 v4;
	v4 =	vnsel @!p0 vm0, $0x0, v5  }
0x13a: {  	[tilespmem:$0x2AA0] =	vst @!p0 v4  }
0x13b: {  	v4 =	vld @!p0 [tilespmem:s13+$0xB0];
	_ =	sdelay $0x3  }
0x13c: {  	v5 =	vld @!p0 [tilespmem:s13+$0xEB0]  }
0x13d: {  	[tilespmem:$0x2A30] =	vst @!p0 v4  }
0x13e: {  	v4 =	vld @!p0 [tilespmem:s13+$0x1CB0];
	_ =	sdelay $0x2  }
0x13f: {  	vm0 =	vge.s32 @!p0 v5, v0;
	vm1 =	vlt.s32 @!p0 v5, v1  }
0x140: {  	vm0 =	vmand @!p0 vm0, vm1  }
0x141: {  	v5 =	vsub.s32 @!p0 v5, v0;
	v4 =	vnsel @!p0 vm0, $0x0, v4  }
0x142: {  	[tilespmem:$0x2B30] =	vst @!p0 v4;
	v4 =	vnsel @!p0 vm0, $0x0, v5  }
0x143: {  	s15 =	simm.s32 @!p0 $0x2B80;
	s14 =	simm.s32 @!p0 $0x2A00;
	s13 =	simm.s32 @!p0 $0x40;
	[tilespmem:$0x2AB0] =	vst @!p0 v4  }
0x144: {  	[tilespmem:s15], [sflag:$0x1] =	stream.indirect.gather @!p0 [hbm4b:s4+s13], $0x80, s14, s13, $0xb8;
	[tilespmem:$0x1F500] =	vst v63  }
0x145: {  	_ =	swait.ge [sflag:s1], $0x2000  }
0x146: {  	[sflag:s1] =	ssyncset.done $0x0  }
0x147: {  	s13 =	simm.s32 $0x4E00;
	[sflag:s1] =	ssyncadd.s32 $0xFFFFE000  }
0x148: {  	v5 =	vld [tilespmem:s13+$0x20]  }
0x149: {  	v4 =	vld [tilespmem:s13+$0xFFFFFF40]  }
0x14a: {  	v11 =	vld [tilespmem:s13+$0xB0]  }
0x14b: {  	v14 =	vld [tilespmem:s13+$0x90]  }
0x14c: {  	v16 =	vld [tilespmem:s13+$0xD0]  }
0x14d: {  	v24 =	vld [tilespmem:s13+$0xE0]  }
0x14e: {  	v12 =	vld [tilespmem:s13+$0xA0]  }
0x14f: {  	v6 =	vld [tilespmem:s13+$0x0]  }
0x150: {  	v13 =	vld [tilespmem:s13+$0x40]  }
0x151: {  	s22 =	simm.s32 $0x0;
	v17 =	vld [tilespmem:s13+$0xC0]  }
0x152: {  	v8 =	vld [tilespmem:s22+$0x4C83]  }
0x153: {  	v9 =	vld [tilespmem:s22+$0x4C82]  }
0x154: {  	v10 =	vld [tilespmem:s22+$0x4C81]  }
0x155: {  	v19 =	vld [tilespmem:s22+$0x4C80]  }
0x156: {  	v7 =	vld [tilespmem:s13+$0x10]  }
0x157: {  	v25 =	vld [tilespmem:s13+$0x80]  }
0x158: {  	v15 =	vld [tilespmem:s13+$0xFFFFFF30]  }
0x159: {  	v23 =	vld [tilespmem:s13+$0x60];
	v8 =	vadd.f32 $0.0e+00, v8;
	v9 =	vadd.f32 $0.0e+00, v9  }
0x15a: {  	v18 =	vld [tilespmem:s13+$0x30];
	v20 =	vadd.f32 $0.0e+00, v10;
	v19 =	vadd.f32 $0.0e+00, v19  }
0x15b: {  	v22 =	vld [tilespmem:s13+$0xFFFFFF80];
	v21 =	vbroadcast v8, $0x0;
	v10 =	vbroadcast v9, $0x0  }
0x15c: {  	v8 =	vbroadcast v20, $0x0;
	v20 =	vld [tilespmem:s13+$0xFFFFFFC0];
	v9 =	vbroadcast v19, $0x0  }
0x15d: {  	s14 =	simm.s32 $0x10;
	s15 =	simm.s32 $0x4E00;
	v19 =	vld [tilespmem:s13+$0xFFFFFF00];
	v25 =	vmul.f32 v25, v21;
	v24 =	vmul.f32 v24, v21  }
.LBB2_10:
0x15e: {  	p0 =	sne.s32 s14, $0xF0  }
0x15f: {  	v26 =	vld [tilespmem:s13+$0xFFFFFF60];
	v23 =	vmul.f32 v23, v10;
	[tilespmem:s13+$0x80] =	vst v25;
	v16 =	vmul.f32 v16, v21;
	s15 =	sadd.s32 $0x200, s15;
	s16 =	smov.u32 s14;
	s14 =	sadd.s32 $0x10, s14  }
0x160: {  	v14 =	vmul.f32 v14, v21;
	v17 =	vmul.f32 v17, v21;
	v25 =	vld [tilespmem:s13+$0xFFFFFFE0];
	[tilespmem:s13+$0xE0] =	vst v24  }
0x161: {  	v11 =	vmul.f32 v11, v21;
	v24 =	vld [tilespmem:s13+$0xFFFFFF10];
	v22 =	vmul.f32 v22, v8;
	[tilespmem:s13+$0xD0] =	vst v16  }
0x162: {  	v12 =	vmul.f32 v12, v21;
	v16 =	vld [tilespmem:s13+$0xFFFFFF50];
	v20 =	vmul.f32 v20, v8;
	[tilespmem:s13+$0x90] =	vst v14  }
0x163: {  	v13 =	vmul.f32 v13, v10;
	v19 =	vmul.f32 v19, v9;
	v14 =	vld [tilespmem:s13+$0x50];
	[tilespmem:s13+$0xB0] =	vst v11  }
0x164: {  	v5 =	vmul.f32 v5, v10;
	v4 =	vmul.f32 v4, v9;
	v11 =	vld [tilespmem:s13+$0xFFFFFF20];
	[tilespmem:s13+$0xC0] =	vst v17  }
0x165: {  	v18 =	vmul.f32 v18, v10;
	v17 =	vmul.f32 v25, v8;
	[tilespmem:s13+$0xA0] =	vst v12  }
0x166: {  	v12 =	vmul.f32 v15, v9;
	v21 =	vmul.f32 v24, v9;
	[tilespmem:s13+$0x60] =	vst v23  }
0x167: {  	v15 =	vmul.f32 v16, v9;
	v16 =	vmul.f32 v26, v9;
	v23 =	vld [tilespmem:s13+$0xFFFFFFD0];
	[tilespmem:s13+$0x40] =	vst v13  }
0x168: {  	v6 =	vmul.f32 v6, v10;
	[tilespmem:s13+$0xFFFFFF80] =	vst v22;
	v13 =	vld [tilespmem:s13+$0xFFFFFF90];
	v14 =	vmul.f32 v14, v10  }
0x169: {  	v7 =	vmul.f32 v7, v10;
	v9 =	vmul.f32 v11, v9;
	v11 =	vld [tilespmem:s13+$0xFFFFFFB0];
	[tilespmem:s13+$0x20] =	vst v5  }
0x16a: {  	v10 =	vld [tilespmem:s13+$0xFFFFFFA0];
	[tilespmem:s13+$0x30] =	vst v18  }
0x16b: {  	v5 =	vld [tilespmem:s15+$0x20];
	[tilespmem:s13+$0xFFFFFF30] =	vst v12  }
0x16c: {  	[tilespmem:s13+$0x0] =	vst v6  }
0x16d: {  	v6 =	vmul.f32 v23, v8;
	[tilespmem:s13+$0xFFFFFF40] =	vst v4  }
0x16e: {  	v18 =	vmul.f32 v13, v8;
	v4 =	vld [tilespmem:s15+$0xFFFFFF40];
	v22 =	vmul.f32 v11, v8;
	[tilespmem:s13+$0x10] =	vst v7  }
0x16f: {  	v7 =	vmul.f32 v10, v8;
	[tilespmem:s13+$0xFFFFFFC0] =	vst v20  }
0x170: {  	[tilespmem:s13+$0x50] =	vst v14  }
0x171: {  	[tilespmem:s13+$0xFFFFFF60] =	vst v16  }
0x172: {  	v11 =	vld [tilespmem:s15+$0xB0];
	[tilespmem:s13+$0xFFFFFF20] =	vst v9  }
0x173: {  	v14 =	vld [tilespmem:s15+$0x90];
	[tilespmem:s13+$0xFFFFFF00] =	vst v19  }
0x174: {  	v16 =	vld [tilespmem:s15+$0xD0];
	[tilespmem:s13+$0xFFFFFFE0] =	vst v17  }
0x175: {  	v24 =	vld [tilespmem:s15+$0xE0];
	[tilespmem:s13+$0xFFFFFFD0] =	vst v6  }
0x176: {  	v12 =	vld [tilespmem:s15+$0xA0];
	[tilespmem:s13+$0xFFFFFFA0] =	vst v7  }
0x177: {  	v6 =	vld [tilespmem:s15+$0x0];
	[tilespmem:s13+$0xFFFFFF50] =	vst v15  }
0x178: {  	v13 =	vld [tilespmem:s15+$0x40];
	[tilespmem:s13+$0xFFFFFF90] =	vst v18  }
0x179: {  	v17 =	vld [tilespmem:s15+$0xC0];
	[tilespmem:s13+$0xFFFFFFB0] =	vst v22  }
0x17a: {  	s16 =	sshra.s32 s16, $0x2;
	v7 =	vld [tilespmem:s15+$0x10];
	[tilespmem:s13+$0xFFFFFF10] =	vst v21;
	s13 =	smov.u32 s15  }
0x17b: {  	v8 =	vld [tilespmem:s16+$0x4C83]  }
0x17c: {  	v9 =	vld [tilespmem:s16+$0x4C82]  }
0x17d: {  	v10 =	vld [tilespmem:s16+$0x4C81]  }
0x17e: {  	v19 =	vld [tilespmem:s16+$0x4C80]  }
0x17f: {  	v25 =	vld [tilespmem:s15+$0x80]  }
0x180: {  	v8 =	vadd.f32 $0.0e+00, v8;
	v15 =	vld [tilespmem:s15+$0xFFFFFF30]  }
.Ltmp3:
0x181: {  	v9 =	vadd.f32 $0.0e+00, v9;
	v23 =	vld [tilespmem:s15+$0x60];
	(pc) =	sbr.rel @p0 .LBB2_10-.Ltmp3, $4  }
0x182: {  	v20 =	vadd.f32 $0.0e+00, v10;
	v21 =	vbroadcast v8, $0x0;
	v18 =	vld [tilespmem:s15+$0x30]  }
0x183: {  	v19 =	vadd.f32 $0.0e+00, v19;
	v10 =	vbroadcast v9, $0x0;
	v22 =	vld [tilespmem:s15+$0xFFFFFF80]  }
0x184: {  	v8 =	vbroadcast v20, $0x0;
	v20 =	vld [tilespmem:s15+$0xFFFFFFC0];
	v25 =	vmul.f32 v25, v21  }
0x185: {  	v24 =	vmul.f32 v24, v21;
	v9 =	vbroadcast v19, $0x0;
	v19 =	vld [tilespmem:s15+$0xFFFFFF00]  }
0x186: {  	[tilespmem:s13+$0x80] =	vst v25;
	v16 =	vmul.f32 v16, v21  }
0x187: {  	v14 =	vmul.f32 v14, v21;
	[tilespmem:s13+$0xE0] =	vst v24  }
0x188: {  	v11 =	vmul.f32 v11, v21;
	[tilespmem:s13+$0xD0] =	vst v16  }
0x189: {  	v46 =	vmul.f32 v17, v21;
	[tilespmem:s13+$0x90] =	vst v14  }
0x18a: {  	v12 =	vmul.f32 v12, v21;
	[tilespmem:s13+$0xB0] =	vst v11  }
0x18b: {  	v47 =	vmul.f32 v23, v10;
	[tilespmem:s13+$0xC0] =	vst v46  }
0x18c: {  	v13 =	vmul.f32 v13, v10;
	[tilespmem:s13+$0xA0] =	vst v12  }
0x18d: {  	v5 =	vmul.f32 v5, v10;
	[tilespmem:s13+$0x60] =	vst v47  }
0x18e: {  	v6 =	vmul.f32 v6, v10;
	[tilespmem:s13+$0x40] =	vst v13  }
0x18f: {  	v7 =	vmul.f32 v7, v10;
	[tilespmem:s13+$0x20] =	vst v5  }
0x190: {  	v48 =	vld [tilespmem:s13+$0x50];
	v53 =	vmul.f32 v18, v10;
	[tilespmem:s13+$0x0] =	vst v6  }
0x191: {  	v49 =	vld [tilespmem:s13+$0xFFFFFF60];
	v15 =	vmul.f32 v15, v9;
	[tilespmem:s13+$0x10] =	vst v7  }
0x192: {  	v52 =	vld [tilespmem:s13+$0xFFFFFFE0];
	v4 =	vmul.f32 v4, v9;
	[tilespmem:s13+$0x30] =	vst v53  }
0x193: {  	v51 =	vld [tilespmem:s13+$0xFFFFFF50];
	v50 =	vmul.f32 v22, v8;
	[tilespmem:s13+$0xFFFFFF30] =	vst v15  }
0x194: {  	v54 =	vld [tilespmem:s13+$0xFFFFFF10];
	v57 =	vmul.f32 v20, v8;
	[tilespmem:s13+$0xFFFFFF40] =	vst v4  }
0x195: {  	v5 =	vld [tilespmem:s13+$0xFFFFFF20];
	[tilespmem:s13+$0xFFFFFF80] =	vst v50;
	v4 =	vmul.f32 v48, v10  }
0x196: {  	v60 =	vmul.f32 v49, v9;
	[tilespmem:s13+$0xFFFFFFC0] =	vst v57  }
0x197: {  	v55 =	vld [tilespmem:s13+$0xFFFFFFD0];
	v61 =	vmul.f32 v52, v8;
	[tilespmem:s13+$0x50] =	vst v4  }
0x198: {  	v59 =	vld [tilespmem:s13+$0xFFFFFFA0];
	v62 =	vmul.f32 v51, v9;
	[tilespmem:s13+$0xFFFFFF60] =	vst v60  }
0x199: {  	v56 =	vld [tilespmem:s13+$0xFFFFFF90];
	v63 =	vmul.f32 v54, v9;
	[tilespmem:s13+$0xFFFFFFE0] =	vst v61  }
0x19a: {  	v58 =	vld [tilespmem:s13+$0xFFFFFFB0];
	v5 =	vmul.f32 v5, v9;
	[tilespmem:s13+$0xFFFFFF50] =	vst v62  }
0x19b: {  	v4 =	vmul.f32 v19, v9;
	[tilespmem:s13+$0xFFFFFF10] =	vst v63  }
0x19c: {  	[tilespmem:s13+$0xFFFFFF20] =	vst v5;
	v5 =	vmul.f32 v55, v8  }
0x19d: {  	[tilespmem:s13+$0xFFFFFF00] =	vst v4;
	v4 =	vmul.f32 v59, v8  }
0x19e: {  	[tilespmem:s13+$0xFFFFFFD0] =	vst v5;
	v5 =	vmul.f32 v56, v8  }
0x19f: {  	s12 =	sadd.s32 $0x1, s12;
	[tilespmem:s13+$0xFFFFFFA0] =	vst v4;
	v4 =	vmul.f32 v58, v8  }
0x1a0: {  	p0 =	sne.s32 s12, $0x1C;
	[tilespmem:s13+$0xFFFFFF90] =	vst v5  }
.Ltmp4:
0x1a1: {  	[tilespmem:s13+$0xFFFFFFB0] =	vst v4;
	(pc) =	sbr.rel @p0 .LBB2_7-.Ltmp4, $4  }
0x1a2: {  	[spmem:s6] =	stream.indirect.scatter.add.f32 [tilespmem:s28], [sflag:$0x3], $0x80, s9, s5, $0xb8;
	[tilespmem:$0x1F500] =	vst v63  }
0x1a3: {  	_ =	swait.ge [sflag:s26], $0x2000  }
0x1a4: {  	[sflag:s26] =	ssyncset.done $0x0  }
0x1a5: {  	[sflag:s26] =	ssyncadd.s32 $0xFFFFE000  }
0x1a6: {  	s11 =	sadd.s32 $0x1, s11  }
0x1a7: {  	p0 =	sne.s32 s11, $0xE  }
.Ltmp5:
0x1a8: {  	_ = 	snop;
	(pc) =	sbr.rel @p0 .LBB2_6-.Ltmp5, $1  }
0x1a9: {  	_ =	sdelay $0x3  }
0x1aa: {  	s10 =	stileid.u32  }
0x1ab: {  	[bflag:$0x0] =	sbarrier.arrive $0xFFFF;
	s10 =	sshll.u32 s10, $0x6  }
0x1ac: {  	s11 =	sshrl.u32 s8, $0x3;
	s12 =	rddreg [dreg:$0x11];
	s10 =	sor.u32 $0x1C03, s10  }
0x1ad: {  	[hbm:s12], [sflag:s10] =	dma.local [spmem:s11], $0x3100  }
0x1ae: {  	_ =	swait.ge [sflag:s26], $0x3100  }
0x1af: {  	[sflag:s26] =	ssyncset.done $0x0  }
0x1b0: {  	[sflag:s26] =	ssyncadd.s32 $0xFFFFCF00  }
0x1b1: {  	s13 =	simm.s32 $0x200;
	s12 =	simm.s32 $0x0;
	[bflag:$0x0] =	sbarrier.arrive $0xFFFF  }
.LBB2_14:
0x1b2: {  	p0 =	sne.s32 s13, $0x7E00;
	[tilespmem:s12+$0x2BF0] =	vst v3  }
0x1b3: {  	[tilespmem:s12+$0x2B80] =	vst v3  }
0x1b4: {  	[tilespmem:s12+$0x2B90] =	vst v3  }
.Ltmp6:
0x1b5: {  	[tilespmem:s12+$0x2BA0] =	vst v3;
	(pc) =	sbr.rel @p0 .LBB2_14-.Ltmp6, $4  }
0x1b6: {  	[tilespmem:s12+$0x2BB0] =	vst v3  }
0x1b7: {  	[tilespmem:s12+$0x2BC0] =	vst v3  }
0x1b8: {  	[tilespmem:s12+$0x2BD0] =	vst v3  }
0x1b9: {  	[tilespmem:s12+$0x2BE0] =	vst v3;
	s12 =	sshra.s32 s13, $0x2;
	s13 =	sadd.s32 $0x200, s13  }
0x1ba: {  	[tilespmem:s12+$0x2BF0] =	vst v3  }
0x1bb: {  	[tilespmem:s12+$0x2B80] =	vst v3  }
0x1bc: {  	[tilespmem:s12+$0x2B90] =	vst v3  }
0x1bd: {  	[tilespmem:s12+$0x2BA0] =	vst v3  }
0x1be: {  	[tilespmem:s12+$0x2BB0] =	vst v3  }
0x1bf: {  	[tilespmem:s12+$0x2BC0] =	vst v3  }
0x1c0: {  	[tilespmem:s12+$0x2BD0] =	vst v3  }
0x1c1: {  	[tilespmem:s12+$0x2BE0] =	vst v3;
	s12 =	simm.s32 $0x0;
	s13 =	simm.s32 $0x200  }
.LBB2_16:
0x1c2: {  	p0 =	sne.s32 s13, $0x7E00;
	[tilespmem:s12+$0x4D70] =	vst v3  }
0x1c3: {  	[tilespmem:s12+$0x4D00] =	vst v3  }
0x1c4: {  	[tilespmem:s12+$0x4D10] =	vst v3  }
.Ltmp7:
0x1c5: {  	[tilespmem:s12+$0x4D20] =	vst v3;
	(pc) =	sbr.rel @p0 .LBB2_16-.Ltmp7, $4  }
0x1c6: {  	[tilespmem:s12+$0x4D30] =	vst v3  }
0x1c7: {  	[tilespmem:s12+$0x4D40] =	vst v3  }
0x1c8: {  	[tilespmem:s12+$0x4D50] =	vst v3  }
0x1c9: {  	[tilespmem:s12+$0x4D60] =	vst v3;
	s12 =	sshra.s32 s13, $0x2;
	s13 =	sadd.s32 $0x200, s13  }
0x1ca: {  	[tilespmem:s12+$0x4D70] =	vst v3  }
0x1cb: {  	[tilespmem:s12+$0x4D00] =	vst v3  }
0x1cc: {  	[tilespmem:s12+$0x4D10] =	vst v3  }
0x1cd: {  	[tilespmem:s12+$0x4D20] =	vst v3  }
0x1ce: {  	[tilespmem:s12+$0x4D30] =	vst v3  }
0x1cf: {  	[tilespmem:s12+$0x4D40] =	vst v3  }
0x1d0: {  	[tilespmem:s12+$0x4D50] =	vst v3  }
0x1d1: {  	[tilespmem:s12+$0x4D60] =	vst v3  }
0x1d2: {  	[spmem:s8] =	stream.linear.scatter [tilespmem:s25], [sflag:$0x3], $0x2000, $0x38;
	[tilespmem:$0x1F500] =	vst v63  }
0x1d3: {  	_ =	swait.ge [sflag:s26], $0x2000  }
0x1d4: {  	[sflag:s26] =	ssyncset.done $0x0  }
0x1d5: {  	[sflag:s26] =	ssyncadd.s32 $0xFFFFE000  }
0x1d6: {  	[spmem:s18] =	stream.linear.scatter [tilespmem:s28], [sflag:$0x3], $0x2000, $0x38;
	[tilespmem:$0x1F500] =	vst v63  }
0x1d7: {  	_ =	swait.ge [sflag:s26], $0x2000  }
0x1d8: {  	[sflag:s26] =	ssyncset.done $0x0  }
0x1d9: {  	[sflag:s26] =	ssyncadd.s32 $0xFFFFE000  }
0x1da: {  	[spmem:s19] =	stream.linear.scatter [tilespmem:s25], [sflag:$0x3], $0x2000, $0x38;
	[tilespmem:$0x1F500] =	vst v63  }
0x1db: {  	_ =	swait.ge [sflag:s26], $0x2000  }
0x1dc: {  	[sflag:s26] =	ssyncset.done $0x0  }
0x1dd: {  	s17 =	rddreg [dreg:$0x8];
	[sflag:s26] =	ssyncadd.s32 $0xFFFFE000  }
0x1de: {  	[spmem:s17] =	stream.linear.scatter [tilespmem:s28], [sflag:$0x3], $0x2000, $0x38;
	[tilespmem:$0x1F500] =	vst v63  }
0x1df: {  	_ =	swait.ge [sflag:s26], $0x2000  }
0x1e0: {  	[sflag:s26] =	ssyncset.done $0x0  }
0x1e1: {  	s22 =	smov.u32 s18;
	s18 =	rddreg [dreg:$0x9];
	[sflag:s26] =	ssyncadd.s32 $0xFFFFE000  }
0x1e2: {  	[spmem:s18] =	stream.linear.scatter [tilespmem:s25], [sflag:$0x3], $0x2000, $0x38;
	[tilespmem:$0x1F500] =	vst v63  }
0x1e3: {  	_ =	swait.ge [sflag:s26], $0x2000  }
0x1e4: {  	[sflag:s26] =	ssyncset.done $0x0  }
0x1e5: {  	s8 =	smov.u32 s19;
	s19 =	rddreg [dreg:$0xa];
	[sflag:s26] =	ssyncadd.s32 $0xFFFFE000  }
0x1e6: {  	[spmem:s19] =	stream.linear.scatter [tilespmem:s28], [sflag:$0x3], $0x2000, $0x38;
	[tilespmem:$0x1F500] =	vst v63  }
0x1e7: {  	_ =	swait.ge [sflag:s26], $0x2000  }
0x1e8: {  	[sflag:s26] =	ssyncset.done $0x0  }
0x1e9: {  	s13 =	rddreg [dreg:$0xb];
	[sflag:s26] =	ssyncadd.s32 $0xFFFFE000  }
0x1ea: {  	[spmem:s13] =	stream.linear.scatter [tilespmem:s25], [sflag:$0x3], $0x2000, $0x38;
	[tilespmem:$0x1F500] =	vst v63  }
0x1eb: {  	_ =	swait.ge [sflag:s26], $0x2000  }
0x1ec: {  	[sflag:s26] =	ssyncset.done $0x0  }
0x1ed: {  	s14 =	rddreg [dreg:$0xc];
	[sflag:s26] =	ssyncadd.s32 $0xFFFFE000  }
0x1ee: {  	[spmem:s14] =	stream.linear.scatter [tilespmem:s28], [sflag:$0x3], $0x2000, $0x38;
	[tilespmem:$0x1F500] =	vst v63  }
0x1ef: {  	_ =	swait.ge [sflag:s26], $0x2000  }
0x1f0: {  	[sflag:s26] =	ssyncset.done $0x0  }
0x1f1: {  	s15 =	rddreg [dreg:$0xd];
	[sflag:s26] =	ssyncadd.s32 $0xFFFFE000  }
0x1f2: {  	[spmem:s15] =	stream.linear.scatter [tilespmem:s25], [sflag:$0x3], $0x2000, $0x38;
	[tilespmem:$0x1F500] =	vst v63  }
0x1f3: {  	_ =	swait.ge [sflag:s26], $0x2000  }
0x1f4: {  	[sflag:s26] =	ssyncset.done $0x0  }
0x1f5: {  	s16 =	rddreg [dreg:$0xe];
	[sflag:s26] =	ssyncadd.s32 $0xFFFFE000  }
0x1f6: {  	[spmem:s16] =	stream.linear.scatter [tilespmem:s28], [sflag:$0x3], $0x2000, $0x38;
	[tilespmem:$0x1F500] =	vst v63  }
0x1f7: {  	_ =	swait.ge [sflag:s26], $0x2000  }
0x1f8: {  	[sflag:s26] =	ssyncset.done $0x0  }
0x1f9: {  	s17 =	rddreg [dreg:$0xf];
	[sflag:s26] =	ssyncadd.s32 $0xFFFFE000  }
0x1fa: {  	[spmem:s17] =	stream.linear.scatter [tilespmem:s25], [sflag:$0x3], $0x2000, $0x38;
	[tilespmem:$0x1F500] =	vst v63  }
0x1fb: {  	_ =	swait.ge [sflag:s26], $0x2000  }
0x1fc: {  	[sflag:s26] =	ssyncset.done $0x0  }
0x1fd: {  	s18 =	rddreg [dreg:$0x10];
	[sflag:s26] =	ssyncadd.s32 $0xFFFFE000  }
0x1fe: {  	[spmem:s18] =	stream.linear.scatter [tilespmem:s28], [sflag:$0x3], $0x2000, $0x38;
	[tilespmem:$0x1F500] =	vst v63  }
0x1ff: {  	_ =	swait.ge [sflag:s26], $0x2000  }
0x200: {  	[sflag:s26] =	ssyncset.done $0x0  }
0x201: {  	s19 =	rddreg [dreg:$0x13];
	[sflag:s26] =	ssyncadd.s32 $0xFFFFE000  }
0x202: {  	[spmem:s19] =	stream.linear.scatter [tilespmem:s25], [sflag:$0x3], $0x800, $0x38;
	[tilespmem:$0x1F500] =	vst v63  }
0x203: {  	_ =	swait.ge [sflag:s26], $0x800  }
0x204: {  	[sflag:s26] =	ssyncset.done $0x0  }
0x205: {  	[sflag:s26] =	ssyncadd.s32 $0xFFFFF800  }
0x206: {  	s12 =	simm.s32 $0x0;
	s13 =	simm.s32 $0x0;
	[bflag:$0x0] =	sbarrier.arrive $0xFFFF  }
.LBB2_18:
0x207: {  	s14 =	smul.u32 $0xE00, s13;
	_ =	sdelay $0x1  }
0x208: {  	s14 =	sadd.s32 s24, s14  }
0x209: {  	s14 =	sshrl.u32 s14, $0x3  }
0x20a: {  	s15 =	sadd.s32 s0, s14  }
0x20b: {  	[tilespmem:s12], [sflag:$0x1] =	stream.linear.gather [hbm4b:s15+s12], $0xE00, $0x38;
	[tilespmem:$0x1F500] =	vst v63  }
0x20c: {  	s19 =	sadd.s32 s2, s14  }
0x20d: {  	[tilespmem:s29], [sflag:$0x2] =	stream.linear.gather [hbm4b:s19+s12], $0xE00, $0x38;
	[tilespmem:$0x1F500] =	vst v63  }
0x20e: {  	s14 =	sadd.s32 s3, s14  }
0x20f: {  	[tilespmem:s30], [sflag:$0x1] =	stream.linear.gather [hbm4b:s14+s12], $0xE00, $0x38;
	[tilespmem:$0x1F500] =	vst v63  }
0x210: {  	_ =	swait.ge [sflag:s31], $0xE00  }
0x211: {  	[sflag:s31] =	ssyncset.done $0x0  }
0x212: {  	[sflag:s31] =	ssyncadd.s32 $0xFFFFF200  }
0x213: {  	_ =	swait.ge [sflag:s1], $0xE00  }
0x214: {  	[sflag:s1] =	ssyncset.done $0x0  }
0x215: {  	[sflag:s1] =	ssyncadd.s32 $0xFFFFF200  }
0x216: {  	_ =	swait.ge [sflag:s31], $0xE00  }
0x217: {  	[sflag:s31] =	ssyncset.done $0x0  }
0x218: {  	[sflag:s31] =	ssyncadd.s32 $0xFFFFF200  }
0x219: {  	v4 =	vld [tilespmem:$0xE00]  }
0x21a: {  	v5 =	vld [tilespmem:$0x0]  }
0x21b: {  	v6 =	vld [tilespmem:$0x1C00]  }
0x21c: {  	v7 =	vld [tilespmem:$0xE10]  }
0x21d: {  	v8 =	vld [tilespmem:$0x10]  }
0x21e: {  	v9 =	vld [tilespmem:$0x1C10]  }
0x21f: {  	v10 =	vld [tilespmem:$0xE20];
	vm0 =	vge.s32 v4, v1;
	vm1 =	vlt.s32 v4, v2  }
0x220: {  	v59 =	vld [tilespmem:$0x20];
	vm0 =	vmand vm0, vm1  }
0x221: {  	v61 =	vld [tilespmem:$0x30];
	[tilespmem:$0x2A00] =	vst v5;
	v4 =	vsub.s32 v4, v1;
	v5 =	vnsel vm0, $0x0, v6  }
0x222: {  	v4 =	vnsel vm0, $0x0, v4;
	[tilespmem:$0x2B00] =	vst v5;
	v5 =	vld [tilespmem:$0x1C20]  }
0x223: {  	[tilespmem:$0x2A80] =	vst v4;
	v4 =	vld [tilespmem:$0xE30]  }
0x224: {  	vm10 =	vge.s32 v7, v1;
	vm11 =	vlt.s32 v7, v2;
	[tilespmem:$0x2A10] =	vst v8  }
0x225: {  	v62 =	vld [tilespmem:$0x1C30];
	v7 =	vsub.s32 v7, v1;
	[tilespmem:$0x2A20] =	vst v59;
	vm0 =	vmand vm10, vm11  }
0x226: {  	vm12 =	vge.s32 v10, v1;
	vm13 =	vlt.s32 v10, v2;
	[tilespmem:$0x2A30] =	vst v61;
	v60 =	vnsel vm0, $0x0, v9  }
0x227: {  	v63 =	vsub.s32 v10, v1;
	v7 =	vnsel vm0, $0x0, v7;
	vm0 =	vmand vm12, vm13;
	[tilespmem:$0x2B10] =	vst v60  }
0x228: {  	[tilespmem:$0x2A90] =	vst v7;
	v5 =	vnsel vm0, $0x0, v5;
	vm14 =	vge.s32 v4, v1;
	vm15 =	vlt.s32 v4, v2  }
0x229: {  	[tilespmem:$0x2B20] =	vst v5;
	v5 =	vnsel vm0, $0x0, v63;
	vm0 =	vmand vm14, vm15  }
0x22a: {  	v4 =	vsub.s32 v4, v1;
	[tilespmem:$0x2AA0] =	vst v5;
	v5 =	vnsel vm0, $0x0, v62  }
0x22b: {  	v4 =	vnsel vm0, $0x0, v4;
	[tilespmem:$0x2B30] =	vst v5  }
0x22c: {  	s14 =	simm.s32 $0x0;
	[tilespmem:$0x2AB0] =	vst v4  }
0x22d: {  	[tilespmem:s25], [sflag:$0x1] =	stream.indirect.gather [hbm4b:s4+s5], $0x80, s20, s5, $0xb8;
	[tilespmem:$0x1F500] =	vst v63  }
.LBB2_19:
0x22e: {  	s15 =	sshll.u32 s14, $0x7  }
0x22f: {  	v4 =	vld [tilespmem:s15+$0x40];
	_ =	sdelay $0x3  }
0x230: {  	v5 =	vld [tilespmem:s15+$0xE40]  }
0x231: {  	[tilespmem:$0x4B80] =	vst v4  }
0x232: {  	v4 =	vld [tilespmem:s15+$0x1C40];
	_ =	sdelay $0x2  }
0x233: {  	vm0 =	vge.s32 v5, v1;
	vm1 =	vlt.s32 v5, v2  }
0x234: {  	vm0 =	vmand vm0, vm1  }
0x235: {  	v5 =	vsub.s32 v5, v1;
	v4 =	vnsel vm0, $0x0, v4  }
0x236: {  	[tilespmem:$0x4C80] =	vst v4;
	v4 =	vnsel vm0, $0x0, v5  }
0x237: {  	[tilespmem:$0x4C00] =	vst v4  }
0x238: {  	v4 =	vld [tilespmem:s15+$0x50];
	_ =	sdelay $0x3  }
0x239: {  	v5 =	vld [tilespmem:s15+$0xE50]  }
0x23a: {  	[tilespmem:$0x4B90] =	vst v4  }
0x23b: {  	v4 =	vld [tilespmem:s15+$0x1C50];
	_ =	sdelay $0x2  }
0x23c: {  	vm10 =	vge.s32 v5, v1;
	vm11 =	vlt.s32 v5, v2  }
0x23d: {  	vm0 =	vmand vm10, vm11  }
0x23e: {  	v5 =	vsub.s32 v5, v1;
	v4 =	vnsel vm0, $0x0, v4  }
0x23f: {  	[tilespmem:$0x4C90] =	vst v4;
	v4 =	vnsel vm0, $0x0, v5  }
0x240: {  	[tilespmem:$0x4C10] =	vst v4  }
0x241: {  	v4 =	vld [tilespmem:s15+$0x60];
	_ =	sdelay $0x3  }
0x242: {  	v5 =	vld [tilespmem:s15+$0xE60]  }
0x243: {  	[tilespmem:$0x4BA0] =	vst v4  }
0x244: {  	v4 =	vld [tilespmem:s15+$0x1C60];
	_ =	sdelay $0x2  }
0x245: {  	vm12 =	vge.s32 v5, v1;
	vm13 =	vlt.s32 v5, v2  }
0x246: {  	vm0 =	vmand vm12, vm13  }
0x247: {  	v5 =	vsub.s32 v5, v1;
	v4 =	vnsel vm0, $0x0, v4  }
0x248: {  	[tilespmem:$0x4CA0] =	vst v4;
	v4 =	vnsel vm0, $0x0, v5  }
0x249: {  	[tilespmem:$0x4C20] =	vst v4  }
0x24a: {  	v4 =	vld [tilespmem:s15+$0x70];
	_ =	sdelay $0x3  }
0x24b: {  	v5 =	vld [tilespmem:s15+$0xE70]  }
0x24c: {  	[tilespmem:$0x4BB0] =	vst v4  }
0x24d: {  	v4 =	vld [tilespmem:s15+$0x1C70];
	_ =	sdelay $0x2  }
0x24e: {  	vm14 =	vge.s32 v5, v1;
	vm15 =	vlt.s32 v5, v2  }
0x24f: {  	vm0 =	vmand vm14, vm15  }
0x250: {  	v5 =	vsub.s32 v5, v1;
	v4 =	vnsel vm0, $0x0, v4  }
0x251: {  	[tilespmem:$0x4CB0] =	vst v4;
	v4 =	vnsel vm0, $0x0, v5  }
0x252: {  	[tilespmem:$0x4C30] =	vst v4  }
0x253: {  	[tilespmem:s28], [sflag:$0x2] =	stream.indirect.gather [hbm4b:s4+s5], $0x80, s21, s5, $0xb8;
	[tilespmem:$0x1F500] =	vst v63  }
0x254: {  	_ =	swait.ge [sflag:s31], $0x2000  }
0x255: {  	[sflag:s31] =	ssyncset.done $0x0  }
0x256: {  	s16 =	simm.s32 $0x2C80;
	[sflag:s31] =	ssyncadd.s32 $0xFFFFE000  }
0x257: {  	v5 =	vld [tilespmem:s16+$0x20]  }
0x258: {  	v4 =	vld [tilespmem:s16+$0xFFFFFF40]  }
0x259: {  	v11 =	vld [tilespmem:s16+$0xB0]  }
0x25a: {  	v14 =	vld [tilespmem:s16+$0x90]  }
0x25b: {  	v16 =	vld [tilespmem:s16+$0xD0]  }
0x25c: {  	v24 =	vld [tilespmem:s16+$0xE0]  }
0x25d: {  	v12 =	vld [tilespmem:s16+$0xA0]  }
0x25e: {  	v6 =	vld [tilespmem:s16+$0x0]  }
0x25f: {  	v13 =	vld [tilespmem:s16+$0x40]  }
0x260: {  	s17 =	simm.s32 $0x0;
	v17 =	vld [tilespmem:s16+$0xC0]  }
0x261: {  	v8 =	vld [tilespmem:s17+$0x2B03]  }
0x262: {  	v9 =	vld [tilespmem:s17+$0x2B02]  }
0x263: {  	v10 =	vld [tilespmem:s17+$0x2B01]  }
0x264: {  	v19 =	vld [tilespmem:s17+$0x2B00]  }
0x265: {  	v7 =	vld [tilespmem:s16+$0x10]  }
0x266: {  	v25 =	vld [tilespmem:s16+$0x80]  }
0x267: {  	v15 =	vld [tilespmem:s16+$0xFFFFFF30]  }
0x268: {  	v23 =	vld [tilespmem:s16+$0x60];
	v8 =	vadd.f32 $0.0e+00, v8;
	v9 =	vadd.f32 $0.0e+00, v9  }
0x269: {  	v18 =	vld [tilespmem:s16+$0x30];
	v20 =	vadd.f32 $0.0e+00, v10;
	v19 =	vadd.f32 $0.0e+00, v19  }
0x26a: {  	v22 =	vld [tilespmem:s16+$0xFFFFFF80];
	v21 =	vbroadcast v8, $0x0;
	v10 =	vbroadcast v9, $0x0  }
0x26b: {  	v8 =	vbroadcast v20, $0x0;
	v20 =	vld [tilespmem:s16+$0xFFFFFFC0];
	v9 =	vbroadcast v19, $0x0  }
0x26c: {  	s18 =	simm.s32 $0x2C80;
	s17 =	simm.s32 $0x10;
	v19 =	vld [tilespmem:s16+$0xFFFFFF00];
	v25 =	vmul.f32 v25, v21;
	v24 =	vmul.f32 v24, v21  }
.LBB2_20:
0x26d: {  	p0 =	sne.s32 s17, $0xF0  }
0x26e: {  	v26 =	vld [tilespmem:s16+$0xFFFFFF60];
	v23 =	vmul.f32 v23, v10;
	[tilespmem:s16+$0x80] =	vst v25;
	v16 =	vmul.f32 v16, v21;
	s18 =	sadd.s32 $0x200, s18;
	s19 =	smov.u32 s17;
	s17 =	sadd.s32 $0x10, s17  }
0x26f: {  	v14 =	vmul.f32 v14, v21;
	v17 =	vmul.f32 v17, v21;
	v25 =	vld [tilespmem:s16+$0xFFFFFFE0];
	[tilespmem:s16+$0xE0] =	vst v24  }
0x270: {  	v11 =	vmul.f32 v11, v21;
	v24 =	vld [tilespmem:s16+$0xFFFFFF10];
	v22 =	vmul.f32 v22, v8;
	[tilespmem:s16+$0xD0] =	vst v16  }
0x271: {  	v12 =	vmul.f32 v12, v21;
	v16 =	vld [tilespmem:s16+$0xFFFFFF50];
	v20 =	vmul.f32 v20, v8;
	[tilespmem:s16+$0x90] =	vst v14  }
0x272: {  	v13 =	vmul.f32 v13, v10;
	v19 =	vmul.f32 v19, v9;
	v14 =	vld [tilespmem:s16+$0x50];
	[tilespmem:s16+$0xB0] =	vst v11  }
0x273: {  	v5 =	vmul.f32 v5, v10;
	v4 =	vmul.f32 v4, v9;
	v11 =	vld [tilespmem:s16+$0xFFFFFF20];
	[tilespmem:s16+$0xC0] =	vst v17  }
0x274: {  	v18 =	vmul.f32 v18, v10;
	v17 =	vmul.f32 v25, v8;
	[tilespmem:s16+$0xA0] =	vst v12  }
0x275: {  	v12 =	vmul.f32 v15, v9;
	v21 =	vmul.f32 v24, v9;
	[tilespmem:s16+$0x60] =	vst v23  }
0x276: {  	v15 =	vmul.f32 v16, v9;
	v16 =	vmul.f32 v26, v9;
	v23 =	vld [tilespmem:s16+$0xFFFFFFD0];
	[tilespmem:s16+$0x40] =	vst v13  }
0x277: {  	v6 =	vmul.f32 v6, v10;
	[tilespmem:s16+$0xFFFFFF80] =	vst v22;
	v13 =	vld [tilespmem:s16+$0xFFFFFF90];
	v14 =	vmul.f32 v14, v10  }
0x278: {  	v7 =	vmul.f32 v7, v10;
	v9 =	vmul.f32 v11, v9;
	v11 =	vld [tilespmem:s16+$0xFFFFFFB0];
	[tilespmem:s16+$0x20] =	vst v5  }
0x279: {  	v10 =	vld [tilespmem:s16+$0xFFFFFFA0];
	[tilespmem:s16+$0x30] =	vst v18  }
0x27a: {  	v5 =	vld [tilespmem:s18+$0x20];
	[tilespmem:s16+$0xFFFFFF30] =	vst v12  }
0x27b: {  	[tilespmem:s16+$0x0] =	vst v6  }
0x27c: {  	v6 =	vmul.f32 v23, v8;
	[tilespmem:s16+$0xFFFFFF40] =	vst v4  }
0x27d: {  	v18 =	vmul.f32 v13, v8;
	v4 =	vld [tilespmem:s18+$0xFFFFFF40];
	v22 =	vmul.f32 v11, v8;
	[tilespmem:s16+$0x10] =	vst v7  }
0x27e: {  	v7 =	vmul.f32 v10, v8;
	[tilespmem:s16+$0xFFFFFFC0] =	vst v20  }
0x27f: {  	[tilespmem:s16+$0x50] =	vst v14  }
0x280: {  	[tilespmem:s16+$0xFFFFFF60] =	vst v16  }
0x281: {  	v11 =	vld [tilespmem:s18+$0xB0];
	[tilespmem:s16+$0xFFFFFF20] =	vst v9  }
0x282: {  	v14 =	vld [tilespmem:s18+$0x90];
	[tilespmem:s16+$0xFFFFFF00] =	vst v19  }
0x283: {  	v16 =	vld [tilespmem:s18+$0xD0];
	[tilespmem:s16+$0xFFFFFFE0] =	vst v17  }
0x284: {  	v24 =	vld [tilespmem:s18+$0xE0];
	[tilespmem:s16+$0xFFFFFFD0] =	vst v6  }
0x285: {  	v12 =	vld [tilespmem:s18+$0xA0];
	[tilespmem:s16+$0xFFFFFFA0] =	vst v7  }
0x286: {  	v6 =	vld [tilespmem:s18+$0x0];
	[tilespmem:s16+$0xFFFFFF50] =	vst v15  }
0x287: {  	v13 =	vld [tilespmem:s18+$0x40];
	[tilespmem:s16+$0xFFFFFF90] =	vst v18  }
0x288: {  	v17 =	vld [tilespmem:s18+$0xC0];
	[tilespmem:s16+$0xFFFFFFB0] =	vst v22  }
0x289: {  	s19 =	sshra.s32 s19, $0x2;
	v7 =	vld [tilespmem:s18+$0x10];
	[tilespmem:s16+$0xFFFFFF10] =	vst v21;
	s16 =	smov.u32 s18  }
0x28a: {  	v8 =	vld [tilespmem:s19+$0x2B03]  }
0x28b: {  	v9 =	vld [tilespmem:s19+$0x2B02]  }
0x28c: {  	v10 =	vld [tilespmem:s19+$0x2B01]  }
0x28d: {  	v19 =	vld [tilespmem:s19+$0x2B00]  }
0x28e: {  	v25 =	vld [tilespmem:s18+$0x80]  }
0x28f: {  	v8 =	vadd.f32 $0.0e+00, v8;
	v15 =	vld [tilespmem:s18+$0xFFFFFF30]  }
.Ltmp8:
0x290: {  	v9 =	vadd.f32 $0.0e+00, v9;
	v23 =	vld [tilespmem:s18+$0x60];
	(pc) =	sbr.rel @p0 .LBB2_20-.Ltmp8, $4  }
0x291: {  	v20 =	vadd.f32 $0.0e+00, v10;
	v21 =	vbroadcast v8, $0x0;
	v18 =	vld [tilespmem:s18+$0x30]  }
0x292: {  	v19 =	vadd.f32 $0.0e+00, v19;
	v10 =	vbroadcast v9, $0x0;
	v22 =	vld [tilespmem:s18+$0xFFFFFF80]  }
0x293: {  	v8 =	vbroadcast v20, $0x0;
	v20 =	vld [tilespmem:s18+$0xFFFFFFC0];
	v25 =	vmul.f32 v25, v21  }
0x294: {  	v24 =	vmul.f32 v24, v21;
	v9 =	vbroadcast v19, $0x0;
	v19 =	vld [tilespmem:s18+$0xFFFFFF00]  }
0x295: {  	[tilespmem:s16+$0x80] =	vst v25;
	v16 =	vmul.f32 v16, v21  }
0x296: {  	v14 =	vmul.f32 v14, v21;
	[tilespmem:s16+$0xE0] =	vst v24  }
0x297: {  	v11 =	vmul.f32 v11, v21;
	[tilespmem:s16+$0xD0] =	vst v16  }
0x298: {  	v12 =	vmul.f32 v12, v21;
	[tilespmem:s16+$0x90] =	vst v14  }
0x299: {  	v13 =	vmul.f32 v13, v10;
	[tilespmem:s16+$0xB0] =	vst v11  }
0x29a: {  	v5 =	vmul.f32 v5, v10;
	[tilespmem:s16+$0xA0] =	vst v12  }
0x29b: {  	v6 =	vmul.f32 v6, v10;
	[tilespmem:s16+$0x40] =	vst v13  }
0x29c: {  	v7 =	vmul.f32 v7, v10;
	[tilespmem:s16+$0x20] =	vst v5  }
0x29d: {  	v15 =	vmul.f32 v15, v9;
	[tilespmem:s16+$0x0] =	vst v6  }
0x29e: {  	v4 =	vmul.f32 v4, v9;
	[tilespmem:s16+$0x10] =	vst v7  }
0x29f: {  	v16 =	vmul.f32 v17, v21;
	v14 =	vld [tilespmem:s16+$0x50];
	[tilespmem:s16+$0xFFFFFF30] =	vst v15  }
0x2a0: {  	v11 =	vmul.f32 v23, v10;
	v12 =	vld [tilespmem:s16+$0xFFFFFF60];
	[tilespmem:s16+$0xFFFFFF40] =	vst v4  }
0x2a1: {  	v17 =	vmul.f32 v18, v10;
	v5 =	vld [tilespmem:s16+$0xFFFFFF20];
	[tilespmem:s16+$0xC0] =	vst v16  }
0x2a2: {  	v13 =	vld [tilespmem:s16+$0xFFFFFFE0];
	v6 =	vmul.f32 v20, v8;
	[tilespmem:s16+$0x60] =	vst v11  }
0x2a3: {  	v16 =	vmul.f32 v22, v8;
	[tilespmem:s16+$0x30] =	vst v17  }
0x2a4: {  	v17 =	vld [tilespmem:s16+$0xFFFFFFD0];
	[tilespmem:s16+$0xFFFFFFC0] =	vst v6;
	v4 =	vmul.f32 v14, v10  }
0x2a5: {  	v11 =	vld [tilespmem:s16+$0xFFFFFF50];
	[tilespmem:s16+$0xFFFFFF80] =	vst v16;
	v7 =	vmul.f32 v12, v9  }
0x2a6: {  	v15 =	vld [tilespmem:s16+$0xFFFFFF90];
	v5 =	vmul.f32 v5, v9;
	[tilespmem:s16+$0x50] =	vst v4  }
0x2a7: {  	v10 =	vld [tilespmem:s16+$0xFFFFFFA0];
	v6 =	vmul.f32 v13, v8;
	[tilespmem:s16+$0xFFFFFF60] =	vst v7  }
0x2a8: {  	v16 =	vld [tilespmem:s16+$0xFFFFFF10];
	v4 =	vmul.f32 v19, v9;
	[tilespmem:s16+$0xFFFFFF20] =	vst v5  }
0x2a9: {  	v18 =	vld [tilespmem:s16+$0xFFFFFFB0];
	v5 =	vmul.f32 v17, v8;
	[tilespmem:s16+$0xFFFFFFE0] =	vst v6  }
0x2aa: {  	v6 =	vmul.f32 v11, v9;
	[tilespmem:s16+$0xFFFFFF00] =	vst v4  }
0x2ab: {  	[tilespmem:s16+$0xFFFFFFD0] =	vst v5;
	v5 =	vmul.f32 v15, v8  }
0x2ac: {  	[tilespmem:s16+$0xFFFFFF50] =	vst v6;
	v4 =	vmul.f32 v10, v8  }
0x2ad: {  	v6 =	vmul.f32 v16, v9;
	[tilespmem:s16+$0xFFFFFF90] =	vst v5  }
0x2ae: {  	[tilespmem:s16+$0xFFFFFFA0] =	vst v4;
	v4 =	vmul.f32 v18, v8  }
0x2af: {  	[tilespmem:s16+$0xFFFFFF10] =	vst v6  }
0x2b0: {  	[tilespmem:s16+$0xFFFFFFB0] =	vst v4  }
0x2b1: {  	[spmem:s6] =	stream.indirect.scatter.add.f32 [tilespmem:s25], [sflag:$0x3], $0x80, s23, s5, $0xb8;
	[tilespmem:$0x1F500] =	vst v63  }
0x2b2: {  	_ =	swait.ge [sflag:s26], $0x2000  }
0x2b3: {  	[sflag:s26] =	ssyncset.done $0x0  }
0x2b4: {  	p0 =	seq.s32 s14, $0x1B;
	[sflag:s26] =	ssyncadd.s32 $0xFFFFE000  }
0x2b5: {  	v4 =	vld @!p0 [tilespmem:s15+$0x80];
	_ =	sdelay $0x3  }
0x2b6: {  	v5 =	vld @!p0 [tilespmem:s15+$0xE80]  }
0x2b7: {  	[tilespmem:$0x2A00] =	vst @!p0 v4  }
0x2b8: {  	v4 =	vld @!p0 [tilespmem:s15+$0x1C80];
	_ =	sdelay $0x2  }
0x2b9: {  	vm0 =	vge.s32 @!p0 v5, v1;
	vm1 =	vlt.s32 @!p0 v5, v2  }
0x2ba: {  	vm0 =	vmand @!p0 vm0, vm1  }
0x2bb: {  	v5 =	vsub.s32 @!p0 v5, v1;
	v4 =	vnsel @!p0 vm0, $0x0, v4  }
0x2bc: {  	[tilespmem:$0x2B00] =	vst @!p0 v4;
	v4 =	vnsel @!p0 vm0, $0x0, v5  }
0x2bd: {  	[tilespmem:$0x2A80] =	vst @!p0 v4  }
0x2be: {  	v4 =	vld @!p0 [tilespmem:s15+$0x90];
	_ =	sdelay $0x3  }
0x2bf: {  	v5 =	vld @!p0 [tilespmem:s15+$0xE90]  }
0x2c0: {  	[tilespmem:$0x2A10] =	vst @!p0 v4  }
0x2c1: {  	v4 =	vld @!p0 [tilespmem:s15+$0x1C90];
	_ =	sdelay $0x2  }
0x2c2: {  	vm0 =	vge.s32 @!p0 v5, v1;
	vm1 =	vlt.s32 @!p0 v5, v2  }
0x2c3: {  	vm0 =	vmand @!p0 vm0, vm1  }
0x2c4: {  	v5 =	vsub.s32 @!p0 v5, v1;
	v4 =	vnsel @!p0 vm0, $0x0, v4  }
0x2c5: {  	[tilespmem:$0x2B10] =	vst @!p0 v4;
	v4 =	vnsel @!p0 vm0, $0x0, v5  }
0x2c6: {  	[tilespmem:$0x2A90] =	vst @!p0 v4  }
0x2c7: {  	v4 =	vld @!p0 [tilespmem:s15+$0xA0];
	_ =	sdelay $0x3  }
0x2c8: {  	v5 =	vld @!p0 [tilespmem:s15+$0xEA0]  }
0x2c9: {  	[tilespmem:$0x2A20] =	vst @!p0 v4  }
0x2ca: {  	v4 =	vld @!p0 [tilespmem:s15+$0x1CA0];
	_ =	sdelay $0x2  }
0x2cb: {  	vm0 =	vge.s32 @!p0 v5, v1;
	vm1 =	vlt.s32 @!p0 v5, v2  }
0x2cc: {  	vm0 =	vmand @!p0 vm0, vm1  }
0x2cd: {  	v5 =	vsub.s32 @!p0 v5, v1;
	v4 =	vnsel @!p0 vm0, $0x0, v4  }
0x2ce: {  	[tilespmem:$0x2B20] =	vst @!p0 v4;
	v4 =	vnsel @!p0 vm0, $0x0, v5  }
0x2cf: {  	[tilespmem:$0x2AA0] =	vst @!p0 v4  }
0x2d0: {  	v4 =	vld @!p0 [tilespmem:s15+$0xB0];
	_ =	sdelay $0x3  }
0x2d1: {  	v5 =	vld @!p0 [tilespmem:s15+$0xEB0]  }
0x2d2: {  	[tilespmem:$0x2A30] =	vst @!p0 v4  }
0x2d3: {  	v4 =	vld @!p0 [tilespmem:s15+$0x1CB0];
	_ =	sdelay $0x2  }
0x2d4: {  	vm0 =	vge.s32 @!p0 v5, v1;
	vm1 =	vlt.s32 @!p0 v5, v2  }
0x2d5: {  	vm0 =	vmand @!p0 vm0, vm1  }
0x2d6: {  	v5 =	vsub.s32 @!p0 v5, v1;
	v4 =	vnsel @!p0 vm0, $0x0, v4  }
0x2d7: {  	[tilespmem:$0x2B30] =	vst @!p0 v4;
	v4 =	vnsel @!p0 vm0, $0x0, v5  }
0x2d8: {  	s17 =	simm.s32 @!p0 $0x2B80;
	s16 =	simm.s32 @!p0 $0x2A00;
	s15 =	simm.s32 @!p0 $0x40;
	[tilespmem:$0x2AB0] =	vst @!p0 v4  }
0x2d9: {  	[tilespmem:s17], [sflag:$0x1] =	stream.indirect.gather @!p0 [hbm4b:s4+s15], $0x80, s16, s15, $0xb8;
	[tilespmem:$0x1F500] =	vst v63  }
0x2da: {  	_ =	swait.ge [sflag:s1], $0x2000  }
0x2db: {  	[sflag:s1] =	ssyncset.done $0x0  }
0x2dc: {  	s15 =	simm.s32 $0x4E00;
	[sflag:s1] =	ssyncadd.s32 $0xFFFFE000  }
0x2dd: {  	v5 =	vld [tilespmem:s15+$0x20]  }
0x2de: {  	v4 =	vld [tilespmem:s15+$0xFFFFFF40]  }
0x2df: {  	v11 =	vld [tilespmem:s15+$0xB0]  }
0x2e0: {  	v14 =	vld [tilespmem:s15+$0x90]  }
0x2e1: {  	v16 =	vld [tilespmem:s15+$0xD0]  }
0x2e2: {  	v24 =	vld [tilespmem:s15+$0xE0]  }
0x2e3: {  	v12 =	vld [tilespmem:s15+$0xA0]  }
0x2e4: {  	v6 =	vld [tilespmem:s15+$0x0]  }
0x2e5: {  	v13 =	vld [tilespmem:s15+$0x40]  }
0x2e6: {  	s19 =	simm.s32 $0x0;
	v17 =	vld [tilespmem:s15+$0xC0]  }
0x2e7: {  	v8 =	vld [tilespmem:s19+$0x4C83]  }
0x2e8: {  	v9 =	vld [tilespmem:s19+$0x4C82]  }
0x2e9: {  	v10 =	vld [tilespmem:s19+$0x4C81]  }
0x2ea: {  	v19 =	vld [tilespmem:s19+$0x4C80]  }
0x2eb: {  	v7 =	vld [tilespmem:s15+$0x10]  }
0x2ec: {  	v25 =	vld [tilespmem:s15+$0x80]  }
0x2ed: {  	v15 =	vld [tilespmem:s15+$0xFFFFFF30]  }
0x2ee: {  	v23 =	vld [tilespmem:s15+$0x60];
	v8 =	vadd.f32 $0.0e+00, v8;
	v9 =	vadd.f32 $0.0e+00, v9  }
0x2ef: {  	v18 =	vld [tilespmem:s15+$0x30];
	v20 =	vadd.f32 $0.0e+00, v10;
	v19 =	vadd.f32 $0.0e+00, v19  }
0x2f0: {  	v22 =	vld [tilespmem:s15+$0xFFFFFF80];
	v21 =	vbroadcast v8, $0x0;
	v10 =	vbroadcast v9, $0x0  }
0x2f1: {  	v8 =	vbroadcast v20, $0x0;
	v20 =	vld [tilespmem:s15+$0xFFFFFFC0];
	v9 =	vbroadcast v19, $0x0  }
0x2f2: {  	s16 =	simm.s32 $0x10;
	s17 =	simm.s32 $0x4E00;
	v19 =	vld [tilespmem:s15+$0xFFFFFF00];
	v25 =	vmul.f32 v25, v21;
	v24 =	vmul.f32 v24, v21  }
.LBB2_22:
0x2f3: {  	p0 =	sne.s32 s16, $0xF0  }
0x2f4: {  	v26 =	vld [tilespmem:s15+$0xFFFFFF60];
	v23 =	vmul.f32 v23, v10;
	[tilespmem:s15+$0x80] =	vst v25;
	v16 =	vmul.f32 v16, v21;
	s17 =	sadd.s32 $0x200, s17;
	s18 =	smov.u32 s16;
	s16 =	sadd.s32 $0x10, s16  }
0x2f5: {  	v14 =	vmul.f32 v14, v21;
	v17 =	vmul.f32 v17, v21;
	v25 =	vld [tilespmem:s15+$0xFFFFFFE0];
	[tilespmem:s15+$0xE0] =	vst v24  }
0x2f6: {  	v11 =	vmul.f32 v11, v21;
	v24 =	vld [tilespmem:s15+$0xFFFFFF10];
	v22 =	vmul.f32 v22, v8;
	[tilespmem:s15+$0xD0] =	vst v16  }
0x2f7: {  	v12 =	vmul.f32 v12, v21;
	v16 =	vld [tilespmem:s15+$0xFFFFFF50];
	v20 =	vmul.f32 v20, v8;
	[tilespmem:s15+$0x90] =	vst v14  }
0x2f8: {  	v13 =	vmul.f32 v13, v10;
	v19 =	vmul.f32 v19, v9;
	v14 =	vld [tilespmem:s15+$0x50];
	[tilespmem:s15+$0xB0] =	vst v11  }
0x2f9: {  	v5 =	vmul.f32 v5, v10;
	v4 =	vmul.f32 v4, v9;
	v11 =	vld [tilespmem:s15+$0xFFFFFF20];
	[tilespmem:s15+$0xC0] =	vst v17  }
0x2fa: {  	v18 =	vmul.f32 v18, v10;
	v17 =	vmul.f32 v25, v8;
	[tilespmem:s15+$0xA0] =	vst v12  }
0x2fb: {  	v12 =	vmul.f32 v15, v9;
	v21 =	vmul.f32 v24, v9;
	[tilespmem:s15+$0x60] =	vst v23  }
0x2fc: {  	v15 =	vmul.f32 v16, v9;
	v16 =	vmul.f32 v26, v9;
	v23 =	vld [tilespmem:s15+$0xFFFFFFD0];
	[tilespmem:s15+$0x40] =	vst v13  }
0x2fd: {  	v6 =	vmul.f32 v6, v10;
	[tilespmem:s15+$0xFFFFFF80] =	vst v22;
	v13 =	vld [tilespmem:s15+$0xFFFFFF90];
	v14 =	vmul.f32 v14, v10  }
0x2fe: {  	v7 =	vmul.f32 v7, v10;
	v9 =	vmul.f32 v11, v9;
	v11 =	vld [tilespmem:s15+$0xFFFFFFB0];
	[tilespmem:s15+$0x20] =	vst v5  }
0x2ff: {  	v10 =	vld [tilespmem:s15+$0xFFFFFFA0];
	[tilespmem:s15+$0x30] =	vst v18  }
0x300: {  	v5 =	vld [tilespmem:s17+$0x20];
	[tilespmem:s15+$0xFFFFFF30] =	vst v12  }
0x301: {  	[tilespmem:s15+$0x0] =	vst v6  }
0x302: {  	v6 =	vmul.f32 v23, v8;
	[tilespmem:s15+$0xFFFFFF40] =	vst v4  }
0x303: {  	v18 =	vmul.f32 v13, v8;
	v4 =	vld [tilespmem:s17+$0xFFFFFF40];
	v22 =	vmul.f32 v11, v8;
	[tilespmem:s15+$0x10] =	vst v7  }
0x304: {  	v7 =	vmul.f32 v10, v8;
	[tilespmem:s15+$0xFFFFFFC0] =	vst v20  }
0x305: {  	[tilespmem:s15+$0x50] =	vst v14  }
0x306: {  	[tilespmem:s15+$0xFFFFFF60] =	vst v16  }
0x307: {  	v11 =	vld [tilespmem:s17+$0xB0];
	[tilespmem:s15+$0xFFFFFF20] =	vst v9  }
0x308: {  	v14 =	vld [tilespmem:s17+$0x90];
	[tilespmem:s15+$0xFFFFFF00] =	vst v19  }
0x309: {  	v16 =	vld [tilespmem:s17+$0xD0];
	[tilespmem:s15+$0xFFFFFFE0] =	vst v17  }
0x30a: {  	v24 =	vld [tilespmem:s17+$0xE0];
	[tilespmem:s15+$0xFFFFFFD0] =	vst v6  }
0x30b: {  	v12 =	vld [tilespmem:s17+$0xA0];
	[tilespmem:s15+$0xFFFFFFA0] =	vst v7  }
0x30c: {  	v6 =	vld [tilespmem:s17+$0x0];
	[tilespmem:s15+$0xFFFFFF50] =	vst v15  }
0x30d: {  	v13 =	vld [tilespmem:s17+$0x40];
	[tilespmem:s15+$0xFFFFFF90] =	vst v18  }
0x30e: {  	v17 =	vld [tilespmem:s17+$0xC0];
	[tilespmem:s15+$0xFFFFFFB0] =	vst v22  }
0x30f: {  	s18 =	sshra.s32 s18, $0x2;
	v7 =	vld [tilespmem:s17+$0x10];
	[tilespmem:s15+$0xFFFFFF10] =	vst v21;
	s15 =	smov.u32 s17  }
0x310: {  	v8 =	vld [tilespmem:s18+$0x4C83]  }
0x311: {  	v9 =	vld [tilespmem:s18+$0x4C82]  }
0x312: {  	v10 =	vld [tilespmem:s18+$0x4C81]  }
0x313: {  	v19 =	vld [tilespmem:s18+$0x4C80]  }
0x314: {  	v25 =	vld [tilespmem:s17+$0x80]  }
0x315: {  	v8 =	vadd.f32 $0.0e+00, v8;
	v15 =	vld [tilespmem:s17+$0xFFFFFF30]  }
.Ltmp9:
0x316: {  	v9 =	vadd.f32 $0.0e+00, v9;
	v23 =	vld [tilespmem:s17+$0x60];
	(pc) =	sbr.rel @p0 .LBB2_22-.Ltmp9, $4  }
0x317: {  	v20 =	vadd.f32 $0.0e+00, v10;
	v21 =	vbroadcast v8, $0x0;
	v18 =	vld [tilespmem:s17+$0x30]  }
0x318: {  	v19 =	vadd.f32 $0.0e+00, v19;
	v10 =	vbroadcast v9, $0x0;
	v22 =	vld [tilespmem:s17+$0xFFFFFF80]  }
0x319: {  	v8 =	vbroadcast v20, $0x0;
	v20 =	vld [tilespmem:s17+$0xFFFFFFC0];
	v25 =	vmul.f32 v25, v21  }
0x31a: {  	v24 =	vmul.f32 v24, v21;
	v9 =	vbroadcast v19, $0x0;
	v19 =	vld [tilespmem:s17+$0xFFFFFF00]  }
0x31b: {  	[tilespmem:s15+$0x80] =	vst v25;
	v16 =	vmul.f32 v16, v21  }
0x31c: {  	v14 =	vmul.f32 v14, v21;
	[tilespmem:s15+$0xE0] =	vst v24  }
0x31d: {  	v11 =	vmul.f32 v11, v21;
	[tilespmem:s15+$0xD0] =	vst v16  }
0x31e: {  	v46 =	vmul.f32 v17, v21;
	[tilespmem:s15+$0x90] =	vst v14  }
0x31f: {  	v12 =	vmul.f32 v12, v21;
	[tilespmem:s15+$0xB0] =	vst v11  }
0x320: {  	v47 =	vmul.f32 v23, v10;
	[tilespmem:s15+$0xC0] =	vst v46  }
0x321: {  	v13 =	vmul.f32 v13, v10;
	[tilespmem:s15+$0xA0] =	vst v12  }
0x322: {  	v5 =	vmul.f32 v5, v10;
	[tilespmem:s15+$0x60] =	vst v47  }
0x323: {  	v6 =	vmul.f32 v6, v10;
	[tilespmem:s15+$0x40] =	vst v13  }
0x324: {  	v7 =	vmul.f32 v7, v10;
	[tilespmem:s15+$0x20] =	vst v5  }
0x325: {  	v48 =	vld [tilespmem:s15+$0x50];
	v53 =	vmul.f32 v18, v10;
	[tilespmem:s15+$0x0] =	vst v6  }
0x326: {  	v49 =	vld [tilespmem:s15+$0xFFFFFF60];
	v15 =	vmul.f32 v15, v9;
	[tilespmem:s15+$0x10] =	vst v7  }
0x327: {  	v52 =	vld [tilespmem:s15+$0xFFFFFFE0];
	v4 =	vmul.f32 v4, v9;
	[tilespmem:s15+$0x30] =	vst v53  }
0x328: {  	v51 =	vld [tilespmem:s15+$0xFFFFFF50];
	v50 =	vmul.f32 v22, v8;
	[tilespmem:s15+$0xFFFFFF30] =	vst v15  }
0x329: {  	v54 =	vld [tilespmem:s15+$0xFFFFFF10];
	v57 =	vmul.f32 v20, v8;
	[tilespmem:s15+$0xFFFFFF40] =	vst v4  }
0x32a: {  	v5 =	vld [tilespmem:s15+$0xFFFFFF20];
	[tilespmem:s15+$0xFFFFFF80] =	vst v50;
	v4 =	vmul.f32 v48, v10  }
0x32b: {  	v60 =	vmul.f32 v49, v9;
	[tilespmem:s15+$0xFFFFFFC0] =	vst v57  }
0x32c: {  	v55 =	vld [tilespmem:s15+$0xFFFFFFD0];
	v61 =	vmul.f32 v52, v8;
	[tilespmem:s15+$0x50] =	vst v4  }
0x32d: {  	v59 =	vld [tilespmem:s15+$0xFFFFFFA0];
	v62 =	vmul.f32 v51, v9;
	[tilespmem:s15+$0xFFFFFF60] =	vst v60  }
0x32e: {  	v56 =	vld [tilespmem:s15+$0xFFFFFF90];
	v63 =	vmul.f32 v54, v9;
	[tilespmem:s15+$0xFFFFFFE0] =	vst v61  }
0x32f: {  	v58 =	vld [tilespmem:s15+$0xFFFFFFB0];
	v5 =	vmul.f32 v5, v9;
	[tilespmem:s15+$0xFFFFFF50] =	vst v62  }
0x330: {  	v4 =	vmul.f32 v19, v9;
	[tilespmem:s15+$0xFFFFFF10] =	vst v63  }
0x331: {  	[tilespmem:s15+$0xFFFFFF20] =	vst v5;
	v5 =	vmul.f32 v55, v8  }
0x332: {  	[tilespmem:s15+$0xFFFFFF00] =	vst v4;
	v4 =	vmul.f32 v59, v8  }
0x333: {  	[tilespmem:s15+$0xFFFFFFD0] =	vst v5;
	v5 =	vmul.f32 v56, v8  }
0x334: {  	s14 =	sadd.s32 $0x1, s14;
	[tilespmem:s15+$0xFFFFFFA0] =	vst v4;
	v4 =	vmul.f32 v58, v8  }
0x335: {  	p0 =	sne.s32 s14, $0x1C;
	[tilespmem:s15+$0xFFFFFF90] =	vst v5  }
.Ltmp10:
0x336: {  	[tilespmem:s15+$0xFFFFFFB0] =	vst v4;
	(pc) =	sbr.rel @p0 .LBB2_19-.Ltmp10, $4  }
0x337: {  	[spmem:s6] =	stream.indirect.scatter.add.f32 [tilespmem:s28], [sflag:$0x3], $0x80, s9, s5, $0xb8;
	[tilespmem:$0x1F500] =	vst v63  }
0x338: {  	_ =	swait.ge [sflag:s26], $0x2000  }
0x339: {  	[sflag:s26] =	ssyncset.done $0x0  }
0x33a: {  	[sflag:s26] =	ssyncadd.s32 $0xFFFFE000  }
0x33b: {  	s13 =	sadd.s32 $0x1, s13  }
0x33c: {  	p0 =	sne.s32 s13, $0xE  }
.Ltmp11:
0x33d: {  	_ = 	snop;
	(pc) =	sbr.rel @p0 .LBB2_18-.Ltmp11, $1  }
0x33e: {  	_ =	sdelay $0x3  }
0x33f: {  	[bflag:$0x0] =	sbarrier.arrive $0xFFFF  }
0x340: {  	s12 =	rddreg [dreg:$0x12]  }
0x341: {  	[hbm:s12], [sflag:s10] =	dma.local [spmem:s11], $0x3100  }
0x342: {  	_ =	swait.ge [sflag:s26], $0x3100  }
0x343: {  	s7 =	sadd.s32 $0x1, s7;
	s19 =	rddreg [dreg:$0x14]  }
0x344: {  	p0 =	sne.s32 s7, s19  }
.Ltmp12:
0x345: {  	_ = 	snop;
	(pc) =	sbr.rel @p0 .LBB2_1-.Ltmp12, $4  }
0x346: {  	[sflag:s26] =	ssyncset.done $0x0  }
0x347: {  	[sflag:s26] =	ssyncadd.s32 $0xFFFFCF00  }
0x348: {  	[bflag:$0x0] =	sbarrier.arrive $0xFFFF  }
0x349: {  	s18 =	smov.u32 s22;
	s19 =	smov.u32 s8;
	s8 =	rddreg [dreg:$0x7]  }
0x34a: {  	_ =	sfence.sel $0x180000  }
0x34b: {  	[bflag:$0x0] =	sbarrier.arrive $0xFFFF  }
0x34c: {  	_ =	strace $0x90000047  }
0x34d: {  	s0 =	stileid.u32;
	[bflag:$0x2] =	sbarrier.arrive $0xFFFF  }
0x34e: {  	p0 =	sne.s32 s0, $0x0;
	s0 =	rddreg [dreg:$0x6]  }
0x34f: {  	s0 =	sadd.s32 @!p0 $0x100000, s0  }
0x350: {  	[sflag:s0] =	ssyncadd.tile.s32 @!p0 $0x1;
	_ =	shalt  }
.Lfunc_end2:
_tile_overlayer_lowered:
.L_overlay_start_2:
0x351: {  	(tag) =	ssettag $0x2  }
0x352: {  	s0 =	rddreg [dreg:$0x0];
	s2 =	stileid.u32  }
0x353: {  	s1 =	rddreg [dreg:$0x1];
	p0 =	sne.s32 s2, $0x0  }
0x354: {  	s3 =	rddreg [dreg:$0x2];
	[bflag:$0x3] =	sbarrier.arrive $0xFFFF;
	s2 =	simm.s32 @!p0 $0x1C03  }
0x355: {  	[timem:s3], [sflag:s2] =	dma.local @!p0 [hbm:s0], s1  }
0x356: {  	s0 =	simm.s32 @!p0 $0x3  }
0x357: {  	_ =	swait.ge @!p0 [sflag:s0], s1  }
0x358: {  	s1 =	ssub.s32 @!p0 $0x0, s1;
	[sflag:s0] =	ssyncset.done @!p0 $0x0  }
0x359: {  	[sflag:s0] =	ssyncadd.s32 @!p0 s1  }
0x35a: {  	[bflag:$0x3] =	sbarrier.arrive $0xFFFF  }
0x35b: {  	_ =	shalt  }

</sc_bundles>
